<compile_context>
chip_gen: v7x
topology: tpu7x:2x2x1
jax: 0.10.2.dev20260603
libtpu: 0.0.44.dev20260713+nightly
codegen_flags: <defaults>
</compile_context>

<pallas_src>
import functools

import jax
import jax.numpy as jnp
from jax import lax
from jax.experimental import pallas as pl
from jax.experimental.pallas import tpu as pltpu
from jax.experimental.pallas import tpu_sc as plsc

N = 10000
D = 128
G = 64
NCLS = 10

NC = 2
NS = 16
NW = NC * NS
CH = 128

TILE_ROWS = 640
S_ROWS = NS * TILE_ROWS


def _agg_kernel(tpw, h_hbm, gs_hbm, sd_hbm, out0, out1,
                sidx0, sidx1, didx0, didx1, rows0, rows1, zbuf, aggtab,
                sg0, sg1, ss0, ss1, sd0, sd1):
    cid = lax.axis_index("c")
    sid = lax.axis_index("s")
    wid = cid * NS + sid
    base = wid * tpw

    sidx = (sidx0, sidx1)
    didx = (didx0, didx1)
    rows = (rows0, rows1)
    sem_g = (sg0, sg1)
    sem_s = (ss0, ss1)
    sem_d = (sd0, sd1)

    def idx_start(i, b):
        off = pl.multiple_of((base + i) * CH, CH)
        pltpu.async_copy(gs_hbm.at[pl.ds(off, CH)], sidx[b], sem_s[b])
        pltpu.async_copy(sd_hbm.at[pl.ds(off, CH)], didx[b], sem_d[b])

    def idx_wait(b):
        pltpu.make_async_copy(gs_hbm.at[pl.ds(0, CH)], sidx[b],
                              sem_s[b]).wait()

    def didx_wait(b):
        pltpu.make_async_copy(sd_hbm.at[pl.ds(0, CH)], didx[b],
                              sem_d[b]).wait()

    def gather_wait(b):
        pltpu.make_async_copy(h_hbm.at[sidx[b]], rows[b], sem_g[b]).wait()

    zero = jnp.zeros((16,), jnp.float32)
    for r in range(16):
        for k in range(D // 16):
            zbuf[r, pl.ds(k * 16, 16)] = zero

    idx_start(0, 0)
    idx_start(1, 1)

    for j in range(TILE_ROWS // 16):
        pltpu.sync_copy(zbuf, aggtab.at[pl.ds(sid * TILE_ROWS + j * 16, 16)])
    plsc.subcore_barrier()

    idx_wait(0)
    pltpu.async_copy(h_hbm.at[sidx[0]], rows[0], sem_g[0])

    def pair_body(g, carry):
        for b in range(2):
            i = 2 * g + b

            @pl.when(i + 1 < tpw)
            def _():
                idx_wait(1 - b)
                pltpu.async_copy(h_hbm.at[sidx[1 - b]], rows[1 - b],
                                 sem_g[1 - b])

            gather_wait(b)
            didx_wait(b)
            pltpu.sync_copy(rows[b], aggtab.at[didx[b]], add=True)

            @pl.when(i + 2 < tpw)
            def _():
                idx_start(i + 2, b)
        return carry

    lax.fori_loop(0, tpw // 2, pair_body, 0)
    plsc.subcore_barrier()

    row0 = sid * TILE_ROWS

    @pl.when(cid == 0)
    def _():
        pltpu.sync_copy(aggtab.at[pl.ds(row0, TILE_ROWS)],
                        out0.at[pl.ds(row0, TILE_ROWS)])

    @pl.when(cid == 1)
    def _():
        pltpu.sync_copy(aggtab.at[pl.ds(row0, TILE_ROWS)],
                        out1.at[pl.ds(row0, TILE_ROWS)])


def _make_agg(tpw):
    mesh = plsc.VectorSubcoreMesh(core_axis_name="c", subcore_axis_name="s")
    return pl.kernel(
        functools.partial(_agg_kernel, tpw),
        out_type=(jax.ShapeDtypeStruct((S_ROWS, D), jnp.float32),
                  jax.ShapeDtypeStruct((S_ROWS, D), jnp.float32)),
        mesh=mesh,
        scratch_types=[
            pltpu.VMEM((CH,), jnp.int32),
            pltpu.VMEM((CH,), jnp.int32),
            pltpu.VMEM((CH,), jnp.int32),
            pltpu.VMEM((CH,), jnp.int32),
            pltpu.VMEM((CH, D), jnp.float32),
            pltpu.VMEM((CH, D), jnp.float32),
            pltpu.VMEM((16, D), jnp.float32),
            pltpu.VMEM_SHARED((S_ROWS, D), jnp.float32),
            pltpu.SemaphoreType.DMA,
            pltpu.SemaphoreType.DMA,
            pltpu.SemaphoreType.DMA,
            pltpu.SemaphoreType.DMA,
            pltpu.SemaphoreType.DMA,
            pltpu.SemaphoreType.DMA,
        ],
    )


ROWS_BLK = 1000
N_BLKS = N // ROWS_BLK


def _mlp_block(h_ref, p0_ref, p1_ref, wa_ref, ba_ref, wb_ref, bb_ref, out_ref):
    h2 = h_ref[...] + p0_ref[...] + p1_ref[...]
    z = jnp.maximum(
        jnp.dot(h2, wa_ref[...], preferred_element_type=jnp.float32)
        + ba_ref[...], 0.0)
    out_ref[...] = (jnp.dot(z, wb_ref[...], preferred_element_type=jnp.float32)
                    + bb_ref[...])


def _mlp1(h, p0, p1, wa, ba, wb, bb):
    blk = lambda i: (i, 0)
    fixed = lambda i: (0, 0)
    return pl.pallas_call(
        _mlp_block,
        grid=(N_BLKS,),
        in_specs=[
            pl.BlockSpec((ROWS_BLK, D), blk),
            pl.BlockSpec((ROWS_BLK, D), blk),
            pl.BlockSpec((ROWS_BLK, D), blk),
            pl.BlockSpec((D, D), fixed),
            pl.BlockSpec((1, D), fixed),
            pl.BlockSpec((D, D), fixed),
            pl.BlockSpec((1, D), fixed),
        ],
        out_specs=pl.BlockSpec((ROWS_BLK, D), blk),
        out_shape=jax.ShapeDtypeStruct((N, D), jnp.float32),
    )(h, p0, p1, wa, ba, wb, bb)


def _mlp2_pool_block(h_ref, p0_ref, p1_ref, wa_ref, ba_ref, wb_ref, bb_ref,
                     batch_ref, pool_ref):
    @pl.when(pl.program_id(0) == 0)
    def _():
        pool_ref[...] = jnp.full((G, D), -jnp.inf, jnp.float32)

    h2 = h_ref[...] + p0_ref[...] + p1_ref[...]
    z = jnp.maximum(
        jnp.dot(h2, wa_ref[...], preferred_element_type=jnp.float32)
        + ba_ref[...], 0.0)
    out = (jnp.dot(z, wb_ref[...], preferred_element_type=jnp.float32)
           + bb_ref[...])
    bids = batch_ref[...]
    cur = pool_ref[...]
    upd = []
    for g in range(G):
        m = bids == g
        upd.append(jnp.max(jnp.where(m, out, -jnp.inf), axis=0))
    pool_ref[...] = jnp.maximum(cur, jnp.stack(upd, axis=0))


def _mlp2_pool(h, p0, p1, wa, ba, wb, bb, batch3):
    blk = lambda i: (i, 0)
    fixed = lambda i: (0, 0)
    return pl.pallas_call(
        _mlp2_pool_block,
        grid=(N_BLKS,),
        in_specs=[
            pl.BlockSpec((ROWS_BLK, D), blk),
            pl.BlockSpec((ROWS_BLK, D), blk),
            pl.BlockSpec((ROWS_BLK, D), blk),
            pl.BlockSpec((D, D), fixed),
            pl.BlockSpec((1, D), fixed),
            pl.BlockSpec((D, D), fixed),
            pl.BlockSpec((1, D), fixed),
            pl.BlockSpec((ROWS_BLK, 1), lambda i: (i, 0)),
        ],
        out_specs=pl.BlockSpec((G, D), fixed),
        out_shape=jax.ShapeDtypeStruct((G, D), jnp.float32),
    )(h, p0, p1, wa, ba, wb, bb, batch3)


def _final_block(pool_ref, wf1_ref, bf1_ref, wf2_ref, bf2_ref, out_ref):
    pooled = pool_ref[...]
    pooled = jnp.where(jnp.isfinite(pooled), pooled, 0.0)
    z = jnp.maximum(
        jnp.dot(pooled, wf1_ref[...], preferred_element_type=jnp.float32)
        + bf1_ref[...], 0.0)
    o = (jnp.dot(z, wf2_ref[...], preferred_element_type=jnp.float32)
         + bf2_ref[...])
    m = jnp.max(o, axis=1, keepdims=True)
    s = o - m
    lse = jnp.log(jnp.sum(jnp.exp(s), axis=1, keepdims=True))
    out_ref[...] = s - lse


def _final(pooled, wf1, bf1, wf2, bf2):
    return pl.pallas_call(
        _final_block,
        out_shape=jax.ShapeDtypeStruct((G, NCLS), jnp.float32),
    )(pooled, wf1, bf1, wf2, bf2)


def kernel(x, edge_index, batch, W1a, b1a, W1b, b1b, W2a, b2a, W2b, b2b,
           Wf1, bf1, Wf2, bf2):
    src = edge_index[0]
    dst = edge_index[1]
    s2 = jnp.concatenate([src, dst])
    d2 = jnp.concatenate([dst, src])
    key = lax.sort(d2 * N + s2, is_stable=False)
    dup = jnp.concatenate([jnp.zeros((1,), bool), key[1:] == key[:-1]])
    gs = (key % N).astype(jnp.int32)
    sd = jnp.where(dup, N, key // N).astype(jnp.int32)

    e2 = gs.shape[0]
    tpw = -(-e2 // (NW * CH))
    tpw = tpw + (tpw % 2)
    e2p = NW * tpw * CH
    pad = e2p - e2
    gs = jnp.concatenate([gs, jnp.zeros((pad,), jnp.int32)])
    sd = jnp.concatenate([sd, jnp.full((pad,), N, jnp.int32)])

    agg = _make_agg(tpw)

    ba1 = b1a.reshape(1, D)
    bb1 = b1b.reshape(1, D)
    ba2 = b2a.reshape(1, D)
    bb2 = b2b.reshape(1, D)
    batch3 = batch.astype(jnp.int32).reshape(N, 1)

    p0, p1 = agg(x, gs, sd)
    h = _mlp1(x, p0, p1, W1a, ba1, W1b, bb1)
    q0, q1 = agg(h, gs, sd)
    pooled = _mlp2_pool(h, q0, q1, W2a, ba2, W2b, bb2, batch3)
    out = _final(pooled, Wf1, bf1.reshape(1, 64), Wf2, bf2.reshape(1, NCLS))
    return out

# --- scband reference (transcript-rebuilt; emitter-appended) ---
"""Pipeline reference for scband-ginnet-9208409883143 (READ-ONLY COPY).

The authoritative reference and input builder live on the scoring server;
editing this copy changes nothing except your own understanding.
"""

import jax, jax.numpy as jnp
import numpy as np

N_NODES = 10000
N_EDGES = 320000
D = 128
N_GRAPHS = 64
N_CLASSES = 10


def setup_inputs(seed: int = 0) -> dict:
    key = jax.random.key(seed)
    ks = jax.random.split(key, 16)
    x = jax.random.normal(ks[0], (N_NODES, D), dtype=jnp.float32)
    edge_index = jax.random.randint(ks[1], (2, N_EDGES), 0, N_NODES)
    batch = jnp.sort(jax.random.randint(ks[2], (N_NODES,), 0, N_GRAPHS))
    s = 0.05
    W1a = jax.random.normal(ks[3], (D, D), dtype=jnp.float32) * s
    b1a = jnp.zeros((D,), dtype=jnp.float32)
    W1b = jax.random.normal(ks[4], (D, D), dtype=jnp.float32) * s
    b1b = jnp.zeros((D,), dtype=jnp.float32)
    W2a = jax.random.normal(ks[5], (D, D), dtype=jnp.float32) * s
    b2a = jnp.zeros((D,), dtype=jnp.float32)
    W2b = jax.random.normal(ks[6], (D, D), dtype=jnp.float32) * s
    b2b = jnp.zeros((D,), dtype=jnp.float32)
    Wf1 = jax.random.normal(ks[7], (D, 64), dtype=jnp.float32) * s
    bf1 = jnp.zeros((64,), dtype=jnp.float32)
    Wf2 = jax.random.normal(ks[8], (64, N_CLASSES), dtype=jnp.float32) * s
    bf2 = jnp.zeros((N_CLASSES,), dtype=jnp.float32)
    return {"x": x, "edge_index": edge_index, "batch": batch,
            "W1a": W1a, "b1a": b1a, "W1b": W1b, "b1b": b1b,
            "W2a": W2a, "b2a": b2a, "W2b": W2b, "b2b": b2b,
            "Wf1": Wf1, "bf1": bf1, "Wf2": Wf2, "bf2": bf2}


def reference(x, edge_index, batch, W1a, b1a, W1b, b1b, W2a, b2a, W2b, b2b, Wf1, bf1, Wf2, bf2):
    N = x.shape[0]
    # to_undirected: add reversed edges then coalesce (dedupe)
    src = edge_index[0]
    dst = edge_index[1]
    s2 = jnp.concatenate([src, dst])
    d2 = jnp.concatenate([dst, src])
    eid = s2 * N + d2
    eid_sorted = jnp.sort(eid)
    dup = jnp.concatenate([jnp.zeros((1,), dtype=bool),
                           eid_sorted[1:] == eid_sorted[:-1]])
    us = eid_sorted // N
    ud = eid_sorted % N

    def gin_conv(h, Wa, ba, Wb, bb):
        # GINConv with eps=0: nn((1+eps)*h + sum_{j->i} h_j)
        contrib = jnp.where(dup[:, None], 0.0, h[us])
        agg = jax.ops.segment_sum(contrib, ud, num_segments=N)
        h2 = h + agg
        h2 = jax.nn.relu(h2 @ Wa + ba)
        return h2 @ Wb + bb

    h = gin_conv(x, W1a, b1a, W1b, b1b)
    h = gin_conv(h, W2a, b2a, W2b, b2b)
    pooled = jax.ops.segment_max(h, batch, num_segments=N_GRAPHS)
    pooled = jnp.where(jnp.isfinite(pooled), pooled, 0.0)
    out = jax.nn.relu(pooled @ Wf1 + bf1) @ Wf2 + bf2
    return jax.nn.log_softmax(out, axis=1)

if __name__ == "__main__":
    import jax
    _d = setup_inputs()
    print(jax.jit(kernel)(*tuple(_d.values())))

</pallas_src>

<mosaic_0001>
#map = affine_map<(d0, d1) -> (0, 0)>
#map1 = affine_map<(d0, d1) -> (0)>
module attributes {stable_mosaic.version = 14 : i64} {
  func.func @_agg_kernel(%arg0: i32, %arg1: i32, %arg2: memref<10000x128xf32, #tpu.memory_space<hbm>>, %arg3: memref<647168xi32, #tpu.memory_space<hbm>>, %arg4: memref<647168xi32, #tpu.memory_space<hbm>>, %arg5: memref<10240x128xf32, #tpu.memory_space<hbm>>, %arg6: memref<10240x128xf32, #tpu.memory_space<hbm>>, %arg7: memref<128xi32, #tpu.memory_space<vmem>>, %arg8: memref<128xi32, #tpu.memory_space<vmem>>, %arg9: memref<128xi32, #tpu.memory_space<vmem>>, %arg10: memref<128xi32, #tpu.memory_space<vmem>>, %arg11: memref<128x128xf32, #tpu.memory_space<vmem>>, %arg12: memref<128x128xf32, #tpu.memory_space<vmem>>, %arg13: memref<16x128xf32, #tpu.memory_space<vmem>>, %arg14: memref<10240x128xf32, #tpu.memory_space<vmem_shared>>, %arg15: memref<!tpu.dma_semaphore, #tpu.memory_space<semaphore_mem>>, %arg16: memref<!tpu.dma_semaphore, #tpu.memory_space<semaphore_mem>>, %arg17: memref<!tpu.dma_semaphore, #tpu.memory_space<semaphore_mem>>, %arg18: memref<!tpu.dma_semaphore, #tpu.memory_space<semaphore_mem>>, %arg19: memref<!tpu.dma_semaphore, #tpu.memory_space<semaphore_mem>>, %arg20: memref<!tpu.dma_semaphore, #tpu.memory_space<semaphore_mem>>) attributes {dimension_semantics = [#tpu.dimension_semantics<core_parallel>, #tpu.dimension_semantics<subcore_parallel>], iteration_bounds = array<i64: 2, 16>, scalar_prefetch = 0 : i64, scratch_operands = 14 : i64, tpu.core_type = #tpu.core_type<sc_vector_subcore>, window_params = [{transform_indices = #map}, {transform_indices = #map1}, {transform_indices = #map1}, {transform_indices = #map}, {transform_indices = #map}]} {
    %mul3A = arith.constant 16 : i32
    %mul3A_0 = arith.muli %arg0, %mul3A : i32
    %add3A = arith.addi %mul3A_0, %arg1 : i32
    %mul3A_1 = arith.constant 158 : i32
    %mul3A_2 = arith.muli %add3A, %mul3A_1 : i32
    %broadcast_in_dim3A = arith.constant 0.000000e+00 : f32
    %broadcast_in_dim3A_3 = vector.broadcast %broadcast_in_dim3A : f32 to vector<16xf32>
    %swap3A = arith.constant 0 : i32
    %swap3A_4 = arith.index_cast %swap3A : i32 to index
    %swap3A_5 = arith.constant 0 : index
    %swap3A_6 = tpu.vector_load %arg13[%swap3A_4, %swap3A_5] {strides = array<i32>} : memref<16x128xf32, #tpu.memory_space<vmem>>, vector<1x16xf32>,
    %swap3A_7 = vector.shape_cast %swap3A_6 : vector<1x16xf32> to vector<16xf32>
    %swap3A_8 = vector.shape_cast %broadcast_in_dim3A_3 : vector<16xf32> to vector<1x16xf32>
    tpu.vector_store %arg13[%swap3A_4, %swap3A_5], %swap3A_8 {strides = array<i32>} : memref<16x128xf32, #tpu.memory_space<vmem>>, vector<1x16xf32>,
    %swap3A_9 = arith.constant 0 : i32
    %swap3A_10 = arith.index_cast %swap3A_9 : i32 to index
    %swap3A_11 = arith.constant 16 : index
    %swap3A_12 = tpu.vector_load %arg13[%swap3A_10, %swap3A_11] {strides = array<i32>} : memref<16x128xf32, #tpu.memory_space<vmem>>, vector<1x16xf32>,
    %swap3A_13 = vector.shape_cast %swap3A_12 : vector<1x16xf32> to vector<16xf32>
    %swap3A_14 = vector.shape_cast %broadcast_in_dim3A_3 : vector<16xf32> to vector<1x16xf32>
    tpu.vector_store %arg13[%swap3A_10, %swap3A_11], %swap3A_14 {strides = array<i32>} : memref<16x128xf32, #tpu.memory_space<vmem>>, vector<1x16xf32>,
    %swap3A_15 = arith.constant 0 : i32
    %swap3A_16 = arith.index_cast %swap3A_15 : i32 to index
    %swap3A_17 = arith.constant 32 : index
    %swap3A_18 = tpu.vector_load %arg13[%swap3A_16, %swap3A_17] {strides = array<i32>} : memref<16x128xf32, #tpu.memory_space<vmem>>, vector<1x16xf32>,
    %swap3A_19 = vector.shape_cast %swap3A_18 : vector<1x16xf32> to vector<16xf32>
    %swap3A_20 = vector.shape_cast %broadcast_in_dim3A_3 : vector<16xf32> to vector<1x16xf32>
    tpu.vector_store %arg13[%swap3A_16, %swap3A_17], %swap3A_20 {strides = array<i32>} : memref<16x128xf32, #tpu.memory_space<vmem>>, vector<1x16xf32>,
    %swap3A_21 = arith.constant 0 : i32
    %swap3A_22 = arith.index_cast %swap3A_21 : i32 to index
    %swap3A_23 = arith.constant 48 : index
    %swap3A_24 = tpu.vector_load %arg13[%swap3A_22, %swap3A_23] {strides = array<i32>} : memref<16x128xf32, #tpu.memory_space<vmem>>, vector<1x16xf32>,
    %swap3A_25 = vector.shape_cast %swap3A_24 : vector<1x16xf32> to vector<16xf32>
    %swap3A_26 = vector.shape_cast %broadcast_in_dim3A_3 : vector<16xf32> to vector<1x16xf32>
    tpu.vector_store %arg13[%swap3A_22, %swap3A_23], %swap3A_26 {strides = array<i32>} : memref<16x128xf32, #tpu.memory_space<vmem>>, vector<1x16xf32>,
    %swap3A_27 = arith.constant 0 : i32
    %swap3A_28 = arith.index_cast %swap3A_27 : i32 to index
    %swap3A_29 = arith.constant 64 : index
    %swap3A_30 = tpu.vector_load %arg13[%swap3A_28, %swap3A_29] {strides = array<i32>} : memref<16x128xf32, #tpu.memory_space<vmem>>, vector<1x16xf32>,
    %swap3A_31 = vector.shape_cast %swap3A_30 : vector<1x16xf32> to vector<16xf32>
    %swap3A_32 = vector.shape_cast %broadcast_in_dim3A_3 : vector<16xf32> to vector<1x16xf32>
    tpu.vector_store %arg13[%swap3A_28, %swap3A_29], %swap3A_32 {strides = array<i32>} : memref<16x128xf32, #tpu.memory_space<vmem>>, vector<1x16xf32>,
    %swap3A_33 = arith.constant 0 : i32
    %swap3A_34 = arith.index_cast %swap3A_33 : i32 to index
    %swap3A_35 = arith.constant 80 : index
    %swap3A_36 = tpu.vector_load %arg13[%swap3A_34, %swap3A_35] {strides = array<i32>} : memref<16x128xf32, #tpu.memory_space<vmem>>, vector<1x16xf32>,
    %swap3A_37 = vector.shape_cast %swap3A_36 : vector<1x16xf32> to vector<16xf32>
    %swap3A_38 = vector.shape_cast %broadcast_in_dim3A_3 : vector<16xf32> to vector<1x16xf32>
    tpu.vector_store %arg13[%swap3A_34, %swap3A_35], %swap3A_38 {strides = array<i32>} : memref<16x128xf32, #tpu.memory_space<vmem>>, vector<1x16xf32>,
    %swap3A_39 = arith.constant 0 : i32
    %swap3A_40 = arith.index_cast %swap3A_39 : i32 to index
    %swap3A_41 = arith.constant 96 : index
    %swap3A_42 = tpu.vector_load %arg13[%swap3A_40, %swap3A_41] {strides = array<i32>} : memref<16x128xf32, #tpu.memory_space<vmem>>, vector<1x16xf32>,
    %swap3A_43 = vector.shape_cast %swap3A_42 : vector<1x16xf32> to vector<16xf32>
    %swap3A_44 = vector.shape_cast %broadcast_in_dim3A_3 : vector<16xf32> to vector<1x16xf32>
    tpu.vector_store %arg13[%swap3A_40, %swap3A_41], %swap3A_44 {strides = array<i32>} : memref<16x128xf32, #tpu.memory_space<vmem>>, vector<1x16xf32>,
    %swap3A_45 = arith.constant 0 : i32
    %swap3A_46 = arith.index_cast %swap3A_45 : i32 to index
    %swap3A_47 = arith.constant 112 : index
    %swap3A_48 = tpu.vector_load %arg13[%swap3A_46, %swap3A_47] {strides = array<i32>} : memref<16x128xf32, #tpu.memory_space<vmem>>, vector<1x16xf32>,
    %swap3A_49 = vector.shape_cast %swap3A_48 : vector<1x16xf32> to vector<16xf32>
    %swap3A_50 = vector.shape_cast %broadcast_in_dim3A_3 : vector<16xf32> to vector<1x16xf32>
    tpu.vector_store %arg13[%swap3A_46, %swap3A_47], %swap3A_50 {strides = array<i32>} : memref<16x128xf32, #tpu.memory_space<vmem>>, vector<1x16xf32>,
    %swap3A_51 = arith.constant 1 : i32
    %swap3A_52 = arith.index_cast %swap3A_51 : i32 to index
    %swap3A_53 = arith.constant 0 : index
    %swap3A_54 = tpu.vector_load %arg13[%swap3A_52, %swap3A_53] {strides = array<i32>} : memref<16x128xf32, #tpu.memory_space<vmem>>, vector<1x16xf32>,
    %swap3A_55 = vector.shape_cast %swap3A_54 : vector<1x16xf32> to vector<16xf32>
    %swap3A_56 = vector.shape_cast %broadcast_in_dim3A_3 : vector<16xf32> to vector<1x16xf32>
    tpu.vector_store %arg13[%swap3A_52, %swap3A_53], %swap3A_56 {strides = array<i32>} : memref<16x128xf32, #tpu.memory_space<vmem>>, vector<1x16xf32>,
    %swap3A_57 = arith.constant 1 : i32
    %swap3A_58 = arith.index_cast %swap3A_57 : i32 to index
    %swap3A_59 = arith.constant 16 : index
    %swap3A_60 = tpu.vector_load %arg13[%swap3A_58, %swap3A_59] {strides = array<i32>} : memref<16x128xf32, #tpu.memory_space<vmem>>, vector<1x16xf32>,
    %swap3A_61 = vector.shape_cast %swap3A_60 : vector<1x16xf32> to vector<16xf32>
    %swap3A_62 = vector.shape_cast %broadcast_in_dim3A_3 : vector<16xf32> to vector<1x16xf32>
    tpu.vector_store %arg13[%swap3A_58, %swap3A_59], %swap3A_62 {strides = array<i32>} : memref<16x128xf32, #tpu.memory_space<vmem>>, vector<1x16xf32>,
    %swap3A_63 = arith.constant 1 : i32
    %swap3A_64 = arith.index_cast %swap3A_63 : i32 to index
    %swap3A_65 = arith.constant 32 : index
    %swap3A_66 = tpu.vector_load %arg13[%swap3A_64, %swap3A_65] {strides = array<i32>} : memref<16x128xf32, #tpu.memory_space<vmem>>, vector<1x16xf32>,
    %swap3A_67 = vector.shape_cast %swap3A_66 : vector<1x16xf32> to vector<16xf32>
    %swap3A_68 = vector.shape_cast %broadcast_in_dim3A_3 : vector<16xf32> to vector<1x16xf32>
    tpu.vector_store %arg13[%swap3A_64, %swap3A_65], %swap3A_68 {strides = array<i32>} : memref<16x128xf32, #tpu.memory_space<vmem>>, vector<1x16xf32>,
    %swap3A_69 = arith.constant 1 : i32
    %swap3A_70 = arith.index_cast %swap3A_69 : i32 to index
    %swap3A_71 = arith.constant 48 : index
    %swap3A_72 = tpu.vector_load %arg13[%swap3A_70, %swap3A_71] {strides = array<i32>} : memref<16x128xf32, #tpu.memory_space<vmem>>, vector<1x16xf32>,
    %swap3A_73 = vector.shape_cast %swap3A_72 : vector<1x16xf32> to vector<16xf32>
    %swap3A_74 = vector.shape_cast %broadcast_in_dim3A_3 : vector<16xf32> to vector<1x16xf32>
    tpu.vector_store %arg13[%swap3A_70, %swap3A_71], %swap3A_74 {strides = array<i32>} : memref<16x128xf32, #tpu.memory_space<vmem>>, vector<1x16xf32>,
    %swap3A_75 = arith.constant 1 : i32
    %swap3A_76 = arith.index_cast %swap3A_75 : i32 to index
    %swap3A_77 = arith.constant 64 : index
    %swap3A_78 = tpu.vector_load %arg13[%swap3A_76, %swap3A_77] {strides = array<i32>} : memref<16x128xf32, #tpu.memory_space<vmem>>, vector<1x16xf32>,
    %swap3A_79 = vector.shape_cast %swap3A_78 : vector<1x16xf32> to vector<16xf32>
    %swap3A_80 = vector.shape_cast %broadcast_in_dim3A_3 : vector<16xf32> to vector<1x16xf32>
    tpu.vector_store %arg13[%swap3A_76, %swap3A_77], %swap3A_80 {strides = array<i32>} : memref<16x128xf32, #tpu.memory_space<vmem>>, vector<1x16xf32>,
    %swap3A_81 = arith.constant 1 : i32
    %swap3A_82 = arith.index_cast %swap3A_81 : i32 to index
    %swap3A_83 = arith.constant 80 : index
    %swap3A_84 = tpu.vector_load %arg13[%swap3A_82, %swap3A_83] {strides = array<i32>} : memref<16x128xf32, #tpu.memory_space<vmem>>, vector<1x16xf32>,
    %swap3A_85 = vector.shape_cast %swap3A_84 : vector<1x16xf32> to vector<16xf32>
    %swap3A_86 = vector.shape_cast %broadcast_in_dim3A_3 : vector<16xf32> to vector<1x16xf32>
    tpu.vector_store %arg13[%swap3A_82, %swap3A_83], %swap3A_86 {strides = array<i32>} : memref<16x128xf32, #tpu.memory_space<vmem>>, vector<1x16xf32>,
    %swap3A_87 = arith.constant 1 : i32
    %swap3A_88 = arith.index_cast %swap3A_87 : i32 to index
    %swap3A_89 = arith.constant 96 : index
    %swap3A_90 = tpu.vector_load %arg13[%swap3A_88, %swap3A_89] {strides = array<i32>} : memref<16x128xf32, #tpu.memory_space<vmem>>, vector<1x16xf32>,
    %swap3A_91 = vector.shape_cast %swap3A_90 : vector<1x16xf32> to vector<16xf32>
    %swap3A_92 = vector.shape_cast %broadcast_in_dim3A_3 : vector<16xf32> to vector<1x16xf32>
    tpu.vector_store %arg13[%swap3A_88, %swap3A_89], %swap3A_92 {strides = array<i32>} : memref<16x128xf32, #tpu.memory_space<vmem>>, vector<1x16xf32>,
    %swap3A_93 = arith.constant 1 : i32
    %swap3A_94 = arith.index_cast %swap3A_93 : i32 to index
    %swap3A_95 = arith.constant 112 : index
    %swap3A_96 = tpu.vector_load %arg13[%swap3A_94, %swap3A_95] {strides = array<i32>} : memref<16x128xf32, #tpu.memory_space<vmem>>, vector<1x16xf32>,
    %swap3A_97 = vector.shape_cast %swap3A_96 : vector<1x16xf32> to vector<16xf32>
    %swap3A_98 = vector.shape_cast %broadcast_in_dim3A_3 : vector<16xf32> to vector<1x16xf32>
    tpu.vector_store %arg13[%swap3A_94, %swap3A_95], %swap3A_98 {strides = array<i32>} : memref<16x128xf32, #tpu.memory_space<vmem>>, vector<1x16xf32>,
    %swap3A_99 = arith.constant 2 : i32
    %swap3A_100 = arith.index_cast %swap3A_99 : i32 to index
    %swap3A_101 = arith.constant 0 : index
    %swap3A_102 = tpu.vector_load %arg13[%swap3A_100, %swap3A_101] {strides = array<i32>} : memref<16x128xf32, #tpu.memory_space<vmem>>, vector<1x16xf32>,
    %swap3A_103 = vector.shape_cast %swap3A_102 : vector<1x16xf32> to vector<16xf32>
    %swap3A_104 = vector.shape_cast %broadcast_in_dim3A_3 : vector<16xf32> to vector<1x16xf32>
    tpu.vector_store %arg13[%swap3A_100, %swap3A_101], %swap3A_104 {strides = array<i32>} : memref<16x128xf32, #tpu.memory_space<vmem>>, vector<1x16xf32>,
    %swap3A_105 = arith.constant 2 : i32
    %swap3A_106 = arith.index_cast %swap3A_105 : i32 to index
    %swap3A_107 = arith.constant 16 : index
    %swap3A_108 = tpu.vector_load %arg13[%swap3A_106, %swap3A_107] {strides = array<i32>} : memref<16x128xf32, #tpu.memory_space<vmem>>, vector<1x16xf32>,
    %swap3A_109 = vector.shape_cast %swap3A_108 : vector<1x16xf32> to vector<16xf32>
    %swap3A_110 = vector.shape_cast %broadcast_in_dim3A_3 : vector<16xf32> to vector<1x16xf32>
    tpu.vector_store %arg13[%swap3A_106, %swap3A_107], %swap3A_110 {strides = array<i32>} : memref<16x128xf32, #tpu.memory_space<vmem>>, vector<1x16xf32>,
    %swap3A_111 = arith.constant 2 : i32
    %swap3A_112 = arith.index_cast %swap3A_111 : i32 to index
    %swap3A_113 = arith.constant 32 : index
    %swap3A_114 = tpu.vector_load %arg13[%swap3A_112, %swap3A_113] {strides = array<i32>} : memref<16x128xf32, #tpu.memory_space<vmem>>, vector<1x16xf32>,
    %swap3A_115 = vector.shape_cast %swap3A_114 : vector<1x16xf32> to vector<16xf32>
    %swap3A_116 = vector.shape_cast %broadcast_in_dim3A_3 : vector<16xf32> to vector<1x16xf32>
    tpu.vector_store %arg13[%swap3A_112, %swap3A_113], %swap3A_116 {strides = array<i32>} : memref<16x128xf32, #tpu.memory_space<vmem>>, vector<1x16xf32>,
    %swap3A_117 = arith.constant 2 : i32
    %swap3A_118 = arith.index_cast %swap3A_117 : i32 to index
    %swap3A_119 = arith.constant 48 : index
    %swap3A_120 = tpu.vector_load %arg13[%swap3A_118, %swap3A_119] {strides = array<i32>} : memref<16x128xf32, #tpu.memory_space<vmem>>, vector<1x16xf32>,
    %swap3A_121 = vector.shape_cast %swap3A_120 : vector<1x16xf32> to vector<16xf32>
    %swap3A_122 = vector.shape_cast %broadcast_in_dim3A_3 : vector<16xf32> to vector<1x16xf32>
    tpu.vector_store %arg13[%swap3A_118, %swap3A_119], %swap3A_122 {strides = array<i32>} : memref<16x128xf32, #tpu.memory_space<vmem>>, vector<1x16xf32>,
    %swap3A_123 = arith.constant 2 : i32
    %swap3A_124 = arith.index_cast %swap3A_123 : i32 to index
    %swap3A_125 = arith.constant 64 : index
    %swap3A_126 = tpu.vector_load %arg13[%swap3A_124, %swap3A_125] {strides = array<i32>} : memref<16x128xf32, #tpu.memory_space<vmem>>, vector<1x16xf32>,
    %swap3A_127 = vector.shape_cast %swap3A_126 : vector<1x16xf32> to vector<16xf32>
    %swap3A_128 = vector.shape_cast %broadcast_in_dim3A_3 : vector<16xf32> to vector<1x16xf32>
    tpu.vector_store %arg13[%swap3A_124, %swap3A_125], %swap3A_128 {strides = array<i32>} : memref<16x128xf32, #tpu.memory_space<vmem>>, vector<1x16xf32>,
    %swap3A_129 = arith.constant 2 : i32
    %swap3A_130 = arith.index_cast %swap3A_129 : i32 to index
    %swap3A_131 = arith.constant 80 : index
    %swap3A_132 = tpu.vector_load %arg13[%swap3A_130, %swap3A_131] {strides = array<i32>} : memref<16x128xf32, #tpu.memory_space<vmem>>, vector<1x16xf32>,
    %swap3A_133 = vector.shape_cast %swap3A_132 : vector<1x16xf32> to vector<16xf32>
    %swap3A_134 = vector.shape_cast %broadcast_in_dim3A_3 : vector<16xf32> to vector<1x16xf32>
    tpu.vector_store %arg13[%swap3A_130, %swap3A_131], %swap3A_134 {strides = array<i32>} : memref<16x128xf32, #tpu.memory_space<vmem>>, vector<1x16xf32>,
    %swap3A_135 = arith.constant 2 : i32
    %swap3A_136 = arith.index_cast %swap3A_135 : i32 to index
    %swap3A_137 = arith.constant 96 : index
    %swap3A_138 = tpu.vector_load %arg13[%swap3A_136, %swap3A_137] {strides = array<i32>} : memref<16x128xf32, #tpu.memory_space<vmem>>, vector<1x16xf32>,
    %swap3A_139 = vector.shape_cast %swap3A_138 : vector<1x16xf32> to vector<16xf32>
    %swap3A_140 = vector.shape_cast %broadcast_in_dim3A_3 : vector<16xf32> to vector<1x16xf32>
    tpu.vector_store %arg13[%swap3A_136, %swap3A_137], %swap3A_140 {strides = array<i32>} : memref<16x128xf32, #tpu.memory_space<vmem>>, vector<1x16xf32>,
    %swap3A_141 = arith.constant 2 : i32
    %swap3A_142 = arith.index_cast %swap3A_141 : i32 to index
    %swap3A_143 = arith.constant 112 : index
    %swap3A_144 = tpu.vector_load %arg13[%swap3A_142, %swap3A_143] {strides = array<i32>} : memref<16x128xf32, #tpu.memory_space<vmem>>, vector<1x16xf32>,
    %swap3A_145 = vector.shape_cast %swap3A_144 : vector<1x16xf32> to vector<16xf32>
    %swap3A_146 = vector.shape_cast %broadcast_in_dim3A_3 : vector<16xf32> to vector<1x16xf32>
    tpu.vector_store %arg13[%swap3A_142, %swap3A_143], %swap3A_146 {strides = array<i32>} : memref<16x128xf32, #tpu.memory_space<vmem>>, vector<1x16xf32>,
    %swap3A_147 = arith.constant 3 : i32
    %swap3A_148 = arith.index_cast %swap3A_147 : i32 to index
    %swap3A_149 = arith.constant 0 : index
    %swap3A_150 = tpu.vector_load %arg13[%swap3A_148, %swap3A_149] {strides = array<i32>} : memref<16x128xf32, #tpu.memory_space<vmem>>, vector<1x16xf32>,
    %swap3A_151 = vector.shape_cast %swap3A_150 : vector<1x16xf32> to vector<16xf32>
    %swap3A_152 = vector.shape_cast %broadcast_in_dim3A_3 : vector<16xf32> to vector<1x16xf32>
    tpu.vector_store %arg13[%swap3A_148, %swap3A_149], %swap3A_152 {strides = array<i32>} : memref<16x128xf32, #tpu.memory_space<vmem>>, vector<1x16xf32>,
    %swap3A_153 = arith.constant 3 : i32
    %swap3A_154 = arith.index_cast %swap3A_153 : i32 to index
    %swap3A_155 = arith.constant 16 : index
    %swap3A_156 = tpu.vector_load %arg13[%swap3A_154, %swap3A_155] {strides = array<i32>} : memref<16x128xf32, #tpu.memory_space<vmem>>, vector<1x16xf32>,
    %swap3A_157 = vector.shape_cast %swap3A_156 : vector<1x16xf32> to vector<16xf32>
    %swap3A_158 = vector.shape_cast %broadcast_in_dim3A_3 : vector<16xf32> to vector<1x16xf32>
    tpu.vector_store %arg13[%swap3A_154, %swap3A_155], %swap3A_158 {strides = array<i32>} : memref<16x128xf32, #tpu.memory_space<vmem>>, vector<1x16xf32>,
    %swap3A_159 = arith.constant 3 : i32
    %swap3A_160 = arith.index_cast %swap3A_159 : i32 to index
    %swap3A_161 = arith.constant 32 : index
    %swap3A_162 = tpu.vector_load %arg13[%swap3A_160, %swap3A_161] {strides = array<i32>} : memref<16x128xf32, #tpu.memory_space<vmem>>, vector<1x16xf32>,
    %swap3A_163 = vector.shape_cast %swap3A_162 : vector<1x16xf32> to vector<16xf32>
    %swap3A_164 = vector.shape_cast %broadcast_in_dim3A_3 : vector<16xf32> to vector<1x16xf32>
    tpu.vector_store %arg13[%swap3A_160, %swap3A_161], %swap3A_164 {strides = array<i32>} : memref<16x128xf32, #tpu.memory_space<vmem>>, vector<1x16xf32>,
    %swap3A_165 = arith.constant 3 : i32
    %swap3A_166 = arith.index_cast %swap3A_165 : i32 to index
    %swap3A_167 = arith.constant 48 : index
    %swap3A_168 = tpu.vector_load %arg13[%swap3A_166, %swap3A_167] {strides = array<i32>} : memref<16x128xf32, #tpu.memory_space<vmem>>, vector<1x16xf32>,
    %swap3A_169 = vector.shape_cast %swap3A_168 : vector<1x16xf32> to vector<16xf32>
    %swap3A_170 = vector.shape_cast %broadcast_in_dim3A_3 : vector<16xf32> to vector<1x16xf32>
    tpu.vector_store %arg13[%swap3A_166, %swap3A_167], %swap3A_170 {strides = array<i32>} : memref<16x128xf32, #tpu.memory_space<vmem>>, vector<1x16xf32>,
    %swap3A_171 = arith.constant 3 : i32
    %swap3A_172 = arith.index_cast %swap3A_171 : i32 to index
    %swap3A_173 = arith.constant 64 : index
    %swap3A_174 = tpu.vector_load %arg13[%swap3A_172, %swap3A_173] {strides = array<i32>} : memref<16x128xf32, #tpu.memory_space<vmem>>, vector<1x16xf32>,
    %swap3A_175 = vector.shape_cast %swap3A_174 : vector<1x16xf32> to vector<16xf32>
    %swap3A_176 = vector.shape_cast %broadcast_in_dim3A_3 : vector<16xf32> to vector<1x16xf32>
    tpu.vector_store %arg13[%swap3A_172, %swap3A_173], %swap3A_176 {strides = array<i32>} : memref<16x128xf32, #tpu.memory_space<vmem>>, vector<1x16xf32>,
    %swap3A_177 = arith.constant 3 : i32
    %swap3A_178 = arith.index_cast %swap3A_177 : i32 to index
    %swap3A_179 = arith.constant 80 : index
    %swap3A_180 = tpu.vector_load %arg13[%swap3A_178, %swap3A_179] {strides = array<i32>} : memref<16x128xf32, #tpu.memory_space<vmem>>, vector<1x16xf32>,
    %swap3A_181 = vector.shape_cast %swap3A_180 : vector<1x16xf32> to vector<16xf32>
    %swap3A_182 = vector.shape_cast %broadcast_in_dim3A_3 : vector<16xf32> to vector<1x16xf32>
    tpu.vector_store %arg13[%swap3A_178, %swap3A_179], %swap3A_182 {strides = array<i32>} : memref<16x128xf32, #tpu.memory_space<vmem>>, vector<1x16xf32>,
    %swap3A_183 = arith.constant 3 : i32
    %swap3A_184 = arith.index_cast %swap3A_183 : i32 to index
    %swap3A_185 = arith.constant 96 : index
    %swap3A_186 = tpu.vector_load %arg13[%swap3A_184, %swap3A_185] {strides = array<i32>} : memref<16x128xf32, #tpu.memory_space<vmem>>, vector<1x16xf32>,
    %swap3A_187 = vector.shape_cast %swap3A_186 : vector<1x16xf32> to vector<16xf32>
    %swap3A_188 = vector.shape_cast %broadcast_in_dim3A_3 : vector<16xf32> to vector<1x16xf32>
    tpu.vector_store %arg13[%swap3A_184, %swap3A_185], %swap3A_188 {strides = array<i32>} : memref<16x128xf32, #tpu.memory_space<vmem>>, vector<1x16xf32>,
    %swap3A_189 = arith.constant 3 : i32
    %swap3A_190 = arith.index_cast %swap3A_189 : i32 to index
    %swap3A_191 = arith.constant 112 : index
    %swap3A_192 = tpu.vector_load %arg13[%swap3A_190, %swap3A_191] {strides = array<i32>} : memref<16x128xf32, #tpu.memory_space<vmem>>, vector<1x16xf32>,
    %swap3A_193 = vector.shape_cast %swap3A_192 : vector<1x16xf32> to vector<16xf32>
    %swap3A_194 = vector.shape_cast %broadcast_in_dim3A_3 : vector<16xf32> to vector<1x16xf32>
    tpu.vector_store %arg13[%swap3A_190, %swap3A_191], %swap3A_194 {strides = array<i32>} : memref<16x128xf32, #tpu.memory_space<vmem>>, vector<1x16xf32>,
    %swap3A_195 = arith.constant 4 : i32
    %swap3A_196 = arith.index_cast %swap3A_195 : i32 to index
    %swap3A_197 = arith.constant 0 : index
    %swap3A_198 = tpu.vector_load %arg13[%swap3A_196, %swap3A_197] {strides = array<i32>} : memref<16x128xf32, #tpu.memory_space<vmem>>, vector<1x16xf32>,
    %swap3A_199 = vector.shape_cast %swap3A_198 : vector<1x16xf32> to vector<16xf32>
    %swap3A_200 = vector.shape_cast %broadcast_in_dim3A_3 : vector<16xf32> to vector<1x16xf32>
    tpu.vector_store %arg13[%swap3A_196, %swap3A_197], %swap3A_200 {strides = array<i32>} : memref<16x128xf32, #tpu.memory_space<vmem>>, vector<1x16xf32>,
    %swap3A_201 = arith.constant 4 : i32
    %swap3A_202 = arith.index_cast %swap3A_201 : i32 to index
    %swap3A_203 = arith.constant 16 : index
    %swap3A_204 = tpu.vector_load %arg13[%swap3A_202, %swap3A_203] {strides = array<i32>} : memref<16x128xf32, #tpu.memory_space<vmem>>, vector<1x16xf32>,
    %swap3A_205 = vector.shape_cast %swap3A_204 : vector<1x16xf32> to vector<16xf32>
    %swap3A_206 = vector.shape_cast %broadcast_in_dim3A_3 : vector<16xf32> to vector<1x16xf32>
    tpu.vector_store %arg13[%swap3A_202, %swap3A_203], %swap3A_206 {strides = array<i32>} : memref<16x128xf32, #tpu.memory_space<vmem>>, vector<1x16xf32>,
    %swap3A_207 = arith.constant 4 : i32
    %swap3A_208 = arith.index_cast %swap3A_207 : i32 to index
    %swap3A_209 = arith.constant 32 : index
    %swap3A_210 = tpu.vector_load %arg13[%swap3A_208, %swap3A_209] {strides = array<i32>} : memref<16x128xf32, #tpu.memory_space<vmem>>, vector<1x16xf32>,
    %swap3A_211 = vector.shape_cast %swap3A_210 : vector<1x16xf32> to vector<16xf32>
    %swap3A_212 = vector.shape_cast %broadcast_in_dim3A_3 : vector<16xf32> to vector<1x16xf32>
    tpu.vector_store %arg13[%swap3A_208, %swap3A_209], %swap3A_212 {strides = array<i32>} : memref<16x128xf32, #tpu.memory_space<vmem>>, vector<1x16xf32>,
    %swap3A_213 = arith.constant 4 : i32
    %swap3A_214 = arith.index_cast %swap3A_213 : i32 to index
    %swap3A_215 = arith.constant 48 : index
    %swap3A_216 = tpu.vector_load %arg13[%swap3A_214, %swap3A_215] {strides = array<i32>} : memref<16x128xf32, #tpu.memory_space<vmem>>, vector<1x16xf32>,
    %swap3A_217 = vector.shape_cast %swap3A_216 : vector<1x16xf32> to vector<16xf32>
    %swap3A_218 = vector.shape_cast %broadcast_in_dim3A_3 : vector<16xf32> to vector<1x16xf32>
    tpu.vector_store %arg13[%swap3A_214, %swap3A_215], %swap3A_218 {strides = array<i32>} : memref<16x128xf32, #tpu.memory_space<vmem>>, vector<1x16xf32>,
    %swap3A_219 = arith.constant 4 : i32
    %swap3A_220 = arith.index_cast %swap3A_219 : i32 to index
    %swap3A_221 = arith.constant 64 : index
    %swap3A_222 = tpu.vector_load %arg13[%swap3A_220, %swap3A_221] {strides = array<i32>} : memref<16x128xf32, #tpu.memory_space<vmem>>, vector<1x16xf32>,
    %swap3A_223 = vector.shape_cast %swap3A_222 : vector<1x16xf32> to vector<16xf32>
    %swap3A_224 = vector.shape_cast %broadcast_in_dim3A_3 : vector<16xf32> to vector<1x16xf32>
    tpu.vector_store %arg13[%swap3A_220, %swap3A_221], %swap3A_224 {strides = array<i32>} : memref<16x128xf32, #tpu.memory_space<vmem>>, vector<1x16xf32>,
    %swap3A_225 = arith.constant 4 : i32
    %swap3A_226 = arith.index_cast %swap3A_225 : i32 to index
    %swap3A_227 = arith.constant 80 : index
    %swap3A_228 = tpu.vector_load %arg13[%swap3A_226, %swap3A_227] {strides = array<i32>} : memref<16x128xf32, #tpu.memory_space<vmem>>, vector<1x16xf32>,
    %swap3A_229 = vector.shape_cast %swap3A_228 : vector<1x16xf32> to vector<16xf32>
    %swap3A_230 = vector.shape_cast %broadcast_in_dim3A_3 : vector<16xf32> to vector<1x16xf32>
    tpu.vector_store %arg13[%swap3A_226, %swap3A_227], %swap3A_230 {strides = array<i32>} : memref<16x128xf32, #tpu.memory_space<vmem>>, vector<1x16xf32>,
    %swap3A_231 = arith.constant 4 : i32
    %swap3A_232 = arith.index_cast %swap3A_231 : i32 to index
    %swap3A_233 = arith.constant 96 : index
    %swap3A_234 = tpu.vector_load %arg13[%swap3A_232, %swap3A_233] {strides = array<i32>} : memref<16x128xf32, #tpu.memory_space<vmem>>, vector<1x16xf32>,
    %swap3A_235 = vector.shape_cast %swap3A_234 : vector<1x16xf32> to vector<16xf32>
    %swap3A_236 = vector.shape_cast %broadcast_in_dim3A_3 : vector<16xf32> to vector<1x16xf32>
    tpu.vector_store %arg13[%swap3A_232, %swap3A_233], %swap3A_236 {strides = array<i32>} : memref<16x128xf32, #tpu.memory_space<vmem>>, vector<1x16xf32>,
    %swap3A_237 = arith.constant 4 : i32
    %swap3A_238 = arith.index_cast %swap3A_237 : i32 to index
    %swap3A_239 = arith.constant 112 : index
    %swap3A_240 = tpu.vector_load %arg13[%swap3A_238, %swap3A_239] {strides = array<i32>} : memref<16x128xf32, #tpu.memory_space<vmem>>, vector<1x16xf32>,
    %swap3A_241 = vector.shape_cast %swap3A_240 : vector<1x16xf32> to vector<16xf32>
    %swap3A_242 = vector.shape_cast %broadcast_in_dim3A_3 : vector<16xf32> to vector<1x16xf32>
    tpu.vector_store %arg13[%swap3A_238, %swap3A_239], %swap3A_242 {strides = array<i32>} : memref<16x128xf32, #tpu.memory_space<vmem>>, vector<1x16xf32>,
    %swap3A_243 = arith.constant 5 : i32
    %swap3A_244 = arith.index_cast %swap3A_243 : i32 to index
    %swap3A_245 = arith.constant 0 : index
    %swap3A_246 = tpu.vector_load %arg13[%swap3A_244, %swap3A_245] {strides = array<i32>} : memref<16x128xf32, #tpu.memory_space<vmem>>, vector<1x16xf32>,
    %swap3A_247 = vector.shape_cast %swap3A_246 : vector<1x16xf32> to vector<16xf32>
    %swap3A_248 = vector.shape_cast %broadcast_in_dim3A_3 : vector<16xf32> to vector<1x16xf32>
    tpu.vector_store %arg13[%swap3A_244, %swap3A_245], %swap3A_248 {strides = array<i32>} : memref<16x128xf32, #tpu.memory_space<vmem>>, vector<1x16xf32>,
    %swap3A_249 = arith.constant 5 : i32
    %swap3A_250 = arith.index_cast %swap3A_249 : i32 to index
    %swap3A_251 = arith.constant 16 : index
    %swap3A_252 = tpu.vector_load %arg13[%swap3A_250, %swap3A_251] {strides = array<i32>} : memref<16x128xf32, #tpu.memory_space<vmem>>, vector<1x16xf32>,
    %swap3A_253 = vector.shape_cast %swap3A_252 : vector<1x16xf32> to vector<16xf32>
    %swap3A_254 = vector.shape_cast %broadcast_in_dim3A_3 : vector<16xf32> to vector<1x16xf32>
    tpu.vector_store %arg13[%swap3A_250, %swap3A_251], %swap3A_254 {strides = array<i32>} : memref<16x128xf32, #tpu.memory_space<vmem>>, vector<1x16xf32>,
    %swap3A_255 = arith.constant 5 : i32
    %swap3A_256 = arith.index_cast %swap3A_255 : i32 to index
    %swap3A_257 = arith.constant 32 : index
    %swap3A_258 = tpu.vector_load %arg13[%swap3A_256, %swap3A_257] {strides = array<i32>} : memref<16x128xf32, #tpu.memory_space<vmem>>, vector<1x16xf32>,
    %swap3A_259 = vector.shape_cast %swap3A_258 : vector<1x16xf32> to vector<16xf32>
    %swap3A_260 = vector.shape_cast %broadcast_in_dim3A_3 : vector<16xf32> to vector<1x16xf32>
    tpu.vector_store %arg13[%swap3A_256, %swap3A_257], %swap3A_260 {strides = array<i32>} : memref<16x128xf32, #tpu.memory_space<vmem>>, vector<1x16xf32>,
    %swap3A_261 = arith.constant 5 : i32
    %swap3A_262 = arith.index_cast %swap3A_261 : i32 to index
    %swap3A_263 = arith.constant 48 : index
    %swap3A_264 = tpu.vector_load %arg13[%swap3A_262, %swap3A_263] {strides = array<i32>} : memref<16x128xf32, #tpu.memory_space<vmem>>, vector<1x16xf32>,
    %swap3A_265 = vector.shape_cast %swap3A_264 : vector<1x16xf32> to vector<16xf32>
    %swap3A_266 = vector.shape_cast %broadcast_in_dim3A_3 : vector<16xf32> to vector<1x16xf32>
    tpu.vector_store %arg13[%swap3A_262, %swap3A_263], %swap3A_266 {strides = array<i32>} : memref<16x128xf32, #tpu.memory_space<vmem>>, vector<1x16xf32>,
    %swap3A_267 = arith.constant 5 : i32
    %swap3A_268 = arith.index_cast %swap3A_267 : i32 to index
    %swap3A_269 = arith.constant 64 : index
    %swap3A_270 = tpu.vector_load %arg13[%swap3A_268, %swap3A_269] {strides = array<i32>} : memref<16x128xf32, #tpu.memory_space<vmem>>, vector<1x16xf32>,
    %swap3A_271 = vector.shape_cast %swap3A_270 : vector<1x16xf32> to vector<16xf32>
    %swap3A_272 = vector.shape_cast %broadcast_in_dim3A_3 : vector<16xf32> to vector<1x16xf32>
    tpu.vector_store %arg13[%swap3A_268, %swap3A_269], %swap3A_272 {strides = array<i32>} : memref<16x128xf32, #tpu.memory_space<vmem>>, vector<1x16xf32>,
    %swap3A_273 = arith.constant 5 : i32
    %swap3A_274 = arith.index_cast %swap3A_273 : i32 to index
    %swap3A_275 = arith.constant 80 : index
    %swap3A_276 = tpu.vector_load %arg13[%swap3A_274, %swap3A_275] {strides = array<i32>} : memref<16x128xf32, #tpu.memory_space<vmem>>, vector<1x16xf32>,
    %swap3A_277 = vector.shape_cast %swap3A_276 : vector<1x16xf32> to vector<16xf32>
    %swap3A_278 = vector.shape_cast %broadcast_in_dim3A_3 : vector<16xf32> to vector<1x16xf32>
    tpu.vector_store %arg13[%swap3A_274, %swap3A_275], %swap3A_278 {strides = array<i32>} : memref<16x128xf32, #tpu.memory_space<vmem>>, vector<1x16xf32>,
    %swap3A_279 = arith.constant 5 : i32
    %swap3A_280 = arith.index_cast %swap3A_279 : i32 to index
    %swap3A_281 = arith.constant 96 : index
    %swap3A_282 = tpu.vector_load %arg13[%swap3A_280, %swap3A_281] {strides = array<i32>} : memref<16x128xf32, #tpu.memory_space<vmem>>, vector<1x16xf32>,
    %swap3A_283 = vector.shape_cast %swap3A_282 : vector<1x16xf32> to vector<16xf32>
    %swap3A_284 = vector.shape_cast %broadcast_in_dim3A_3 : vector<16xf32> to vector<1x16xf32>
    tpu.vector_store %arg13[%swap3A_280, %swap3A_281], %swap3A_284 {strides = array<i32>} : memref<16x128xf32, #tpu.memory_space<vmem>>, vector<1x16xf32>,
    %swap3A_285 = arith.constant 5 : i32
    %swap3A_286 = arith.index_cast %swap3A_285 : i32 to index
    %swap3A_287 = arith.constant 112 : index
    %swap3A_288 = tpu.vector_load %arg13[%swap3A_286, %swap3A_287] {strides = array<i32>} : memref<16x128xf32, #tpu.memory_space<vmem>>, vector<1x16xf32>,
    %swap3A_289 = vector.shape_cast %swap3A_288 : vector<1x16xf32> to vector<16xf32>
    %swap3A_290 = vector.shape_cast %broadcast_in_dim3A_3 : vector<16xf32> to vector<1x16xf32>
    tpu.vector_store %arg13[%swap3A_286, %swap3A_287], %swap3A_290 {strides = array<i32>} : memref<16x128xf32, #tpu.memory_space<vmem>>, vector<1x16xf32>,
    %swap3A_291 = arith.constant 6 : i32
    %swap3A_292 = arith.index_cast %swap3A_291 : i32 to index
    %swap3A_293 = arith.constant 0 : index
    %swap3A_294 = tpu.vector_load %arg13[%swap3A_292, %swap3A_293] {strides = array<i32>} : memref<16x128xf32, #tpu.memory_space<vmem>>, vector<1x16xf32>,
    %swap3A_295 = vector.shape_cast %swap3A_294 : vector<1x16xf32> to vector<16xf32>
    %swap3A_296 = vector.shape_cast %broadcast_in_dim3A_3 : vector<16xf32> to vector<1x16xf32>
    tpu.vector_store %arg13[%swap3A_292, %swap3A_293], %swap3A_296 {strides = array<i32>} : memref<16x128xf32, #tpu.memory_space<vmem>>, vector<1x16xf32>,
    %swap3A_297 = arith.constant 6 : i32
    %swap3A_298 = arith.index_cast %swap3A_297 : i32 to index
    %swap3A_299 = arith.constant 16 : index
    %swap3A_300 = tpu.vector_load %arg13[%swap3A_298, %swap3A_299] {strides = array<i32>} : memref<16x128xf32, #tpu.memory_space<vmem>>, vector<1x16xf32>,
    %swap3A_301 = vector.shape_cast %swap3A_300 : vector<1x16xf32> to vector<16xf32>
    %swap3A_302 = vector.shape_cast %broadcast_in_dim3A_3 : vector<16xf32> to vector<1x16xf32>
    tpu.vector_store %arg13[%swap3A_298, %swap3A_299], %swap3A_302 {strides = array<i32>} : memref<16x128xf32, #tpu.memory_space<vmem>>, vector<1x16xf32>,
    %swap3A_303 = arith.constant 6 : i32
    %swap3A_304 = arith.index_cast %swap3A_303 : i32 to index
    %swap3A_305 = arith.constant 32 : index
    %swap3A_306 = tpu.vector_load %arg13[%swap3A_304, %swap3A_305] {strides = array<i32>} : memref<16x128xf32, #tpu.memory_space<vmem>>, vector<1x16xf32>,
    %swap3A_307 = vector.shape_cast %swap3A_306 : vector<1x16xf32> to vector<16xf32>
    %swap3A_308 = vector.shape_cast %broadcast_in_dim3A_3 : vector<16xf32> to vector<1x16xf32>
    tpu.vector_store %arg13[%swap3A_304, %swap3A_305], %swap3A_308 {strides = array<i32>} : memref<16x128xf32, #tpu.memory_space<vmem>>, vector<1x16xf32>,
    %swap3A_309 = arith.constant 6 : i32
    %swap3A_310 = arith.index_cast %swap3A_309 : i32 to index
    %swap3A_311 = arith.constant 48 : index
    %swap3A_312 = tpu.vector_load %arg13[%swap3A_310, %swap3A_311] {strides = array<i32>} : memref<16x128xf32, #tpu.memory_space<vmem>>, vector<1x16xf32>,
    %swap3A_313 = vector.shape_cast %swap3A_312 : vector<1x16xf32> to vector<16xf32>
    %swap3A_314 = vector.shape_cast %broadcast_in_dim3A_3 : vector<16xf32> to vector<1x16xf32>
    tpu.vector_store %arg13[%swap3A_310, %swap3A_311], %swap3A_314 {strides = array<i32>} : memref<16x128xf32, #tpu.memory_space<vmem>>, vector<1x16xf32>,
    %swap3A_315 = arith.constant 6 : i32
    %swap3A_316 = arith.index_cast %swap3A_315 : i32 to index
    %swap3A_317 = arith.constant 64 : index
    %swap3A_318 = tpu.vector_load %arg13[%swap3A_316, %swap3A_317] {strides = array<i32>} : memref<16x128xf32, #tpu.memory_space<vmem>>, vector<1x16xf32>,
    %swap3A_319 = vector.shape_cast %swap3A_318 : vector<1x16xf32> to vector<16xf32>
    %swap3A_320 = vector.shape_cast %broadcast_in_dim3A_3 : vector<16xf32> to vector<1x16xf32>
    tpu.vector_store %arg13[%swap3A_316, %swap3A_317], %swap3A_320 {strides = array<i32>} : memref<16x128xf32, #tpu.memory_space<vmem>>, vector<1x16xf32>,
    %swap3A_321 = arith.constant 6 : i32
    %swap3A_322 = arith.index_cast %swap3A_321 : i32 to index
    %swap3A_323 = arith.constant 80 : index
    %swap3A_324 = tpu.vector_load %arg13[%swap3A_322, %swap3A_323] {strides = array<i32>} : memref<16x128xf32, #tpu.memory_space<vmem>>, vector<1x16xf32>,
    %swap3A_325 = vector.shape_cast %swap3A_324 : vector<1x16xf32> to vector<16xf32>
    %swap3A_326 = vector.shape_cast %broadcast_in_dim3A_3 : vector<16xf32> to vector<1x16xf32>
    tpu.vector_store %arg13[%swap3A_322, %swap3A_323], %swap3A_326 {strides = array<i32>} : memref<16x128xf32, #tpu.memory_space<vmem>>, vector<1x16xf32>,
    %swap3A_327 = arith.constant 6 : i32
    %swap3A_328 = arith.index_cast %swap3A_327 : i32 to index
    %swap3A_329 = arith.constant 96 : index
    %swap3A_330 = tpu.vector_load %arg13[%swap3A_328, %swap3A_329] {strides = array<i32>} : memref<16x128xf32, #tpu.memory_space<vmem>>, vector<1x16xf32>,
    %swap3A_331 = vector.shape_cast %swap3A_330 : vector<1x16xf32> to vector<16xf32>
    %swap3A_332 = vector.shape_cast %broadcast_in_dim3A_3 : vector<16xf32> to vector<1x16xf32>
    tpu.vector_store %arg13[%swap3A_328, %swap3A_329], %swap3A_332 {strides = array<i32>} : memref<16x128xf32, #tpu.memory_space<vmem>>, vector<1x16xf32>,
    %swap3A_333 = arith.constant 6 : i32
    %swap3A_334 = arith.index_cast %swap3A_333 : i32 to index
    %swap3A_335 = arith.constant 112 : index
    %swap3A_336 = tpu.vector_load %arg13[%swap3A_334, %swap3A_335] {strides = array<i32>} : memref<16x128xf32, #tpu.memory_space<vmem>>, vector<1x16xf32>,
    %swap3A_337 = vector.shape_cast %swap3A_336 : vector<1x16xf32> to vector<16xf32>
    %swap3A_338 = vector.shape_cast %broadcast_in_dim3A_3 : vector<16xf32> to vector<1x16xf32>
    tpu.vector_store %arg13[%swap3A_334, %swap3A_335], %swap3A_338 {strides = array<i32>} : memref<16x128xf32, #tpu.memory_space<vmem>>, vector<1x16xf32>,
    %swap3A_339 = arith.constant 7 : i32
    %swap3A_340 = arith.index_cast %swap3A_339 : i32 to index
    %swap3A_341 = arith.constant 0 : index
    %swap3A_342 = tpu.vector_load %arg13[%swap3A_340, %swap3A_341] {strides = array<i32>} : memref<16x128xf32, #tpu.memory_space<vmem>>, vector<1x16xf32>,
    %swap3A_343 = vector.shape_cast %swap3A_342 : vector<1x16xf32> to vector<16xf32>
    %swap3A_344 = vector.shape_cast %broadcast_in_dim3A_3 : vector<16xf32> to vector<1x16xf32>
    tpu.vector_store %arg13[%swap3A_340, %swap3A_341], %swap3A_344 {strides = array<i32>} : memref<16x128xf32, #tpu.memory_space<vmem>>, vector<1x16xf32>,
    %swap3A_345 = arith.constant 7 : i32
    %swap3A_346 = arith.index_cast %swap3A_345 : i32 to index
    %swap3A_347 = arith.constant 16 : index
    %swap3A_348 = tpu.vector_load %arg13[%swap3A_346, %swap3A_347] {strides = array<i32>} : memref<16x128xf32, #tpu.memory_space<vmem>>, vector<1x16xf32>,
    %swap3A_349 = vector.shape_cast %swap3A_348 : vector<1x16xf32> to vector<16xf32>
    %swap3A_350 = vector.shape_cast %broadcast_in_dim3A_3 : vector<16xf32> to vector<1x16xf32>
    tpu.vector_store %arg13[%swap3A_346, %swap3A_347], %swap3A_350 {strides = array<i32>} : memref<16x128xf32, #tpu.memory_space<vmem>>, vector<1x16xf32>,
    %swap3A_351 = arith.constant 7 : i32
    %swap3A_352 = arith.index_cast %swap3A_351 : i32 to index
    %swap3A_353 = arith.constant 32 : index
    %swap3A_354 = tpu.vector_load %arg13[%swap3A_352, %swap3A_353] {strides = array<i32>} : memref<16x128xf32, #tpu.memory_space<vmem>>, vector<1x16xf32>,
    %swap3A_355 = vector.shape_cast %swap3A_354 : vector<1x16xf32> to vector<16xf32>
    %swap3A_356 = vector.shape_cast %broadcast_in_dim3A_3 : vector<16xf32> to vector<1x16xf32>
    tpu.vector_store %arg13[%swap3A_352, %swap3A_353], %swap3A_356 {strides = array<i32>} : memref<16x128xf32, #tpu.memory_space<vmem>>, vector<1x16xf32>,
    %swap3A_357 = arith.constant 7 : i32
    %swap3A_358 = arith.index_cast %swap3A_357 : i32 to index
    %swap3A_359 = arith.constant 48 : index
    %swap3A_360 = tpu.vector_load %arg13[%swap3A_358, %swap3A_359] {strides = array<i32>} : memref<16x128xf32, #tpu.memory_space<vmem>>, vector<1x16xf32>,
    %swap3A_361 = vector.shape_cast %swap3A_360 : vector<1x16xf32> to vector<16xf32>
    %swap3A_362 = vector.shape_cast %broadcast_in_dim3A_3 : vector<16xf32> to vector<1x16xf32>
    tpu.vector_store %arg13[%swap3A_358, %swap3A_359], %swap3A_362 {strides = array<i32>} : memref<16x128xf32, #tpu.memory_space<vmem>>, vector<1x16xf32>,
    %swap3A_363 = arith.constant 7 : i32
    %swap3A_364 = arith.index_cast %swap3A_363 : i32 to index
    %swap3A_365 = arith.constant 64 : index
    %swap3A_366 = tpu.vector_load %arg13[%swap3A_364, %swap3A_365] {strides = array<i32>} : memref<16x128xf32, #tpu.memory_space<vmem>>, vector<1x16xf32>,
    %swap3A_367 = vector.shape_cast %swap3A_366 : vector<1x16xf32> to vector<16xf32>
    %swap3A_368 = vector.shape_cast %broadcast_in_dim3A_3 : vector<16xf32> to vector<1x16xf32>
    tpu.vector_store %arg13[%swap3A_364, %swap3A_365], %swap3A_368 {strides = array<i32>} : memref<16x128xf32, #tpu.memory_space<vmem>>, vector<1x16xf32>,
    %swap3A_369 = arith.constant 7 : i32
    %swap3A_370 = arith.index_cast %swap3A_369 : i32 to index
    %swap3A_371 = arith.constant 80 : index
    %swap3A_372 = tpu.vector_load %arg13[%swap3A_370, %swap3A_371] {strides = array<i32>} : memref<16x128xf32, #tpu.memory_space<vmem>>, vector<1x16xf32>,
    %swap3A_373 = vector.shape_cast %swap3A_372 : vector<1x16xf32> to vector<16xf32>
    %swap3A_374 = vector.shape_cast %broadcast_in_dim3A_3 : vector<16xf32> to vector<1x16xf32>
    tpu.vector_store %arg13[%swap3A_370, %swap3A_371], %swap3A_374 {strides = array<i32>} : memref<16x128xf32, #tpu.memory_space<vmem>>, vector<1x16xf32>,
    %swap3A_375 = arith.constant 7 : i32
    %swap3A_376 = arith.index_cast %swap3A_375 : i32 to index
    %swap3A_377 = arith.constant 96 : index
    %swap3A_378 = tpu.vector_load %arg13[%swap3A_376, %swap3A_377] {strides = array<i32>} : memref<16x128xf32, #tpu.memory_space<vmem>>, vector<1x16xf32>,
    %swap3A_379 = vector.shape_cast %swap3A_378 : vector<1x16xf32> to vector<16xf32>
    %swap3A_380 = vector.shape_cast %broadcast_in_dim3A_3 : vector<16xf32> to vector<1x16xf32>
    tpu.vector_store %arg13[%swap3A_376, %swap3A_377], %swap3A_380 {strides = array<i32>} : memref<16x128xf32, #tpu.memory_space<vmem>>, vector<1x16xf32>,
    %swap3A_381 = arith.constant 7 : i32
    %swap3A_382 = arith.index_cast %swap3A_381 : i32 to index
    %swap3A_383 = arith.constant 112 : index
    %swap3A_384 = tpu.vector_load %arg13[%swap3A_382, %swap3A_383] {strides = array<i32>} : memref<16x128xf32, #tpu.memory_space<vmem>>, vector<1x16xf32>,
    %swap3A_385 = vector.shape_cast %swap3A_384 : vector<1x16xf32> to vector<16xf32>
    %swap3A_386 = vector.shape_cast %broadcast_in_dim3A_3 : vector<16xf32> to vector<1x16xf32>
    tpu.vector_store %arg13[%swap3A_382, %swap3A_383], %swap3A_386 {strides = array<i32>} : memref<16x128xf32, #tpu.memory_space<vmem>>, vector<1x16xf32>,
    %swap3A_387 = arith.constant 8 : i32
    %swap3A_388 = arith.index_cast %swap3A_387 : i32 to index
    %swap3A_389 = arith.constant 0 : index
    %swap3A_390 = tpu.vector_load %arg13[%swap3A_388, %swap3A_389] {strides = array<i32>} : memref<16x128xf32, #tpu.memory_space<vmem>>, vector<1x16xf32>,
    %swap3A_391 = vector.shape_cast %swap3A_390 : vector<1x16xf32> to vector<16xf32>
    %swap3A_392 = vector.shape_cast %broadcast_in_dim3A_3 : vector<16xf32> to vector<1x16xf32>
    tpu.vector_store %arg13[%swap3A_388, %swap3A_389], %swap3A_392 {strides = array<i32>} : memref<16x128xf32, #tpu.memory_space<vmem>>, vector<1x16xf32>,
    %swap3A_393 = arith.constant 8 : i32
    %swap3A_394 = arith.index_cast %swap3A_393 : i32 to index
    %swap3A_395 = arith.constant 16 : index
    %swap3A_396 = tpu.vector_load %arg13[%swap3A_394, %swap3A_395] {strides = array<i32>} : memref<16x128xf32, #tpu.memory_space<vmem>>, vector<1x16xf32>,
    %swap3A_397 = vector.shape_cast %swap3A_396 : vector<1x16xf32> to vector<16xf32>
    %swap3A_398 = vector.shape_cast %broadcast_in_dim3A_3 : vector<16xf32> to vector<1x16xf32>
    tpu.vector_store %arg13[%swap3A_394, %swap3A_395], %swap3A_398 {strides = array<i32>} : memref<16x128xf32, #tpu.memory_space<vmem>>, vector<1x16xf32>,
    %swap3A_399 = arith.constant 8 : i32
    %swap3A_400 = arith.index_cast %swap3A_399 : i32 to index
    %swap3A_401 = arith.constant 32 : index
    %swap3A_402 = tpu.vector_load %arg13[%swap3A_400, %swap3A_401] {strides = array<i32>} : memref<16x128xf32, #tpu.memory_space<vmem>>, vector<1x16xf32>,
    %swap3A_403 = vector.shape_cast %swap3A_402 : vector<1x16xf32> to vector<16xf32>
    %swap3A_404 = vector.shape_cast %broadcast_in_dim3A_3 : vector<16xf32> to vector<1x16xf32>
    tpu.vector_store %arg13[%swap3A_400, %swap3A_401], %swap3A_404 {strides = array<i32>} : memref<16x128xf32, #tpu.memory_space<vmem>>, vector<1x16xf32>,
    %swap3A_405 = arith.constant 8 : i32
    %swap3A_406 = arith.index_cast %swap3A_405 : i32 to index
    %swap3A_407 = arith.constant 48 : index
    %swap3A_408 = tpu.vector_load %arg13[%swap3A_406, %swap3A_407] {strides = array<i32>} : memref<16x128xf32, #tpu.memory_space<vmem>>, vector<1x16xf32>,
    %swap3A_409 = vector.shape_cast %swap3A_408 : vector<1x16xf32> to vector<16xf32>
    %swap3A_410 = vector.shape_cast %broadcast_in_dim3A_3 : vector<16xf32> to vector<1x16xf32>
    tpu.vector_store %arg13[%swap3A_406, %swap3A_407], %swap3A_410 {strides = array<i32>} : memref<16x128xf32, #tpu.memory_space<vmem>>, vector<1x16xf32>,
    %swap3A_411 = arith.constant 8 : i32
    %swap3A_412 = arith.index_cast %swap3A_411 : i32 to index
    %swap3A_413 = arith.constant 64 : index
    %swap3A_414 = tpu.vector_load %arg13[%swap3A_412, %swap3A_413] {strides = array<i32>} : memref<16x128xf32, #tpu.memory_space<vmem>>, vector<1x16xf32>,
    %swap3A_415 = vector.shape_cast %swap3A_414 : vector<1x16xf32> to vector<16xf32>
    %swap3A_416 = vector.shape_cast %broadcast_in_dim3A_3 : vector<16xf32> to vector<1x16xf32>
    tpu.vector_store %arg13[%swap3A_412, %swap3A_413], %swap3A_416 {strides = array<i32>} : memref<16x128xf32, #tpu.memory_space<vmem>>, vector<1x16xf32>,
    %swap3A_417 = arith.constant 8 : i32
    %swap3A_418 = arith.index_cast %swap3A_417 : i32 to index
    %swap3A_419 = arith.constant 80 : index
    %swap3A_420 = tpu.vector_load %arg13[%swap3A_418, %swap3A_419] {strides = array<i32>} : memref<16x128xf32, #tpu.memory_space<vmem>>, vector<1x16xf32>,
    %swap3A_421 = vector.shape_cast %swap3A_420 : vector<1x16xf32> to vector<16xf32>
    %swap3A_422 = vector.shape_cast %broadcast_in_dim3A_3 : vector<16xf32> to vector<1x16xf32>
    tpu.vector_store %arg13[%swap3A_418, %swap3A_419], %swap3A_422 {strides = array<i32>} : memref<16x128xf32, #tpu.memory_space<vmem>>, vector<1x16xf32>,
    %swap3A_423 = arith.constant 8 : i32
    %swap3A_424 = arith.index_cast %swap3A_423 : i32 to index
    %swap3A_425 = arith.constant 96 : index
    %swap3A_426 = tpu.vector_load %arg13[%swap3A_424, %swap3A_425] {strides = array<i32>} : memref<16x128xf32, #tpu.memory_space<vmem>>, vector<1x16xf32>,
    %swap3A_427 = vector.shape_cast %swap3A_426 : vector<1x16xf32> to vector<16xf32>
    %swap3A_428 = vector.shape_cast %broadcast_in_dim3A_3 : vector<16xf32> to vector<1x16xf32>
    tpu.vector_store %arg13[%swap3A_424, %swap3A_425], %swap3A_428 {strides = array<i32>} : memref<16x128xf32, #tpu.memory_space<vmem>>, vector<1x16xf32>,
    %swap3A_429 = arith.constant 8 : i32
    %swap3A_430 = arith.index_cast %swap3A_429 : i32 to index
    %swap3A_431 = arith.constant 112 : index
    %swap3A_432 = tpu.vector_load %arg13[%swap3A_430, %swap3A_431] {strides = array<i32>} : memref<16x128xf32, #tpu.memory_space<vmem>>, vector<1x16xf32>,
    %swap3A_433 = vector.shape_cast %swap3A_432 : vector<1x16xf32> to vector<16xf32>
    %swap3A_434 = vector.shape_cast %broadcast_in_dim3A_3 : vector<16xf32> to vector<1x16xf32>
    tpu.vector_store %arg13[%swap3A_430, %swap3A_431], %swap3A_434 {strides = array<i32>} : memref<16x128xf32, #tpu.memory_space<vmem>>, vector<1x16xf32>,
    %swap3A_435 = arith.constant 9 : i32
    %swap3A_436 = arith.index_cast %swap3A_435 : i32 to index
    %swap3A_437 = arith.constant 0 : index
    %swap3A_438 = tpu.vector_load %arg13[%swap3A_436, %swap3A_437] {strides = array<i32>} : memref<16x128xf32, #tpu.memory_space<vmem>>, vector<1x16xf32>,
    %swap3A_439 = vector.shape_cast %swap3A_438 : vector<1x16xf32> to vector<16xf32>
    %swap3A_440 = vector.shape_cast %broadcast_in_dim3A_3 : vector<16xf32> to vector<1x16xf32>
    tpu.vector_store %arg13[%swap3A_436, %swap3A_437], %swap3A_440 {strides = array<i32>} : memref<16x128xf32, #tpu.memory_space<vmem>>, vector<1x16xf32>,
    %swap3A_441 = arith.constant 9 : i32
    %swap3A_442 = arith.index_cast %swap3A_441 : i32 to index
    %swap3A_443 = arith.constant 16 : index
    %swap3A_444 = tpu.vector_load %arg13[%swap3A_442, %swap3A_443] {strides = array<i32>} : memref<16x128xf32, #tpu.memory_space<vmem>>, vector<1x16xf32>,
    %swap3A_445 = vector.shape_cast %swap3A_444 : vector<1x16xf32> to vector<16xf32>
    %swap3A_446 = vector.shape_cast %broadcast_in_dim3A_3 : vector<16xf32> to vector<1x16xf32>
    tpu.vector_store %arg13[%swap3A_442, %swap3A_443], %swap3A_446 {strides = array<i32>} : memref<16x128xf32, #tpu.memory_space<vmem>>, vector<1x16xf32>,
    %swap3A_447 = arith.constant 9 : i32
    %swap3A_448 = arith.index_cast %swap3A_447 : i32 to index
    %swap3A_449 = arith.constant 32 : index
    %swap3A_450 = tpu.vector_load %arg13[%swap3A_448, %swap3A_449] {strides = array<i32>} : memref<16x128xf32, #tpu.memory_space<vmem>>, vector<1x16xf32>,
    %swap3A_451 = vector.shape_cast %swap3A_450 : vector<1x16xf32> to vector<16xf32>
    %swap3A_452 = vector.shape_cast %broadcast_in_dim3A_3 : vector<16xf32> to vector<1x16xf32>
    tpu.vector_store %arg13[%swap3A_448, %swap3A_449], %swap3A_452 {strides = array<i32>} : memref<16x128xf32, #tpu.memory_space<vmem>>, vector<1x16xf32>,
    %swap3A_453 = arith.constant 9 : i32
    %swap3A_454 = arith.index_cast %swap3A_453 : i32 to index
    %swap3A_455 = arith.constant 48 : index
    %swap3A_456 = tpu.vector_load %arg13[%swap3A_454, %swap3A_455] {strides = array<i32>} : memref<16x128xf32, #tpu.memory_space<vmem>>, vector<1x16xf32>,
    %swap3A_457 = vector.shape_cast %swap3A_456 : vector<1x16xf32> to vector<16xf32>
    %swap3A_458 = vector.shape_cast %broadcast_in_dim3A_3 : vector<16xf32> to vector<1x16xf32>
    tpu.vector_store %arg13[%swap3A_454, %swap3A_455], %swap3A_458 {strides = array<i32>} : memref<16x128xf32, #tpu.memory_space<vmem>>, vector<1x16xf32>,
    %swap3A_459 = arith.constant 9 : i32
    %swap3A_460 = arith.index_cast %swap3A_459 : i32 to index
    %swap3A_461 = arith.constant 64 : index
    %swap3A_462 = tpu.vector_load %arg13[%swap3A_460, %swap3A_461] {strides = array<i32>} : memref<16x128xf32, #tpu.memory_space<vmem>>, vector<1x16xf32>,
    %swap3A_463 = vector.shape_cast %swap3A_462 : vector<1x16xf32> to vector<16xf32>
    %swap3A_464 = vector.shape_cast %broadcast_in_dim3A_3 : vector<16xf32> to vector<1x16xf32>
    tpu.vector_store %arg13[%swap3A_460, %swap3A_461], %swap3A_464 {strides = array<i32>} : memref<16x128xf32, #tpu.memory_space<vmem>>, vector<1x16xf32>,
    %swap3A_465 = arith.constant 9 : i32
    %swap3A_466 = arith.index_cast %swap3A_465 : i32 to index
    %swap3A_467 = arith.constant 80 : index
    %swap3A_468 = tpu.vector_load %arg13[%swap3A_466, %swap3A_467] {strides = array<i32>} : memref<16x128xf32, #tpu.memory_space<vmem>>, vector<1x16xf32>,
    %swap3A_469 = vector.shape_cast %swap3A_468 : vector<1x16xf32> to vector<16xf32>
    %swap3A_470 = vector.shape_cast %broadcast_in_dim3A_3 : vector<16xf32> to vector<1x16xf32>
    tpu.vector_store %arg13[%swap3A_466, %swap3A_467], %swap3A_470 {strides = array<i32>} : memref<16x128xf32, #tpu.memory_space<vmem>>, vector<1x16xf32>,
    %swap3A_471 = arith.constant 9 : i32
    %swap3A_472 = arith.index_cast %swap3A_471 : i32 to index
    %swap3A_473 = arith.constant 96 : index
    %swap3A_474 = tpu.vector_load %arg13[%swap3A_472, %swap3A_473] {strides = array<i32>} : memref<16x128xf32, #tpu.memory_space<vmem>>, vector<1x16xf32>,
    %swap3A_475 = vector.shape_cast %swap3A_474 : vector<1x16xf32> to vector<16xf32>
    %swap3A_476 = vector.shape_cast %broadcast_in_dim3A_3 : vector<16xf32> to vector<1x16xf32>
    tpu.vector_store %arg13[%swap3A_472, %swap3A_473], %swap3A_476 {strides = array<i32>} : memref<16x128xf32, #tpu.memory_space<vmem>>, vector<1x16xf32>,
    %swap3A_477 = arith.constant 9 : i32
    %swap3A_478 = arith.index_cast %swap3A_477 : i32 to index
    %swap3A_479 = arith.constant 112 : index
    %swap3A_480 = tpu.vector_load %arg13[%swap3A_478, %swap3A_479] {strides = array<i32>} : memref<16x128xf32, #tpu.memory_space<vmem>>, vector<1x16xf32>,
    %swap3A_481 = vector.shape_cast %swap3A_480 : vector<1x16xf32> to vector<16xf32>
    %swap3A_482 = vector.shape_cast %broadcast_in_dim3A_3 : vector<16xf32> to vector<1x16xf32>
    tpu.vector_store %arg13[%swap3A_478, %swap3A_479], %swap3A_482 {strides = array<i32>} : memref<16x128xf32, #tpu.memory_space<vmem>>, vector<1x16xf32>,
    %swap3A_483 = arith.constant 10 : i32
    %swap3A_484 = arith.index_cast %swap3A_483 : i32 to index
    %swap3A_485 = arith.constant 0 : index
    %swap3A_486 = tpu.vector_load %arg13[%swap3A_484, %swap3A_485] {strides = array<i32>} : memref<16x128xf32, #tpu.memory_space<vmem>>, vector<1x16xf32>,
    %swap3A_487 = vector.shape_cast %swap3A_486 : vector<1x16xf32> to vector<16xf32>
    %swap3A_488 = vector.shape_cast %broadcast_in_dim3A_3 : vector<16xf32> to vector<1x16xf32>
    tpu.vector_store %arg13[%swap3A_484, %swap3A_485], %swap3A_488 {strides = array<i32>} : memref<16x128xf32, #tpu.memory_space<vmem>>, vector<1x16xf32>,
    %swap3A_489 = arith.constant 10 : i32
    %swap3A_490 = arith.index_cast %swap3A_489 : i32 to index
    %swap3A_491 = arith.constant 16 : index
    %swap3A_492 = tpu.vector_load %arg13[%swap3A_490, %swap3A_491] {strides = array<i32>} : memref<16x128xf32, #tpu.memory_space<vmem>>, vector<1x16xf32>,
    %swap3A_493 = vector.shape_cast %swap3A_492 : vector<1x16xf32> to vector<16xf32>
    %swap3A_494 = vector.shape_cast %broadcast_in_dim3A_3 : vector<16xf32> to vector<1x16xf32>
    tpu.vector_store %arg13[%swap3A_490, %swap3A_491], %swap3A_494 {strides = array<i32>} : memref<16x128xf32, #tpu.memory_space<vmem>>, vector<1x16xf32>,
    %swap3A_495 = arith.constant 10 : i32
    %swap3A_496 = arith.index_cast %swap3A_495 : i32 to index
    %swap3A_497 = arith.constant 32 : index
    %swap3A_498 = tpu.vector_load %arg13[%swap3A_496, %swap3A_497] {strides = array<i32>} : memref<16x128xf32, #tpu.memory_space<vmem>>, vector<1x16xf32>,
    %swap3A_499 = vector.shape_cast %swap3A_498 : vector<1x16xf32> to vector<16xf32>
    %swap3A_500 = vector.shape_cast %broadcast_in_dim3A_3 : vector<16xf32> to vector<1x16xf32>
    tpu.vector_store %arg13[%swap3A_496, %swap3A_497], %swap3A_500 {strides = array<i32>} : memref<16x128xf32, #tpu.memory_space<vmem>>, vector<1x16xf32>,
    %swap3A_501 = arith.constant 10 : i32
    %swap3A_502 = arith.index_cast %swap3A_501 : i32 to index
    %swap3A_503 = arith.constant 48 : index
    %swap3A_504 = tpu.vector_load %arg13[%swap3A_502, %swap3A_503] {strides = array<i32>} : memref<16x128xf32, #tpu.memory_space<vmem>>, vector<1x16xf32>,
    %swap3A_505 = vector.shape_cast %swap3A_504 : vector<1x16xf32> to vector<16xf32>
    %swap3A_506 = vector.shape_cast %broadcast_in_dim3A_3 : vector<16xf32> to vector<1x16xf32>
    tpu.vector_store %arg13[%swap3A_502, %swap3A_503], %swap3A_506 {strides = array<i32>} : memref<16x128xf32, #tpu.memory_space<vmem>>, vector<1x16xf32>,
    %swap3A_507 = arith.constant 10 : i32
    %swap3A_508 = arith.index_cast %swap3A_507 : i32 to index
    %swap3A_509 = arith.constant 64 : index
    %swap3A_510 = tpu.vector_load %arg13[%swap3A_508, %swap3A_509] {strides = array<i32>} : memref<16x128xf32, #tpu.memory_space<vmem>>, vector<1x16xf32>,
    %swap3A_511 = vector.shape_cast %swap3A_510 : vector<1x16xf32> to vector<16xf32>
    %swap3A_512 = vector.shape_cast %broadcast_in_dim3A_3 : vector<16xf32> to vector<1x16xf32>
    tpu.vector_store %arg13[%swap3A_508, %swap3A_509], %swap3A_512 {strides = array<i32>} : memref<16x128xf32, #tpu.memory_space<vmem>>, vector<1x16xf32>,
    %swap3A_513 = arith.constant 10 : i32
    %swap3A_514 = arith.index_cast %swap3A_513 : i32 to index
    %swap3A_515 = arith.constant 80 : index
    %swap3A_516 = tpu.vector_load %arg13[%swap3A_514, %swap3A_515] {strides = array<i32>} : memref<16x128xf32, #tpu.memory_space<vmem>>, vector<1x16xf32>,
    %swap3A_517 = vector.shape_cast %swap3A_516 : vector<1x16xf32> to vector<16xf32>
    %swap3A_518 = vector.shape_cast %broadcast_in_dim3A_3 : vector<16xf32> to vector<1x16xf32>
    tpu.vector_store %arg13[%swap3A_514, %swap3A_515], %swap3A_518 {strides = array<i32>} : memref<16x128xf32, #tpu.memory_space<vmem>>, vector<1x16xf32>,
    %swap3A_519 = arith.constant 10 : i32
    %swap3A_520 = arith.index_cast %swap3A_519 : i32 to index
    %swap3A_521 = arith.constant 96 : index
    %swap3A_522 = tpu.vector_load %arg13[%swap3A_520, %swap3A_521] {strides = array<i32>} : memref<16x128xf32, #tpu.memory_space<vmem>>, vector<1x16xf32>,
    %swap3A_523 = vector.shape_cast %swap3A_522 : vector<1x16xf32> to vector<16xf32>
    %swap3A_524 = vector.shape_cast %broadcast_in_dim3A_3 : vector<16xf32> to vector<1x16xf32>
    tpu.vector_store %arg13[%swap3A_520, %swap3A_521], %swap3A_524 {strides = array<i32>} : memref<16x128xf32, #tpu.memory_space<vmem>>, vector<1x16xf32>,
    %swap3A_525 = arith.constant 10 : i32
    %swap3A_526 = arith.index_cast %swap3A_525 : i32 to index
    %swap3A_527 = arith.constant 112 : index
    %swap3A_528 = tpu.vector_load %arg13[%swap3A_526, %swap3A_527] {strides = array<i32>} : memref<16x128xf32, #tpu.memory_space<vmem>>, vector<1x16xf32>,
    %swap3A_529 = vector.shape_cast %swap3A_528 : vector<1x16xf32> to vector<16xf32>
    %swap3A_530 = vector.shape_cast %broadcast_in_dim3A_3 : vector<16xf32> to vector<1x16xf32>
    tpu.vector_store %arg13[%swap3A_526, %swap3A_527], %swap3A_530 {strides = array<i32>} : memref<16x128xf32, #tpu.memory_space<vmem>>, vector<1x16xf32>,
    %swap3A_531 = arith.constant 11 : i32
    %swap3A_532 = arith.index_cast %swap3A_531 : i32 to index
    %swap3A_533 = arith.constant 0 : index
    %swap3A_534 = tpu.vector_load %arg13[%swap3A_532, %swap3A_533] {strides = array<i32>} : memref<16x128xf32, #tpu.memory_space<vmem>>, vector<1x16xf32>,
    %swap3A_535 = vector.shape_cast %swap3A_534 : vector<1x16xf32> to vector<16xf32>
    %swap3A_536 = vector.shape_cast %broadcast_in_dim3A_3 : vector<16xf32> to vector<1x16xf32>
    tpu.vector_store %arg13[%swap3A_532, %swap3A_533], %swap3A_536 {strides = array<i32>} : memref<16x128xf32, #tpu.memory_space<vmem>>, vector<1x16xf32>,
    %swap3A_537 = arith.constant 11 : i32
    %swap3A_538 = arith.index_cast %swap3A_537 : i32 to index
    %swap3A_539 = arith.constant 16 : index
    %swap3A_540 = tpu.vector_load %arg13[%swap3A_538, %swap3A_539] {strides = array<i32>} : memref<16x128xf32, #tpu.memory_space<vmem>>, vector<1x16xf32>,
    %swap3A_541 = vector.shape_cast %swap3A_540 : vector<1x16xf32> to vector<16xf32>
    %swap3A_542 = vector.shape_cast %broadcast_in_dim3A_3 : vector<16xf32> to vector<1x16xf32>
    tpu.vector_store %arg13[%swap3A_538, %swap3A_539], %swap3A_542 {strides = array<i32>} : memref<16x128xf32, #tpu.memory_space<vmem>>, vector<1x16xf32>,
    %swap3A_543 = arith.constant 11 : i32
    %swap3A_544 = arith.index_cast %swap3A_543 : i32 to index
    %swap3A_545 = arith.constant 32 : index
    %swap3A_546 = tpu.vector_load %arg13[%swap3A_544, %swap3A_545] {strides = array<i32>} : memref<16x128xf32, #tpu.memory_space<vmem>>, vector<1x16xf32>,
    %swap3A_547 = vector.shape_cast %swap3A_546 : vector<1x16xf32> to vector<16xf32>
    %swap3A_548 = vector.shape_cast %broadcast_in_dim3A_3 : vector<16xf32> to vector<1x16xf32>
    tpu.vector_store %arg13[%swap3A_544, %swap3A_545], %swap3A_548 {strides = array<i32>} : memref<16x128xf32, #tpu.memory_space<vmem>>, vector<1x16xf32>,
    %swap3A_549 = arith.constant 11 : i32
    %swap3A_550 = arith.index_cast %swap3A_549 : i32 to index
    %swap3A_551 = arith.constant 48 : index
    %swap3A_552 = tpu.vector_load %arg13[%swap3A_550, %swap3A_551] {strides = array<i32>} : memref<16x128xf32, #tpu.memory_space<vmem>>, vector<1x16xf32>,
    %swap3A_553 = vector.shape_cast %swap3A_552 : vector<1x16xf32> to vector<16xf32>
    %swap3A_554 = vector.shape_cast %broadcast_in_dim3A_3 : vector<16xf32> to vector<1x16xf32>
    tpu.vector_store %arg13[%swap3A_550, %swap3A_551], %swap3A_554 {strides = array<i32>} : memref<16x128xf32, #tpu.memory_space<vmem>>, vector<1x16xf32>,
    %swap3A_555 = arith.constant 11 : i32
    %swap3A_556 = arith.index_cast %swap3A_555 : i32 to index
    %swap3A_557 = arith.constant 64 : index
    %swap3A_558 = tpu.vector_load %arg13[%swap3A_556, %swap3A_557] {strides = array<i32>} : memref<16x128xf32, #tpu.memory_space<vmem>>, vector<1x16xf32>,
    %swap3A_559 = vector.shape_cast %swap3A_558 : vector<1x16xf32> to vector<16xf32>
    %swap3A_560 = vector.shape_cast %broadcast_in_dim3A_3 : vector<16xf32> to vector<1x16xf32>
    tpu.vector_store %arg13[%swap3A_556, %swap3A_557], %swap3A_560 {strides = array<i32>} : memref<16x128xf32, #tpu.memory_space<vmem>>, vector<1x16xf32>,
    %swap3A_561 = arith.constant 11 : i32
    %swap3A_562 = arith.index_cast %swap3A_561 : i32 to index
    %swap3A_563 = arith.constant 80 : index
    %swap3A_564 = tpu.vector_load %arg13[%swap3A_562, %swap3A_563] {strides = array<i32>} : memref<16x128xf32, #tpu.memory_space<vmem>>, vector<1x16xf32>,
    %swap3A_565 = vector.shape_cast %swap3A_564 : vector<1x16xf32> to vector<16xf32>
    %swap3A_566 = vector.shape_cast %broadcast_in_dim3A_3 : vector<16xf32> to vector<1x16xf32>
    tpu.vector_store %arg13[%swap3A_562, %swap3A_563], %swap3A_566 {strides = array<i32>} : memref<16x128xf32, #tpu.memory_space<vmem>>, vector<1x16xf32>,
    %swap3A_567 = arith.constant 11 : i32
    %swap3A_568 = arith.index_cast %swap3A_567 : i32 to index
    %swap3A_569 = arith.constant 96 : index
    %swap3A_570 = tpu.vector_load %arg13[%swap3A_568, %swap3A_569] {strides = array<i32>} : memref<16x128xf32, #tpu.memory_space<vmem>>, vector<1x16xf32>,
    %swap3A_571 = vector.shape_cast %swap3A_570 : vector<1x16xf32> to vector<16xf32>
    %swap3A_572 = vector.shape_cast %broadcast_in_dim3A_3 : vector<16xf32> to vector<1x16xf32>
    tpu.vector_store %arg13[%swap3A_568, %swap3A_569], %swap3A_572 {strides = array<i32>} : memref<16x128xf32, #tpu.memory_space<vmem>>, vector<1x16xf32>,
    %swap3A_573 = arith.constant 11 : i32
    %swap3A_574 = arith.index_cast %swap3A_573 : i32 to index
    %swap3A_575 = arith.constant 112 : index
    %swap3A_576 = tpu.vector_load %arg13[%swap3A_574, %swap3A_575] {strides = array<i32>} : memref<16x128xf32, #tpu.memory_space<vmem>>, vector<1x16xf32>,
    %swap3A_577 = vector.shape_cast %swap3A_576 : vector<1x16xf32> to vector<16xf32>
    %swap3A_578 = vector.shape_cast %broadcast_in_dim3A_3 : vector<16xf32> to vector<1x16xf32>
    tpu.vector_store %arg13[%swap3A_574, %swap3A_575], %swap3A_578 {strides = array<i32>} : memref<16x128xf32, #tpu.memory_space<vmem>>, vector<1x16xf32>,
    %swap3A_579 = arith.constant 12 : i32
    %swap3A_580 = arith.index_cast %swap3A_579 : i32 to index
    %swap3A_581 = arith.constant 0 : index
    %swap3A_582 = tpu.vector_load %arg13[%swap3A_580, %swap3A_581] {strides = array<i32>} : memref<16x128xf32, #tpu.memory_space<vmem>>, vector<1x16xf32>,
    %swap3A_583 = vector.shape_cast %swap3A_582 : vector<1x16xf32> to vector<16xf32>
    %swap3A_584 = vector.shape_cast %broadcast_in_dim3A_3 : vector<16xf32> to vector<1x16xf32>
    tpu.vector_store %arg13[%swap3A_580, %swap3A_581], %swap3A_584 {strides = array<i32>} : memref<16x128xf32, #tpu.memory_space<vmem>>, vector<1x16xf32>,
    %swap3A_585 = arith.constant 12 : i32
    %swap3A_586 = arith.index_cast %swap3A_585 : i32 to index
    %swap3A_587 = arith.constant 16 : index
    %swap3A_588 = tpu.vector_load %arg13[%swap3A_586, %swap3A_587] {strides = array<i32>} : memref<16x128xf32, #tpu.memory_space<vmem>>, vector<1x16xf32>,
    %swap3A_589 = vector.shape_cast %swap3A_588 : vector<1x16xf32> to vector<16xf32>
    %swap3A_590 = vector.shape_cast %broadcast_in_dim3A_3 : vector<16xf32> to vector<1x16xf32>
    tpu.vector_store %arg13[%swap3A_586, %swap3A_587], %swap3A_590 {strides = array<i32>} : memref<16x128xf32, #tpu.memory_space<vmem>>, vector<1x16xf32>,
    %swap3A_591 = arith.constant 12 : i32
    %swap3A_592 = arith.index_cast %swap3A_591 : i32 to index
    %swap3A_593 = arith.constant 32 : index
    %swap3A_594 = tpu.vector_load %arg13[%swap3A_592, %swap3A_593] {strides = array<i32>} : memref<16x128xf32, #tpu.memory_space<vmem>>, vector<1x16xf32>,
    %swap3A_595 = vector.shape_cast %swap3A_594 : vector<1x16xf32> to vector<16xf32>
    %swap3A_596 = vector.shape_cast %broadcast_in_dim3A_3 : vector<16xf32> to vector<1x16xf32>
    tpu.vector_store %arg13[%swap3A_592, %swap3A_593], %swap3A_596 {strides = array<i32>} : memref<16x128xf32, #tpu.memory_space<vmem>>, vector<1x16xf32>,
    %swap3A_597 = arith.constant 12 : i32
    %swap3A_598 = arith.index_cast %swap3A_597 : i32 to index
    %swap3A_599 = arith.constant 48 : index
    %swap3A_600 = tpu.vector_load %arg13[%swap3A_598, %swap3A_599] {strides = array<i32>} : memref<16x128xf32, #tpu.memory_space<vmem>>, vector<1x16xf32>,
    %swap3A_601 = vector.shape_cast %swap3A_600 : vector<1x16xf32> to vector<16xf32>
    %swap3A_602 = vector.shape_cast %broadcast_in_dim3A_3 : vector<16xf32> to vector<1x16xf32>
    tpu.vector_store %arg13[%swap3A_598, %swap3A_599], %swap3A_602 {strides = array<i32>} : memref<16x128xf32, #tpu.memory_space<vmem>>, vector<1x16xf32>,
    %swap3A_603 = arith.constant 12 : i32
    %swap3A_604 = arith.index_cast %swap3A_603 : i32 to index
    %swap3A_605 = arith.constant 64 : index
    %swap3A_606 = tpu.vector_load %arg13[%swap3A_604, %swap3A_605] {strides = array<i32>} : memref<16x128xf32, #tpu.memory_space<vmem>>, vector<1x16xf32>,
    %swap3A_607 = vector.shape_cast %swap3A_606 : vector<1x16xf32> to vector<16xf32>
    %swap3A_608 = vector.shape_cast %broadcast_in_dim3A_3 : vector<16xf32> to vector<1x16xf32>
    tpu.vector_store %arg13[%swap3A_604, %swap3A_605], %swap3A_608 {strides = array<i32>} : memref<16x128xf32, #tpu.memory_space<vmem>>, vector<1x16xf32>,
    %swap3A_609 = arith.constant 12 : i32
    %swap3A_610 = arith.index_cast %swap3A_609 : i32 to index
    %swap3A_611 = arith.constant 80 : index
    %swap3A_612 = tpu.vector_load %arg13[%swap3A_610, %swap3A_611] {strides = array<i32>} : memref<16x128xf32, #tpu.memory_space<vmem>>, vector<1x16xf32>,
    %swap3A_613 = vector.shape_cast %swap3A_612 : vector<1x16xf32> to vector<16xf32>
    %swap3A_614 = vector.shape_cast %broadcast_in_dim3A_3 : vector<16xf32> to vector<1x16xf32>
    tpu.vector_store %arg13[%swap3A_610, %swap3A_611], %swap3A_614 {strides = array<i32>} : memref<16x128xf32, #tpu.memory_space<vmem>>, vector<1x16xf32>,
    %swap3A_615 = arith.constant 12 : i32
    %swap3A_616 = arith.index_cast %swap3A_615 : i32 to index
    %swap3A_617 = arith.constant 96 : index
    %swap3A_618 = tpu.vector_load %arg13[%swap3A_616, %swap3A_617] {strides = array<i32>} : memref<16x128xf32, #tpu.memory_space<vmem>>, vector<1x16xf32>,
    %swap3A_619 = vector.shape_cast %swap3A_618 : vector<1x16xf32> to vector<16xf32>
    %swap3A_620 = vector.shape_cast %broadcast_in_dim3A_3 : vector<16xf32> to vector<1x16xf32>
    tpu.vector_store %arg13[%swap3A_616, %swap3A_617], %swap3A_620 {strides = array<i32>} : memref<16x128xf32, #tpu.memory_space<vmem>>, vector<1x16xf32>,
    %swap3A_621 = arith.constant 12 : i32
    %swap3A_622 = arith.index_cast %swap3A_621 : i32 to index
    %swap3A_623 = arith.constant 112 : index
    %swap3A_624 = tpu.vector_load %arg13[%swap3A_622, %swap3A_623] {strides = array<i32>} : memref<16x128xf32, #tpu.memory_space<vmem>>, vector<1x16xf32>,
    %swap3A_625 = vector.shape_cast %swap3A_624 : vector<1x16xf32> to vector<16xf32>
    %swap3A_626 = vector.shape_cast %broadcast_in_dim3A_3 : vector<16xf32> to vector<1x16xf32>
    tpu.vector_store %arg13[%swap3A_622, %swap3A_623], %swap3A_626 {strides = array<i32>} : memref<16x128xf32, #tpu.memory_space<vmem>>, vector<1x16xf32>,
    %swap3A_627 = arith.constant 13 : i32
    %swap3A_628 = arith.index_cast %swap3A_627 : i32 to index
    %swap3A_629 = arith.constant 0 : index
    %swap3A_630 = tpu.vector_load %arg13[%swap3A_628, %swap3A_629] {strides = array<i32>} : memref<16x128xf32, #tpu.memory_space<vmem>>, vector<1x16xf32>,
    %swap3A_631 = vector.shape_cast %swap3A_630 : vector<1x16xf32> to vector<16xf32>
    %swap3A_632 = vector.shape_cast %broadcast_in_dim3A_3 : vector<16xf32> to vector<1x16xf32>
    tpu.vector_store %arg13[%swap3A_628, %swap3A_629], %swap3A_632 {strides = array<i32>} : memref<16x128xf32, #tpu.memory_space<vmem>>, vector<1x16xf32>,
    %swap3A_633 = arith.constant 13 : i32
    %swap3A_634 = arith.index_cast %swap3A_633 : i32 to index
    %swap3A_635 = arith.constant 16 : index
    %swap3A_636 = tpu.vector_load %arg13[%swap3A_634, %swap3A_635] {strides = array<i32>} : memref<16x128xf32, #tpu.memory_space<vmem>>, vector<1x16xf32>,
    %swap3A_637 = vector.shape_cast %swap3A_636 : vector<1x16xf32> to vector<16xf32>
    %swap3A_638 = vector.shape_cast %broadcast_in_dim3A_3 : vector<16xf32> to vector<1x16xf32>
    tpu.vector_store %arg13[%swap3A_634, %swap3A_635], %swap3A_638 {strides = array<i32>} : memref<16x128xf32, #tpu.memory_space<vmem>>, vector<1x16xf32>,
    %swap3A_639 = arith.constant 13 : i32
    %swap3A_640 = arith.index_cast %swap3A_639 : i32 to index
    %swap3A_641 = arith.constant 32 : index
    %swap3A_642 = tpu.vector_load %arg13[%swap3A_640, %swap3A_641] {strides = array<i32>} : memref<16x128xf32, #tpu.memory_space<vmem>>, vector<1x16xf32>,
    %swap3A_643 = vector.shape_cast %swap3A_642 : vector<1x16xf32> to vector<16xf32>
    %swap3A_644 = vector.shape_cast %broadcast_in_dim3A_3 : vector<16xf32> to vector<1x16xf32>
    tpu.vector_store %arg13[%swap3A_640, %swap3A_641], %swap3A_644 {strides = array<i32>} : memref<16x128xf32, #tpu.memory_space<vmem>>, vector<1x16xf32>,
    %swap3A_645 = arith.constant 13 : i32
    %swap3A_646 = arith.index_cast %swap3A_645 : i32 to index
    %swap3A_647 = arith.constant 48 : index
    %swap3A_648 = tpu.vector_load %arg13[%swap3A_646, %swap3A_647] {strides = array<i32>} : memref<16x128xf32, #tpu.memory_space<vmem>>, vector<1x16xf32>,
    %swap3A_649 = vector.shape_cast %swap3A_648 : vector<1x16xf32> to vector<16xf32>
    %swap3A_650 = vector.shape_cast %broadcast_in_dim3A_3 : vector<16xf32> to vector<1x16xf32>
    tpu.vector_store %arg13[%swap3A_646, %swap3A_647], %swap3A_650 {strides = array<i32>} : memref<16x128xf32, #tpu.memory_space<vmem>>, vector<1x16xf32>,
    %swap3A_651 = arith.constant 13 : i32
    %swap3A_652 = arith.index_cast %swap3A_651 : i32 to index
    %swap3A_653 = arith.constant 64 : index
    %swap3A_654 = tpu.vector_load %arg13[%swap3A_652, %swap3A_653] {strides = array<i32>} : memref<16x128xf32, #tpu.memory_space<vmem>>, vector<1x16xf32>,
    %swap3A_655 = vector.shape_cast %swap3A_654 : vector<1x16xf32> to vector<16xf32>
    %swap3A_656 = vector.shape_cast %broadcast_in_dim3A_3 : vector<16xf32> to vector<1x16xf32>
    tpu.vector_store %arg13[%swap3A_652, %swap3A_653], %swap3A_656 {strides = array<i32>} : memref<16x128xf32, #tpu.memory_space<vmem>>, vector<1x16xf32>,
    %swap3A_657 = arith.constant 13 : i32
    %swap3A_658 = arith.index_cast %swap3A_657 : i32 to index
    %swap3A_659 = arith.constant 80 : index
    %swap3A_660 = tpu.vector_load %arg13[%swap3A_658, %swap3A_659] {strides = array<i32>} : memref<16x128xf32, #tpu.memory_space<vmem>>, vector<1x16xf32>,
    %swap3A_661 = vector.shape_cast %swap3A_660 : vector<1x16xf32> to vector<16xf32>
    %swap3A_662 = vector.shape_cast %broadcast_in_dim3A_3 : vector<16xf32> to vector<1x16xf32>
    tpu.vector_store %arg13[%swap3A_658, %swap3A_659], %swap3A_662 {strides = array<i32>} : memref<16x128xf32, #tpu.memory_space<vmem>>, vector<1x16xf32>,
    %swap3A_663 = arith.constant 13 : i32
    %swap3A_664 = arith.index_cast %swap3A_663 : i32 to index
    %swap3A_665 = arith.constant 96 : index
    %swap3A_666 = tpu.vector_load %arg13[%swap3A_664, %swap3A_665] {strides = array<i32>} : memref<16x128xf32, #tpu.memory_space<vmem>>, vector<1x16xf32>,
    %swap3A_667 = vector.shape_cast %swap3A_666 : vector<1x16xf32> to vector<16xf32>
    %swap3A_668 = vector.shape_cast %broadcast_in_dim3A_3 : vector<16xf32> to vector<1x16xf32>
    tpu.vector_store %arg13[%swap3A_664, %swap3A_665], %swap3A_668 {strides = array<i32>} : memref<16x128xf32, #tpu.memory_space<vmem>>, vector<1x16xf32>,
    %swap3A_669 = arith.constant 13 : i32
    %swap3A_670 = arith.index_cast %swap3A_669 : i32 to index
    %swap3A_671 = arith.constant 112 : index
    %swap3A_672 = tpu.vector_load %arg13[%swap3A_670, %swap3A_671] {strides = array<i32>} : memref<16x128xf32, #tpu.memory_space<vmem>>, vector<1x16xf32>,
    %swap3A_673 = vector.shape_cast %swap3A_672 : vector<1x16xf32> to vector<16xf32>
    %swap3A_674 = vector.shape_cast %broadcast_in_dim3A_3 : vector<16xf32> to vector<1x16xf32>
    tpu.vector_store %arg13[%swap3A_670, %swap3A_671], %swap3A_674 {strides = array<i32>} : memref<16x128xf32, #tpu.memory_space<vmem>>, vector<1x16xf32>,
    %swap3A_675 = arith.constant 14 : i32
    %swap3A_676 = arith.index_cast %swap3A_675 : i32 to index
    %swap3A_677 = arith.constant 0 : index
    %swap3A_678 = tpu.vector_load %arg13[%swap3A_676, %swap3A_677] {strides = array<i32>} : memref<16x128xf32, #tpu.memory_space<vmem>>, vector<1x16xf32>,
    %swap3A_679 = vector.shape_cast %swap3A_678 : vector<1x16xf32> to vector<16xf32>
    %swap3A_680 = vector.shape_cast %broadcast_in_dim3A_3 : vector<16xf32> to vector<1x16xf32>
    tpu.vector_store %arg13[%swap3A_676, %swap3A_677], %swap3A_680 {strides = array<i32>} : memref<16x128xf32, #tpu.memory_space<vmem>>, vector<1x16xf32>,
    %swap3A_681 = arith.constant 14 : i32
    %swap3A_682 = arith.index_cast %swap3A_681 : i32 to index
    %swap3A_683 = arith.constant 16 : index
    %swap3A_684 = tpu.vector_load %arg13[%swap3A_682, %swap3A_683] {strides = array<i32>} : memref<16x128xf32, #tpu.memory_space<vmem>>, vector<1x16xf32>,
    %swap3A_685 = vector.shape_cast %swap3A_684 : vector<1x16xf32> to vector<16xf32>
    %swap3A_686 = vector.shape_cast %broadcast_in_dim3A_3 : vector<16xf32> to vector<1x16xf32>
    tpu.vector_store %arg13[%swap3A_682, %swap3A_683], %swap3A_686 {strides = array<i32>} : memref<16x128xf32, #tpu.memory_space<vmem>>, vector<1x16xf32>,
    %swap3A_687 = arith.constant 14 : i32
    %swap3A_688 = arith.index_cast %swap3A_687 : i32 to index
    %swap3A_689 = arith.constant 32 : index
    %swap3A_690 = tpu.vector_load %arg13[%swap3A_688, %swap3A_689] {strides = array<i32>} : memref<16x128xf32, #tpu.memory_space<vmem>>, vector<1x16xf32>,
    %swap3A_691 = vector.shape_cast %swap3A_690 : vector<1x16xf32> to vector<16xf32>
    %swap3A_692 = vector.shape_cast %broadcast_in_dim3A_3 : vector<16xf32> to vector<1x16xf32>
    tpu.vector_store %arg13[%swap3A_688, %swap3A_689], %swap3A_692 {strides = array<i32>} : memref<16x128xf32, #tpu.memory_space<vmem>>, vector<1x16xf32>,
    %swap3A_693 = arith.constant 14 : i32
    %swap3A_694 = arith.index_cast %swap3A_693 : i32 to index
    %swap3A_695 = arith.constant 48 : index
    %swap3A_696 = tpu.vector_load %arg13[%swap3A_694, %swap3A_695] {strides = array<i32>} : memref<16x128xf32, #tpu.memory_space<vmem>>, vector<1x16xf32>,
    %swap3A_697 = vector.shape_cast %swap3A_696 : vector<1x16xf32> to vector<16xf32>
    %swap3A_698 = vector.shape_cast %broadcast_in_dim3A_3 : vector<16xf32> to vector<1x16xf32>
    tpu.vector_store %arg13[%swap3A_694, %swap3A_695], %swap3A_698 {strides = array<i32>} : memref<16x128xf32, #tpu.memory_space<vmem>>, vector<1x16xf32>,
    %swap3A_699 = arith.constant 14 : i32
    %swap3A_700 = arith.index_cast %swap3A_699 : i32 to index
    %swap3A_701 = arith.constant 64 : index
    %swap3A_702 = tpu.vector_load %arg13[%swap3A_700, %swap3A_701] {strides = array<i32>} : memref<16x128xf32, #tpu.memory_space<vmem>>, vector<1x16xf32>,
    %swap3A_703 = vector.shape_cast %swap3A_702 : vector<1x16xf32> to vector<16xf32>
    %swap3A_704 = vector.shape_cast %broadcast_in_dim3A_3 : vector<16xf32> to vector<1x16xf32>
    tpu.vector_store %arg13[%swap3A_700, %swap3A_701], %swap3A_704 {strides = array<i32>} : memref<16x128xf32, #tpu.memory_space<vmem>>, vector<1x16xf32>,
    %swap3A_705 = arith.constant 14 : i32
    %swap3A_706 = arith.index_cast %swap3A_705 : i32 to index
    %swap3A_707 = arith.constant 80 : index
    %swap3A_708 = tpu.vector_load %arg13[%swap3A_706, %swap3A_707] {strides = array<i32>} : memref<16x128xf32, #tpu.memory_space<vmem>>, vector<1x16xf32>,
    %swap3A_709 = vector.shape_cast %swap3A_708 : vector<1x16xf32> to vector<16xf32>
    %swap3A_710 = vector.shape_cast %broadcast_in_dim3A_3 : vector<16xf32> to vector<1x16xf32>
    tpu.vector_store %arg13[%swap3A_706, %swap3A_707], %swap3A_710 {strides = array<i32>} : memref<16x128xf32, #tpu.memory_space<vmem>>, vector<1x16xf32>,
    %swap3A_711 = arith.constant 14 : i32
    %swap3A_712 = arith.index_cast %swap3A_711 : i32 to index
    %swap3A_713 = arith.constant 96 : index
    %swap3A_714 = tpu.vector_load %arg13[%swap3A_712, %swap3A_713] {strides = array<i32>} : memref<16x128xf32, #tpu.memory_space<vmem>>, vector<1x16xf32>,
    %swap3A_715 = vector.shape_cast %swap3A_714 : vector<1x16xf32> to vector<16xf32>
    %swap3A_716 = vector.shape_cast %broadcast_in_dim3A_3 : vector<16xf32> to vector<1x16xf32>
    tpu.vector_store %arg13[%swap3A_712, %swap3A_713], %swap3A_716 {strides = array<i32>} : memref<16x128xf32, #tpu.memory_space<vmem>>, vector<1x16xf32>,
    %swap3A_717 = arith.constant 14 : i32
    %swap3A_718 = arith.index_cast %swap3A_717 : i32 to index
    %swap3A_719 = arith.constant 112 : index
    %swap3A_720 = tpu.vector_load %arg13[%swap3A_718, %swap3A_719] {strides = array<i32>} : memref<16x128xf32, #tpu.memory_space<vmem>>, vector<1x16xf32>,
    %swap3A_721 = vector.shape_cast %swap3A_720 : vector<1x16xf32> to vector<16xf32>
    %swap3A_722 = vector.shape_cast %broadcast_in_dim3A_3 : vector<16xf32> to vector<1x16xf32>
    tpu.vector_store %arg13[%swap3A_718, %swap3A_719], %swap3A_722 {strides = array<i32>} : memref<16x128xf32, #tpu.memory_space<vmem>>, vector<1x16xf32>,
    %swap3A_723 = arith.constant 15 : i32
    %swap3A_724 = arith.index_cast %swap3A_723 : i32 to index
    %swap3A_725 = arith.constant 0 : index
    %swap3A_726 = tpu.vector_load %arg13[%swap3A_724, %swap3A_725] {strides = array<i32>} : memref<16x128xf32, #tpu.memory_space<vmem>>, vector<1x16xf32>,
    %swap3A_727 = vector.shape_cast %swap3A_726 : vector<1x16xf32> to vector<16xf32>
    %swap3A_728 = vector.shape_cast %broadcast_in_dim3A_3 : vector<16xf32> to vector<1x16xf32>
    tpu.vector_store %arg13[%swap3A_724, %swap3A_725], %swap3A_728 {strides = array<i32>} : memref<16x128xf32, #tpu.memory_space<vmem>>, vector<1x16xf32>,
    %swap3A_729 = arith.constant 15 : i32
    %swap3A_730 = arith.index_cast %swap3A_729 : i32 to index
    %swap3A_731 = arith.constant 16 : index
    %swap3A_732 = tpu.vector_load %arg13[%swap3A_730, %swap3A_731] {strides = array<i32>} : memref<16x128xf32, #tpu.memory_space<vmem>>, vector<1x16xf32>,
    %swap3A_733 = vector.shape_cast %swap3A_732 : vector<1x16xf32> to vector<16xf32>
    %swap3A_734 = vector.shape_cast %broadcast_in_dim3A_3 : vector<16xf32> to vector<1x16xf32>
    tpu.vector_store %arg13[%swap3A_730, %swap3A_731], %swap3A_734 {strides = array<i32>} : memref<16x128xf32, #tpu.memory_space<vmem>>, vector<1x16xf32>,
    %swap3A_735 = arith.constant 15 : i32
    %swap3A_736 = arith.index_cast %swap3A_735 : i32 to index
    %swap3A_737 = arith.constant 32 : index
    %swap3A_738 = tpu.vector_load %arg13[%swap3A_736, %swap3A_737] {strides = array<i32>} : memref<16x128xf32, #tpu.memory_space<vmem>>, vector<1x16xf32>,
    %swap3A_739 = vector.shape_cast %swap3A_738 : vector<1x16xf32> to vector<16xf32>
    %swap3A_740 = vector.shape_cast %broadcast_in_dim3A_3 : vector<16xf32> to vector<1x16xf32>
    tpu.vector_store %arg13[%swap3A_736, %swap3A_737], %swap3A_740 {strides = array<i32>} : memref<16x128xf32, #tpu.memory_space<vmem>>, vector<1x16xf32>,
    %swap3A_741 = arith.constant 15 : i32
    %swap3A_742 = arith.index_cast %swap3A_741 : i32 to index
    %swap3A_743 = arith.constant 48 : index
    %swap3A_744 = tpu.vector_load %arg13[%swap3A_742, %swap3A_743] {strides = array<i32>} : memref<16x128xf32, #tpu.memory_space<vmem>>, vector<1x16xf32>,
    %swap3A_745 = vector.shape_cast %swap3A_744 : vector<1x16xf32> to vector<16xf32>
    %swap3A_746 = vector.shape_cast %broadcast_in_dim3A_3 : vector<16xf32> to vector<1x16xf32>
    tpu.vector_store %arg13[%swap3A_742, %swap3A_743], %swap3A_746 {strides = array<i32>} : memref<16x128xf32, #tpu.memory_space<vmem>>, vector<1x16xf32>,
    %swap3A_747 = arith.constant 15 : i32
    %swap3A_748 = arith.index_cast %swap3A_747 : i32 to index
    %swap3A_749 = arith.constant 64 : index
    %swap3A_750 = tpu.vector_load %arg13[%swap3A_748, %swap3A_749] {strides = array<i32>} : memref<16x128xf32, #tpu.memory_space<vmem>>, vector<1x16xf32>,
    %swap3A_751 = vector.shape_cast %swap3A_750 : vector<1x16xf32> to vector<16xf32>
    %swap3A_752 = vector.shape_cast %broadcast_in_dim3A_3 : vector<16xf32> to vector<1x16xf32>
    tpu.vector_store %arg13[%swap3A_748, %swap3A_749], %swap3A_752 {strides = array<i32>} : memref<16x128xf32, #tpu.memory_space<vmem>>, vector<1x16xf32>,
    %swap3A_753 = arith.constant 15 : i32
    %swap3A_754 = arith.index_cast %swap3A_753 : i32 to index
    %swap3A_755 = arith.constant 80 : index
    %swap3A_756 = tpu.vector_load %arg13[%swap3A_754, %swap3A_755] {strides = array<i32>} : memref<16x128xf32, #tpu.memory_space<vmem>>, vector<1x16xf32>,
    %swap3A_757 = vector.shape_cast %swap3A_756 : vector<1x16xf32> to vector<16xf32>
    %swap3A_758 = vector.shape_cast %broadcast_in_dim3A_3 : vector<16xf32> to vector<1x16xf32>
    tpu.vector_store %arg13[%swap3A_754, %swap3A_755], %swap3A_758 {strides = array<i32>} : memref<16x128xf32, #tpu.memory_space<vmem>>, vector<1x16xf32>,
    %swap3A_759 = arith.constant 15 : i32
    %swap3A_760 = arith.index_cast %swap3A_759 : i32 to index
    %swap3A_761 = arith.constant 96 : index
    %swap3A_762 = tpu.vector_load %arg13[%swap3A_760, %swap3A_761] {strides = array<i32>} : memref<16x128xf32, #tpu.memory_space<vmem>>, vector<1x16xf32>,
    %swap3A_763 = vector.shape_cast %swap3A_762 : vector<1x16xf32> to vector<16xf32>
    %swap3A_764 = vector.shape_cast %broadcast_in_dim3A_3 : vector<16xf32> to vector<1x16xf32>
    tpu.vector_store %arg13[%swap3A_760, %swap3A_761], %swap3A_764 {strides = array<i32>} : memref<16x128xf32, #tpu.memory_space<vmem>>, vector<1x16xf32>,
    %swap3A_765 = arith.constant 15 : i32
    %swap3A_766 = arith.index_cast %swap3A_765 : i32 to index
    %swap3A_767 = arith.constant 112 : index
    %swap3A_768 = tpu.vector_load %arg13[%swap3A_766, %swap3A_767] {strides = array<i32>} : memref<16x128xf32, #tpu.memory_space<vmem>>, vector<1x16xf32>,
    %swap3A_769 = vector.shape_cast %swap3A_768 : vector<1x16xf32> to vector<16xf32>
    %swap3A_770 = vector.shape_cast %broadcast_in_dim3A_3 : vector<16xf32> to vector<1x16xf32>
    tpu.vector_store %arg13[%swap3A_766, %swap3A_767], %swap3A_770 {strides = array<i32>} : memref<16x128xf32, #tpu.memory_space<vmem>>, vector<1x16xf32>,
    %add3A_771 = arith.constant 0 : i32
    %add3A_772 = arith.addi %mul3A_2, %add3A_771 : i32
    %mul3A_773 = arith.constant 128 : i32
    %mul3A_774 = arith.muli %add3A_772, %mul3A_773 : i32
    %multiple_of3A = tpu.assume_multiple %mul3A_774, 128 : i32
    %dma_start3A = tpu.memref_slice %arg3[%multiple_of3A] : memref<647168xi32, #tpu.memory_space<hbm>> -> memref<128xi32, #tpu.memory_space<hbm>>
    %dma_start3A_775 = tpu.memref_slice %arg3[%multiple_of3A] : memref<647168xi32, #tpu.memory_space<hbm>> -> memref<128xi32, #tpu.memory_space<hbm>>
    tpu.enqueue_dma source(%dma_start3A_775 : memref<128xi32, #tpu.memory_space<hbm>>) target(%arg7 : memref<128xi32, #tpu.memory_space<vmem>>) target_semaphore(%arg17 : memref<!tpu.dma_semaphore, #tpu.memory_space<semaphore_mem>>)
    %dma_start3A_776 = tpu.memref_slice %arg4[%multiple_of3A] : memref<647168xi32, #tpu.memory_space<hbm>> -> memref<128xi32, #tpu.memory_space<hbm>>
    %dma_start3A_777 = tpu.memref_slice %arg4[%multiple_of3A] : memref<647168xi32, #tpu.memory_space<hbm>> -> memref<128xi32, #tpu.memory_space<hbm>>
    tpu.enqueue_dma source(%dma_start3A_777 : memref<128xi32, #tpu.memory_space<hbm>>) target(%arg9 : memref<128xi32, #tpu.memory_space<vmem>>) target_semaphore(%arg19 : memref<!tpu.dma_semaphore, #tpu.memory_space<semaphore_mem>>)
    %add3A_778 = arith.constant 1 : i32
    %add3A_779 = arith.addi %mul3A_2, %add3A_778 : i32
    %mul3A_780 = arith.constant 128 : i32
    %mul3A_781 = arith.muli %add3A_779, %mul3A_780 : i32
    %multiple_of3A_782 = tpu.assume_multiple %mul3A_781, 128 : i32
    %dma_start3A_783 = tpu.memref_slice %arg3[%multiple_of3A_782] : memref<647168xi32, #tpu.memory_space<hbm>> -> memref<128xi32, #tpu.memory_space<hbm>>
    %dma_start3A_784 = tpu.memref_slice %arg3[%multiple_of3A_782] : memref<647168xi32, #tpu.memory_space<hbm>> -> memref<128xi32, #tpu.memory_space<hbm>>
    tpu.enqueue_dma source(%dma_start3A_784 : memref<128xi32, #tpu.memory_space<hbm>>) target(%arg8 : memref<128xi32, #tpu.memory_space<vmem>>) target_semaphore(%arg18 : memref<!tpu.dma_semaphore, #tpu.memory_space<semaphore_mem>>)
    %dma_start3A_785 = tpu.memref_slice %arg4[%multiple_of3A_782] : memref<647168xi32, #tpu.memory_space<hbm>> -> memref<128xi32, #tpu.memory_space<hbm>>
    %dma_start3A_786 = tpu.memref_slice %arg4[%multiple_of3A_782] : memref<647168xi32, #tpu.memory_space<hbm>> -> memref<128xi32, #tpu.memory_space<hbm>>
    tpu.enqueue_dma source(%dma_start3A_786 : memref<128xi32, #tpu.memory_space<hbm>>) target(%arg10 : memref<128xi32, #tpu.memory_space<vmem>>) target_semaphore(%arg20 : memref<!tpu.dma_semaphore, #tpu.memory_space<semaphore_mem>>)
    %mul3A_787 = arith.constant 640 : i32
    %mul3A_788 = arith.muli %arg1, %mul3A_787 : i32
    %add3A_789 = arith.constant 0 : i32
    %add3A_790 = arith.addi %mul3A_788, %add3A_789 : i32
    "tpu.region"() ({
      %run_scoped3A = tpu.sem_alloc : memref<!tpu.dma_semaphore, #tpu.memory_space<semaphore_mem>>
      %dma_start3A_968 = arith.constant 0 : i32
      %dma_start3A_969 = tpu.memref_slice %arg14[%add3A_790, %dma_start3A_968] : memref<10240x128xf32, #tpu.memory_space<vmem_shared>> -> memref<16x128xf32, #tpu.memory_space<vmem_shared>>
      %dma_start3A_970 = arith.constant 0 : i32
      %dma_start3A_971 = tpu.memref_slice %arg14[%add3A_790, %dma_start3A_970] : memref<10240x128xf32, #tpu.memory_space<vmem_shared>> -> memref<16x128xf32, #tpu.memory_space<vmem_shared>>
      tpu.enqueue_dma source(%arg13 : memref<16x128xf32, #tpu.memory_space<vmem>>) target(%dma_start3A_971 : memref<16x128xf32, #tpu.memory_space<vmem_shared>>) target_semaphore(%run_scoped3A : memref<!tpu.dma_semaphore, #tpu.memory_space<semaphore_mem>>)
      %dma_wait3A_972 = arith.constant 0 : i32
      %dma_wait3A_973 = tpu.memref_slice %arg14[%add3A_790, %dma_wait3A_972] : memref<10240x128xf32, #tpu.memory_space<vmem_shared>> -> memref<16x128xf32, #tpu.memory_space<vmem_shared>>
      %dma_wait3A_974 = arith.constant 0 : i32
      %dma_wait3A_975 = tpu.memref_slice %arg14[%add3A_790, %dma_wait3A_974] : memref<10240x128xf32, #tpu.memory_space<vmem_shared>> -> memref<16x128xf32, #tpu.memory_space<vmem_shared>>
      tpu.wait_dma2 semaphore(%run_scoped3A : memref<!tpu.dma_semaphore, #tpu.memory_space<semaphore_mem>>) src(%arg13 : memref<16x128xf32, #tpu.memory_space<vmem>>) dst(%dma_wait3A_975 : memref<16x128xf32, #tpu.memory_space<vmem_shared>>)
      tpu.yield
    }) : () -> ()
    %mul3A_791 = arith.constant 640 : i32
    %mul3A_792 = arith.muli %arg1, %mul3A_791 : i32
    %add3A_793 = arith.constant 16 : i32
    %add3A_794 = arith.addi %mul3A_792, %add3A_793 : i32
    "tpu.region"() ({
      %run_scoped3A = tpu.sem_alloc : memref<!tpu.dma_semaphore, #tpu.memory_space<semaphore_mem>>
      %dma_start3A_968 = arith.constant 0 : i32
      %dma_start3A_969 = tpu.memref_slice %arg14[%add3A_794, %dma_start3A_968] : memref<10240x128xf32, #tpu.memory_space<vmem_shared>> -> memref<16x128xf32, #tpu.memory_space<vmem_shared>>
      %dma_start3A_970 = arith.constant 0 : i32
      %dma_start3A_971 = tpu.memref_slice %arg14[%add3A_794, %dma_start3A_970] : memref<10240x128xf32, #tpu.memory_space<vmem_shared>> -> memref<16x128xf32, #tpu.memory_space<vmem_shared>>
      tpu.enqueue_dma source(%arg13 : memref<16x128xf32, #tpu.memory_space<vmem>>) target(%dma_start3A_971 : memref<16x128xf32, #tpu.memory_space<vmem_shared>>) target_semaphore(%run_scoped3A : memref<!tpu.dma_semaphore, #tpu.memory_space<semaphore_mem>>)
      %dma_wait3A_972 = arith.constant 0 : i32
      %dma_wait3A_973 = tpu.memref_slice %arg14[%add3A_794, %dma_wait3A_972] : memref<10240x128xf32, #tpu.memory_space<vmem_shared>> -> memref<16x128xf32, #tpu.memory_space<vmem_shared>>
      %dma_wait3A_974 = arith.constant 0 : i32
      %dma_wait3A_975 = tpu.memref_slice %arg14[%add3A_794, %dma_wait3A_974] : memref<10240x128xf32, #tpu.memory_space<vmem_shared>> -> memref<16x128xf32, #tpu.memory_space<vmem_shared>>
      tpu.wait_dma2 semaphore(%run_scoped3A : memref<!tpu.dma_semaphore, #tpu.memory_space<semaphore_mem>>) src(%arg13 : memref<16x128xf32, #tpu.memory_space<vmem>>) dst(%dma_wait3A_975 : memref<16x128xf32, #tpu.memory_space<vmem_shared>>)
      tpu.yield
    }) : () -> ()
    %mul3A_795 = arith.constant 640 : i32
    %mul3A_796 = arith.muli %arg1, %mul3A_795 : i32
    %add3A_797 = arith.constant 32 : i32
    %add3A_798 = arith.addi %mul3A_796, %add3A_797 : i32
    "tpu.region"() ({
      %run_scoped3A = tpu.sem_alloc : memref<!tpu.dma_semaphore, #tpu.memory_space<semaphore_mem>>
      %dma_start3A_968 = arith.constant 0 : i32
      %dma_start3A_969 = tpu.memref_slice %arg14[%add3A_798, %dma_start3A_968] : memref<10240x128xf32, #tpu.memory_space<vmem_shared>> -> memref<16x128xf32, #tpu.memory_space<vmem_shared>>
      %dma_start3A_970 = arith.constant 0 : i32
      %dma_start3A_971 = tpu.memref_slice %arg14[%add3A_798, %dma_start3A_970] : memref<10240x128xf32, #tpu.memory_space<vmem_shared>> -> memref<16x128xf32, #tpu.memory_space<vmem_shared>>
      tpu.enqueue_dma source(%arg13 : memref<16x128xf32, #tpu.memory_space<vmem>>) target(%dma_start3A_971 : memref<16x128xf32, #tpu.memory_space<vmem_shared>>) target_semaphore(%run_scoped3A : memref<!tpu.dma_semaphore, #tpu.memory_space<semaphore_mem>>)
      %dma_wait3A_972 = arith.constant 0 : i32
      %dma_wait3A_973 = tpu.memref_slice %arg14[%add3A_798, %dma_wait3A_972] : memref<10240x128xf32, #tpu.memory_space<vmem_shared>> -> memref<16x128xf32, #tpu.memory_space<vmem_shared>>
      %dma_wait3A_974 = arith.constant 0 : i32
      %dma_wait3A_975 = tpu.memref_slice %arg14[%add3A_798, %dma_wait3A_974] : memref<10240x128xf32, #tpu.memory_space<vmem_shared>> -> memref<16x128xf32, #tpu.memory_space<vmem_shared>>
      tpu.wait_dma2 semaphore(%run_scoped3A : memref<!tpu.dma_semaphore, #tpu.memory_space<semaphore_mem>>) src(%arg13 : memref<16x128xf32, #tpu.memory_space<vmem>>) dst(%dma_wait3A_975 : memref<16x128xf32, #tpu.memory_space<vmem_shared>>)
      tpu.yield
    }) : () -> ()
    %mul3A_799 = arith.constant 640 : i32
    %mul3A_800 = arith.muli %arg1, %mul3A_799 : i32
    %add3A_801 = arith.constant 48 : i32
    %add3A_802 = arith.addi %mul3A_800, %add3A_801 : i32
    "tpu.region"() ({
      %run_scoped3A = tpu.sem_alloc : memref<!tpu.dma_semaphore, #tpu.memory_space<semaphore_mem>>
      %dma_start3A_968 = arith.constant 0 : i32
      %dma_start3A_969 = tpu.memref_slice %arg14[%add3A_802, %dma_start3A_968] : memref<10240x128xf32, #tpu.memory_space<vmem_shared>> -> memref<16x128xf32, #tpu.memory_space<vmem_shared>>
      %dma_start3A_970 = arith.constant 0 : i32
      %dma_start3A_971 = tpu.memref_slice %arg14[%add3A_802, %dma_start3A_970] : memref<10240x128xf32, #tpu.memory_space<vmem_shared>> -> memref<16x128xf32, #tpu.memory_space<vmem_shared>>
      tpu.enqueue_dma source(%arg13 : memref<16x128xf32, #tpu.memory_space<vmem>>) target(%dma_start3A_971 : memref<16x128xf32, #tpu.memory_space<vmem_shared>>) target_semaphore(%run_scoped3A : memref<!tpu.dma_semaphore, #tpu.memory_space<semaphore_mem>>)
      %dma_wait3A_972 = arith.constant 0 : i32
      %dma_wait3A_973 = tpu.memref_slice %arg14[%add3A_802, %dma_wait3A_972] : memref<10240x128xf32, #tpu.memory_space<vmem_shared>> -> memref<16x128xf32, #tpu.memory_space<vmem_shared>>
      %dma_wait3A_974 = arith.constant 0 : i32
      %dma_wait3A_975 = tpu.memref_slice %arg14[%add3A_802, %dma_wait3A_974] : memref<10240x128xf32, #tpu.memory_space<vmem_shared>> -> memref<16x128xf32, #tpu.memory_space<vmem_shared>>
      tpu.wait_dma2 semaphore(%run_scoped3A : memref<!tpu.dma_semaphore, #tpu.memory_space<semaphore_mem>>) src(%arg13 : memref<16x128xf32, #tpu.memory_space<vmem>>) dst(%dma_wait3A_975 : memref<16x128xf32, #tpu.memory_space<vmem_shared>>)
      tpu.yield
    }) : () -> ()
    %mul3A_803 = arith.constant 640 : i32
    %mul3A_804 = arith.muli %arg1, %mul3A_803 : i32
    %add3A_805 = arith.constant 64 : i32
    %add3A_806 = arith.addi %mul3A_804, %add3A_805 : i32
    "tpu.region"() ({
      %run_scoped3A = tpu.sem_alloc : memref<!tpu.dma_semaphore, #tpu.memory_space<semaphore_mem>>
      %dma_start3A_968 = arith.constant 0 : i32
      %dma_start3A_969 = tpu.memref_slice %arg14[%add3A_806, %dma_start3A_968] : memref<10240x128xf32, #tpu.memory_space<vmem_shared>> -> memref<16x128xf32, #tpu.memory_space<vmem_shared>>
      %dma_start3A_970 = arith.constant 0 : i32
      %dma_start3A_971 = tpu.memref_slice %arg14[%add3A_806, %dma_start3A_970] : memref<10240x128xf32, #tpu.memory_space<vmem_shared>> -> memref<16x128xf32, #tpu.memory_space<vmem_shared>>
      tpu.enqueue_dma source(%arg13 : memref<16x128xf32, #tpu.memory_space<vmem>>) target(%dma_start3A_971 : memref<16x128xf32, #tpu.memory_space<vmem_shared>>) target_semaphore(%run_scoped3A : memref<!tpu.dma_semaphore, #tpu.memory_space<semaphore_mem>>)
      %dma_wait3A_972 = arith.constant 0 : i32
      %dma_wait3A_973 = tpu.memref_slice %arg14[%add3A_806, %dma_wait3A_972] : memref<10240x128xf32, #tpu.memory_space<vmem_shared>> -> memref<16x128xf32, #tpu.memory_space<vmem_shared>>
      %dma_wait3A_974 = arith.constant 0 : i32
      %dma_wait3A_975 = tpu.memref_slice %arg14[%add3A_806, %dma_wait3A_974] : memref<10240x128xf32, #tpu.memory_space<vmem_shared>> -> memref<16x128xf32, #tpu.memory_space<vmem_shared>>
      tpu.wait_dma2 semaphore(%run_scoped3A : memref<!tpu.dma_semaphore, #tpu.memory_space<semaphore_mem>>) src(%arg13 : memref<16x128xf32, #tpu.memory_space<vmem>>) dst(%dma_wait3A_975 : memref<16x128xf32, #tpu.memory_space<vmem_shared>>)
      tpu.yield
    }) : () -> ()
    %mul3A_807 = arith.constant 640 : i32
    %mul3A_808 = arith.muli %arg1, %mul3A_807 : i32
    %add3A_809 = arith.constant 80 : i32
    %add3A_810 = arith.addi %mul3A_808, %add3A_809 : i32
    "tpu.region"() ({
      %run_scoped3A = tpu.sem_alloc : memref<!tpu.dma_semaphore, #tpu.memory_space<semaphore_mem>>
      %dma_start3A_968 = arith.constant 0 : i32
      %dma_start3A_969 = tpu.memref_slice %arg14[%add3A_810, %dma_start3A_968] : memref<10240x128xf32, #tpu.memory_space<vmem_shared>> -> memref<16x128xf32, #tpu.memory_space<vmem_shared>>
      %dma_start3A_970 = arith.constant 0 : i32
      %dma_start3A_971 = tpu.memref_slice %arg14[%add3A_810, %dma_start3A_970] : memref<10240x128xf32, #tpu.memory_space<vmem_shared>> -> memref<16x128xf32, #tpu.memory_space<vmem_shared>>
      tpu.enqueue_dma source(%arg13 : memref<16x128xf32, #tpu.memory_space<vmem>>) target(%dma_start3A_971 : memref<16x128xf32, #tpu.memory_space<vmem_shared>>) target_semaphore(%run_scoped3A : memref<!tpu.dma_semaphore, #tpu.memory_space<semaphore_mem>>)
      %dma_wait3A_972 = arith.constant 0 : i32
      %dma_wait3A_973 = tpu.memref_slice %arg14[%add3A_810, %dma_wait3A_972] : memref<10240x128xf32, #tpu.memory_space<vmem_shared>> -> memref<16x128xf32, #tpu.memory_space<vmem_shared>>
      %dma_wait3A_974 = arith.constant 0 : i32
      %dma_wait3A_975 = tpu.memref_slice %arg14[%add3A_810, %dma_wait3A_974] : memref<10240x128xf32, #tpu.memory_space<vmem_shared>> -> memref<16x128xf32, #tpu.memory_space<vmem_shared>>
      tpu.wait_dma2 semaphore(%run_scoped3A : memref<!tpu.dma_semaphore, #tpu.memory_space<semaphore_mem>>) src(%arg13 : memref<16x128xf32, #tpu.memory_space<vmem>>) dst(%dma_wait3A_975 : memref<16x128xf32, #tpu.memory_space<vmem_shared>>)
      tpu.yield
    }) : () -> ()
    %mul3A_811 = arith.constant 640 : i32
    %mul3A_812 = arith.muli %arg1, %mul3A_811 : i32
    %add3A_813 = arith.constant 96 : i32
    %add3A_814 = arith.addi %mul3A_812, %add3A_813 : i32
    "tpu.region"() ({
      %run_scoped3A = tpu.sem_alloc : memref<!tpu.dma_semaphore, #tpu.memory_space<semaphore_mem>>
      %dma_start3A_968 = arith.constant 0 : i32
      %dma_start3A_969 = tpu.memref_slice %arg14[%add3A_814, %dma_start3A_968] : memref<10240x128xf32, #tpu.memory_space<vmem_shared>> -> memref<16x128xf32, #tpu.memory_space<vmem_shared>>
      %dma_start3A_970 = arith.constant 0 : i32
      %dma_start3A_971 = tpu.memref_slice %arg14[%add3A_814, %dma_start3A_970] : memref<10240x128xf32, #tpu.memory_space<vmem_shared>> -> memref<16x128xf32, #tpu.memory_space<vmem_shared>>
      tpu.enqueue_dma source(%arg13 : memref<16x128xf32, #tpu.memory_space<vmem>>) target(%dma_start3A_971 : memref<16x128xf32, #tpu.memory_space<vmem_shared>>) target_semaphore(%run_scoped3A : memref<!tpu.dma_semaphore, #tpu.memory_space<semaphore_mem>>)
      %dma_wait3A_972 = arith.constant 0 : i32
      %dma_wait3A_973 = tpu.memref_slice %arg14[%add3A_814, %dma_wait3A_972] : memref<10240x128xf32, #tpu.memory_space<vmem_shared>> -> memref<16x128xf32, #tpu.memory_space<vmem_shared>>
      %dma_wait3A_974 = arith.constant 0 : i32
      %dma_wait3A_975 = tpu.memref_slice %arg14[%add3A_814, %dma_wait3A_974] : memref<10240x128xf32, #tpu.memory_space<vmem_shared>> -> memref<16x128xf32, #tpu.memory_space<vmem_shared>>
      tpu.wait_dma2 semaphore(%run_scoped3A : memref<!tpu.dma_semaphore, #tpu.memory_space<semaphore_mem>>) src(%arg13 : memref<16x128xf32, #tpu.memory_space<vmem>>) dst(%dma_wait3A_975 : memref<16x128xf32, #tpu.memory_space<vmem_shared>>)
      tpu.yield
    }) : () -> ()
    %mul3A_815 = arith.constant 640 : i32
    %mul3A_816 = arith.muli %arg1, %mul3A_815 : i32
    %add3A_817 = arith.constant 112 : i32
    %add3A_818 = arith.addi %mul3A_816, %add3A_817 : i32
    "tpu.region"() ({
      %run_scoped3A = tpu.sem_alloc : memref<!tpu.dma_semaphore, #tpu.memory_space<semaphore_mem>>
      %dma_start3A_968 = arith.constant 0 : i32
      %dma_start3A_969 = tpu.memref_slice %arg14[%add3A_818, %dma_start3A_968] : memref<10240x128xf32, #tpu.memory_space<vmem_shared>> -> memref<16x128xf32, #tpu.memory_space<vmem_shared>>
      %dma_start3A_970 = arith.constant 0 : i32
      %dma_start3A_971 = tpu.memref_slice %arg14[%add3A_818, %dma_start3A_970] : memref<10240x128xf32, #tpu.memory_space<vmem_shared>> -> memref<16x128xf32, #tpu.memory_space<vmem_shared>>
      tpu.enqueue_dma source(%arg13 : memref<16x128xf32, #tpu.memory_space<vmem>>) target(%dma_start3A_971 : memref<16x128xf32, #tpu.memory_space<vmem_shared>>) target_semaphore(%run_scoped3A : memref<!tpu.dma_semaphore, #tpu.memory_space<semaphore_mem>>)
      %dma_wait3A_972 = arith.constant 0 : i32
      %dma_wait3A_973 = tpu.memref_slice %arg14[%add3A_818, %dma_wait3A_972] : memref<10240x128xf32, #tpu.memory_space<vmem_shared>> -> memref<16x128xf32, #tpu.memory_space<vmem_shared>>
      %dma_wait3A_974 = arith.constant 0 : i32
      %dma_wait3A_975 = tpu.memref_slice %arg14[%add3A_818, %dma_wait3A_974] : memref<10240x128xf32, #tpu.memory_space<vmem_shared>> -> memref<16x128xf32, #tpu.memory_space<vmem_shared>>
      tpu.wait_dma2 semaphore(%run_scoped3A : memref<!tpu.dma_semaphore, #tpu.memory_space<semaphore_mem>>) src(%arg13 : memref<16x128xf32, #tpu.memory_space<vmem>>) dst(%dma_wait3A_975 : memref<16x128xf32, #tpu.memory_space<vmem_shared>>)
      tpu.yield
    }) : () -> ()
    %mul3A_819 = arith.constant 640 : i32
    %mul3A_820 = arith.muli %arg1, %mul3A_819 : i32
    %add3A_821 = arith.constant 128 : i32
    %add3A_822 = arith.addi %mul3A_820, %add3A_821 : i32
    "tpu.region"() ({
      %run_scoped3A = tpu.sem_alloc : memref<!tpu.dma_semaphore, #tpu.memory_space<semaphore_mem>>
      %dma_start3A_968 = arith.constant 0 : i32
      %dma_start3A_969 = tpu.memref_slice %arg14[%add3A_822, %dma_start3A_968] : memref<10240x128xf32, #tpu.memory_space<vmem_shared>> -> memref<16x128xf32, #tpu.memory_space<vmem_shared>>
      %dma_start3A_970 = arith.constant 0 : i32
      %dma_start3A_971 = tpu.memref_slice %arg14[%add3A_822, %dma_start3A_970] : memref<10240x128xf32, #tpu.memory_space<vmem_shared>> -> memref<16x128xf32, #tpu.memory_space<vmem_shared>>
      tpu.enqueue_dma source(%arg13 : memref<16x128xf32, #tpu.memory_space<vmem>>) target(%dma_start3A_971 : memref<16x128xf32, #tpu.memory_space<vmem_shared>>) target_semaphore(%run_scoped3A : memref<!tpu.dma_semaphore, #tpu.memory_space<semaphore_mem>>)
      %dma_wait3A_972 = arith.constant 0 : i32
      %dma_wait3A_973 = tpu.memref_slice %arg14[%add3A_822, %dma_wait3A_972] : memref<10240x128xf32, #tpu.memory_space<vmem_shared>> -> memref<16x128xf32, #tpu.memory_space<vmem_shared>>
      %dma_wait3A_974 = arith.constant 0 : i32
      %dma_wait3A_975 = tpu.memref_slice %arg14[%add3A_822, %dma_wait3A_974] : memref<10240x128xf32, #tpu.memory_space<vmem_shared>> -> memref<16x128xf32, #tpu.memory_space<vmem_shared>>
      tpu.wait_dma2 semaphore(%run_scoped3A : memref<!tpu.dma_semaphore, #tpu.memory_space<semaphore_mem>>) src(%arg13 : memref<16x128xf32, #tpu.memory_space<vmem>>) dst(%dma_wait3A_975 : memref<16x128xf32, #tpu.memory_space<vmem_shared>>)
      tpu.yield
    }) : () -> ()
    %mul3A_823 = arith.constant 640 : i32
    %mul3A_824 = arith.muli %arg1, %mul3A_823 : i32
    %add3A_825 = arith.constant 144 : i32
    %add3A_826 = arith.addi %mul3A_824, %add3A_825 : i32
    "tpu.region"() ({
      %run_scoped3A = tpu.sem_alloc : memref<!tpu.dma_semaphore, #tpu.memory_space<semaphore_mem>>
      %dma_start3A_968 = arith.constant 0 : i32
      %dma_start3A_969 = tpu.memref_slice %arg14[%add3A_826, %dma_start3A_968] : memref<10240x128xf32, #tpu.memory_space<vmem_shared>> -> memref<16x128xf32, #tpu.memory_space<vmem_shared>>
      %dma_start3A_970 = arith.constant 0 : i32
      %dma_start3A_971 = tpu.memref_slice %arg14[%add3A_826, %dma_start3A_970] : memref<10240x128xf32, #tpu.memory_space<vmem_shared>> -> memref<16x128xf32, #tpu.memory_space<vmem_shared>>
      tpu.enqueue_dma source(%arg13 : memref<16x128xf32, #tpu.memory_space<vmem>>) target(%dma_start3A_971 : memref<16x128xf32, #tpu.memory_space<vmem_shared>>) target_semaphore(%run_scoped3A : memref<!tpu.dma_semaphore, #tpu.memory_space<semaphore_mem>>)
      %dma_wait3A_972 = arith.constant 0 : i32
      %dma_wait3A_973 = tpu.memref_slice %arg14[%add3A_826, %dma_wait3A_972] : memref<10240x128xf32, #tpu.memory_space<vmem_shared>> -> memref<16x128xf32, #tpu.memory_space<vmem_shared>>
      %dma_wait3A_974 = arith.constant 0 : i32
      %dma_wait3A_975 = tpu.memref_slice %arg14[%add3A_826, %dma_wait3A_974] : memref<10240x128xf32, #tpu.memory_space<vmem_shared>> -> memref<16x128xf32, #tpu.memory_space<vmem_shared>>
      tpu.wait_dma2 semaphore(%run_scoped3A : memref<!tpu.dma_semaphore, #tpu.memory_space<semaphore_mem>>) src(%arg13 : memref<16x128xf32, #tpu.memory_space<vmem>>) dst(%dma_wait3A_975 : memref<16x128xf32, #tpu.memory_space<vmem_shared>>)
      tpu.yield
    }) : () -> ()
    %mul3A_827 = arith.constant 640 : i32
    %mul3A_828 = arith.muli %arg1, %mul3A_827 : i32
    %add3A_829 = arith.constant 160 : i32
    %add3A_830 = arith.addi %mul3A_828, %add3A_829 : i32
    "tpu.region"() ({
      %run_scoped3A = tpu.sem_alloc : memref<!tpu.dma_semaphore, #tpu.memory_space<semaphore_mem>>
      %dma_start3A_968 = arith.constant 0 : i32
      %dma_start3A_969 = tpu.memref_slice %arg14[%add3A_830, %dma_start3A_968] : memref<10240x128xf32, #tpu.memory_space<vmem_shared>> -> memref<16x128xf32, #tpu.memory_space<vmem_shared>>
      %dma_start3A_970 = arith.constant 0 : i32
      %dma_start3A_971 = tpu.memref_slice %arg14[%add3A_830, %dma_start3A_970] : memref<10240x128xf32, #tpu.memory_space<vmem_shared>> -> memref<16x128xf32, #tpu.memory_space<vmem_shared>>
      tpu.enqueue_dma source(%arg13 : memref<16x128xf32, #tpu.memory_space<vmem>>) target(%dma_start3A_971 : memref<16x128xf32, #tpu.memory_space<vmem_shared>>) target_semaphore(%run_scoped3A : memref<!tpu.dma_semaphore, #tpu.memory_space<semaphore_mem>>)
      %dma_wait3A_972 = arith.constant 0 : i32
      %dma_wait3A_973 = tpu.memref_slice %arg14[%add3A_830, %dma_wait3A_972] : memref<10240x128xf32, #tpu.memory_space<vmem_shared>> -> memref<16x128xf32, #tpu.memory_space<vmem_shared>>
      %dma_wait3A_974 = arith.constant 0 : i32
      %dma_wait3A_975 = tpu.memref_slice %arg14[%add3A_830, %dma_wait3A_974] : memref<10240x128xf32, #tpu.memory_space<vmem_shared>> -> memref<16x128xf32, #tpu.memory_space<vmem_shared>>
      tpu.wait_dma2 semaphore(%run_scoped3A : memref<!tpu.dma_semaphore, #tpu.memory_space<semaphore_mem>>) src(%arg13 : memref<16x128xf32, #tpu.memory_space<vmem>>) dst(%dma_wait3A_975 : memref<16x128xf32, #tpu.memory_space<vmem_shared>>)
      tpu.yield
    }) : () -> ()
    %mul3A_831 = arith.constant 640 : i32
    %mul3A_832 = arith.muli %arg1, %mul3A_831 : i32
    %add3A_833 = arith.constant 176 : i32
    %add3A_834 = arith.addi %mul3A_832, %add3A_833 : i32
    "tpu.region"() ({
      %run_scoped3A = tpu.sem_alloc : memref<!tpu.dma_semaphore, #tpu.memory_space<semaphore_mem>>
      %dma_start3A_968 = arith.constant 0 : i32
      %dma_start3A_969 = tpu.memref_slice %arg14[%add3A_834, %dma_start3A_968] : memref<10240x128xf32, #tpu.memory_space<vmem_shared>> -> memref<16x128xf32, #tpu.memory_space<vmem_shared>>
      %dma_start3A_970 = arith.constant 0 : i32
      %dma_start3A_971 = tpu.memref_slice %arg14[%add3A_834, %dma_start3A_970] : memref<10240x128xf32, #tpu.memory_space<vmem_shared>> -> memref<16x128xf32, #tpu.memory_space<vmem_shared>>
      tpu.enqueue_dma source(%arg13 : memref<16x128xf32, #tpu.memory_space<vmem>>) target(%dma_start3A_971 : memref<16x128xf32, #tpu.memory_space<vmem_shared>>) target_semaphore(%run_scoped3A : memref<!tpu.dma_semaphore, #tpu.memory_space<semaphore_mem>>)
      %dma_wait3A_972 = arith.constant 0 : i32
      %dma_wait3A_973 = tpu.memref_slice %arg14[%add3A_834, %dma_wait3A_972] : memref<10240x128xf32, #tpu.memory_space<vmem_shared>> -> memref<16x128xf32, #tpu.memory_space<vmem_shared>>
      %dma_wait3A_974 = arith.constant 0 : i32
      %dma_wait3A_975 = tpu.memref_slice %arg14[%add3A_834, %dma_wait3A_974] : memref<10240x128xf32, #tpu.memory_space<vmem_shared>> -> memref<16x128xf32, #tpu.memory_space<vmem_shared>>
      tpu.wait_dma2 semaphore(%run_scoped3A : memref<!tpu.dma_semaphore, #tpu.memory_space<semaphore_mem>>) src(%arg13 : memref<16x128xf32, #tpu.memory_space<vmem>>) dst(%dma_wait3A_975 : memref<16x128xf32, #tpu.memory_space<vmem_shared>>)
      tpu.yield
    }) : () -> ()
    %mul3A_835 = arith.constant 640 : i32
    %mul3A_836 = arith.muli %arg1, %mul3A_835 : i32
    %add3A_837 = arith.constant 192 : i32
    %add3A_838 = arith.addi %mul3A_836, %add3A_837 : i32
    "tpu.region"() ({
      %run_scoped3A = tpu.sem_alloc : memref<!tpu.dma_semaphore, #tpu.memory_space<semaphore_mem>>
      %dma_start3A_968 = arith.constant 0 : i32
      %dma_start3A_969 = tpu.memref_slice %arg14[%add3A_838, %dma_start3A_968] : memref<10240x128xf32, #tpu.memory_space<vmem_shared>> -> memref<16x128xf32, #tpu.memory_space<vmem_shared>>
      %dma_start3A_970 = arith.constant 0 : i32
      %dma_start3A_971 = tpu.memref_slice %arg14[%add3A_838, %dma_start3A_970] : memref<10240x128xf32, #tpu.memory_space<vmem_shared>> -> memref<16x128xf32, #tpu.memory_space<vmem_shared>>
      tpu.enqueue_dma source(%arg13 : memref<16x128xf32, #tpu.memory_space<vmem>>) target(%dma_start3A_971 : memref<16x128xf32, #tpu.memory_space<vmem_shared>>) target_semaphore(%run_scoped3A : memref<!tpu.dma_semaphore, #tpu.memory_space<semaphore_mem>>)
      %dma_wait3A_972 = arith.constant 0 : i32
      %dma_wait3A_973 = tpu.memref_slice %arg14[%add3A_838, %dma_wait3A_972] : memref<10240x128xf32, #tpu.memory_space<vmem_shared>> -> memref<16x128xf32, #tpu.memory_space<vmem_shared>>
      %dma_wait3A_974 = arith.constant 0 : i32
      %dma_wait3A_975 = tpu.memref_slice %arg14[%add3A_838, %dma_wait3A_974] : memref<10240x128xf32, #tpu.memory_space<vmem_shared>> -> memref<16x128xf32, #tpu.memory_space<vmem_shared>>
      tpu.wait_dma2 semaphore(%run_scoped3A : memref<!tpu.dma_semaphore, #tpu.memory_space<semaphore_mem>>) src(%arg13 : memref<16x128xf32, #tpu.memory_space<vmem>>) dst(%dma_wait3A_975 : memref<16x128xf32, #tpu.memory_space<vmem_shared>>)
      tpu.yield
    }) : () -> ()
    %mul3A_839 = arith.constant 640 : i32
    %mul3A_840 = arith.muli %arg1, %mul3A_839 : i32
    %add3A_841 = arith.constant 208 : i32
    %add3A_842 = arith.addi %mul3A_840, %add3A_841 : i32
    "tpu.region"() ({
      %run_scoped3A = tpu.sem_alloc : memref<!tpu.dma_semaphore, #tpu.memory_space<semaphore_mem>>
      %dma_start3A_968 = arith.constant 0 : i32
      %dma_start3A_969 = tpu.memref_slice %arg14[%add3A_842, %dma_start3A_968] : memref<10240x128xf32, #tpu.memory_space<vmem_shared>> -> memref<16x128xf32, #tpu.memory_space<vmem_shared>>
      %dma_start3A_970 = arith.constant 0 : i32
      %dma_start3A_971 = tpu.memref_slice %arg14[%add3A_842, %dma_start3A_970] : memref<10240x128xf32, #tpu.memory_space<vmem_shared>> -> memref<16x128xf32, #tpu.memory_space<vmem_shared>>
      tpu.enqueue_dma source(%arg13 : memref<16x128xf32, #tpu.memory_space<vmem>>) target(%dma_start3A_971 : memref<16x128xf32, #tpu.memory_space<vmem_shared>>) target_semaphore(%run_scoped3A : memref<!tpu.dma_semaphore, #tpu.memory_space<semaphore_mem>>)
      %dma_wait3A_972 = arith.constant 0 : i32
      %dma_wait3A_973 = tpu.memref_slice %arg14[%add3A_842, %dma_wait3A_972] : memref<10240x128xf32, #tpu.memory_space<vmem_shared>> -> memref<16x128xf32, #tpu.memory_space<vmem_shared>>
      %dma_wait3A_974 = arith.constant 0 : i32
      %dma_wait3A_975 = tpu.memref_slice %arg14[%add3A_842, %dma_wait3A_974] : memref<10240x128xf32, #tpu.memory_space<vmem_shared>> -> memref<16x128xf32, #tpu.memory_space<vmem_shared>>
      tpu.wait_dma2 semaphore(%run_scoped3A : memref<!tpu.dma_semaphore, #tpu.memory_space<semaphore_mem>>) src(%arg13 : memref<16x128xf32, #tpu.memory_space<vmem>>) dst(%dma_wait3A_975 : memref<16x128xf32, #tpu.memory_space<vmem_shared>>)
      tpu.yield
    }) : () -> ()
    %mul3A_843 = arith.constant 640 : i32
    %mul3A_844 = arith.muli %arg1, %mul3A_843 : i32
    %add3A_845 = arith.constant 224 : i32
    %add3A_846 = arith.addi %mul3A_844, %add3A_845 : i32
    "tpu.region"() ({
      %run_scoped3A = tpu.sem_alloc : memref<!tpu.dma_semaphore, #tpu.memory_space<semaphore_mem>>
      %dma_start3A_968 = arith.constant 0 : i32
      %dma_start3A_969 = tpu.memref_slice %arg14[%add3A_846, %dma_start3A_968] : memref<10240x128xf32, #tpu.memory_space<vmem_shared>> -> memref<16x128xf32, #tpu.memory_space<vmem_shared>>
      %dma_start3A_970 = arith.constant 0 : i32
      %dma_start3A_971 = tpu.memref_slice %arg14[%add3A_846, %dma_start3A_970] : memref<10240x128xf32, #tpu.memory_space<vmem_shared>> -> memref<16x128xf32, #tpu.memory_space<vmem_shared>>
      tpu.enqueue_dma source(%arg13 : memref<16x128xf32, #tpu.memory_space<vmem>>) target(%dma_start3A_971 : memref<16x128xf32, #tpu.memory_space<vmem_shared>>) target_semaphore(%run_scoped3A : memref<!tpu.dma_semaphore, #tpu.memory_space<semaphore_mem>>)
      %dma_wait3A_972 = arith.constant 0 : i32
      %dma_wait3A_973 = tpu.memref_slice %arg14[%add3A_846, %dma_wait3A_972] : memref<10240x128xf32, #tpu.memory_space<vmem_shared>> -> memref<16x128xf32, #tpu.memory_space<vmem_shared>>
      %dma_wait3A_974 = arith.constant 0 : i32
      %dma_wait3A_975 = tpu.memref_slice %arg14[%add3A_846, %dma_wait3A_974] : memref<10240x128xf32, #tpu.memory_space<vmem_shared>> -> memref<16x128xf32, #tpu.memory_space<vmem_shared>>
      tpu.wait_dma2 semaphore(%run_scoped3A : memref<!tpu.dma_semaphore, #tpu.memory_space<semaphore_mem>>) src(%arg13 : memref<16x128xf32, #tpu.memory_space<vmem>>) dst(%dma_wait3A_975 : memref<16x128xf32, #tpu.memory_space<vmem_shared>>)
      tpu.yield
    }) : () -> ()
    %mul3A_847 = arith.constant 640 : i32
    %mul3A_848 = arith.muli %arg1, %mul3A_847 : i32
    %add3A_849 = arith.constant 240 : i32
    %add3A_850 = arith.addi %mul3A_848, %add3A_849 : i32
    "tpu.region"() ({
      %run_scoped3A = tpu.sem_alloc : memref<!tpu.dma_semaphore, #tpu.memory_space<semaphore_mem>>
      %dma_start3A_968 = arith.constant 0 : i32
      %dma_start3A_969 = tpu.memref_slice %arg14[%add3A_850, %dma_start3A_968] : memref<10240x128xf32, #tpu.memory_space<vmem_shared>> -> memref<16x128xf32, #tpu.memory_space<vmem_shared>>
      %dma_start3A_970 = arith.constant 0 : i32
      %dma_start3A_971 = tpu.memref_slice %arg14[%add3A_850, %dma_start3A_970] : memref<10240x128xf32, #tpu.memory_space<vmem_shared>> -> memref<16x128xf32, #tpu.memory_space<vmem_shared>>
      tpu.enqueue_dma source(%arg13 : memref<16x128xf32, #tpu.memory_space<vmem>>) target(%dma_start3A_971 : memref<16x128xf32, #tpu.memory_space<vmem_shared>>) target_semaphore(%run_scoped3A : memref<!tpu.dma_semaphore, #tpu.memory_space<semaphore_mem>>)
      %dma_wait3A_972 = arith.constant 0 : i32
      %dma_wait3A_973 = tpu.memref_slice %arg14[%add3A_850, %dma_wait3A_972] : memref<10240x128xf32, #tpu.memory_space<vmem_shared>> -> memref<16x128xf32, #tpu.memory_space<vmem_shared>>
      %dma_wait3A_974 = arith.constant 0 : i32
      %dma_wait3A_975 = tpu.memref_slice %arg14[%add3A_850, %dma_wait3A_974] : memref<10240x128xf32, #tpu.memory_space<vmem_shared>> -> memref<16x128xf32, #tpu.memory_space<vmem_shared>>
      tpu.wait_dma2 semaphore(%run_scoped3A : memref<!tpu.dma_semaphore, #tpu.memory_space<semaphore_mem>>) src(%arg13 : memref<16x128xf32, #tpu.memory_space<vmem>>) dst(%dma_wait3A_975 : memref<16x128xf32, #tpu.memory_space<vmem_shared>>)
      tpu.yield
    }) : () -> ()
    %mul3A_851 = arith.constant 640 : i32
    %mul3A_852 = arith.muli %arg1, %mul3A_851 : i32
    %add3A_853 = arith.constant 256 : i32
    %add3A_854 = arith.addi %mul3A_852, %add3A_853 : i32
    "tpu.region"() ({
      %run_scoped3A = tpu.sem_alloc : memref<!tpu.dma_semaphore, #tpu.memory_space<semaphore_mem>>
      %dma_start3A_968 = arith.constant 0 : i32
      %dma_start3A_969 = tpu.memref_slice %arg14[%add3A_854, %dma_start3A_968] : memref<10240x128xf32, #tpu.memory_space<vmem_shared>> -> memref<16x128xf32, #tpu.memory_space<vmem_shared>>
      %dma_start3A_970 = arith.constant 0 : i32
      %dma_start3A_971 = tpu.memref_slice %arg14[%add3A_854, %dma_start3A_970] : memref<10240x128xf32, #tpu.memory_space<vmem_shared>> -> memref<16x128xf32, #tpu.memory_space<vmem_shared>>
      tpu.enqueue_dma source(%arg13 : memref<16x128xf32, #tpu.memory_space<vmem>>) target(%dma_start3A_971 : memref<16x128xf32, #tpu.memory_space<vmem_shared>>) target_semaphore(%run_scoped3A : memref<!tpu.dma_semaphore, #tpu.memory_space<semaphore_mem>>)
      %dma_wait3A_972 = arith.constant 0 : i32
      %dma_wait3A_973 = tpu.memref_slice %arg14[%add3A_854, %dma_wait3A_972] : memref<10240x128xf32, #tpu.memory_space<vmem_shared>> -> memref<16x128xf32, #tpu.memory_space<vmem_shared>>
      %dma_wait3A_974 = arith.constant 0 : i32
      %dma_wait3A_975 = tpu.memref_slice %arg14[%add3A_854, %dma_wait3A_974] : memref<10240x128xf32, #tpu.memory_space<vmem_shared>> -> memref<16x128xf32, #tpu.memory_space<vmem_shared>>
      tpu.wait_dma2 semaphore(%run_scoped3A : memref<!tpu.dma_semaphore, #tpu.memory_space<semaphore_mem>>) src(%arg13 : memref<16x128xf32, #tpu.memory_space<vmem>>) dst(%dma_wait3A_975 : memref<16x128xf32, #tpu.memory_space<vmem_shared>>)
      tpu.yield
    }) : () -> ()
    %mul3A_855 = arith.constant 640 : i32
    %mul3A_856 = arith.muli %arg1, %mul3A_855 : i32
    %add3A_857 = arith.constant 272 : i32
    %add3A_858 = arith.addi %mul3A_856, %add3A_857 : i32
    "tpu.region"() ({
      %run_scoped3A = tpu.sem_alloc : memref<!tpu.dma_semaphore, #tpu.memory_space<semaphore_mem>>
      %dma_start3A_968 = arith.constant 0 : i32
      %dma_start3A_969 = tpu.memref_slice %arg14[%add3A_858, %dma_start3A_968] : memref<10240x128xf32, #tpu.memory_space<vmem_shared>> -> memref<16x128xf32, #tpu.memory_space<vmem_shared>>
      %dma_start3A_970 = arith.constant 0 : i32
      %dma_start3A_971 = tpu.memref_slice %arg14[%add3A_858, %dma_start3A_970] : memref<10240x128xf32, #tpu.memory_space<vmem_shared>> -> memref<16x128xf32, #tpu.memory_space<vmem_shared>>
      tpu.enqueue_dma source(%arg13 : memref<16x128xf32, #tpu.memory_space<vmem>>) target(%dma_start3A_971 : memref<16x128xf32, #tpu.memory_space<vmem_shared>>) target_semaphore(%run_scoped3A : memref<!tpu.dma_semaphore, #tpu.memory_space<semaphore_mem>>)
      %dma_wait3A_972 = arith.constant 0 : i32
      %dma_wait3A_973 = tpu.memref_slice %arg14[%add3A_858, %dma_wait3A_972] : memref<10240x128xf32, #tpu.memory_space<vmem_shared>> -> memref<16x128xf32, #tpu.memory_space<vmem_shared>>
      %dma_wait3A_974 = arith.constant 0 : i32
      %dma_wait3A_975 = tpu.memref_slice %arg14[%add3A_858, %dma_wait3A_974] : memref<10240x128xf32, #tpu.memory_space<vmem_shared>> -> memref<16x128xf32, #tpu.memory_space<vmem_shared>>
      tpu.wait_dma2 semaphore(%run_scoped3A : memref<!tpu.dma_semaphore, #tpu.memory_space<semaphore_mem>>) src(%arg13 : memref<16x128xf32, #tpu.memory_space<vmem>>) dst(%dma_wait3A_975 : memref<16x128xf32, #tpu.memory_space<vmem_shared>>)
      tpu.yield
    }) : () -> ()
    %mul3A_859 = arith.constant 640 : i32
    %mul3A_860 = arith.muli %arg1, %mul3A_859 : i32
    %add3A_861 = arith.constant 288 : i32
    %add3A_862 = arith.addi %mul3A_860, %add3A_861 : i32
    "tpu.region"() ({
      %run_scoped3A = tpu.sem_alloc : memref<!tpu.dma_semaphore, #tpu.memory_space<semaphore_mem>>
      %dma_start3A_968 = arith.constant 0 : i32
      %dma_start3A_969 = tpu.memref_slice %arg14[%add3A_862, %dma_start3A_968] : memref<10240x128xf32, #tpu.memory_space<vmem_shared>> -> memref<16x128xf32, #tpu.memory_space<vmem_shared>>
      %dma_start3A_970 = arith.constant 0 : i32
      %dma_start3A_971 = tpu.memref_slice %arg14[%add3A_862, %dma_start3A_970] : memref<10240x128xf32, #tpu.memory_space<vmem_shared>> -> memref<16x128xf32, #tpu.memory_space<vmem_shared>>
      tpu.enqueue_dma source(%arg13 : memref<16x128xf32, #tpu.memory_space<vmem>>) target(%dma_start3A_971 : memref<16x128xf32, #tpu.memory_space<vmem_shared>>) target_semaphore(%run_scoped3A : memref<!tpu.dma_semaphore, #tpu.memory_space<semaphore_mem>>)
      %dma_wait3A_972 = arith.constant 0 : i32
      %dma_wait3A_973 = tpu.memref_slice %arg14[%add3A_862, %dma_wait3A_972] : memref<10240x128xf32, #tpu.memory_space<vmem_shared>> -> memref<16x128xf32, #tpu.memory_space<vmem_shared>>
      %dma_wait3A_974 = arith.constant 0 : i32
      %dma_wait3A_975 = tpu.memref_slice %arg14[%add3A_862, %dma_wait3A_974] : memref<10240x128xf32, #tpu.memory_space<vmem_shared>> -> memref<16x128xf32, #tpu.memory_space<vmem_shared>>
      tpu.wait_dma2 semaphore(%run_scoped3A : memref<!tpu.dma_semaphore, #tpu.memory_space<semaphore_mem>>) src(%arg13 : memref<16x128xf32, #tpu.memory_space<vmem>>) dst(%dma_wait3A_975 : memref<16x128xf32, #tpu.memory_space<vmem_shared>>)
      tpu.yield
    }) : () -> ()
    %mul3A_863 = arith.constant 640 : i32
    %mul3A_864 = arith.muli %arg1, %mul3A_863 : i32
    %add3A_865 = arith.constant 304 : i32
    %add3A_866 = arith.addi %mul3A_864, %add3A_865 : i32
    "tpu.region"() ({
      %run_scoped3A = tpu.sem_alloc : memref<!tpu.dma_semaphore, #tpu.memory_space<semaphore_mem>>
      %dma_start3A_968 = arith.constant 0 : i32
      %dma_start3A_969 = tpu.memref_slice %arg14[%add3A_866, %dma_start3A_968] : memref<10240x128xf32, #tpu.memory_space<vmem_shared>> -> memref<16x128xf32, #tpu.memory_space<vmem_shared>>
      %dma_start3A_970 = arith.constant 0 : i32
      %dma_start3A_971 = tpu.memref_slice %arg14[%add3A_866, %dma_start3A_970] : memref<10240x128xf32, #tpu.memory_space<vmem_shared>> -> memref<16x128xf32, #tpu.memory_space<vmem_shared>>
      tpu.enqueue_dma source(%arg13 : memref<16x128xf32, #tpu.memory_space<vmem>>) target(%dma_start3A_971 : memref<16x128xf32, #tpu.memory_space<vmem_shared>>) target_semaphore(%run_scoped3A : memref<!tpu.dma_semaphore, #tpu.memory_space<semaphore_mem>>)
      %dma_wait3A_972 = arith.constant 0 : i32
      %dma_wait3A_973 = tpu.memref_slice %arg14[%add3A_866, %dma_wait3A_972] : memref<10240x128xf32, #tpu.memory_space<vmem_shared>> -> memref<16x128xf32, #tpu.memory_space<vmem_shared>>
      %dma_wait3A_974 = arith.constant 0 : i32
      %dma_wait3A_975 = tpu.memref_slice %arg14[%add3A_866, %dma_wait3A_974] : memref<10240x128xf32, #tpu.memory_space<vmem_shared>> -> memref<16x128xf32, #tpu.memory_space<vmem_shared>>
      tpu.wait_dma2 semaphore(%run_scoped3A : memref<!tpu.dma_semaphore, #tpu.memory_space<semaphore_mem>>) src(%arg13 : memref<16x128xf32, #tpu.memory_space<vmem>>) dst(%dma_wait3A_975 : memref<16x128xf32, #tpu.memory_space<vmem_shared>>)
      tpu.yield
    }) : () -> ()
    %mul3A_867 = arith.constant 640 : i32
    %mul3A_868 = arith.muli %arg1, %mul3A_867 : i32
    %add3A_869 = arith.constant 320 : i32
    %add3A_870 = arith.addi %mul3A_868, %add3A_869 : i32
    "tpu.region"() ({
      %run_scoped3A = tpu.sem_alloc : memref<!tpu.dma_semaphore, #tpu.memory_space<semaphore_mem>>
      %dma_start3A_968 = arith.constant 0 : i32
      %dma_start3A_969 = tpu.memref_slice %arg14[%add3A_870, %dma_start3A_968] : memref<10240x128xf32, #tpu.memory_space<vmem_shared>> -> memref<16x128xf32, #tpu.memory_space<vmem_shared>>
      %dma_start3A_970 = arith.constant 0 : i32
      %dma_start3A_971 = tpu.memref_slice %arg14[%add3A_870, %dma_start3A_970] : memref<10240x128xf32, #tpu.memory_space<vmem_shared>> -> memref<16x128xf32, #tpu.memory_space<vmem_shared>>
      tpu.enqueue_dma source(%arg13 : memref<16x128xf32, #tpu.memory_space<vmem>>) target(%dma_start3A_971 : memref<16x128xf32, #tpu.memory_space<vmem_shared>>) target_semaphore(%run_scoped3A : memref<!tpu.dma_semaphore, #tpu.memory_space<semaphore_mem>>)
      %dma_wait3A_972 = arith.constant 0 : i32
      %dma_wait3A_973 = tpu.memref_slice %arg14[%add3A_870, %dma_wait3A_972] : memref<10240x128xf32, #tpu.memory_space<vmem_shared>> -> memref<16x128xf32, #tpu.memory_space<vmem_shared>>
      %dma_wait3A_974 = arith.constant 0 : i32
      %dma_wait3A_975 = tpu.memref_slice %arg14[%add3A_870, %dma_wait3A_974] : memref<10240x128xf32, #tpu.memory_space<vmem_shared>> -> memref<16x128xf32, #tpu.memory_space<vmem_shared>>
      tpu.wait_dma2 semaphore(%run_scoped3A : memref<!tpu.dma_semaphore, #tpu.memory_space<semaphore_mem>>) src(%arg13 : memref<16x128xf32, #tpu.memory_space<vmem>>) dst(%dma_wait3A_975 : memref<16x128xf32, #tpu.memory_space<vmem_shared>>)
      tpu.yield
    }) : () -> ()
    %mul3A_871 = arith.constant 640 : i32
    %mul3A_872 = arith.muli %arg1, %mul3A_871 : i32
    %add3A_873 = arith.constant 336 : i32
    %add3A_874 = arith.addi %mul3A_872, %add3A_873 : i32
    "tpu.region"() ({
      %run_scoped3A = tpu.sem_alloc : memref<!tpu.dma_semaphore, #tpu.memory_space<semaphore_mem>>
      %dma_start3A_968 = arith.constant 0 : i32
      %dma_start3A_969 = tpu.memref_slice %arg14[%add3A_874, %dma_start3A_968] : memref<10240x128xf32, #tpu.memory_space<vmem_shared>> -> memref<16x128xf32, #tpu.memory_space<vmem_shared>>
      %dma_start3A_970 = arith.constant 0 : i32
      %dma_start3A_971 = tpu.memref_slice %arg14[%add3A_874, %dma_start3A_970] : memref<10240x128xf32, #tpu.memory_space<vmem_shared>> -> memref<16x128xf32, #tpu.memory_space<vmem_shared>>
      tpu.enqueue_dma source(%arg13 : memref<16x128xf32, #tpu.memory_space<vmem>>) target(%dma_start3A_971 : memref<16x128xf32, #tpu.memory_space<vmem_shared>>) target_semaphore(%run_scoped3A : memref<!tpu.dma_semaphore, #tpu.memory_space<semaphore_mem>>)
      %dma_wait3A_972 = arith.constant 0 : i32
      %dma_wait3A_973 = tpu.memref_slice %arg14[%add3A_874, %dma_wait3A_972] : memref<10240x128xf32, #tpu.memory_space<vmem_shared>> -> memref<16x128xf32, #tpu.memory_space<vmem_shared>>
      %dma_wait3A_974 = arith.constant 0 : i32
      %dma_wait3A_975 = tpu.memref_slice %arg14[%add3A_874, %dma_wait3A_974] : memref<10240x128xf32, #tpu.memory_space<vmem_shared>> -> memref<16x128xf32, #tpu.memory_space<vmem_shared>>
      tpu.wait_dma2 semaphore(%run_scoped3A : memref<!tpu.dma_semaphore, #tpu.memory_space<semaphore_mem>>) src(%arg13 : memref<16x128xf32, #tpu.memory_space<vmem>>) dst(%dma_wait3A_975 : memref<16x128xf32, #tpu.memory_space<vmem_shared>>)
      tpu.yield
    }) : () -> ()
    %mul3A_875 = arith.constant 640 : i32
    %mul3A_876 = arith.muli %arg1, %mul3A_875 : i32
    %add3A_877 = arith.constant 352 : i32
    %add3A_878 = arith.addi %mul3A_876, %add3A_877 : i32
    "tpu.region"() ({
      %run_scoped3A = tpu.sem_alloc : memref<!tpu.dma_semaphore, #tpu.memory_space<semaphore_mem>>
      %dma_start3A_968 = arith.constant 0 : i32
      %dma_start3A_969 = tpu.memref_slice %arg14[%add3A_878, %dma_start3A_968] : memref<10240x128xf32, #tpu.memory_space<vmem_shared>> -> memref<16x128xf32, #tpu.memory_space<vmem_shared>>
      %dma_start3A_970 = arith.constant 0 : i32
      %dma_start3A_971 = tpu.memref_slice %arg14[%add3A_878, %dma_start3A_970] : memref<10240x128xf32, #tpu.memory_space<vmem_shared>> -> memref<16x128xf32, #tpu.memory_space<vmem_shared>>
      tpu.enqueue_dma source(%arg13 : memref<16x128xf32, #tpu.memory_space<vmem>>) target(%dma_start3A_971 : memref<16x128xf32, #tpu.memory_space<vmem_shared>>) target_semaphore(%run_scoped3A : memref<!tpu.dma_semaphore, #tpu.memory_space<semaphore_mem>>)
      %dma_wait3A_972 = arith.constant 0 : i32
      %dma_wait3A_973 = tpu.memref_slice %arg14[%add3A_878, %dma_wait3A_972] : memref<10240x128xf32, #tpu.memory_space<vmem_shared>> -> memref<16x128xf32, #tpu.memory_space<vmem_shared>>
      %dma_wait3A_974 = arith.constant 0 : i32
      %dma_wait3A_975 = tpu.memref_slice %arg14[%add3A_878, %dma_wait3A_974] : memref<10240x128xf32, #tpu.memory_space<vmem_shared>> -> memref<16x128xf32, #tpu.memory_space<vmem_shared>>
      tpu.wait_dma2 semaphore(%run_scoped3A : memref<!tpu.dma_semaphore, #tpu.memory_space<semaphore_mem>>) src(%arg13 : memref<16x128xf32, #tpu.memory_space<vmem>>) dst(%dma_wait3A_975 : memref<16x128xf32, #tpu.memory_space<vmem_shared>>)
      tpu.yield
    }) : () -> ()
    %mul3A_879 = arith.constant 640 : i32
    %mul3A_880 = arith.muli %arg1, %mul3A_879 : i32
    %add3A_881 = arith.constant 368 : i32
    %add3A_882 = arith.addi %mul3A_880, %add3A_881 : i32
    "tpu.region"() ({
      %run_scoped3A = tpu.sem_alloc : memref<!tpu.dma_semaphore, #tpu.memory_space<semaphore_mem>>
      %dma_start3A_968 = arith.constant 0 : i32
      %dma_start3A_969 = tpu.memref_slice %arg14[%add3A_882, %dma_start3A_968] : memref<10240x128xf32, #tpu.memory_space<vmem_shared>> -> memref<16x128xf32, #tpu.memory_space<vmem_shared>>
      %dma_start3A_970 = arith.constant 0 : i32
      %dma_start3A_971 = tpu.memref_slice %arg14[%add3A_882, %dma_start3A_970] : memref<10240x128xf32, #tpu.memory_space<vmem_shared>> -> memref<16x128xf32, #tpu.memory_space<vmem_shared>>
      tpu.enqueue_dma source(%arg13 : memref<16x128xf32, #tpu.memory_space<vmem>>) target(%dma_start3A_971 : memref<16x128xf32, #tpu.memory_space<vmem_shared>>) target_semaphore(%run_scoped3A : memref<!tpu.dma_semaphore, #tpu.memory_space<semaphore_mem>>)
      %dma_wait3A_972 = arith.constant 0 : i32
      %dma_wait3A_973 = tpu.memref_slice %arg14[%add3A_882, %dma_wait3A_972] : memref<10240x128xf32, #tpu.memory_space<vmem_shared>> -> memref<16x128xf32, #tpu.memory_space<vmem_shared>>
      %dma_wait3A_974 = arith.constant 0 : i32
      %dma_wait3A_975 = tpu.memref_slice %arg14[%add3A_882, %dma_wait3A_974] : memref<10240x128xf32, #tpu.memory_space<vmem_shared>> -> memref<16x128xf32, #tpu.memory_space<vmem_shared>>
      tpu.wait_dma2 semaphore(%run_scoped3A : memref<!tpu.dma_semaphore, #tpu.memory_space<semaphore_mem>>) src(%arg13 : memref<16x128xf32, #tpu.memory_space<vmem>>) dst(%dma_wait3A_975 : memref<16x128xf32, #tpu.memory_space<vmem_shared>>)
      tpu.yield
    }) : () -> ()
    %mul3A_883 = arith.constant 640 : i32
    %mul3A_884 = arith.muli %arg1, %mul3A_883 : i32
    %add3A_885 = arith.constant 384 : i32
    %add3A_886 = arith.addi %mul3A_884, %add3A_885 : i32
    "tpu.region"() ({
      %run_scoped3A = tpu.sem_alloc : memref<!tpu.dma_semaphore, #tpu.memory_space<semaphore_mem>>
      %dma_start3A_968 = arith.constant 0 : i32
      %dma_start3A_969 = tpu.memref_slice %arg14[%add3A_886, %dma_start3A_968] : memref<10240x128xf32, #tpu.memory_space<vmem_shared>> -> memref<16x128xf32, #tpu.memory_space<vmem_shared>>
      %dma_start3A_970 = arith.constant 0 : i32
      %dma_start3A_971 = tpu.memref_slice %arg14[%add3A_886, %dma_start3A_970] : memref<10240x128xf32, #tpu.memory_space<vmem_shared>> -> memref<16x128xf32, #tpu.memory_space<vmem_shared>>
      tpu.enqueue_dma source(%arg13 : memref<16x128xf32, #tpu.memory_space<vmem>>) target(%dma_start3A_971 : memref<16x128xf32, #tpu.memory_space<vmem_shared>>) target_semaphore(%run_scoped3A : memref<!tpu.dma_semaphore, #tpu.memory_space<semaphore_mem>>)
      %dma_wait3A_972 = arith.constant 0 : i32
      %dma_wait3A_973 = tpu.memref_slice %arg14[%add3A_886, %dma_wait3A_972] : memref<10240x128xf32, #tpu.memory_space<vmem_shared>> -> memref<16x128xf32, #tpu.memory_space<vmem_shared>>
      %dma_wait3A_974 = arith.constant 0 : i32
      %dma_wait3A_975 = tpu.memref_slice %arg14[%add3A_886, %dma_wait3A_974] : memref<10240x128xf32, #tpu.memory_space<vmem_shared>> -> memref<16x128xf32, #tpu.memory_space<vmem_shared>>
      tpu.wait_dma2 semaphore(%run_scoped3A : memref<!tpu.dma_semaphore, #tpu.memory_space<semaphore_mem>>) src(%arg13 : memref<16x128xf32, #tpu.memory_space<vmem>>) dst(%dma_wait3A_975 : memref<16x128xf32, #tpu.memory_space<vmem_shared>>)
      tpu.yield
    }) : () -> ()
    %mul3A_887 = arith.constant 640 : i32
    %mul3A_888 = arith.muli %arg1, %mul3A_887 : i32
    %add3A_889 = arith.constant 400 : i32
    %add3A_890 = arith.addi %mul3A_888, %add3A_889 : i32
    "tpu.region"() ({
      %run_scoped3A = tpu.sem_alloc : memref<!tpu.dma_semaphore, #tpu.memory_space<semaphore_mem>>
      %dma_start3A_968 = arith.constant 0 : i32
      %dma_start3A_969 = tpu.memref_slice %arg14[%add3A_890, %dma_start3A_968] : memref<10240x128xf32, #tpu.memory_space<vmem_shared>> -> memref<16x128xf32, #tpu.memory_space<vmem_shared>>
      %dma_start3A_970 = arith.constant 0 : i32
      %dma_start3A_971 = tpu.memref_slice %arg14[%add3A_890, %dma_start3A_970] : memref<10240x128xf32, #tpu.memory_space<vmem_shared>> -> memref<16x128xf32, #tpu.memory_space<vmem_shared>>
      tpu.enqueue_dma source(%arg13 : memref<16x128xf32, #tpu.memory_space<vmem>>) target(%dma_start3A_971 : memref<16x128xf32, #tpu.memory_space<vmem_shared>>) target_semaphore(%run_scoped3A : memref<!tpu.dma_semaphore, #tpu.memory_space<semaphore_mem>>)
      %dma_wait3A_972 = arith.constant 0 : i32
      %dma_wait3A_973 = tpu.memref_slice %arg14[%add3A_890, %dma_wait3A_972] : memref<10240x128xf32, #tpu.memory_space<vmem_shared>> -> memref<16x128xf32, #tpu.memory_space<vmem_shared>>
      %dma_wait3A_974 = arith.constant 0 : i32
      %dma_wait3A_975 = tpu.memref_slice %arg14[%add3A_890, %dma_wait3A_974] : memref<10240x128xf32, #tpu.memory_space<vmem_shared>> -> memref<16x128xf32, #tpu.memory_space<vmem_shared>>
      tpu.wait_dma2 semaphore(%run_scoped3A : memref<!tpu.dma_semaphore, #tpu.memory_space<semaphore_mem>>) src(%arg13 : memref<16x128xf32, #tpu.memory_space<vmem>>) dst(%dma_wait3A_975 : memref<16x128xf32, #tpu.memory_space<vmem_shared>>)
      tpu.yield
    }) : () -> ()
    %mul3A_891 = arith.constant 640 : i32
    %mul3A_892 = arith.muli %arg1, %mul3A_891 : i32
    %add3A_893 = arith.constant 416 : i32
    %add3A_894 = arith.addi %mul3A_892, %add3A_893 : i32
    "tpu.region"() ({
      %run_scoped3A = tpu.sem_alloc : memref<!tpu.dma_semaphore, #tpu.memory_space<semaphore_mem>>
      %dma_start3A_968 = arith.constant 0 : i32
      %dma_start3A_969 = tpu.memref_slice %arg14[%add3A_894, %dma_start3A_968] : memref<10240x128xf32, #tpu.memory_space<vmem_shared>> -> memref<16x128xf32, #tpu.memory_space<vmem_shared>>
      %dma_start3A_970 = arith.constant 0 : i32
      %dma_start3A_971 = tpu.memref_slice %arg14[%add3A_894, %dma_start3A_970] : memref<10240x128xf32, #tpu.memory_space<vmem_shared>> -> memref<16x128xf32, #tpu.memory_space<vmem_shared>>
      tpu.enqueue_dma source(%arg13 : memref<16x128xf32, #tpu.memory_space<vmem>>) target(%dma_start3A_971 : memref<16x128xf32, #tpu.memory_space<vmem_shared>>) target_semaphore(%run_scoped3A : memref<!tpu.dma_semaphore, #tpu.memory_space<semaphore_mem>>)
      %dma_wait3A_972 = arith.constant 0 : i32
      %dma_wait3A_973 = tpu.memref_slice %arg14[%add3A_894, %dma_wait3A_972] : memref<10240x128xf32, #tpu.memory_space<vmem_shared>> -> memref<16x128xf32, #tpu.memory_space<vmem_shared>>
      %dma_wait3A_974 = arith.constant 0 : i32
      %dma_wait3A_975 = tpu.memref_slice %arg14[%add3A_894, %dma_wait3A_974] : memref<10240x128xf32, #tpu.memory_space<vmem_shared>> -> memref<16x128xf32, #tpu.memory_space<vmem_shared>>
      tpu.wait_dma2 semaphore(%run_scoped3A : memref<!tpu.dma_semaphore, #tpu.memory_space<semaphore_mem>>) src(%arg13 : memref<16x128xf32, #tpu.memory_space<vmem>>) dst(%dma_wait3A_975 : memref<16x128xf32, #tpu.memory_space<vmem_shared>>)
      tpu.yield
    }) : () -> ()
    %mul3A_895 = arith.constant 640 : i32
    %mul3A_896 = arith.muli %arg1, %mul3A_895 : i32
    %add3A_897 = arith.constant 432 : i32
    %add3A_898 = arith.addi %mul3A_896, %add3A_897 : i32
    "tpu.region"() ({
      %run_scoped3A = tpu.sem_alloc : memref<!tpu.dma_semaphore, #tpu.memory_space<semaphore_mem>>
      %dma_start3A_968 = arith.constant 0 : i32
      %dma_start3A_969 = tpu.memref_slice %arg14[%add3A_898, %dma_start3A_968] : memref<10240x128xf32, #tpu.memory_space<vmem_shared>> -> memref<16x128xf32, #tpu.memory_space<vmem_shared>>
      %dma_start3A_970 = arith.constant 0 : i32
      %dma_start3A_971 = tpu.memref_slice %arg14[%add3A_898, %dma_start3A_970] : memref<10240x128xf32, #tpu.memory_space<vmem_shared>> -> memref<16x128xf32, #tpu.memory_space<vmem_shared>>
      tpu.enqueue_dma source(%arg13 : memref<16x128xf32, #tpu.memory_space<vmem>>) target(%dma_start3A_971 : memref<16x128xf32, #tpu.memory_space<vmem_shared>>) target_semaphore(%run_scoped3A : memref<!tpu.dma_semaphore, #tpu.memory_space<semaphore_mem>>)
      %dma_wait3A_972 = arith.constant 0 : i32
      %dma_wait3A_973 = tpu.memref_slice %arg14[%add3A_898, %dma_wait3A_972] : memref<10240x128xf32, #tpu.memory_space<vmem_shared>> -> memref<16x128xf32, #tpu.memory_space<vmem_shared>>
      %dma_wait3A_974 = arith.constant 0 : i32
      %dma_wait3A_975 = tpu.memref_slice %arg14[%add3A_898, %dma_wait3A_974] : memref<10240x128xf32, #tpu.memory_space<vmem_shared>> -> memref<16x128xf32, #tpu.memory_space<vmem_shared>>
      tpu.wait_dma2 semaphore(%run_scoped3A : memref<!tpu.dma_semaphore, #tpu.memory_space<semaphore_mem>>) src(%arg13 : memref<16x128xf32, #tpu.memory_space<vmem>>) dst(%dma_wait3A_975 : memref<16x128xf32, #tpu.memory_space<vmem_shared>>)
      tpu.yield
    }) : () -> ()
    %mul3A_899 = arith.constant 640 : i32
    %mul3A_900 = arith.muli %arg1, %mul3A_899 : i32
    %add3A_901 = arith.constant 448 : i32
    %add3A_902 = arith.addi %mul3A_900, %add3A_901 : i32
    "tpu.region"() ({
      %run_scoped3A = tpu.sem_alloc : memref<!tpu.dma_semaphore, #tpu.memory_space<semaphore_mem>>
      %dma_start3A_968 = arith.constant 0 : i32
      %dma_start3A_969 = tpu.memref_slice %arg14[%add3A_902, %dma_start3A_968] : memref<10240x128xf32, #tpu.memory_space<vmem_shared>> -> memref<16x128xf32, #tpu.memory_space<vmem_shared>>
      %dma_start3A_970 = arith.constant 0 : i32
      %dma_start3A_971 = tpu.memref_slice %arg14[%add3A_902, %dma_start3A_970] : memref<10240x128xf32, #tpu.memory_space<vmem_shared>> -> memref<16x128xf32, #tpu.memory_space<vmem_shared>>
      tpu.enqueue_dma source(%arg13 : memref<16x128xf32, #tpu.memory_space<vmem>>) target(%dma_start3A_971 : memref<16x128xf32, #tpu.memory_space<vmem_shared>>) target_semaphore(%run_scoped3A : memref<!tpu.dma_semaphore, #tpu.memory_space<semaphore_mem>>)
      %dma_wait3A_972 = arith.constant 0 : i32
      %dma_wait3A_973 = tpu.memref_slice %arg14[%add3A_902, %dma_wait3A_972] : memref<10240x128xf32, #tpu.memory_space<vmem_shared>> -> memref<16x128xf32, #tpu.memory_space<vmem_shared>>
      %dma_wait3A_974 = arith.constant 0 : i32
      %dma_wait3A_975 = tpu.memref_slice %arg14[%add3A_902, %dma_wait3A_974] : memref<10240x128xf32, #tpu.memory_space<vmem_shared>> -> memref<16x128xf32, #tpu.memory_space<vmem_shared>>
      tpu.wait_dma2 semaphore(%run_scoped3A : memref<!tpu.dma_semaphore, #tpu.memory_space<semaphore_mem>>) src(%arg13 : memref<16x128xf32, #tpu.memory_space<vmem>>) dst(%dma_wait3A_975 : memref<16x128xf32, #tpu.memory_space<vmem_shared>>)
      tpu.yield
    }) : () -> ()
    %mul3A_903 = arith.constant 640 : i32
    %mul3A_904 = arith.muli %arg1, %mul3A_903 : i32
    %add3A_905 = arith.constant 464 : i32
    %add3A_906 = arith.addi %mul3A_904, %add3A_905 : i32
    "tpu.region"() ({
      %run_scoped3A = tpu.sem_alloc : memref<!tpu.dma_semaphore, #tpu.memory_space<semaphore_mem>>
      %dma_start3A_968 = arith.constant 0 : i32
      %dma_start3A_969 = tpu.memref_slice %arg14[%add3A_906, %dma_start3A_968] : memref<10240x128xf32, #tpu.memory_space<vmem_shared>> -> memref<16x128xf32, #tpu.memory_space<vmem_shared>>
      %dma_start3A_970 = arith.constant 0 : i32
      %dma_start3A_971 = tpu.memref_slice %arg14[%add3A_906, %dma_start3A_970] : memref<10240x128xf32, #tpu.memory_space<vmem_shared>> -> memref<16x128xf32, #tpu.memory_space<vmem_shared>>
      tpu.enqueue_dma source(%arg13 : memref<16x128xf32, #tpu.memory_space<vmem>>) target(%dma_start3A_971 : memref<16x128xf32, #tpu.memory_space<vmem_shared>>) target_semaphore(%run_scoped3A : memref<!tpu.dma_semaphore, #tpu.memory_space<semaphore_mem>>)
      %dma_wait3A_972 = arith.constant 0 : i32
      %dma_wait3A_973 = tpu.memref_slice %arg14[%add3A_906, %dma_wait3A_972] : memref<10240x128xf32, #tpu.memory_space<vmem_shared>> -> memref<16x128xf32, #tpu.memory_space<vmem_shared>>
      %dma_wait3A_974 = arith.constant 0 : i32
      %dma_wait3A_975 = tpu.memref_slice %arg14[%add3A_906, %dma_wait3A_974] : memref<10240x128xf32, #tpu.memory_space<vmem_shared>> -> memref<16x128xf32, #tpu.memory_space<vmem_shared>>
      tpu.wait_dma2 semaphore(%run_scoped3A : memref<!tpu.dma_semaphore, #tpu.memory_space<semaphore_mem>>) src(%arg13 : memref<16x128xf32, #tpu.memory_space<vmem>>) dst(%dma_wait3A_975 : memref<16x128xf32, #tpu.memory_space<vmem_shared>>)
      tpu.yield
    }) : () -> ()
    %mul3A_907 = arith.constant 640 : i32
    %mul3A_908 = arith.muli %arg1, %mul3A_907 : i32
    %add3A_909 = arith.constant 480 : i32
    %add3A_910 = arith.addi %mul3A_908, %add3A_909 : i32
    "tpu.region"() ({
      %run_scoped3A = tpu.sem_alloc : memref<!tpu.dma_semaphore, #tpu.memory_space<semaphore_mem>>
      %dma_start3A_968 = arith.constant 0 : i32
      %dma_start3A_969 = tpu.memref_slice %arg14[%add3A_910, %dma_start3A_968] : memref<10240x128xf32, #tpu.memory_space<vmem_shared>> -> memref<16x128xf32, #tpu.memory_space<vmem_shared>>
      %dma_start3A_970 = arith.constant 0 : i32
      %dma_start3A_971 = tpu.memref_slice %arg14[%add3A_910, %dma_start3A_970] : memref<10240x128xf32, #tpu.memory_space<vmem_shared>> -> memref<16x128xf32, #tpu.memory_space<vmem_shared>>
      tpu.enqueue_dma source(%arg13 : memref<16x128xf32, #tpu.memory_space<vmem>>) target(%dma_start3A_971 : memref<16x128xf32, #tpu.memory_space<vmem_shared>>) target_semaphore(%run_scoped3A : memref<!tpu.dma_semaphore, #tpu.memory_space<semaphore_mem>>)
      %dma_wait3A_972 = arith.constant 0 : i32
      %dma_wait3A_973 = tpu.memref_slice %arg14[%add3A_910, %dma_wait3A_972] : memref<10240x128xf32, #tpu.memory_space<vmem_shared>> -> memref<16x128xf32, #tpu.memory_space<vmem_shared>>
      %dma_wait3A_974 = arith.constant 0 : i32
      %dma_wait3A_975 = tpu.memref_slice %arg14[%add3A_910, %dma_wait3A_974] : memref<10240x128xf32, #tpu.memory_space<vmem_shared>> -> memref<16x128xf32, #tpu.memory_space<vmem_shared>>
      tpu.wait_dma2 semaphore(%run_scoped3A : memref<!tpu.dma_semaphore, #tpu.memory_space<semaphore_mem>>) src(%arg13 : memref<16x128xf32, #tpu.memory_space<vmem>>) dst(%dma_wait3A_975 : memref<16x128xf32, #tpu.memory_space<vmem_shared>>)
      tpu.yield
    }) : () -> ()
    %mul3A_911 = arith.constant 640 : i32
    %mul3A_912 = arith.muli %arg1, %mul3A_911 : i32
    %add3A_913 = arith.constant 496 : i32
    %add3A_914 = arith.addi %mul3A_912, %add3A_913 : i32
    "tpu.region"() ({
      %run_scoped3A = tpu.sem_alloc : memref<!tpu.dma_semaphore, #tpu.memory_space<semaphore_mem>>
      %dma_start3A_968 = arith.constant 0 : i32
      %dma_start3A_969 = tpu.memref_slice %arg14[%add3A_914, %dma_start3A_968] : memref<10240x128xf32, #tpu.memory_space<vmem_shared>> -> memref<16x128xf32, #tpu.memory_space<vmem_shared>>
      %dma_start3A_970 = arith.constant 0 : i32
      %dma_start3A_971 = tpu.memref_slice %arg14[%add3A_914, %dma_start3A_970] : memref<10240x128xf32, #tpu.memory_space<vmem_shared>> -> memref<16x128xf32, #tpu.memory_space<vmem_shared>>
      tpu.enqueue_dma source(%arg13 : memref<16x128xf32, #tpu.memory_space<vmem>>) target(%dma_start3A_971 : memref<16x128xf32, #tpu.memory_space<vmem_shared>>) target_semaphore(%run_scoped3A : memref<!tpu.dma_semaphore, #tpu.memory_space<semaphore_mem>>)
      %dma_wait3A_972 = arith.constant 0 : i32
      %dma_wait3A_973 = tpu.memref_slice %arg14[%add3A_914, %dma_wait3A_972] : memref<10240x128xf32, #tpu.memory_space<vmem_shared>> -> memref<16x128xf32, #tpu.memory_space<vmem_shared>>
      %dma_wait3A_974 = arith.constant 0 : i32
      %dma_wait3A_975 = tpu.memref_slice %arg14[%add3A_914, %dma_wait3A_974] : memref<10240x128xf32, #tpu.memory_space<vmem_shared>> -> memref<16x128xf32, #tpu.memory_space<vmem_shared>>
      tpu.wait_dma2 semaphore(%run_scoped3A : memref<!tpu.dma_semaphore, #tpu.memory_space<semaphore_mem>>) src(%arg13 : memref<16x128xf32, #tpu.memory_space<vmem>>) dst(%dma_wait3A_975 : memref<16x128xf32, #tpu.memory_space<vmem_shared>>)
      tpu.yield
    }) : () -> ()
    %mul3A_915 = arith.constant 640 : i32
    %mul3A_916 = arith.muli %arg1, %mul3A_915 : i32
    %add3A_917 = arith.constant 512 : i32
    %add3A_918 = arith.addi %mul3A_916, %add3A_917 : i32
    "tpu.region"() ({
      %run_scoped3A = tpu.sem_alloc : memref<!tpu.dma_semaphore, #tpu.memory_space<semaphore_mem>>
      %dma_start3A_968 = arith.constant 0 : i32
      %dma_start3A_969 = tpu.memref_slice %arg14[%add3A_918, %dma_start3A_968] : memref<10240x128xf32, #tpu.memory_space<vmem_shared>> -> memref<16x128xf32, #tpu.memory_space<vmem_shared>>
      %dma_start3A_970 = arith.constant 0 : i32
      %dma_start3A_971 = tpu.memref_slice %arg14[%add3A_918, %dma_start3A_970] : memref<10240x128xf32, #tpu.memory_space<vmem_shared>> -> memref<16x128xf32, #tpu.memory_space<vmem_shared>>
      tpu.enqueue_dma source(%arg13 : memref<16x128xf32, #tpu.memory_space<vmem>>) target(%dma_start3A_971 : memref<16x128xf32, #tpu.memory_space<vmem_shared>>) target_semaphore(%run_scoped3A : memref<!tpu.dma_semaphore, #tpu.memory_space<semaphore_mem>>)
      %dma_wait3A_972 = arith.constant 0 : i32
      %dma_wait3A_973 = tpu.memref_slice %arg14[%add3A_918, %dma_wait3A_972] : memref<10240x128xf32, #tpu.memory_space<vmem_shared>> -> memref<16x128xf32, #tpu.memory_space<vmem_shared>>
      %dma_wait3A_974 = arith.constant 0 : i32
      %dma_wait3A_975 = tpu.memref_slice %arg14[%add3A_918, %dma_wait3A_974] : memref<10240x128xf32, #tpu.memory_space<vmem_shared>> -> memref<16x128xf32, #tpu.memory_space<vmem_shared>>
      tpu.wait_dma2 semaphore(%run_scoped3A : memref<!tpu.dma_semaphore, #tpu.memory_space<semaphore_mem>>) src(%arg13 : memref<16x128xf32, #tpu.memory_space<vmem>>) dst(%dma_wait3A_975 : memref<16x128xf32, #tpu.memory_space<vmem_shared>>)
      tpu.yield
    }) : () -> ()
    %mul3A_919 = arith.constant 640 : i32
    %mul3A_920 = arith.muli %arg1, %mul3A_919 : i32
    %add3A_921 = arith.constant 528 : i32
    %add3A_922 = arith.addi %mul3A_920, %add3A_921 : i32
    "tpu.region"() ({
      %run_scoped3A = tpu.sem_alloc : memref<!tpu.dma_semaphore, #tpu.memory_space<semaphore_mem>>
      %dma_start3A_968 = arith.constant 0 : i32
      %dma_start3A_969 = tpu.memref_slice %arg14[%add3A_922, %dma_start3A_968] : memref<10240x128xf32, #tpu.memory_space<vmem_shared>> -> memref<16x128xf32, #tpu.memory_space<vmem_shared>>
      %dma_start3A_970 = arith.constant 0 : i32
      %dma_start3A_971 = tpu.memref_slice %arg14[%add3A_922, %dma_start3A_970] : memref<10240x128xf32, #tpu.memory_space<vmem_shared>> -> memref<16x128xf32, #tpu.memory_space<vmem_shared>>
      tpu.enqueue_dma source(%arg13 : memref<16x128xf32, #tpu.memory_space<vmem>>) target(%dma_start3A_971 : memref<16x128xf32, #tpu.memory_space<vmem_shared>>) target_semaphore(%run_scoped3A : memref<!tpu.dma_semaphore, #tpu.memory_space<semaphore_mem>>)
      %dma_wait3A_972 = arith.constant 0 : i32
      %dma_wait3A_973 = tpu.memref_slice %arg14[%add3A_922, %dma_wait3A_972] : memref<10240x128xf32, #tpu.memory_space<vmem_shared>> -> memref<16x128xf32, #tpu.memory_space<vmem_shared>>
      %dma_wait3A_974 = arith.constant 0 : i32
      %dma_wait3A_975 = tpu.memref_slice %arg14[%add3A_922, %dma_wait3A_974] : memref<10240x128xf32, #tpu.memory_space<vmem_shared>> -> memref<16x128xf32, #tpu.memory_space<vmem_shared>>
      tpu.wait_dma2 semaphore(%run_scoped3A : memref<!tpu.dma_semaphore, #tpu.memory_space<semaphore_mem>>) src(%arg13 : memref<16x128xf32, #tpu.memory_space<vmem>>) dst(%dma_wait3A_975 : memref<16x128xf32, #tpu.memory_space<vmem_shared>>)
      tpu.yield
    }) : () -> ()
    %mul3A_923 = arith.constant 640 : i32
    %mul3A_924 = arith.muli %arg1, %mul3A_923 : i32
    %add3A_925 = arith.constant 544 : i32
    %add3A_926 = arith.addi %mul3A_924, %add3A_925 : i32
    "tpu.region"() ({
      %run_scoped3A = tpu.sem_alloc : memref<!tpu.dma_semaphore, #tpu.memory_space<semaphore_mem>>
      %dma_start3A_968 = arith.constant 0 : i32
      %dma_start3A_969 = tpu.memref_slice %arg14[%add3A_926, %dma_start3A_968] : memref<10240x128xf32, #tpu.memory_space<vmem_shared>> -> memref<16x128xf32, #tpu.memory_space<vmem_shared>>
      %dma_start3A_970 = arith.constant 0 : i32
      %dma_start3A_971 = tpu.memref_slice %arg14[%add3A_926, %dma_start3A_970] : memref<10240x128xf32, #tpu.memory_space<vmem_shared>> -> memref<16x128xf32, #tpu.memory_space<vmem_shared>>
      tpu.enqueue_dma source(%arg13 : memref<16x128xf32, #tpu.memory_space<vmem>>) target(%dma_start3A_971 : memref<16x128xf32, #tpu.memory_space<vmem_shared>>) target_semaphore(%run_scoped3A : memref<!tpu.dma_semaphore, #tpu.memory_space<semaphore_mem>>)
      %dma_wait3A_972 = arith.constant 0 : i32
      %dma_wait3A_973 = tpu.memref_slice %arg14[%add3A_926, %dma_wait3A_972] : memref<10240x128xf32, #tpu.memory_space<vmem_shared>> -> memref<16x128xf32, #tpu.memory_space<vmem_shared>>
      %dma_wait3A_974 = arith.constant 0 : i32
      %dma_wait3A_975 = tpu.memref_slice %arg14[%add3A_926, %dma_wait3A_974] : memref<10240x128xf32, #tpu.memory_space<vmem_shared>> -> memref<16x128xf32, #tpu.memory_space<vmem_shared>>
      tpu.wait_dma2 semaphore(%run_scoped3A : memref<!tpu.dma_semaphore, #tpu.memory_space<semaphore_mem>>) src(%arg13 : memref<16x128xf32, #tpu.memory_space<vmem>>) dst(%dma_wait3A_975 : memref<16x128xf32, #tpu.memory_space<vmem_shared>>)
      tpu.yield
    }) : () -> ()
    %mul3A_927 = arith.constant 640 : i32
    %mul3A_928 = arith.muli %arg1, %mul3A_927 : i32
    %add3A_929 = arith.constant 560 : i32
    %add3A_930 = arith.addi %mul3A_928, %add3A_929 : i32
    "tpu.region"() ({
      %run_scoped3A = tpu.sem_alloc : memref<!tpu.dma_semaphore, #tpu.memory_space<semaphore_mem>>
      %dma_start3A_968 = arith.constant 0 : i32
      %dma_start3A_969 = tpu.memref_slice %arg14[%add3A_930, %dma_start3A_968] : memref<10240x128xf32, #tpu.memory_space<vmem_shared>> -> memref<16x128xf32, #tpu.memory_space<vmem_shared>>
      %dma_start3A_970 = arith.constant 0 : i32
      %dma_start3A_971 = tpu.memref_slice %arg14[%add3A_930, %dma_start3A_970] : memref<10240x128xf32, #tpu.memory_space<vmem_shared>> -> memref<16x128xf32, #tpu.memory_space<vmem_shared>>
      tpu.enqueue_dma source(%arg13 : memref<16x128xf32, #tpu.memory_space<vmem>>) target(%dma_start3A_971 : memref<16x128xf32, #tpu.memory_space<vmem_shared>>) target_semaphore(%run_scoped3A : memref<!tpu.dma_semaphore, #tpu.memory_space<semaphore_mem>>)
      %dma_wait3A_972 = arith.constant 0 : i32
      %dma_wait3A_973 = tpu.memref_slice %arg14[%add3A_930, %dma_wait3A_972] : memref<10240x128xf32, #tpu.memory_space<vmem_shared>> -> memref<16x128xf32, #tpu.memory_space<vmem_shared>>
      %dma_wait3A_974 = arith.constant 0 : i32
      %dma_wait3A_975 = tpu.memref_slice %arg14[%add3A_930, %dma_wait3A_974] : memref<10240x128xf32, #tpu.memory_space<vmem_shared>> -> memref<16x128xf32, #tpu.memory_space<vmem_shared>>
      tpu.wait_dma2 semaphore(%run_scoped3A : memref<!tpu.dma_semaphore, #tpu.memory_space<semaphore_mem>>) src(%arg13 : memref<16x128xf32, #tpu.memory_space<vmem>>) dst(%dma_wait3A_975 : memref<16x128xf32, #tpu.memory_space<vmem_shared>>)
      tpu.yield
    }) : () -> ()
    %mul3A_931 = arith.constant 640 : i32
    %mul3A_932 = arith.muli %arg1, %mul3A_931 : i32
    %add3A_933 = arith.constant 576 : i32
    %add3A_934 = arith.addi %mul3A_932, %add3A_933 : i32
    "tpu.region"() ({
      %run_scoped3A = tpu.sem_alloc : memref<!tpu.dma_semaphore, #tpu.memory_space<semaphore_mem>>
      %dma_start3A_968 = arith.constant 0 : i32
      %dma_start3A_969 = tpu.memref_slice %arg14[%add3A_934, %dma_start3A_968] : memref<10240x128xf32, #tpu.memory_space<vmem_shared>> -> memref<16x128xf32, #tpu.memory_space<vmem_shared>>
      %dma_start3A_970 = arith.constant 0 : i32
      %dma_start3A_971 = tpu.memref_slice %arg14[%add3A_934, %dma_start3A_970] : memref<10240x128xf32, #tpu.memory_space<vmem_shared>> -> memref<16x128xf32, #tpu.memory_space<vmem_shared>>
      tpu.enqueue_dma source(%arg13 : memref<16x128xf32, #tpu.memory_space<vmem>>) target(%dma_start3A_971 : memref<16x128xf32, #tpu.memory_space<vmem_shared>>) target_semaphore(%run_scoped3A : memref<!tpu.dma_semaphore, #tpu.memory_space<semaphore_mem>>)
      %dma_wait3A_972 = arith.constant 0 : i32
      %dma_wait3A_973 = tpu.memref_slice %arg14[%add3A_934, %dma_wait3A_972] : memref<10240x128xf32, #tpu.memory_space<vmem_shared>> -> memref<16x128xf32, #tpu.memory_space<vmem_shared>>
      %dma_wait3A_974 = arith.constant 0 : i32
      %dma_wait3A_975 = tpu.memref_slice %arg14[%add3A_934, %dma_wait3A_974] : memref<10240x128xf32, #tpu.memory_space<vmem_shared>> -> memref<16x128xf32, #tpu.memory_space<vmem_shared>>
      tpu.wait_dma2 semaphore(%run_scoped3A : memref<!tpu.dma_semaphore, #tpu.memory_space<semaphore_mem>>) src(%arg13 : memref<16x128xf32, #tpu.memory_space<vmem>>) dst(%dma_wait3A_975 : memref<16x128xf32, #tpu.memory_space<vmem_shared>>)
      tpu.yield
    }) : () -> ()
    %mul3A_935 = arith.constant 640 : i32
    %mul3A_936 = arith.muli %arg1, %mul3A_935 : i32
    %add3A_937 = arith.constant 592 : i32
    %add3A_938 = arith.addi %mul3A_936, %add3A_937 : i32
    "tpu.region"() ({
      %run_scoped3A = tpu.sem_alloc : memref<!tpu.dma_semaphore, #tpu.memory_space<semaphore_mem>>
      %dma_start3A_968 = arith.constant 0 : i32
      %dma_start3A_969 = tpu.memref_slice %arg14[%add3A_938, %dma_start3A_968] : memref<10240x128xf32, #tpu.memory_space<vmem_shared>> -> memref<16x128xf32, #tpu.memory_space<vmem_shared>>
      %dma_start3A_970 = arith.constant 0 : i32
      %dma_start3A_971 = tpu.memref_slice %arg14[%add3A_938, %dma_start3A_970] : memref<10240x128xf32, #tpu.memory_space<vmem_shared>> -> memref<16x128xf32, #tpu.memory_space<vmem_shared>>
      tpu.enqueue_dma source(%arg13 : memref<16x128xf32, #tpu.memory_space<vmem>>) target(%dma_start3A_971 : memref<16x128xf32, #tpu.memory_space<vmem_shared>>) target_semaphore(%run_scoped3A : memref<!tpu.dma_semaphore, #tpu.memory_space<semaphore_mem>>)
      %dma_wait3A_972 = arith.constant 0 : i32
      %dma_wait3A_973 = tpu.memref_slice %arg14[%add3A_938, %dma_wait3A_972] : memref<10240x128xf32, #tpu.memory_space<vmem_shared>> -> memref<16x128xf32, #tpu.memory_space<vmem_shared>>
      %dma_wait3A_974 = arith.constant 0 : i32
      %dma_wait3A_975 = tpu.memref_slice %arg14[%add3A_938, %dma_wait3A_974] : memref<10240x128xf32, #tpu.memory_space<vmem_shared>> -> memref<16x128xf32, #tpu.memory_space<vmem_shared>>
      tpu.wait_dma2 semaphore(%run_scoped3A : memref<!tpu.dma_semaphore, #tpu.memory_space<semaphore_mem>>) src(%arg13 : memref<16x128xf32, #tpu.memory_space<vmem>>) dst(%dma_wait3A_975 : memref<16x128xf32, #tpu.memory_space<vmem_shared>>)
      tpu.yield
    }) : () -> ()
    %mul3A_939 = arith.constant 640 : i32
    %mul3A_940 = arith.muli %arg1, %mul3A_939 : i32
    %add3A_941 = arith.constant 608 : i32
    %add3A_942 = arith.addi %mul3A_940, %add3A_941 : i32
    "tpu.region"() ({
      %run_scoped3A = tpu.sem_alloc : memref<!tpu.dma_semaphore, #tpu.memory_space<semaphore_mem>>
      %dma_start3A_968 = arith.constant 0 : i32
      %dma_start3A_969 = tpu.memref_slice %arg14[%add3A_942, %dma_start3A_968] : memref<10240x128xf32, #tpu.memory_space<vmem_shared>> -> memref<16x128xf32, #tpu.memory_space<vmem_shared>>
      %dma_start3A_970 = arith.constant 0 : i32
      %dma_start3A_971 = tpu.memref_slice %arg14[%add3A_942, %dma_start3A_970] : memref<10240x128xf32, #tpu.memory_space<vmem_shared>> -> memref<16x128xf32, #tpu.memory_space<vmem_shared>>
      tpu.enqueue_dma source(%arg13 : memref<16x128xf32, #tpu.memory_space<vmem>>) target(%dma_start3A_971 : memref<16x128xf32, #tpu.memory_space<vmem_shared>>) target_semaphore(%run_scoped3A : memref<!tpu.dma_semaphore, #tpu.memory_space<semaphore_mem>>)
      %dma_wait3A_972 = arith.constant 0 : i32
      %dma_wait3A_973 = tpu.memref_slice %arg14[%add3A_942, %dma_wait3A_972] : memref<10240x128xf32, #tpu.memory_space<vmem_shared>> -> memref<16x128xf32, #tpu.memory_space<vmem_shared>>
      %dma_wait3A_974 = arith.constant 0 : i32
      %dma_wait3A_975 = tpu.memref_slice %arg14[%add3A_942, %dma_wait3A_974] : memref<10240x128xf32, #tpu.memory_space<vmem_shared>> -> memref<16x128xf32, #tpu.memory_space<vmem_shared>>
      tpu.wait_dma2 semaphore(%run_scoped3A : memref<!tpu.dma_semaphore, #tpu.memory_space<semaphore_mem>>) src(%arg13 : memref<16x128xf32, #tpu.memory_space<vmem>>) dst(%dma_wait3A_975 : memref<16x128xf32, #tpu.memory_space<vmem_shared>>)
      tpu.yield
    }) : () -> ()
    %mul3A_943 = arith.constant 640 : i32
    %mul3A_944 = arith.muli %arg1, %mul3A_943 : i32
    %add3A_945 = arith.constant 624 : i32
    %add3A_946 = arith.addi %mul3A_944, %add3A_945 : i32
    "tpu.region"() ({
      %run_scoped3A = tpu.sem_alloc : memref<!tpu.dma_semaphore, #tpu.memory_space<semaphore_mem>>
      %dma_start3A_968 = arith.constant 0 : i32
      %dma_start3A_969 = tpu.memref_slice %arg14[%add3A_946, %dma_start3A_968] : memref<10240x128xf32, #tpu.memory_space<vmem_shared>> -> memref<16x128xf32, #tpu.memory_space<vmem_shared>>
      %dma_start3A_970 = arith.constant 0 : i32
      %dma_start3A_971 = tpu.memref_slice %arg14[%add3A_946, %dma_start3A_970] : memref<10240x128xf32, #tpu.memory_space<vmem_shared>> -> memref<16x128xf32, #tpu.memory_space<vmem_shared>>
      tpu.enqueue_dma source(%arg13 : memref<16x128xf32, #tpu.memory_space<vmem>>) target(%dma_start3A_971 : memref<16x128xf32, #tpu.memory_space<vmem_shared>>) target_semaphore(%run_scoped3A : memref<!tpu.dma_semaphore, #tpu.memory_space<semaphore_mem>>)
      %dma_wait3A_972 = arith.constant 0 : i32
      %dma_wait3A_973 = tpu.memref_slice %arg14[%add3A_946, %dma_wait3A_972] : memref<10240x128xf32, #tpu.memory_space<vmem_shared>> -> memref<16x128xf32, #tpu.memory_space<vmem_shared>>
      %dma_wait3A_974 = arith.constant 0 : i32
      %dma_wait3A_975 = tpu.memref_slice %arg14[%add3A_946, %dma_wait3A_974] : memref<10240x128xf32, #tpu.memory_space<vmem_shared>> -> memref<16x128xf32, #tpu.memory_space<vmem_shared>>
      tpu.wait_dma2 semaphore(%run_scoped3A : memref<!tpu.dma_semaphore, #tpu.memory_space<semaphore_mem>>) src(%arg13 : memref<16x128xf32, #tpu.memory_space<vmem>>) dst(%dma_wait3A_975 : memref<16x128xf32, #tpu.memory_space<vmem_shared>>)
      tpu.yield
    }) : () -> ()
    %barrier3A = arith.constant 0 : index
    tpu.barrier barrier_id(%barrier3A)
    %dma_wait3A = arith.constant 0 : i32
    %dma_wait3A_947 = tpu.memref_slice %arg3[%dma_wait3A] : memref<647168xi32, #tpu.memory_space<hbm>> -> memref<128xi32, #tpu.memory_space<hbm>>
    %dma_wait3A_948 = arith.constant 0 : i32
    %dma_wait3A_949 = tpu.memref_slice %arg3[%dma_wait3A_948] : memref<647168xi32, #tpu.memory_space<hbm>> -> memref<128xi32, #tpu.memory_space<hbm>>
    tpu.wait_dma2 semaphore(%arg17 : memref<!tpu.dma_semaphore, #tpu.memory_space<semaphore_mem>>) src(%dma_wait3A_949 : memref<128xi32, #tpu.memory_space<hbm>>) dst(%arg7 : memref<128xi32, #tpu.memory_space<vmem>>)
    %dma_start3A_950 = arith.constant 0 : i32
    %dma_start3A_951 = arith.constant 0 : i32
    %dma_start3A_952 = tpu.memref_slice %arg2[%dma_start3A_950, %dma_start3A_951] : memref<10000x128xf32, #tpu.memory_space<hbm>> -> memref<10000x128xf32, #tpu.memory_space<hbm>>
    tpu.enqueue_indirect_dma source(%dma_start3A_952 : memref<10000x128xf32, #tpu.memory_space<hbm>>) target(%arg11 : memref<128x128xf32, #tpu.memory_space<vmem>>) offsets(%arg7 : memref<128xi32, #tpu.memory_space<vmem>>) semaphore(%arg15 : memref<!tpu.dma_semaphore, #tpu.memory_space<semaphore_mem>>)
    %scan3A = arith.constant 0 : i32
    %scan3A_953 = arith.constant 0 : i32
    %scan3A_954 = arith.constant 79 : i32
    %scan3A_955 = arith.addi %scan3A_953, %scan3A_954 : i32
    %scan3A_956 = arith.constant 1 : i32
    scf.for %scan3A_968 = %scan3A_953 to %scan3A_955 step %scan3A_956  : i32 {
      %mul3A_969 = arith.constant 2 : i32
      %mul3A_970 = arith.muli %mul3A_969, %scan3A_968 : i32
      %add3A_971 = arith.constant 0 : i32
      %add3A_972 = arith.addi %mul3A_970, %add3A_971 : i32
      %add3A_973 = arith.constant 1 : i32
      %add3A_974 = arith.addi %add3A_972, %add3A_973 : i32
      %lt3A = arith.constant 158 : i32
      %lt3A_975 = arith.cmpi slt, %add3A_974, %lt3A : i32
      %convert_element_type3A_976 = arith.extui %lt3A_975 : i1 to i32
      %cond3A_977 = arith.constant 0 : i32
      %cond3A_978 = arith.cmpi ne, %convert_element_type3A_976, %cond3A_977 : i32
      scf.if %cond3A_978 {
        %dma_wait3A_1018 = arith.constant 0 : i32
        %dma_wait3A_1019 = tpu.memref_slice %arg3[%dma_wait3A_1018] : memref<647168xi32, #tpu.memory_space<hbm>> -> memref<128xi32, #tpu.memory_space<hbm>>
        %dma_wait3A_1020 = arith.constant 0 : i32
        %dma_wait3A_1021 = tpu.memref_slice %arg3[%dma_wait3A_1020] : memref<647168xi32, #tpu.memory_space<hbm>> -> memref<128xi32, #tpu.memory_space<hbm>>
        tpu.wait_dma2 semaphore(%arg18 : memref<!tpu.dma_semaphore, #tpu.memory_space<semaphore_mem>>) src(%dma_wait3A_1021 : memref<128xi32, #tpu.memory_space<hbm>>) dst(%arg8 : memref<128xi32, #tpu.memory_space<vmem>>)
        %dma_start3A_1022 = arith.constant 0 : i32
        %dma_start3A_1023 = arith.constant 0 : i32
        %dma_start3A_1024 = tpu.memref_slice %arg2[%dma_start3A_1022, %dma_start3A_1023] : memref<10000x128xf32, #tpu.memory_space<hbm>> -> memref<10000x128xf32, #tpu.memory_space<hbm>>
        tpu.enqueue_indirect_dma source(%dma_start3A_1024 : memref<10000x128xf32, #tpu.memory_space<hbm>>) target(%arg12 : memref<128x128xf32, #tpu.memory_space<vmem>>) offsets(%arg8 : memref<128xi32, #tpu.memory_space<vmem>>) semaphore(%arg16 : memref<!tpu.dma_semaphore, #tpu.memory_space<semaphore_mem>>)
      } else {
      }
      %dma_wait3A_979 = arith.constant 0 : i32
      %dma_wait3A_980 = arith.constant 0 : i32
      %dma_wait3A_981 = tpu.memref_slice %arg2[%dma_wait3A_979, %dma_wait3A_980] : memref<10000x128xf32, #tpu.memory_space<hbm>> -> memref<10000x128xf32, #tpu.memory_space<hbm>>
      tpu.wait_indirect_dma semaphore(%arg15 : memref<!tpu.dma_semaphore, #tpu.memory_space<semaphore_mem>>) src(%dma_wait3A_981 : memref<10000x128xf32, #tpu.memory_space<hbm>>) dst(%arg11 : memref<128x128xf32, #tpu.memory_space<vmem>>)
      %dma_wait3A_982 = arith.constant 0 : i32
      %dma_wait3A_983 = tpu.memref_slice %arg4[%dma_wait3A_982] : memref<647168xi32, #tpu.memory_space<hbm>> -> memref<128xi32, #tpu.memory_space<hbm>>
      %dma_wait3A_984 = arith.constant 0 : i32
      %dma_wait3A_985 = tpu.memref_slice %arg4[%dma_wait3A_984] : memref<647168xi32, #tpu.memory_space<hbm>> -> memref<128xi32, #tpu.memory_space<hbm>>
      tpu.wait_dma2 semaphore(%arg19 : memref<!tpu.dma_semaphore, #tpu.memory_space<semaphore_mem>>) src(%dma_wait3A_985 : memref<128xi32, #tpu.memory_space<hbm>>) dst(%arg9 : memref<128xi32, #tpu.memory_space<vmem>>)
      "tpu.region"() ({
        %run_scoped3A = tpu.sem_alloc : memref<!tpu.dma_semaphore, #tpu.memory_space<semaphore_mem>>
        %dma_start3A_1018 = arith.constant 0 : i32
        %dma_start3A_1019 = arith.constant 0 : i32
        %dma_start3A_1020 = tpu.memref_slice %arg14[%dma_start3A_1018, %dma_start3A_1019] : memref<10240x128xf32, #tpu.memory_space<vmem_shared>> -> memref<10240x128xf32, #tpu.memory_space<vmem_shared>>
        tpu.enqueue_indirect_dma source(%arg11 : memref<128x128xf32, #tpu.memory_space<vmem>>) target(%dma_start3A_1020 : memref<10240x128xf32, #tpu.memory_space<vmem_shared>>) offsets(%arg9 : memref<128xi32, #tpu.memory_space<vmem>>) semaphore(%run_scoped3A : memref<!tpu.dma_semaphore, #tpu.memory_space<semaphore_mem>>) {add = true}
        %dma_wait3A_1021 = arith.constant 0 : i32
        %dma_wait3A_1022 = arith.constant 0 : i32
        %dma_wait3A_1023 = tpu.memref_slice %arg14[%dma_wait3A_1021, %dma_wait3A_1022] : memref<10240x128xf32, #tpu.memory_space<vmem_shared>> -> memref<10240x128xf32, #tpu.memory_space<vmem_shared>>
        tpu.wait_indirect_dma semaphore(%run_scoped3A : memref<!tpu.dma_semaphore, #tpu.memory_space<semaphore_mem>>) src(%arg11 : memref<128x128xf32, #tpu.memory_space<vmem>>) dst(%dma_wait3A_1023 : memref<10240x128xf32, #tpu.memory_space<vmem_shared>>)
        tpu.yield
      }) : () -> ()
      %add3A_986 = arith.constant 2 : i32
      %add3A_987 = arith.addi %add3A_972, %add3A_986 : i32
      %lt3A_988 = arith.constant 158 : i32
      %lt3A_989 = arith.cmpi slt, %add3A_987, %lt3A_988 : i32
      %convert_element_type3A_990 = arith.extui %lt3A_989 : i1 to i32
      %cond3A_991 = arith.constant 0 : i32
      %cond3A_992 = arith.cmpi ne, %convert_element_type3A_990, %cond3A_991 : i32
      scf.if %cond3A_992 {
        %add3A_1018 = arith.constant 2 : i32
        %add3A_1019 = arith.addi %add3A_972, %add3A_1018 : i32
        %add3A_1020 = arith.addi %mul3A_2, %add3A_1019 : i32
        %mul3A_1021 = arith.constant 128 : i32
        %mul3A_1022 = arith.muli %add3A_1020, %mul3A_1021 : i32
        %multiple_of3A_1023 = tpu.assume_multiple %mul3A_1022, 128 : i32
        %dma_start3A_1024 = tpu.memref_slice %arg3[%multiple_of3A_1023] : memref<647168xi32, #tpu.memory_space<hbm>> -> memref<128xi32, #tpu.memory_space<hbm>>
        %dma_start3A_1025 = tpu.memref_slice %arg3[%multiple_of3A_1023] : memref<647168xi32, #tpu.memory_space<hbm>> -> memref<128xi32, #tpu.memory_space<hbm>>
        tpu.enqueue_dma source(%dma_start3A_1025 : memref<128xi32, #tpu.memory_space<hbm>>) target(%arg7 : memref<128xi32, #tpu.memory_space<vmem>>) target_semaphore(%arg17 : memref<!tpu.dma_semaphore, #tpu.memory_space<semaphore_mem>>)
        %dma_start3A_1026 = tpu.memref_slice %arg4[%multiple_of3A_1023] : memref<647168xi32, #tpu.memory_space<hbm>> -> memref<128xi32, #tpu.memory_space<hbm>>
        %dma_start3A_1027 = tpu.memref_slice %arg4[%multiple_of3A_1023] : memref<647168xi32, #tpu.memory_space<hbm>> -> memref<128xi32, #tpu.memory_space<hbm>>
        tpu.enqueue_dma source(%dma_start3A_1027 : memref<128xi32, #tpu.memory_space<hbm>>) target(%arg9 : memref<128xi32, #tpu.memory_space<vmem>>) target_semaphore(%arg19 : memref<!tpu.dma_semaphore, #tpu.memory_space<semaphore_mem>>)
      } else {
      }
      %mul3A_993 = arith.constant 2 : i32
      %mul3A_994 = arith.muli %mul3A_993, %scan3A_968 : i32
      %add3A_995 = arith.constant 1 : i32
      %add3A_996 = arith.addi %mul3A_994, %add3A_995 : i32
      %add3A_997 = arith.constant 1 : i32
      %add3A_998 = arith.addi %add3A_996, %add3A_997 : i32
      %lt3A_999 = arith.constant 158 : i32
      %lt3A_1000 = arith.cmpi slt, %add3A_998, %lt3A_999 : i32
      %convert_element_type3A_1001 = arith.extui %lt3A_1000 : i1 to i32
      %cond3A_1002 = arith.constant 0 : i32
      %cond3A_1003 = arith.cmpi ne, %convert_element_type3A_1001, %cond3A_1002 : i32
      scf.if %cond3A_1003 {
        %dma_wait3A_1018 = arith.constant 0 : i32
        %dma_wait3A_1019 = tpu.memref_slice %arg3[%dma_wait3A_1018] : memref<647168xi32, #tpu.memory_space<hbm>> -> memref<128xi32, #tpu.memory_space<hbm>>
        %dma_wait3A_1020 = arith.constant 0 : i32
        %dma_wait3A_1021 = tpu.memref_slice %arg3[%dma_wait3A_1020] : memref<647168xi32, #tpu.memory_space<hbm>> -> memref<128xi32, #tpu.memory_space<hbm>>
        tpu.wait_dma2 semaphore(%arg17 : memref<!tpu.dma_semaphore, #tpu.memory_space<semaphore_mem>>) src(%dma_wait3A_1021 : memref<128xi32, #tpu.memory_space<hbm>>) dst(%arg7 : memref<128xi32, #tpu.memory_space<vmem>>)
        %dma_start3A_1022 = arith.constant 0 : i32
        %dma_start3A_1023 = arith.constant 0 : i32
        %dma_start3A_1024 = tpu.memref_slice %arg2[%dma_start3A_1022, %dma_start3A_1023] : memref<10000x128xf32, #tpu.memory_space<hbm>> -> memref<10000x128xf32, #tpu.memory_space<hbm>>
        tpu.enqueue_indirect_dma source(%dma_start3A_1024 : memref<10000x128xf32, #tpu.memory_space<hbm>>) target(%arg11 : memref<128x128xf32, #tpu.memory_space<vmem>>) offsets(%arg7 : memref<128xi32, #tpu.memory_space<vmem>>) semaphore(%arg15 : memref<!tpu.dma_semaphore, #tpu.memory_space<semaphore_mem>>)
      } else {
      }
      %dma_wait3A_1004 = arith.constant 0 : i32
      %dma_wait3A_1005 = arith.constant 0 : i32
      %dma_wait3A_1006 = tpu.memref_slice %arg2[%dma_wait3A_1004, %dma_wait3A_1005] : memref<10000x128xf32, #tpu.memory_space<hbm>> -> memref<10000x128xf32, #tpu.memory_space<hbm>>
      tpu.wait_indirect_dma semaphore(%arg16 : memref<!tpu.dma_semaphore, #tpu.memory_space<semaphore_mem>>) src(%dma_wait3A_1006 : memref<10000x128xf32, #tpu.memory_space<hbm>>) dst(%arg12 : memref<128x128xf32, #tpu.memory_space<vmem>>)
      %dma_wait3A_1007 = arith.constant 0 : i32
      %dma_wait3A_1008 = tpu.memref_slice %arg4[%dma_wait3A_1007] : memref<647168xi32, #tpu.memory_space<hbm>> -> memref<128xi32, #tpu.memory_space<hbm>>
      %dma_wait3A_1009 = arith.constant 0 : i32
      %dma_wait3A_1010 = tpu.memref_slice %arg4[%dma_wait3A_1009] : memref<647168xi32, #tpu.memory_space<hbm>> -> memref<128xi32, #tpu.memory_space<hbm>>
      tpu.wait_dma2 semaphore(%arg20 : memref<!tpu.dma_semaphore, #tpu.memory_space<semaphore_mem>>) src(%dma_wait3A_1010 : memref<128xi32, #tpu.memory_space<hbm>>) dst(%arg10 : memref<128xi32, #tpu.memory_space<vmem>>)
      "tpu.region"() ({
        %run_scoped3A = tpu.sem_alloc : memref<!tpu.dma_semaphore, #tpu.memory_space<semaphore_mem>>
        %dma_start3A_1018 = arith.constant 0 : i32
        %dma_start3A_1019 = arith.constant 0 : i32
        %dma_start3A_1020 = tpu.memref_slice %arg14[%dma_start3A_1018, %dma_start3A_1019] : memref<10240x128xf32, #tpu.memory_space<vmem_shared>> -> memref<10240x128xf32, #tpu.memory_space<vmem_shared>>
        tpu.enqueue_indirect_dma source(%arg12 : memref<128x128xf32, #tpu.memory_space<vmem>>) target(%dma_start3A_1020 : memref<10240x128xf32, #tpu.memory_space<vmem_shared>>) offsets(%arg10 : memref<128xi32, #tpu.memory_space<vmem>>) semaphore(%run_scoped3A : memref<!tpu.dma_semaphore, #tpu.memory_space<semaphore_mem>>) {add = true}
        %dma_wait3A_1021 = arith.constant 0 : i32
        %dma_wait3A_1022 = arith.constant 0 : i32
        %dma_wait3A_1023 = tpu.memref_slice %arg14[%dma_wait3A_1021, %dma_wait3A_1022] : memref<10240x128xf32, #tpu.memory_space<vmem_shared>> -> memref<10240x128xf32, #tpu.memory_space<vmem_shared>>
        tpu.wait_indirect_dma semaphore(%run_scoped3A : memref<!tpu.dma_semaphore, #tpu.memory_space<semaphore_mem>>) src(%arg12 : memref<128x128xf32, #tpu.memory_space<vmem>>) dst(%dma_wait3A_1023 : memref<10240x128xf32, #tpu.memory_space<vmem_shared>>)
        tpu.yield
      }) : () -> ()
      %add3A_1011 = arith.constant 2 : i32
      %add3A_1012 = arith.addi %add3A_996, %add3A_1011 : i32
      %lt3A_1013 = arith.constant 158 : i32
      %lt3A_1014 = arith.cmpi slt, %add3A_1012, %lt3A_1013 : i32
      %convert_element_type3A_1015 = arith.extui %lt3A_1014 : i1 to i32
      %cond3A_1016 = arith.constant 0 : i32
      %cond3A_1017 = arith.cmpi ne, %convert_element_type3A_1015, %cond3A_1016 : i32
      scf.if %cond3A_1017 {
        %add3A_1018 = arith.constant 2 : i32
        %add3A_1019 = arith.addi %add3A_996, %add3A_1018 : i32
        %add3A_1020 = arith.addi %mul3A_2, %add3A_1019 : i32
        %mul3A_1021 = arith.constant 128 : i32
        %mul3A_1022 = arith.muli %add3A_1020, %mul3A_1021 : i32
        %multiple_of3A_1023 = tpu.assume_multiple %mul3A_1022, 128 : i32
        %dma_start3A_1024 = tpu.memref_slice %arg3[%multiple_of3A_1023] : memref<647168xi32, #tpu.memory_space<hbm>> -> memref<128xi32, #tpu.memory_space<hbm>>
        %dma_start3A_1025 = tpu.memref_slice %arg3[%multiple_of3A_1023] : memref<647168xi32, #tpu.memory_space<hbm>> -> memref<128xi32, #tpu.memory_space<hbm>>
        tpu.enqueue_dma source(%dma_start3A_1025 : memref<128xi32, #tpu.memory_space<hbm>>) target(%arg8 : memref<128xi32, #tpu.memory_space<vmem>>) target_semaphore(%arg18 : memref<!tpu.dma_semaphore, #tpu.memory_space<semaphore_mem>>)
        %dma_start3A_1026 = tpu.memref_slice %arg4[%multiple_of3A_1023] : memref<647168xi32, #tpu.memory_space<hbm>> -> memref<128xi32, #tpu.memory_space<hbm>>
        %dma_start3A_1027 = tpu.memref_slice %arg4[%multiple_of3A_1023] : memref<647168xi32, #tpu.memory_space<hbm>> -> memref<128xi32, #tpu.memory_space<hbm>>
        tpu.enqueue_dma source(%dma_start3A_1027 : memref<128xi32, #tpu.memory_space<hbm>>) target(%arg10 : memref<128xi32, #tpu.memory_space<vmem>>) target_semaphore(%arg20 : memref<!tpu.dma_semaphore, #tpu.memory_space<semaphore_mem>>)
      } else {
      }
    }
    %scan3A_957 = arith.constant 79 : i32
    %barrier3A_958 = arith.constant 0 : index
    tpu.barrier barrier_id(%barrier3A_958)
    %mul3A_959 = arith.constant 640 : i32
    %mul3A_960 = arith.muli %arg1, %mul3A_959 : i32
    %eq3A = arith.constant 0 : i32
    %eq3A_961 = arith.cmpi eq, %arg0, %eq3A : i32
    %convert_element_type3A = arith.extui %eq3A_961 : i1 to i32
    %cond3A = arith.constant 0 : i32
    %cond3A_962 = arith.cmpi ne, %convert_element_type3A, %cond3A : i32
    scf.if %cond3A_962 {
      "tpu.region"() ({
        %run_scoped3A = tpu.sem_alloc : memref<!tpu.dma_semaphore, #tpu.memory_space<semaphore_mem>>
        %dma_start3A_968 = arith.constant 0 : i32
        %dma_start3A_969 = tpu.memref_slice %arg5[%mul3A_960, %dma_start3A_968] : memref<10240x128xf32, #tpu.memory_space<hbm>> -> memref<640x128xf32, #tpu.memory_space<hbm>>
        %dma_start3A_970 = arith.constant 0 : i32
        %dma_start3A_971 = tpu.memref_slice %arg14[%mul3A_960, %dma_start3A_970] : memref<10240x128xf32, #tpu.memory_space<vmem_shared>> -> memref<640x128xf32, #tpu.memory_space<vmem_shared>>
        tpu.enqueue_dma source(%dma_start3A_971 : memref<640x128xf32, #tpu.memory_space<vmem_shared>>) target(%dma_start3A_969 : memref<640x128xf32, #tpu.memory_space<hbm>>) target_semaphore(%run_scoped3A : memref<!tpu.dma_semaphore, #tpu.memory_space<semaphore_mem>>)
        %dma_wait3A_972 = arith.constant 0 : i32
        %dma_wait3A_973 = tpu.memref_slice %arg5[%mul3A_960, %dma_wait3A_972] : memref<10240x128xf32, #tpu.memory_space<hbm>> -> memref<640x128xf32, #tpu.memory_space<hbm>>
        %dma_wait3A_974 = arith.constant 0 : i32
        %dma_wait3A_975 = tpu.memref_slice %arg14[%mul3A_960, %dma_wait3A_974] : memref<10240x128xf32, #tpu.memory_space<vmem_shared>> -> memref<640x128xf32, #tpu.memory_space<vmem_shared>>
        tpu.wait_dma2 semaphore(%run_scoped3A : memref<!tpu.dma_semaphore, #tpu.memory_space<semaphore_mem>>) src(%dma_wait3A_975 : memref<640x128xf32, #tpu.memory_space<vmem_shared>>) dst(%dma_wait3A_973 : memref<640x128xf32, #tpu.memory_space<hbm>>)
        tpu.yield
      }) : () -> ()
    } else {
    }
    %eq3A_963 = arith.constant 1 : i32
    %eq3A_964 = arith.cmpi eq, %arg0, %eq3A_963 : i32
    %convert_element_type3A_965 = arith.extui %eq3A_964 : i1 to i32
    %cond3A_966 = arith.constant 0 : i32
    %cond3A_967 = arith.cmpi ne, %convert_element_type3A_965, %cond3A_966 : i32
    scf.if %cond3A_967 {
      "tpu.region"() ({
        %run_scoped3A = tpu.sem_alloc : memref<!tpu.dma_semaphore, #tpu.memory_space<semaphore_mem>>
        %dma_start3A_968 = arith.constant 0 : i32
        %dma_start3A_969 = tpu.memref_slice %arg6[%mul3A_960, %dma_start3A_968] : memref<10240x128xf32, #tpu.memory_space<hbm>> -> memref<640x128xf32, #tpu.memory_space<hbm>>
        %dma_start3A_970 = arith.constant 0 : i32
        %dma_start3A_971 = tpu.memref_slice %arg14[%mul3A_960, %dma_start3A_970] : memref<10240x128xf32, #tpu.memory_space<vmem_shared>> -> memref<640x128xf32, #tpu.memory_space<vmem_shared>>
        tpu.enqueue_dma source(%dma_start3A_971 : memref<640x128xf32, #tpu.memory_space<vmem_shared>>) target(%dma_start3A_969 : memref<640x128xf32, #tpu.memory_space<hbm>>) target_semaphore(%run_scoped3A : memref<!tpu.dma_semaphore, #tpu.memory_space<semaphore_mem>>)
        %dma_wait3A_972 = arith.constant 0 : i32
        %dma_wait3A_973 = tpu.memref_slice %arg6[%mul3A_960, %dma_wait3A_972] : memref<10240x128xf32, #tpu.memory_space<hbm>> -> memref<640x128xf32, #tpu.memory_space<hbm>>
        %dma_wait3A_974 = arith.constant 0 : i32
        %dma_wait3A_975 = tpu.memref_slice %arg14[%mul3A_960, %dma_wait3A_974] : memref<10240x128xf32, #tpu.memory_space<vmem_shared>> -> memref<640x128xf32, #tpu.memory_space<vmem_shared>>
        tpu.wait_dma2 semaphore(%run_scoped3A : memref<!tpu.dma_semaphore, #tpu.memory_space<semaphore_mem>>) src(%dma_wait3A_975 : memref<640x128xf32, #tpu.memory_space<vmem_shared>>) dst(%dma_wait3A_973 : memref<640x128xf32, #tpu.memory_space<hbm>>)
        tpu.yield
      }) : () -> ()
    } else {
    }
    return
  }
}

#map = affine_map<(d0, d1) -> (0, 0)>
#map1 = affine_map<(d0, d1) -> (0)>
module attributes {stable_mosaic.version = 14 : i64} {
  func.func @_agg_kernel(%arg0: i32, %arg1: i32, %arg2: memref<10000x128xf32, #tpu.memory_space<hbm>>, %arg3: memref<647168xi32, #tpu.memory_space<hbm>>, %arg4: memref<647168xi32, #tpu.memory_space<hbm>>, %arg5: memref<10240x128xf32, #tpu.memory_space<hbm>>, %arg6: memref<10240x128xf32, #tpu.memory_space<hbm>>, %arg7: memref<128xi32, #tpu.memory_space<vmem>>, %arg8: memref<128xi32, #tpu.memory_space<vmem>>, %arg9: memref<128xi32, #tpu.memory_space<vmem>>, %arg10: memref<128xi32, #tpu.memory_space<vmem>>, %arg11: memref<128x128xf32, #tpu.memory_space<vmem>>, %arg12: memref<128x128xf32, #tpu.memory_space<vmem>>, %arg13: memref<16x128xf32, #tpu.memory_space<vmem>>, %arg14: memref<10240x128xf32, #tpu.memory_space<vmem_shared>>, %arg15: memref<!tpu.dma_semaphore, #tpu.memory_space<semaphore_mem>>, %arg16: memref<!tpu.dma_semaphore, #tpu.memory_space<semaphore_mem>>, %arg17: memref<!tpu.dma_semaphore, #tpu.memory_space<semaphore_mem>>, %arg18: memref<!tpu.dma_semaphore, #tpu.memory_space<semaphore_mem>>, %arg19: memref<!tpu.dma_semaphore, #tpu.memory_space<semaphore_mem>>, %arg20: memref<!tpu.dma_semaphore, #tpu.memory_space<semaphore_mem>>) attributes {dimension_semantics = [#tpu.dimension_semantics<core_parallel>, #tpu.dimension_semantics<subcore_parallel>], iteration_bounds = array<i64: 2, 16>, scalar_prefetch = 0 : i64, scratch_operands = 14 : i64, tpu.core_type = #tpu.core_type<sc_vector_subcore>, window_params = [{transform_indices = #map}, {transform_indices = #map1}, {transform_indices = #map1}, {transform_indices = #map}, {transform_indices = #map}]} {
    %mul3A = arith.constant 16 : i32
    %mul3A_0 = arith.muli %arg0, %mul3A : i32
    %add3A = arith.addi %mul3A_0, %arg1 : i32
    %mul3A_1 = arith.constant 158 : i32
    %mul3A_2 = arith.muli %add3A, %mul3A_1 : i32
    %broadcast_in_dim3A = arith.constant 0.000000e+00 : f32
    %broadcast_in_dim3A_3 = vector.broadcast %broadcast_in_dim3A : f32 to vector<16xf32>
    %swap3A = arith.constant 0 : i32
    %swap3A_4 = arith.index_cast %swap3A : i32 to index
    %swap3A_5 = arith.constant 0 : index
    %swap3A_6 = tpu.vector_load %arg13[%swap3A_4, %swap3A_5] {strides = array<i32>} : memref<16x128xf32, #tpu.memory_space<vmem>>, vector<1x16xf32>,
    %swap3A_7 = vector.shape_cast %swap3A_6 : vector<1x16xf32> to vector<16xf32>
    %swap3A_8 = vector.shape_cast %broadcast_in_dim3A_3 : vector<16xf32> to vector<1x16xf32>
    tpu.vector_store %arg13[%swap3A_4, %swap3A_5], %swap3A_8 {strides = array<i32>} : memref<16x128xf32, #tpu.memory_space<vmem>>, vector<1x16xf32>,
    %swap3A_9 = arith.constant 0 : i32
    %swap3A_10 = arith.index_cast %swap3A_9 : i32 to index
    %swap3A_11 = arith.constant 16 : index
    %swap3A_12 = tpu.vector_load %arg13[%swap3A_10, %swap3A_11] {strides = array<i32>} : memref<16x128xf32, #tpu.memory_space<vmem>>, vector<1x16xf32>,
    %swap3A_13 = vector.shape_cast %swap3A_12 : vector<1x16xf32> to vector<16xf32>
    %swap3A_14 = vector.shape_cast %broadcast_in_dim3A_3 : vector<16xf32> to vector<1x16xf32>
    tpu.vector_store %arg13[%swap3A_10, %swap3A_11], %swap3A_14 {strides = array<i32>} : memref<16x128xf32, #tpu.memory_space<vmem>>, vector<1x16xf32>,
    %swap3A_15 = arith.constant 0 : i32
    %swap3A_16 = arith.index_cast %swap3A_15 : i32 to index
    %swap3A_17 = arith.constant 32 : index
    %swap3A_18 = tpu.vector_load %arg13[%swap3A_16, %swap3A_17] {strides = array<i32>} : memref<16x128xf32, #tpu.memory_space<vmem>>, vector<1x16xf32>,
    %swap3A_19 = vector.shape_cast %swap3A_18 : vector<1x16xf32> to vector<16xf32>
    %swap3A_20 = vector.shape_cast %broadcast_in_dim3A_3 : vector<16xf32> to vector<1x16xf32>
    tpu.vector_store %arg13[%swap3A_16, %swap3A_17], %swap3A_20 {strides = array<i32>} : memref<16x128xf32, #tpu.memory_space<vmem>>, vector<1x16xf32>,
    %swap3A_21 = arith.constant 0 : i32
    %swap3A_22 = arith.index_cast %swap3A_21 : i32 to index
    %swap3A_23 = arith.constant 48 : index
    %swap3A_24 = tpu.vector_load %arg13[%swap3A_22, %swap3A_23] {strides = array<i32>} : memref<16x128xf32, #tpu.memory_space<vmem>>, vector<1x16xf32>,
    %swap3A_25 = vector.shape_cast %swap3A_24 : vector<1x16xf32> to vector<16xf32>
    %swap3A_26 = vector.shape_cast %broadcast_in_dim3A_3 : vector<16xf32> to vector<1x16xf32>
    tpu.vector_store %arg13[%swap3A_22, %swap3A_23], %swap3A_26 {strides = array<i32>} : memref<16x128xf32, #tpu.memory_space<vmem>>, vector<1x16xf32>,
    %swap3A_27 = arith.constant 0 : i32
    %swap3A_28 = arith.index_cast %swap3A_27 : i32 to index
    %swap3A_29 = arith.constant 64 : index
    %swap3A_30 = tpu.vector_load %arg13[%swap3A_28, %swap3A_29] {strides = array<i32>} : memref<16x128xf32, #tpu.memory_space<vmem>>, vector<1x16xf32>,
    %swap3A_31 = vector.shape_cast %swap3A_30 : vector<1x16xf32> to vector<16xf32>
    %swap3A_32 = vector.shape_cast %broadcast_in_dim3A_3 : vector<16xf32> to vector<1x16xf32>
    tpu.vector_store %arg13[%swap3A_28, %swap3A_29], %swap3A_32 {strides = array<i32>} : memref<16x128xf32, #tpu.memory_space<vmem>>, vector<1x16xf32>,
    %swap3A_33 = arith.constant 0 : i32
    %swap3A_34 = arith.index_cast %swap3A_33 : i32 to index
    %swap3A_35 = arith.constant 80 : index
    %swap3A_36 = tpu.vector_load %arg13[%swap3A_34, %swap3A_35] {strides = array<i32>} : memref<16x128xf32, #tpu.memory_space<vmem>>, vector<1x16xf32>,
    %swap3A_37 = vector.shape_cast %swap3A_36 : vector<1x16xf32> to vector<16xf32>
    %swap3A_38 = vector.shape_cast %broadcast_in_dim3A_3 : vector<16xf32> to vector<1x16xf32>
    tpu.vector_store %arg13[%swap3A_34, %swap3A_35], %swap3A_38 {strides = array<i32>} : memref<16x128xf32, #tpu.memory_space<vmem>>, vector<1x16xf32>,
    %swap3A_39 = arith.constant 0 : i32
    %swap3A_40 = arith.index_cast %swap3A_39 : i32 to index
    %swap3A_41 = arith.constant 96 : index
    %swap3A_42 = tpu.vector_load %arg13[%swap3A_40, %swap3A_41] {strides = array<i32>} : memref<16x128xf32, #tpu.memory_space<vmem>>, vector<1x16xf32>,
    %swap3A_43 = vector.shape_cast %swap3A_42 : vector<1x16xf32> to vector<16xf32>
    %swap3A_44 = vector.shape_cast %broadcast_in_dim3A_3 : vector<16xf32> to vector<1x16xf32>
    tpu.vector_store %arg13[%swap3A_40, %swap3A_41], %swap3A_44 {strides = array<i32>} : memref<16x128xf32, #tpu.memory_space<vmem>>, vector<1x16xf32>,
    %swap3A_45 = arith.constant 0 : i32
    %swap3A_46 = arith.index_cast %swap3A_45 : i32 to index
    %swap3A_47 = arith.constant 112 : index
    %swap3A_48 = tpu.vector_load %arg13[%swap3A_46, %swap3A_47] {strides = array<i32>} : memref<16x128xf32, #tpu.memory_space<vmem>>, vector<1x16xf32>,
    %swap3A_49 = vector.shape_cast %swap3A_48 : vector<1x16xf32> to vector<16xf32>
    %swap3A_50 = vector.shape_cast %broadcast_in_dim3A_3 : vector<16xf32> to vector<1x16xf32>
    tpu.vector_store %arg13[%swap3A_46, %swap3A_47], %swap3A_50 {strides = array<i32>} : memref<16x128xf32, #tpu.memory_space<vmem>>, vector<1x16xf32>,
    %swap3A_51 = arith.constant 1 : i32
    %swap3A_52 = arith.index_cast %swap3A_51 : i32 to index
    %swap3A_53 = arith.constant 0 : index
    %swap3A_54 = tpu.vector_load %arg13[%swap3A_52, %swap3A_53] {strides = array<i32>} : memref<16x128xf32, #tpu.memory_space<vmem>>, vector<1x16xf32>,
    %swap3A_55 = vector.shape_cast %swap3A_54 : vector<1x16xf32> to vector<16xf32>
    %swap3A_56 = vector.shape_cast %broadcast_in_dim3A_3 : vector<16xf32> to vector<1x16xf32>
    tpu.vector_store %arg13[%swap3A_52, %swap3A_53], %swap3A_56 {strides = array<i32>} : memref<16x128xf32, #tpu.memory_space<vmem>>, vector<1x16xf32>,
    %swap3A_57 = arith.constant 1 : i32
    %swap3A_58 = arith.index_cast %swap3A_57 : i32 to index
    %swap3A_59 = arith.constant 16 : index
    %swap3A_60 = tpu.vector_load %arg13[%swap3A_58, %swap3A_59] {strides = array<i32>} : memref<16x128xf32, #tpu.memory_space<vmem>>, vector<1x16xf32>,
    %swap3A_61 = vector.shape_cast %swap3A_60 : vector<1x16xf32> to vector<16xf32>
    %swap3A_62 = vector.shape_cast %broadcast_in_dim3A_3 : vector<16xf32> to vector<1x16xf32>
    tpu.vector_store %arg13[%swap3A_58, %swap3A_59], %swap3A_62 {strides = array<i32>} : memref<16x128xf32, #tpu.memory_space<vmem>>, vector<1x16xf32>,
    %swap3A_63 = arith.constant 1 : i32
    %swap3A_64 = arith.index_cast %swap3A_63 : i32 to index
    %swap3A_65 = arith.constant 32 : index
    %swap3A_66 = tpu.vector_load %arg13[%swap3A_64, %swap3A_65] {strides = array<i32>} : memref<16x128xf32, #tpu.memory_space<vmem>>, vector<1x16xf32>,
    %swap3A_67 = vector.shape_cast %swap3A_66 : vector<1x16xf32> to vector<16xf32>
    %swap3A_68 = vector.shape_cast %broadcast_in_dim3A_3 : vector<16xf32> to vector<1x16xf32>
    tpu.vector_store %arg13[%swap3A_64, %swap3A_65], %swap3A_68 {strides = array<i32>} : memref<16x128xf32, #tpu.memory_space<vmem>>, vector<1x16xf32>,
    %swap3A_69 = arith.constant 1 : i32
    %swap3A_70 = arith.index_cast %swap3A_69 : i32 to index
    %swap3A_71 = arith.constant 48 : index
    %swap3A_72 = tpu.vector_load %arg13[%swap3A_70, %swap3A_71] {strides = array<i32>} : memref<16x128xf32, #tpu.memory_space<vmem>>, vector<1x16xf32>,
    %swap3A_73 = vector.shape_cast %swap3A_72 : vector<1x16xf32> to vector<16xf32>
    %swap3A_74 = vector.shape_cast %broadcast_in_dim3A_3 : vector<16xf32> to vector<1x16xf32>
    tpu.vector_store %arg13[%swap3A_70, %swap3A_71], %swap3A_74 {strides = array<i32>} : memref<16x128xf32, #tpu.memory_space<vmem>>, vector<1x16xf32>,
    %swap3A_75 = arith.constant 1 : i32
    %swap3A_76 = arith.index_cast %swap3A_75 : i32 to index
    %swap3A_77 = arith.constant 64 : index
    %swap3A_78 = tpu.vector_load %arg13[%swap3A_76, %swap3A_77] {strides = array<i32>} : memref<16x128xf32, #tpu.memory_space<vmem>>, vector<1x16xf32>,
    %swap3A_79 = vector.shape_cast %swap3A_78 : vector<1x16xf32> to vector<16xf32>
    %swap3A_80 = vector.shape_cast %broadcast_in_dim3A_3 : vector<16xf32> to vector<1x16xf32>
    tpu.vector_store %arg13[%swap3A_76, %swap3A_77], %swap3A_80 {strides = array<i32>} : memref<16x128xf32, #tpu.memory_space<vmem>>, vector<1x16xf32>,
    %swap3A_81 = arith.constant 1 : i32
    %swap3A_82 = arith.index_cast %swap3A_81 : i32 to index
    %swap3A_83 = arith.constant 80 : index
    %swap3A_84 = tpu.vector_load %arg13[%swap3A_82, %swap3A_83] {strides = array<i32>} : memref<16x128xf32, #tpu.memory_space<vmem>>, vector<1x16xf32>,
    %swap3A_85 = vector.shape_cast %swap3A_84 : vector<1x16xf32> to vector<16xf32>
    %swap3A_86 = vector.shape_cast %broadcast_in_dim3A_3 : vector<16xf32> to vector<1x16xf32>
    tpu.vector_store %arg13[%swap3A_82, %swap3A_83], %swap3A_86 {strides = array<i32>} : memref<16x128xf32, #tpu.memory_space<vmem>>, vector<1x16xf32>,
    %swap3A_87 = arith.constant 1 : i32
    %swap3A_88 = arith.index_cast %swap3A_87 : i32 to index
    %swap3A_89 = arith.constant 96 : index
    %swap3A_90 = tpu.vector_load %arg13[%swap3A_88, %swap3A_89] {strides = array<i32>} : memref<16x128xf32, #tpu.memory_space<vmem>>, vector<1x16xf32>,
    %swap3A_91 = vector.shape_cast %swap3A_90 : vector<1x16xf32> to vector<16xf32>
    %swap3A_92 = vector.shape_cast %broadcast_in_dim3A_3 : vector<16xf32> to vector<1x16xf32>
    tpu.vector_store %arg13[%swap3A_88, %swap3A_89], %swap3A_92 {strides = array<i32>} : memref<16x128xf32, #tpu.memory_space<vmem>>, vector<1x16xf32>,
    %swap3A_93 = arith.constant 1 : i32
    %swap3A_94 = arith.index_cast %swap3A_93 : i32 to index
    %swap3A_95 = arith.constant 112 : index
    %swap3A_96 = tpu.vector_load %arg13[%swap3A_94, %swap3A_95] {strides = array<i32>} : memref<16x128xf32, #tpu.memory_space<vmem>>, vector<1x16xf32>,
    %swap3A_97 = vector.shape_cast %swap3A_96 : vector<1x16xf32> to vector<16xf32>
    %swap3A_98 = vector.shape_cast %broadcast_in_dim3A_3 : vector<16xf32> to vector<1x16xf32>
    tpu.vector_store %arg13[%swap3A_94, %swap3A_95], %swap3A_98 {strides = array<i32>} : memref<16x128xf32, #tpu.memory_space<vmem>>, vector<1x16xf32>,
    %swap3A_99 = arith.constant 2 : i32
    %swap3A_100 = arith.index_cast %swap3A_99 : i32 to index
    %swap3A_101 = arith.constant 0 : index
    %swap3A_102 = tpu.vector_load %arg13[%swap3A_100, %swap3A_101] {strides = array<i32>} : memref<16x128xf32, #tpu.memory_space<vmem>>, vector<1x16xf32>,
    %swap3A_103 = vector.shape_cast %swap3A_102 : vector<1x16xf32> to vector<16xf32>
    %swap3A_104 = vector.shape_cast %broadcast_in_dim3A_3 : vector<16xf32> to vector<1x16xf32>
    tpu.vector_store %arg13[%swap3A_100, %swap3A_101], %swap3A_104 {strides = array<i32>} : memref<16x128xf32, #tpu.memory_space<vmem>>, vector<1x16xf32>,
    %swap3A_105 = arith.constant 2 : i32
    %swap3A_106 = arith.index_cast %swap3A_105 : i32 to index
    %swap3A_107 = arith.constant 16 : index
    %swap3A_108 = tpu.vector_load %arg13[%swap3A_106, %swap3A_107] {strides = array<i32>} : memref<16x128xf32, #tpu.memory_space<vmem>>, vector<1x16xf32>,
    %swap3A_109 = vector.shape_cast %swap3A_108 : vector<1x16xf32> to vector<16xf32>
    %swap3A_110 = vector.shape_cast %broadcast_in_dim3A_3 : vector<16xf32> to vector<1x16xf32>
    tpu.vector_store %arg13[%swap3A_106, %swap3A_107], %swap3A_110 {strides = array<i32>} : memref<16x128xf32, #tpu.memory_space<vmem>>, vector<1x16xf32>,
    %swap3A_111 = arith.constant 2 : i32
    %swap3A_112 = arith.index_cast %swap3A_111 : i32 to index
    %swap3A_113 = arith.constant 32 : index
    %swap3A_114 = tpu.vector_load %arg13[%swap3A_112, %swap3A_113] {strides = array<i32>} : memref<16x128xf32, #tpu.memory_space<vmem>>, vector<1x16xf32>,
    %swap3A_115 = vector.shape_cast %swap3A_114 : vector<1x16xf32> to vector<16xf32>
    %swap3A_116 = vector.shape_cast %broadcast_in_dim3A_3 : vector<16xf32> to vector<1x16xf32>
    tpu.vector_store %arg13[%swap3A_112, %swap3A_113], %swap3A_116 {strides = array<i32>} : memref<16x128xf32, #tpu.memory_space<vmem>>, vector<1x16xf32>,
    %swap3A_117 = arith.constant 2 : i32
    %swap3A_118 = arith.index_cast %swap3A_117 : i32 to index
    %swap3A_119 = arith.constant 48 : index
    %swap3A_120 = tpu.vector_load %arg13[%swap3A_118, %swap3A_119] {strides = array<i32>} : memref<16x128xf32, #tpu.memory_space<vmem>>, vector<1x16xf32>,
    %swap3A_121 = vector.shape_cast %swap3A_120 : vector<1x16xf32> to vector<16xf32>
    %swap3A_122 = vector.shape_cast %broadcast_in_dim3A_3 : vector<16xf32> to vector<1x16xf32>
    tpu.vector_store %arg13[%swap3A_118, %swap3A_119], %swap3A_122 {strides = array<i32>} : memref<16x128xf32, #tpu.memory_space<vmem>>, vector<1x16xf32>,
    %swap3A_123 = arith.constant 2 : i32
    %swap3A_124 = arith.index_cast %swap3A_123 : i32 to index
    %swap3A_125 = arith.constant 64 : index
    %swap3A_126 = tpu.vector_load %arg13[%swap3A_124, %swap3A_125] {strides = array<i32>} : memref<16x128xf32, #tpu.memory_space<vmem>>, vector<1x16xf32>,
    %swap3A_127 = vector.shape_cast %swap3A_126 : vector<1x16xf32> to vector<16xf32>
    %swap3A_128 = vector.shape_cast %broadcast_in_dim3A_3 : vector<16xf32> to vector<1x16xf32>
    tpu.vector_store %arg13[%swap3A_124, %swap3A_125], %swap3A_128 {strides = array<i32>} : memref<16x128xf32, #tpu.memory_space<vmem>>, vector<1x16xf32>,
    %swap3A_129 = arith.constant 2 : i32
    %swap3A_130 = arith.index_cast %swap3A_129 : i32 to index
    %swap3A_131 = arith.constant 80 : index
    %swap3A_132 = tpu.vector_load %arg13[%swap3A_130, %swap3A_131] {strides = array<i32>} : memref<16x128xf32, #tpu.memory_space<vmem>>, vector<1x16xf32>,
    %swap3A_133 = vector.shape_cast %swap3A_132 : vector<1x16xf32> to vector<16xf32>
    %swap3A_134 = vector.shape_cast %broadcast_in_dim3A_3 : vector<16xf32> to vector<1x16xf32>
    tpu.vector_store %arg13[%swap3A_130, %swap3A_131], %swap3A_134 {strides = array<i32>} : memref<16x128xf32, #tpu.memory_space<vmem>>, vector<1x16xf32>,
    %swap3A_135 = arith.constant 2 : i32
    %swap3A_136 = arith.index_cast %swap3A_135 : i32 to index
    %swap3A_137 = arith.constant 96 : index
    %swap3A_138 = tpu.vector_load %arg13[%swap3A_136, %swap3A_137] {strides = array<i32>} : memref<16x128xf32, #tpu.memory_space<vmem>>, vector<1x16xf32>,
    %swap3A_139 = vector.shape_cast %swap3A_138 : vector<1x16xf32> to vector<16xf32>
    %swap3A_140 = vector.shape_cast %broadcast_in_dim3A_3 : vector<16xf32> to vector<1x16xf32>
    tpu.vector_store %arg13[%swap3A_136, %swap3A_137], %swap3A_140 {strides = array<i32>} : memref<16x128xf32, #tpu.memory_space<vmem>>, vector<1x16xf32>,
    %swap3A_141 = arith.constant 2 : i32
    %swap3A_142 = arith.index_cast %swap3A_141 : i32 to index
    %swap3A_143 = arith.constant 112 : index
    %swap3A_144 = tpu.vector_load %arg13[%swap3A_142, %swap3A_143] {strides = array<i32>} : memref<16x128xf32, #tpu.memory_space<vmem>>, vector<1x16xf32>,
    %swap3A_145 = vector.shape_cast %swap3A_144 : vector<1x16xf32> to vector<16xf32>
    %swap3A_146 = vector.shape_cast %broadcast_in_dim3A_3 : vector<16xf32> to vector<1x16xf32>
    tpu.vector_store %arg13[%swap3A_142, %swap3A_143], %swap3A_146 {strides = array<i32>} : memref<16x128xf32, #tpu.memory_space<vmem>>, vector<1x16xf32>,
    %swap3A_147 = arith.constant 3 : i32
    %swap3A_148 = arith.index_cast %swap3A_147 : i32 to index
    %swap3A_149 = arith.constant 0 : index
    %swap3A_150 = tpu.vector_load %arg13[%swap3A_148, %swap3A_149] {strides = array<i32>} : memref<16x128xf32, #tpu.memory_space<vmem>>, vector<1x16xf32>,
    %swap3A_151 = vector.shape_cast %swap3A_150 : vector<1x16xf32> to vector<16xf32>
    %swap3A_152 = vector.shape_cast %broadcast_in_dim3A_3 : vector<16xf32> to vector<1x16xf32>
    tpu.vector_store %arg13[%swap3A_148, %swap3A_149], %swap3A_152 {strides = array<i32>} : memref<16x128xf32, #tpu.memory_space<vmem>>, vector<1x16xf32>,
    %swap3A_153 = arith.constant 3 : i32
    %swap3A_154 = arith.index_cast %swap3A_153 : i32 to index
    %swap3A_155 = arith.constant 16 : index
    %swap3A_156 = tpu.vector_load %arg13[%swap3A_154, %swap3A_155] {strides = array<i32>} : memref<16x128xf32, #tpu.memory_space<vmem>>, vector<1x16xf32>,
    %swap3A_157 = vector.shape_cast %swap3A_156 : vector<1x16xf32> to vector<16xf32>
    %swap3A_158 = vector.shape_cast %broadcast_in_dim3A_3 : vector<16xf32> to vector<1x16xf32>
    tpu.vector_store %arg13[%swap3A_154, %swap3A_155], %swap3A_158 {strides = array<i32>} : memref<16x128xf32, #tpu.memory_space<vmem>>, vector<1x16xf32>,
    %swap3A_159 = arith.constant 3 : i32
    %swap3A_160 = arith.index_cast %swap3A_159 : i32 to index
    %swap3A_161 = arith.constant 32 : index
    %swap3A_162 = tpu.vector_load %arg13[%swap3A_160, %swap3A_161] {strides = array<i32>} : memref<16x128xf32, #tpu.memory_space<vmem>>, vector<1x16xf32>,
    %swap3A_163 = vector.shape_cast %swap3A_162 : vector<1x16xf32> to vector<16xf32>
    %swap3A_164 = vector.shape_cast %broadcast_in_dim3A_3 : vector<16xf32> to vector<1x16xf32>
    tpu.vector_store %arg13[%swap3A_160, %swap3A_161], %swap3A_164 {strides = array<i32>} : memref<16x128xf32, #tpu.memory_space<vmem>>, vector<1x16xf32>,
    %swap3A_165 = arith.constant 3 : i32
    %swap3A_166 = arith.index_cast %swap3A_165 : i32 to index
    %swap3A_167 = arith.constant 48 : index
    %swap3A_168 = tpu.vector_load %arg13[%swap3A_166, %swap3A_167] {strides = array<i32>} : memref<16x128xf32, #tpu.memory_space<vmem>>, vector<1x16xf32>,
    %swap3A_169 = vector.shape_cast %swap3A_168 : vector<1x16xf32> to vector<16xf32>
    %swap3A_170 = vector.shape_cast %broadcast_in_dim3A_3 : vector<16xf32> to vector<1x16xf32>
    tpu.vector_store %arg13[%swap3A_166, %swap3A_167], %swap3A_170 {strides = array<i32>} : memref<16x128xf32, #tpu.memory_space<vmem>>, vector<1x16xf32>,
    %swap3A_171 = arith.constant 3 : i32
    %swap3A_172 = arith.index_cast %swap3A_171 : i32 to index
    %swap3A_173 = arith.constant 64 : index
    %swap3A_174 = tpu.vector_load %arg13[%swap3A_172, %swap3A_173] {strides = array<i32>} : memref<16x128xf32, #tpu.memory_space<vmem>>, vector<1x16xf32>,
    %swap3A_175 = vector.shape_cast %swap3A_174 : vector<1x16xf32> to vector<16xf32>
    %swap3A_176 = vector.shape_cast %broadcast_in_dim3A_3 : vector<16xf32> to vector<1x16xf32>
    tpu.vector_store %arg13[%swap3A_172, %swap3A_173], %swap3A_176 {strides = array<i32>} : memref<16x128xf32, #tpu.memory_space<vmem>>, vector<1x16xf32>,
    %swap3A_177 = arith.constant 3 : i32
    %swap3A_178 = arith.index_cast %swap3A_177 : i32 to index
    %swap3A_179 = arith.constant 80 : index
    %swap3A_180 = tpu.vector_load %arg13[%swap3A_178, %swap3A_179] {strides = array<i32>} : memref<16x128xf32, #tpu.memory_space<vmem>>, vector<1x16xf32>,
    %swap3A_181 = vector.shape_cast %swap3A_180 : vector<1x16xf32> to vector<16xf32>
    %swap3A_182 = vector.shape_cast %broadcast_in_dim3A_3 : vector<16xf32> to vector<1x16xf32>
    tpu.vector_store %arg13[%swap3A_178, %swap3A_179], %swap3A_182 {strides = array<i32>} : memref<16x128xf32, #tpu.memory_space<vmem>>, vector<1x16xf32>,
    %swap3A_183 = arith.constant 3 : i32
    %swap3A_184 = arith.index_cast %swap3A_183 : i32 to index
    %swap3A_185 = arith.constant 96 : index
    %swap3A_186 = tpu.vector_load %arg13[%swap3A_184, %swap3A_185] {strides = array<i32>} : memref<16x128xf32, #tpu.memory_space<vmem>>, vector<1x16xf32>,
    %swap3A_187 = vector.shape_cast %swap3A_186 : vector<1x16xf32> to vector<16xf32>
    %swap3A_188 = vector.shape_cast %broadcast_in_dim3A_3 : vector<16xf32> to vector<1x16xf32>
    tpu.vector_store %arg13[%swap3A_184, %swap3A_185], %swap3A_188 {strides = array<i32>} : memref<16x128xf32, #tpu.memory_space<vmem>>, vector<1x16xf32>,
    %swap3A_189 = arith.constant 3 : i32
    %swap3A_190 = arith.index_cast %swap3A_189 : i32 to index
    %swap3A_191 = arith.constant 112 : index
    %swap3A_192 = tpu.vector_load %arg13[%swap3A_190, %swap3A_191] {strides = array<i32>} : memref<16x128xf32, #tpu.memory_space<vmem>>, vector<1x16xf32>,
    %swap3A_193 = vector.shape_cast %swap3A_192 : vector<1x16xf32> to vector<16xf32>
    %swap3A_194 = vector.shape_cast %broadcast_in_dim3A_3 : vector<16xf32> to vector<1x16xf32>
    tpu.vector_store %arg13[%swap3A_190, %swap3A_191], %swap3A_194 {strides = array<i32>} : memref<16x128xf32, #tpu.memory_space<vmem>>, vector<1x16xf32>,
    %swap3A_195 = arith.constant 4 : i32
    %swap3A_196 = arith.index_cast %swap3A_195 : i32 to index
    %swap3A_197 = arith.constant 0 : index
    %swap3A_198 = tpu.vector_load %arg13[%swap3A_196, %swap3A_197] {strides = array<i32>} : memref<16x128xf32, #tpu.memory_space<vmem>>, vector<1x16xf32>,
    %swap3A_199 = vector.shape_cast %swap3A_198 : vector<1x16xf32> to vector<16xf32>
    %swap3A_200 = vector.shape_cast %broadcast_in_dim3A_3 : vector<16xf32> to vector<1x16xf32>
    tpu.vector_store %arg13[%swap3A_196, %swap3A_197], %swap3A_200 {strides = array<i32>} : memref<16x128xf32, #tpu.memory_space<vmem>>, vector<1x16xf32>,
    %swap3A_201 = arith.constant 4 : i32
    %swap3A_202 = arith.index_cast %swap3A_201 : i32 to index
    %swap3A_203 = arith.constant 16 : index
    %swap3A_204 = tpu.vector_load %arg13[%swap3A_202, %swap3A_203] {strides = array<i32>} : memref<16x128xf32, #tpu.memory_space<vmem>>, vector<1x16xf32>,
    %swap3A_205 = vector.shape_cast %swap3A_204 : vector<1x16xf32> to vector<16xf32>
    %swap3A_206 = vector.shape_cast %broadcast_in_dim3A_3 : vector<16xf32> to vector<1x16xf32>
    tpu.vector_store %arg13[%swap3A_202, %swap3A_203], %swap3A_206 {strides = array<i32>} : memref<16x128xf32, #tpu.memory_space<vmem>>, vector<1x16xf32>,
    %swap3A_207 = arith.constant 4 : i32
    %swap3A_208 = arith.index_cast %swap3A_207 : i32 to index
    %swap3A_209 = arith.constant 32 : index
    %swap3A_210 = tpu.vector_load %arg13[%swap3A_208, %swap3A_209] {strides = array<i32>} : memref<16x128xf32, #tpu.memory_space<vmem>>, vector<1x16xf32>,
    %swap3A_211 = vector.shape_cast %swap3A_210 : vector<1x16xf32> to vector<16xf32>
    %swap3A_212 = vector.shape_cast %broadcast_in_dim3A_3 : vector<16xf32> to vector<1x16xf32>
    tpu.vector_store %arg13[%swap3A_208, %swap3A_209], %swap3A_212 {strides = array<i32>} : memref<16x128xf32, #tpu.memory_space<vmem>>, vector<1x16xf32>,
    %swap3A_213 = arith.constant 4 : i32
    %swap3A_214 = arith.index_cast %swap3A_213 : i32 to index
    %swap3A_215 = arith.constant 48 : index
    %swap3A_216 = tpu.vector_load %arg13[%swap3A_214, %swap3A_215] {strides = array<i32>} : memref<16x128xf32, #tpu.memory_space<vmem>>, vector<1x16xf32>,
    %swap3A_217 = vector.shape_cast %swap3A_216 : vector<1x16xf32> to vector<16xf32>
    %swap3A_218 = vector.shape_cast %broadcast_in_dim3A_3 : vector<16xf32> to vector<1x16xf32>
    tpu.vector_store %arg13[%swap3A_214, %swap3A_215], %swap3A_218 {strides = array<i32>} : memref<16x128xf32, #tpu.memory_space<vmem>>, vector<1x16xf32>,
    %swap3A_219 = arith.constant 4 : i32
    %swap3A_220 = arith.index_cast %swap3A_219 : i32 to index
    %swap3A_221 = arith.constant 64 : index
    %swap3A_222 = tpu.vector_load %arg13[%swap3A_220, %swap3A_221] {strides = array<i32>} : memref<16x128xf32, #tpu.memory_space<vmem>>, vector<1x16xf32>,
    %swap3A_223 = vector.shape_cast %swap3A_222 : vector<1x16xf32> to vector<16xf32>
    %swap3A_224 = vector.shape_cast %broadcast_in_dim3A_3 : vector<16xf32> to vector<1x16xf32>
    tpu.vector_store %arg13[%swap3A_220, %swap3A_221], %swap3A_224 {strides = array<i32>} : memref<16x128xf32, #tpu.memory_space<vmem>>, vector<1x16xf32>,
    %swap3A_225 = arith.constant 4 : i32
    %swap3A_226 = arith.index_cast %swap3A_225 : i32 to index
    %swap3A_227 = arith.constant 80 : index
    %swap3A_228 = tpu.vector_load %arg13[%swap3A_226, %swap3A_227] {strides = array<i32>} : memref<16x128xf32, #tpu.memory_space<vmem>>, vector<1x16xf32>,
    %swap3A_229 = vector.shape_cast %swap3A_228 : vector<1x16xf32> to vector<16xf32>
    %swap3A_230 = vector.shape_cast %broadcast_in_dim3A_3 : vector<16xf32> to vector<1x16xf32>
    tpu.vector_store %arg13[%swap3A_226, %swap3A_227], %swap3A_230 {strides = array<i32>} : memref<16x128xf32, #tpu.memory_space<vmem>>, vector<1x16xf32>,
    %swap3A_231 = arith.constant 4 : i32
    %swap3A_232 = arith.index_cast %swap3A_231 : i32 to index
    %swap3A_233 = arith.constant 96 : index
    %swap3A_234 = tpu.vector_load %arg13[%swap3A_232, %swap3A_233] {strides = array<i32>} : memref<16x128xf32, #tpu.memory_space<vmem>>, vector<1x16xf32>,
    %swap3A_235 = vector.shape_cast %swap3A_234 : vector<1x16xf32> to vector<16xf32>
    %swap3A_236 = vector.shape_cast %broadcast_in_dim3A_3 : vector<16xf32> to vector<1x16xf32>
    tpu.vector_store %arg13[%swap3A_232, %swap3A_233], %swap3A_236 {strides = array<i32>} : memref<16x128xf32, #tpu.memory_space<vmem>>, vector<1x16xf32>,
    %swap3A_237 = arith.constant 4 : i32
    %swap3A_238 = arith.index_cast %swap3A_237 : i32 to index
    %swap3A_239 = arith.constant 112 : index
    %swap3A_240 = tpu.vector_load %arg13[%swap3A_238, %swap3A_239] {strides = array<i32>} : memref<16x128xf32, #tpu.memory_space<vmem>>, vector<1x16xf32>,
    %swap3A_241 = vector.shape_cast %swap3A_240 : vector<1x16xf32> to vector<16xf32>
    %swap3A_242 = vector.shape_cast %broadcast_in_dim3A_3 : vector<16xf32> to vector<1x16xf32>
    tpu.vector_store %arg13[%swap3A_238, %swap3A_239], %swap3A_242 {strides = array<i32>} : memref<16x128xf32, #tpu.memory_space<vmem>>, vector<1x16xf32>,
    %swap3A_243 = arith.constant 5 : i32
    %swap3A_244 = arith.index_cast %swap3A_243 : i32 to index
    %swap3A_245 = arith.constant 0 : index
    %swap3A_246 = tpu.vector_load %arg13[%swap3A_244, %swap3A_245] {strides = array<i32>} : memref<16x128xf32, #tpu.memory_space<vmem>>, vector<1x16xf32>,
    %swap3A_247 = vector.shape_cast %swap3A_246 : vector<1x16xf32> to vector<16xf32>
    %swap3A_248 = vector.shape_cast %broadcast_in_dim3A_3 : vector<16xf32> to vector<1x16xf32>
    tpu.vector_store %arg13[%swap3A_244, %swap3A_245], %swap3A_248 {strides = array<i32>} : memref<16x128xf32, #tpu.memory_space<vmem>>, vector<1x16xf32>,
    %swap3A_249 = arith.constant 5 : i32
    %swap3A_250 = arith.index_cast %swap3A_249 : i32 to index
    %swap3A_251 = arith.constant 16 : index
    %swap3A_252 = tpu.vector_load %arg13[%swap3A_250, %swap3A_251] {strides = array<i32>} : memref<16x128xf32, #tpu.memory_space<vmem>>, vector<1x16xf32>,
    %swap3A_253 = vector.shape_cast %swap3A_252 : vector<1x16xf32> to vector<16xf32>
    %swap3A_254 = vector.shape_cast %broadcast_in_dim3A_3 : vector<16xf32> to vector<1x16xf32>
    tpu.vector_store %arg13[%swap3A_250, %swap3A_251], %swap3A_254 {strides = array<i32>} : memref<16x128xf32, #tpu.memory_space<vmem>>, vector<1x16xf32>,
    %swap3A_255 = arith.constant 5 : i32
    %swap3A_256 = arith.index_cast %swap3A_255 : i32 to index
    %swap3A_257 = arith.constant 32 : index
    %swap3A_258 = tpu.vector_load %arg13[%swap3A_256, %swap3A_257] {strides = array<i32>} : memref<16x128xf32, #tpu.memory_space<vmem>>, vector<1x16xf32>,
    %swap3A_259 = vector.shape_cast %swap3A_258 : vector<1x16xf32> to vector<16xf32>
    %swap3A_260 = vector.shape_cast %broadcast_in_dim3A_3 : vector<16xf32> to vector<1x16xf32>
    tpu.vector_store %arg13[%swap3A_256, %swap3A_257], %swap3A_260 {strides = array<i32>} : memref<16x128xf32, #tpu.memory_space<vmem>>, vector<1x16xf32>,
    %swap3A_261 = arith.constant 5 : i32
    %swap3A_262 = arith.index_cast %swap3A_261 : i32 to index
    %swap3A_263 = arith.constant 48 : index
    %swap3A_264 = tpu.vector_load %arg13[%swap3A_262, %swap3A_263] {strides = array<i32>} : memref<16x128xf32, #tpu.memory_space<vmem>>, vector<1x16xf32>,
    %swap3A_265 = vector.shape_cast %swap3A_264 : vector<1x16xf32> to vector<16xf32>
    %swap3A_266 = vector.shape_cast %broadcast_in_dim3A_3 : vector<16xf32> to vector<1x16xf32>
    tpu.vector_store %arg13[%swap3A_262, %swap3A_263], %swap3A_266 {strides = array<i32>} : memref<16x128xf32, #tpu.memory_space<vmem>>, vector<1x16xf32>,
    %swap3A_267 = arith.constant 5 : i32
    %swap3A_268 = arith.index_cast %swap3A_267 : i32 to index
    %swap3A_269 = arith.constant 64 : index
    %swap3A_270 = tpu.vector_load %arg13[%swap3A_268, %swap3A_269] {strides = array<i32>} : memref<16x128xf32, #tpu.memory_space<vmem>>, vector<1x16xf32>,
    %swap3A_271 = vector.shape_cast %swap3A_270 : vector<1x16xf32> to vector<16xf32>
    %swap3A_272 = vector.shape_cast %broadcast_in_dim3A_3 : vector<16xf32> to vector<1x16xf32>
    tpu.vector_store %arg13[%swap3A_268, %swap3A_269], %swap3A_272 {strides = array<i32>} : memref<16x128xf32, #tpu.memory_space<vmem>>, vector<1x16xf32>,
    %swap3A_273 = arith.constant 5 : i32
    %swap3A_274 = arith.index_cast %swap3A_273 : i32 to index
    %swap3A_275 = arith.constant 80 : index
    %swap3A_276 = tpu.vector_load %arg13[%swap3A_274, %swap3A_275] {strides = array<i32>} : memref<16x128xf32, #tpu.memory_space<vmem>>, vector<1x16xf32>,
    %swap3A_277 = vector.shape_cast %swap3A_276 : vector<1x16xf32> to vector<16xf32>
    %swap3A_278 = vector.shape_cast %broadcast_in_dim3A_3 : vector<16xf32> to vector<1x16xf32>
    tpu.vector_store %arg13[%swap3A_274, %swap3A_275], %swap3A_278 {strides = array<i32>} : memref<16x128xf32, #tpu.memory_space<vmem>>, vector<1x16xf32>,
    %swap3A_279 = arith.constant 5 : i32
    %swap3A_280 = arith.index_cast %swap3A_279 : i32 to index
    %swap3A_281 = arith.constant 96 : index
    %swap3A_282 = tpu.vector_load %arg13[%swap3A_280, %swap3A_281] {strides = array<i32>} : memref<16x128xf32, #tpu.memory_space<vmem>>, vector<1x16xf32>,
    %swap3A_283 = vector.shape_cast %swap3A_282 : vector<1x16xf32> to vector<16xf32>
    %swap3A_284 = vector.shape_cast %broadcast_in_dim3A_3 : vector<16xf32> to vector<1x16xf32>
    tpu.vector_store %arg13[%swap3A_280, %swap3A_281], %swap3A_284 {strides = array<i32>} : memref<16x128xf32, #tpu.memory_space<vmem>>, vector<1x16xf32>,
    %swap3A_285 = arith.constant 5 : i32
    %swap3A_286 = arith.index_cast %swap3A_285 : i32 to index
    %swap3A_287 = arith.constant 112 : index
    %swap3A_288 = tpu.vector_load %arg13[%swap3A_286, %swap3A_287] {strides = array<i32>} : memref<16x128xf32, #tpu.memory_space<vmem>>, vector<1x16xf32>,
    %swap3A_289 = vector.shape_cast %swap3A_288 : vector<1x16xf32> to vector<16xf32>
    %swap3A_290 = vector.shape_cast %broadcast_in_dim3A_3 : vector<16xf32> to vector<1x16xf32>
    tpu.vector_store %arg13[%swap3A_286, %swap3A_287], %swap3A_290 {strides = array<i32>} : memref<16x128xf32, #tpu.memory_space<vmem>>, vector<1x16xf32>,
    %swap3A_291 = arith.constant 6 : i32
    %swap3A_292 = arith.index_cast %swap3A_291 : i32 to index
    %swap3A_293 = arith.constant 0 : index
    %swap3A_294 = tpu.vector_load %arg13[%swap3A_292, %swap3A_293] {strides = array<i32>} : memref<16x128xf32, #tpu.memory_space<vmem>>, vector<1x16xf32>,
    %swap3A_295 = vector.shape_cast %swap3A_294 : vector<1x16xf32> to vector<16xf32>
    %swap3A_296 = vector.shape_cast %broadcast_in_dim3A_3 : vector<16xf32> to vector<1x16xf32>
    tpu.vector_store %arg13[%swap3A_292, %swap3A_293], %swap3A_296 {strides = array<i32>} : memref<16x128xf32, #tpu.memory_space<vmem>>, vector<1x16xf32>,
    %swap3A_297 = arith.constant 6 : i32
    %swap3A_298 = arith.index_cast %swap3A_297 : i32 to index
    %swap3A_299 = arith.constant 16 : index
    %swap3A_300 = tpu.vector_load %arg13[%swap3A_298, %swap3A_299] {strides = array<i32>} : memref<16x128xf32, #tpu.memory_space<vmem>>, vector<1x16xf32>,
    %swap3A_301 = vector.shape_cast %swap3A_300 : vector<1x16xf32> to vector<16xf32>
    %swap3A_302 = vector.shape_cast %broadcast_in_dim3A_3 : vector<16xf32> to vector<1x16xf32>
    tpu.vector_store %arg13[%swap3A_298, %swap3A_299], %swap3A_302 {strides = array<i32>} : memref<16x128xf32, #tpu.memory_space<vmem>>, vector<1x16xf32>,
    %swap3A_303 = arith.constant 6 : i32
    %swap3A_304 = arith.index_cast %swap3A_303 : i32 to index
    %swap3A_305 = arith.constant 32 : index
    %swap3A_306 = tpu.vector_load %arg13[%swap3A_304, %swap3A_305] {strides = array<i32>} : memref<16x128xf32, #tpu.memory_space<vmem>>, vector<1x16xf32>,
    %swap3A_307 = vector.shape_cast %swap3A_306 : vector<1x16xf32> to vector<16xf32>
    %swap3A_308 = vector.shape_cast %broadcast_in_dim3A_3 : vector<16xf32> to vector<1x16xf32>
    tpu.vector_store %arg13[%swap3A_304, %swap3A_305], %swap3A_308 {strides = array<i32>} : memref<16x128xf32, #tpu.memory_space<vmem>>, vector<1x16xf32>,
    %swap3A_309 = arith.constant 6 : i32
    %swap3A_310 = arith.index_cast %swap3A_309 : i32 to index
    %swap3A_311 = arith.constant 48 : index
    %swap3A_312 = tpu.vector_load %arg13[%swap3A_310, %swap3A_311] {strides = array<i32>} : memref<16x128xf32, #tpu.memory_space<vmem>>, vector<1x16xf32>,
    %swap3A_313 = vector.shape_cast %swap3A_312 : vector<1x16xf32> to vector<16xf32>
    %swap3A_314 = vector.shape_cast %broadcast_in_dim3A_3 : vector<16xf32> to vector<1x16xf32>
    tpu.vector_store %arg13[%swap3A_310, %swap3A_311], %swap3A_314 {strides = array<i32>} : memref<16x128xf32, #tpu.memory_space<vmem>>, vector<1x16xf32>,
    %swap3A_315 = arith.constant 6 : i32
    %swap3A_316 = arith.index_cast %swap3A_315 : i32 to index
    %swap3A_317 = arith.constant 64 : index
    %swap3A_318 = tpu.vector_load %arg13[%swap3A_316, %swap3A_317] {strides = array<i32>} : memref<16x128xf32, #tpu.memory_space<vmem>>, vector<1x16xf32>,
    %swap3A_319 = vector.shape_cast %swap3A_318 : vector<1x16xf32> to vector<16xf32>
    %swap3A_320 = vector.shape_cast %broadcast_in_dim3A_3 : vector<16xf32> to vector<1x16xf32>
    tpu.vector_store %arg13[%swap3A_316, %swap3A_317], %swap3A_320 {strides = array<i32>} : memref<16x128xf32, #tpu.memory_space<vmem>>, vector<1x16xf32>,
    %swap3A_321 = arith.constant 6 : i32
    %swap3A_322 = arith.index_cast %swap3A_321 : i32 to index
    %swap3A_323 = arith.constant 80 : index
    %swap3A_324 = tpu.vector_load %arg13[%swap3A_322, %swap3A_323] {strides = array<i32>} : memref<16x128xf32, #tpu.memory_space<vmem>>, vector<1x16xf32>,
    %swap3A_325 = vector.shape_cast %swap3A_324 : vector<1x16xf32> to vector<16xf32>
    %swap3A_326 = vector.shape_cast %broadcast_in_dim3A_3 : vector<16xf32> to vector<1x16xf32>
    tpu.vector_store %arg13[%swap3A_322, %swap3A_323], %swap3A_326 {strides = array<i32>} : memref<16x128xf32, #tpu.memory_space<vmem>>, vector<1x16xf32>,
    %swap3A_327 = arith.constant 6 : i32
    %swap3A_328 = arith.index_cast %swap3A_327 : i32 to index
    %swap3A_329 = arith.constant 96 : index
    %swap3A_330 = tpu.vector_load %arg13[%swap3A_328, %swap3A_329] {strides = array<i32>} : memref<16x128xf32, #tpu.memory_space<vmem>>, vector<1x16xf32>,
    %swap3A_331 = vector.shape_cast %swap3A_330 : vector<1x16xf32> to vector<16xf32>
    %swap3A_332 = vector.shape_cast %broadcast_in_dim3A_3 : vector<16xf32> to vector<1x16xf32>
    tpu.vector_store %arg13[%swap3A_328, %swap3A_329], %swap3A_332 {strides = array<i32>} : memref<16x128xf32, #tpu.memory_space<vmem>>, vector<1x16xf32>,
    %swap3A_333 = arith.constant 6 : i32
    %swap3A_334 = arith.index_cast %swap3A_333 : i32 to index
    %swap3A_335 = arith.constant 112 : index
    %swap3A_336 = tpu.vector_load %arg13[%swap3A_334, %swap3A_335] {strides = array<i32>} : memref<16x128xf32, #tpu.memory_space<vmem>>, vector<1x16xf32>,
    %swap3A_337 = vector.shape_cast %swap3A_336 : vector<1x16xf32> to vector<16xf32>
    %swap3A_338 = vector.shape_cast %broadcast_in_dim3A_3 : vector<16xf32> to vector<1x16xf32>
    tpu.vector_store %arg13[%swap3A_334, %swap3A_335], %swap3A_338 {strides = array<i32>} : memref<16x128xf32, #tpu.memory_space<vmem>>, vector<1x16xf32>,
    %swap3A_339 = arith.constant 7 : i32
    %swap3A_340 = arith.index_cast %swap3A_339 : i32 to index
    %swap3A_341 = arith.constant 0 : index
    %swap3A_342 = tpu.vector_load %arg13[%swap3A_340, %swap3A_341] {strides = array<i32>} : memref<16x128xf32, #tpu.memory_space<vmem>>, vector<1x16xf32>,
    %swap3A_343 = vector.shape_cast %swap3A_342 : vector<1x16xf32> to vector<16xf32>
    %swap3A_344 = vector.shape_cast %broadcast_in_dim3A_3 : vector<16xf32> to vector<1x16xf32>
    tpu.vector_store %arg13[%swap3A_340, %swap3A_341], %swap3A_344 {strides = array<i32>} : memref<16x128xf32, #tpu.memory_space<vmem>>, vector<1x16xf32>,
    %swap3A_345 = arith.constant 7 : i32
    %swap3A_346 = arith.index_cast %swap3A_345 : i32 to index
    %swap3A_347 = arith.constant 16 : index
    %swap3A_348 = tpu.vector_load %arg13[%swap3A_346, %swap3A_347] {strides = array<i32>} : memref<16x128xf32, #tpu.memory_space<vmem>>, vector<1x16xf32>,
    %swap3A_349 = vector.shape_cast %swap3A_348 : vector<1x16xf32> to vector<16xf32>
    %swap3A_350 = vector.shape_cast %broadcast_in_dim3A_3 : vector<16xf32> to vector<1x16xf32>
    tpu.vector_store %arg13[%swap3A_346, %swap3A_347], %swap3A_350 {strides = array<i32>} : memref<16x128xf32, #tpu.memory_space<vmem>>, vector<1x16xf32>,
    %swap3A_351 = arith.constant 7 : i32
    %swap3A_352 = arith.index_cast %swap3A_351 : i32 to index
    %swap3A_353 = arith.constant 32 : index
    %swap3A_354 = tpu.vector_load %arg13[%swap3A_352, %swap3A_353] {strides = array<i32>} : memref<16x128xf32, #tpu.memory_space<vmem>>, vector<1x16xf32>,
    %swap3A_355 = vector.shape_cast %swap3A_354 : vector<1x16xf32> to vector<16xf32>
    %swap3A_356 = vector.shape_cast %broadcast_in_dim3A_3 : vector<16xf32> to vector<1x16xf32>
    tpu.vector_store %arg13[%swap3A_352, %swap3A_353], %swap3A_356 {strides = array<i32>} : memref<16x128xf32, #tpu.memory_space<vmem>>, vector<1x16xf32>,
    %swap3A_357 = arith.constant 7 : i32
    %swap3A_358 = arith.index_cast %swap3A_357 : i32 to index
    %swap3A_359 = arith.constant 48 : index
    %swap3A_360 = tpu.vector_load %arg13[%swap3A_358, %swap3A_359] {strides = array<i32>} : memref<16x128xf32, #tpu.memory_space<vmem>>, vector<1x16xf32>,
    %swap3A_361 = vector.shape_cast %swap3A_360 : vector<1x16xf32> to vector<16xf32>
    %swap3A_362 = vector.shape_cast %broadcast_in_dim3A_3 : vector<16xf32> to vector<1x16xf32>
    tpu.vector_store %arg13[%swap3A_358, %swap3A_359], %swap3A_362 {strides = array<i32>} : memref<16x128xf32, #tpu.memory_space<vmem>>, vector<1x16xf32>,
    %swap3A_363 = arith.constant 7 : i32
    %swap3A_364 = arith.index_cast %swap3A_363 : i32 to index
    %swap3A_365 = arith.constant 64 : index
    %swap3A_366 = tpu.vector_load %arg13[%swap3A_364, %swap3A_365] {strides = array<i32>} : memref<16x128xf32, #tpu.memory_space<vmem>>, vector<1x16xf32>,
    %swap3A_367 = vector.shape_cast %swap3A_366 : vector<1x16xf32> to vector<16xf32>
    %swap3A_368 = vector.shape_cast %broadcast_in_dim3A_3 : vector<16xf32> to vector<1x16xf32>
    tpu.vector_store %arg13[%swap3A_364, %swap3A_365], %swap3A_368 {strides = array<i32>} : memref<16x128xf32, #tpu.memory_space<vmem>>, vector<1x16xf32>,
    %swap3A_369 = arith.constant 7 : i32
    %swap3A_370 = arith.index_cast %swap3A_369 : i32 to index
    %swap3A_371 = arith.constant 80 : index
    %swap3A_372 = tpu.vector_load %arg13[%swap3A_370, %swap3A_371] {strides = array<i32>} : memref<16x128xf32, #tpu.memory_space<vmem>>, vector<1x16xf32>,
    %swap3A_373 = vector.shape_cast %swap3A_372 : vector<1x16xf32> to vector<16xf32>
    %swap3A_374 = vector.shape_cast %broadcast_in_dim3A_3 : vector<16xf32> to vector<1x16xf32>
    tpu.vector_store %arg13[%swap3A_370, %swap3A_371], %swap3A_374 {strides = array<i32>} : memref<16x128xf32, #tpu.memory_space<vmem>>, vector<1x16xf32>,
    %swap3A_375 = arith.constant 7 : i32
    %swap3A_376 = arith.index_cast %swap3A_375 : i32 to index
    %swap3A_377 = arith.constant 96 : index
    %swap3A_378 = tpu.vector_load %arg13[%swap3A_376, %swap3A_377] {strides = array<i32>} : memref<16x128xf32, #tpu.memory_space<vmem>>, vector<1x16xf32>,
    %swap3A_379 = vector.shape_cast %swap3A_378 : vector<1x16xf32> to vector<16xf32>
    %swap3A_380 = vector.shape_cast %broadcast_in_dim3A_3 : vector<16xf32> to vector<1x16xf32>
    tpu.vector_store %arg13[%swap3A_376, %swap3A_377], %swap3A_380 {strides = array<i32>} : memref<16x128xf32, #tpu.memory_space<vmem>>, vector<1x16xf32>,
    %swap3A_381 = arith.constant 7 : i32
    %swap3A_382 = arith.index_cast %swap3A_381 : i32 to index
    %swap3A_383 = arith.constant 112 : index
    %swap3A_384 = tpu.vector_load %arg13[%swap3A_382, %swap3A_383] {strides = array<i32>} : memref<16x128xf32, #tpu.memory_space<vmem>>, vector<1x16xf32>,
    %swap3A_385 = vector.shape_cast %swap3A_384 : vector<1x16xf32> to vector<16xf32>
    %swap3A_386 = vector.shape_cast %broadcast_in_dim3A_3 : vector<16xf32> to vector<1x16xf32>
    tpu.vector_store %arg13[%swap3A_382, %swap3A_383], %swap3A_386 {strides = array<i32>} : memref<16x128xf32, #tpu.memory_space<vmem>>, vector<1x16xf32>,
    %swap3A_387 = arith.constant 8 : i32
    %swap3A_388 = arith.index_cast %swap3A_387 : i32 to index
    %swap3A_389 = arith.constant 0 : index
    %swap3A_390 = tpu.vector_load %arg13[%swap3A_388, %swap3A_389] {strides = array<i32>} : memref<16x128xf32, #tpu.memory_space<vmem>>, vector<1x16xf32>,
    %swap3A_391 = vector.shape_cast %swap3A_390 : vector<1x16xf32> to vector<16xf32>
    %swap3A_392 = vector.shape_cast %broadcast_in_dim3A_3 : vector<16xf32> to vector<1x16xf32>
    tpu.vector_store %arg13[%swap3A_388, %swap3A_389], %swap3A_392 {strides = array<i32>} : memref<16x128xf32, #tpu.memory_space<vmem>>, vector<1x16xf32>,
    %swap3A_393 = arith.constant 8 : i32
    %swap3A_394 = arith.index_cast %swap3A_393 : i32 to index
    %swap3A_395 = arith.constant 16 : index
    %swap3A_396 = tpu.vector_load %arg13[%swap3A_394, %swap3A_395] {strides = array<i32>} : memref<16x128xf32, #tpu.memory_space<vmem>>, vector<1x16xf32>,
    %swap3A_397 = vector.shape_cast %swap3A_396 : vector<1x16xf32> to vector<16xf32>
    %swap3A_398 = vector.shape_cast %broadcast_in_dim3A_3 : vector<16xf32> to vector<1x16xf32>
    tpu.vector_store %arg13[%swap3A_394, %swap3A_395], %swap3A_398 {strides = array<i32>} : memref<16x128xf32, #tpu.memory_space<vmem>>, vector<1x16xf32>,
    %swap3A_399 = arith.constant 8 : i32
    %swap3A_400 = arith.index_cast %swap3A_399 : i32 to index
    %swap3A_401 = arith.constant 32 : index
    %swap3A_402 = tpu.vector_load %arg13[%swap3A_400, %swap3A_401] {strides = array<i32>} : memref<16x128xf32, #tpu.memory_space<vmem>>, vector<1x16xf32>,
    %swap3A_403 = vector.shape_cast %swap3A_402 : vector<1x16xf32> to vector<16xf32>
    %swap3A_404 = vector.shape_cast %broadcast_in_dim3A_3 : vector<16xf32> to vector<1x16xf32>
    tpu.vector_store %arg13[%swap3A_400, %swap3A_401], %swap3A_404 {strides = array<i32>} : memref<16x128xf32, #tpu.memory_space<vmem>>, vector<1x16xf32>,
    %swap3A_405 = arith.constant 8 : i32
    %swap3A_406 = arith.index_cast %swap3A_405 : i32 to index
    %swap3A_407 = arith.constant 48 : index
    %swap3A_408 = tpu.vector_load %arg13[%swap3A_406, %swap3A_407] {strides = array<i32>} : memref<16x128xf32, #tpu.memory_space<vmem>>, vector<1x16xf32>,
    %swap3A_409 = vector.shape_cast %swap3A_408 : vector<1x16xf32> to vector<16xf32>
    %swap3A_410 = vector.shape_cast %broadcast_in_dim3A_3 : vector<16xf32> to vector<1x16xf32>
    tpu.vector_store %arg13[%swap3A_406, %swap3A_407], %swap3A_410 {strides = array<i32>} : memref<16x128xf32, #tpu.memory_space<vmem>>, vector<1x16xf32>,
    %swap3A_411 = arith.constant 8 : i32
    %swap3A_412 = arith.index_cast %swap3A_411 : i32 to index
    %swap3A_413 = arith.constant 64 : index
    %swap3A_414 = tpu.vector_load %arg13[%swap3A_412, %swap3A_413] {strides = array<i32>} : memref<16x128xf32, #tpu.memory_space<vmem>>, vector<1x16xf32>,
    %swap3A_415 = vector.shape_cast %swap3A_414 : vector<1x16xf32> to vector<16xf32>
    %swap3A_416 = vector.shape_cast %broadcast_in_dim3A_3 : vector<16xf32> to vector<1x16xf32>
    tpu.vector_store %arg13[%swap3A_412, %swap3A_413], %swap3A_416 {strides = array<i32>} : memref<16x128xf32, #tpu.memory_space<vmem>>, vector<1x16xf32>,
    %swap3A_417 = arith.constant 8 : i32
    %swap3A_418 = arith.index_cast %swap3A_417 : i32 to index
    %swap3A_419 = arith.constant 80 : index
    %swap3A_420 = tpu.vector_load %arg13[%swap3A_418, %swap3A_419] {strides = array<i32>} : memref<16x128xf32, #tpu.memory_space<vmem>>, vector<1x16xf32>,
    %swap3A_421 = vector.shape_cast %swap3A_420 : vector<1x16xf32> to vector<16xf32>
    %swap3A_422 = vector.shape_cast %broadcast_in_dim3A_3 : vector<16xf32> to vector<1x16xf32>
    tpu.vector_store %arg13[%swap3A_418, %swap3A_419], %swap3A_422 {strides = array<i32>} : memref<16x128xf32, #tpu.memory_space<vmem>>, vector<1x16xf32>,
    %swap3A_423 = arith.constant 8 : i32
    %swap3A_424 = arith.index_cast %swap3A_423 : i32 to index
    %swap3A_425 = arith.constant 96 : index
    %swap3A_426 = tpu.vector_load %arg13[%swap3A_424, %swap3A_425] {strides = array<i32>} : memref<16x128xf32, #tpu.memory_space<vmem>>, vector<1x16xf32>,
    %swap3A_427 = vector.shape_cast %swap3A_426 : vector<1x16xf32> to vector<16xf32>
    %swap3A_428 = vector.shape_cast %broadcast_in_dim3A_3 : vector<16xf32> to vector<1x16xf32>
    tpu.vector_store %arg13[%swap3A_424, %swap3A_425], %swap3A_428 {strides = array<i32>} : memref<16x128xf32, #tpu.memory_space<vmem>>, vector<1x16xf32>,
    %swap3A_429 = arith.constant 8 : i32
    %swap3A_430 = arith.index_cast %swap3A_429 : i32 to index
    %swap3A_431 = arith.constant 112 : index
    %swap3A_432 = tpu.vector_load %arg13[%swap3A_430, %swap3A_431] {strides = array<i32>} : memref<16x128xf32, #tpu.memory_space<vmem>>, vector<1x16xf32>,
    %swap3A_433 = vector.shape_cast %swap3A_432 : vector<1x16xf32> to vector<16xf32>
    %swap3A_434 = vector.shape_cast %broadcast_in_dim3A_3 : vector<16xf32> to vector<1x16xf32>
    tpu.vector_store %arg13[%swap3A_430, %swap3A_431], %swap3A_434 {strides = array<i32>} : memref<16x128xf32, #tpu.memory_space<vmem>>, vector<1x16xf32>,
    %swap3A_435 = arith.constant 9 : i32
    %swap3A_436 = arith.index_cast %swap3A_435 : i32 to index
    %swap3A_437 = arith.constant 0 : index
    %swap3A_438 = tpu.vector_load %arg13[%swap3A_436, %swap3A_437] {strides = array<i32>} : memref<16x128xf32, #tpu.memory_space<vmem>>, vector<1x16xf32>,
    %swap3A_439 = vector.shape_cast %swap3A_438 : vector<1x16xf32> to vector<16xf32>
    %swap3A_440 = vector.shape_cast %broadcast_in_dim3A_3 : vector<16xf32> to vector<1x16xf32>
    tpu.vector_store %arg13[%swap3A_436, %swap3A_437], %swap3A_440 {strides = array<i32>} : memref<16x128xf32, #tpu.memory_space<vmem>>, vector<1x16xf32>,
    %swap3A_441 = arith.constant 9 : i32
    %swap3A_442 = arith.index_cast %swap3A_441 : i32 to index
    %swap3A_443 = arith.constant 16 : index
    %swap3A_444 = tpu.vector_load %arg13[%swap3A_442, %swap3A_443] {strides = array<i32>} : memref<16x128xf32, #tpu.memory_space<vmem>>, vector<1x16xf32>,
    %swap3A_445 = vector.shape_cast %swap3A_444 : vector<1x16xf32> to vector<16xf32>
    %swap3A_446 = vector.shape_cast %broadcast_in_dim3A_3 : vector<16xf32> to vector<1x16xf32>
    tpu.vector_store %arg13[%swap3A_442, %swap3A_443], %swap3A_446 {strides = array<i32>} : memref<16x128xf32, #tpu.memory_space<vmem>>, vector<1x16xf32>,
    %swap3A_447 = arith.constant 9 : i32
    %swap3A_448 = arith.index_cast %swap3A_447 : i32 to index
    %swap3A_449 = arith.constant 32 : index
    %swap3A_450 = tpu.vector_load %arg13[%swap3A_448, %swap3A_449] {strides = array<i32>} : memref<16x128xf32, #tpu.memory_space<vmem>>, vector<1x16xf32>,
    %swap3A_451 = vector.shape_cast %swap3A_450 : vector<1x16xf32> to vector<16xf32>
    %swap3A_452 = vector.shape_cast %broadcast_in_dim3A_3 : vector<16xf32> to vector<1x16xf32>
    tpu.vector_store %arg13[%swap3A_448, %swap3A_449], %swap3A_452 {strides = array<i32>} : memref<16x128xf32, #tpu.memory_space<vmem>>, vector<1x16xf32>,
    %swap3A_453 = arith.constant 9 : i32
    %swap3A_454 = arith.index_cast %swap3A_453 : i32 to index
    %swap3A_455 = arith.constant 48 : index
    %swap3A_456 = tpu.vector_load %arg13[%swap3A_454, %swap3A_455] {strides = array<i32>} : memref<16x128xf32, #tpu.memory_space<vmem>>, vector<1x16xf32>,
    %swap3A_457 = vector.shape_cast %swap3A_456 : vector<1x16xf32> to vector<16xf32>
    %swap3A_458 = vector.shape_cast %broadcast_in_dim3A_3 : vector<16xf32> to vector<1x16xf32>
    tpu.vector_store %arg13[%swap3A_454, %swap3A_455], %swap3A_458 {strides = array<i32>} : memref<16x128xf32, #tpu.memory_space<vmem>>, vector<1x16xf32>,
    %swap3A_459 = arith.constant 9 : i32
    %swap3A_460 = arith.index_cast %swap3A_459 : i32 to index
    %swap3A_461 = arith.constant 64 : index
    %swap3A_462 = tpu.vector_load %arg13[%swap3A_460, %swap3A_461] {strides = array<i32>} : memref<16x128xf32, #tpu.memory_space<vmem>>, vector<1x16xf32>,
    %swap3A_463 = vector.shape_cast %swap3A_462 : vector<1x16xf32> to vector<16xf32>
    %swap3A_464 = vector.shape_cast %broadcast_in_dim3A_3 : vector<16xf32> to vector<1x16xf32>
    tpu.vector_store %arg13[%swap3A_460, %swap3A_461], %swap3A_464 {strides = array<i32>} : memref<16x128xf32, #tpu.memory_space<vmem>>, vector<1x16xf32>,
    %swap3A_465 = arith.constant 9 : i32
    %swap3A_466 = arith.index_cast %swap3A_465 : i32 to index
    %swap3A_467 = arith.constant 80 : index
    %swap3A_468 = tpu.vector_load %arg13[%swap3A_466, %swap3A_467] {strides = array<i32>} : memref<16x128xf32, #tpu.memory_space<vmem>>, vector<1x16xf32>,
    %swap3A_469 = vector.shape_cast %swap3A_468 : vector<1x16xf32> to vector<16xf32>
    %swap3A_470 = vector.shape_cast %broadcast_in_dim3A_3 : vector<16xf32> to vector<1x16xf32>
    tpu.vector_store %arg13[%swap3A_466, %swap3A_467], %swap3A_470 {strides = array<i32>} : memref<16x128xf32, #tpu.memory_space<vmem>>, vector<1x16xf32>,
    %swap3A_471 = arith.constant 9 : i32
    %swap3A_472 = arith.index_cast %swap3A_471 : i32 to index
    %swap3A_473 = arith.constant 96 : index
    %swap3A_474 = tpu.vector_load %arg13[%swap3A_472, %swap3A_473] {strides = array<i32>} : memref<16x128xf32, #tpu.memory_space<vmem>>, vector<1x16xf32>,
    %swap3A_475 = vector.shape_cast %swap3A_474 : vector<1x16xf32> to vector<16xf32>
    %swap3A_476 = vector.shape_cast %broadcast_in_dim3A_3 : vector<16xf32> to vector<1x16xf32>
    tpu.vector_store %arg13[%swap3A_472, %swap3A_473], %swap3A_476 {strides = array<i32>} : memref<16x128xf32, #tpu.memory_space<vmem>>, vector<1x16xf32>,
    %swap3A_477 = arith.constant 9 : i32
    %swap3A_478 = arith.index_cast %swap3A_477 : i32 to index
    %swap3A_479 = arith.constant 112 : index
    %swap3A_480 = tpu.vector_load %arg13[%swap3A_478, %swap3A_479] {strides = array<i32>} : memref<16x128xf32, #tpu.memory_space<vmem>>, vector<1x16xf32>,
    %swap3A_481 = vector.shape_cast %swap3A_480 : vector<1x16xf32> to vector<16xf32>
    %swap3A_482 = vector.shape_cast %broadcast_in_dim3A_3 : vector<16xf32> to vector<1x16xf32>
    tpu.vector_store %arg13[%swap3A_478, %swap3A_479], %swap3A_482 {strides = array<i32>} : memref<16x128xf32, #tpu.memory_space<vmem>>, vector<1x16xf32>,
    %swap3A_483 = arith.constant 10 : i32
    %swap3A_484 = arith.index_cast %swap3A_483 : i32 to index
    %swap3A_485 = arith.constant 0 : index
    %swap3A_486 = tpu.vector_load %arg13[%swap3A_484, %swap3A_485] {strides = array<i32>} : memref<16x128xf32, #tpu.memory_space<vmem>>, vector<1x16xf32>,
    %swap3A_487 = vector.shape_cast %swap3A_486 : vector<1x16xf32> to vector<16xf32>
    %swap3A_488 = vector.shape_cast %broadcast_in_dim3A_3 : vector<16xf32> to vector<1x16xf32>
    tpu.vector_store %arg13[%swap3A_484, %swap3A_485], %swap3A_488 {strides = array<i32>} : memref<16x128xf32, #tpu.memory_space<vmem>>, vector<1x16xf32>,
    %swap3A_489 = arith.constant 10 : i32
    %swap3A_490 = arith.index_cast %swap3A_489 : i32 to index
    %swap3A_491 = arith.constant 16 : index
    %swap3A_492 = tpu.vector_load %arg13[%swap3A_490, %swap3A_491] {strides = array<i32>} : memref<16x128xf32, #tpu.memory_space<vmem>>, vector<1x16xf32>,
    %swap3A_493 = vector.shape_cast %swap3A_492 : vector<1x16xf32> to vector<16xf32>
    %swap3A_494 = vector.shape_cast %broadcast_in_dim3A_3 : vector<16xf32> to vector<1x16xf32>
    tpu.vector_store %arg13[%swap3A_490, %swap3A_491], %swap3A_494 {strides = array<i32>} : memref<16x128xf32, #tpu.memory_space<vmem>>, vector<1x16xf32>,
    %swap3A_495 = arith.constant 10 : i32
    %swap3A_496 = arith.index_cast %swap3A_495 : i32 to index
    %swap3A_497 = arith.constant 32 : index
    %swap3A_498 = tpu.vector_load %arg13[%swap3A_496, %swap3A_497] {strides = array<i32>} : memref<16x128xf32, #tpu.memory_space<vmem>>, vector<1x16xf32>,
    %swap3A_499 = vector.shape_cast %swap3A_498 : vector<1x16xf32> to vector<16xf32>
    %swap3A_500 = vector.shape_cast %broadcast_in_dim3A_3 : vector<16xf32> to vector<1x16xf32>
    tpu.vector_store %arg13[%swap3A_496, %swap3A_497], %swap3A_500 {strides = array<i32>} : memref<16x128xf32, #tpu.memory_space<vmem>>, vector<1x16xf32>,
    %swap3A_501 = arith.constant 10 : i32
    %swap3A_502 = arith.index_cast %swap3A_501 : i32 to index
    %swap3A_503 = arith.constant 48 : index
    %swap3A_504 = tpu.vector_load %arg13[%swap3A_502, %swap3A_503] {strides = array<i32>} : memref<16x128xf32, #tpu.memory_space<vmem>>, vector<1x16xf32>,
    %swap3A_505 = vector.shape_cast %swap3A_504 : vector<1x16xf32> to vector<16xf32>
    %swap3A_506 = vector.shape_cast %broadcast_in_dim3A_3 : vector<16xf32> to vector<1x16xf32>
    tpu.vector_store %arg13[%swap3A_502, %swap3A_503], %swap3A_506 {strides = array<i32>} : memref<16x128xf32, #tpu.memory_space<vmem>>, vector<1x16xf32>,
    %swap3A_507 = arith.constant 10 : i32
    %swap3A_508 = arith.index_cast %swap3A_507 : i32 to index
    %swap3A_509 = arith.constant 64 : index
    %swap3A_510 = tpu.vector_load %arg13[%swap3A_508, %swap3A_509] {strides = array<i32>} : memref<16x128xf32, #tpu.memory_space<vmem>>, vector<1x16xf32>,
    %swap3A_511 = vector.shape_cast %swap3A_510 : vector<1x16xf32> to vector<16xf32>
    %swap3A_512 = vector.shape_cast %broadcast_in_dim3A_3 : vector<16xf32> to vector<1x16xf32>
    tpu.vector_store %arg13[%swap3A_508, %swap3A_509], %swap3A_512 {strides = array<i32>} : memref<16x128xf32, #tpu.memory_space<vmem>>, vector<1x16xf32>,
    %swap3A_513 = arith.constant 10 : i32
    %swap3A_514 = arith.index_cast %swap3A_513 : i32 to index
    %swap3A_515 = arith.constant 80 : index
    %swap3A_516 = tpu.vector_load %arg13[%swap3A_514, %swap3A_515] {strides = array<i32>} : memref<16x128xf32, #tpu.memory_space<vmem>>, vector<1x16xf32>,
    %swap3A_517 = vector.shape_cast %swap3A_516 : vector<1x16xf32> to vector<16xf32>
    %swap3A_518 = vector.shape_cast %broadcast_in_dim3A_3 : vector<16xf32> to vector<1x16xf32>
    tpu.vector_store %arg13[%swap3A_514, %swap3A_515], %swap3A_518 {strides = array<i32>} : memref<16x128xf32, #tpu.memory_space<vmem>>, vector<1x16xf32>,
    %swap3A_519 = arith.constant 10 : i32
    %swap3A_520 = arith.index_cast %swap3A_519 : i32 to index
    %swap3A_521 = arith.constant 96 : index
    %swap3A_522 = tpu.vector_load %arg13[%swap3A_520, %swap3A_521] {strides = array<i32>} : memref<16x128xf32, #tpu.memory_space<vmem>>, vector<1x16xf32>,
    %swap3A_523 = vector.shape_cast %swap3A_522 : vector<1x16xf32> to vector<16xf32>
    %swap3A_524 = vector.shape_cast %broadcast_in_dim3A_3 : vector<16xf32> to vector<1x16xf32>
    tpu.vector_store %arg13[%swap3A_520, %swap3A_521], %swap3A_524 {strides = array<i32>} : memref<16x128xf32, #tpu.memory_space<vmem>>, vector<1x16xf32>,
    %swap3A_525 = arith.constant 10 : i32
    %swap3A_526 = arith.index_cast %swap3A_525 : i32 to index
    %swap3A_527 = arith.constant 112 : index
    %swap3A_528 = tpu.vector_load %arg13[%swap3A_526, %swap3A_527] {strides = array<i32>} : memref<16x128xf32, #tpu.memory_space<vmem>>, vector<1x16xf32>,
    %swap3A_529 = vector.shape_cast %swap3A_528 : vector<1x16xf32> to vector<16xf32>
    %swap3A_530 = vector.shape_cast %broadcast_in_dim3A_3 : vector<16xf32> to vector<1x16xf32>
    tpu.vector_store %arg13[%swap3A_526, %swap3A_527], %swap3A_530 {strides = array<i32>} : memref<16x128xf32, #tpu.memory_space<vmem>>, vector<1x16xf32>,
    %swap3A_531 = arith.constant 11 : i32
    %swap3A_532 = arith.index_cast %swap3A_531 : i32 to index
    %swap3A_533 = arith.constant 0 : index
    %swap3A_534 = tpu.vector_load %arg13[%swap3A_532, %swap3A_533] {strides = array<i32>} : memref<16x128xf32, #tpu.memory_space<vmem>>, vector<1x16xf32>,
    %swap3A_535 = vector.shape_cast %swap3A_534 : vector<1x16xf32> to vector<16xf32>
    %swap3A_536 = vector.shape_cast %broadcast_in_dim3A_3 : vector<16xf32> to vector<1x16xf32>
    tpu.vector_store %arg13[%swap3A_532, %swap3A_533], %swap3A_536 {strides = array<i32>} : memref<16x128xf32, #tpu.memory_space<vmem>>, vector<1x16xf32>,
    %swap3A_537 = arith.constant 11 : i32
    %swap3A_538 = arith.index_cast %swap3A_537 : i32 to index
    %swap3A_539 = arith.constant 16 : index
    %swap3A_540 = tpu.vector_load %arg13[%swap3A_538, %swap3A_539] {strides = array<i32>} : memref<16x128xf32, #tpu.memory_space<vmem>>, vector<1x16xf32>,
    %swap3A_541 = vector.shape_cast %swap3A_540 : vector<1x16xf32> to vector<16xf32>
    %swap3A_542 = vector.shape_cast %broadcast_in_dim3A_3 : vector<16xf32> to vector<1x16xf32>
    tpu.vector_store %arg13[%swap3A_538, %swap3A_539], %swap3A_542 {strides = array<i32>} : memref<16x128xf32, #tpu.memory_space<vmem>>, vector<1x16xf32>,
    %swap3A_543 = arith.constant 11 : i32
    %swap3A_544 = arith.index_cast %swap3A_543 : i32 to index
    %swap3A_545 = arith.constant 32 : index
    %swap3A_546 = tpu.vector_load %arg13[%swap3A_544, %swap3A_545] {strides = array<i32>} : memref<16x128xf32, #tpu.memory_space<vmem>>, vector<1x16xf32>,
    %swap3A_547 = vector.shape_cast %swap3A_546 : vector<1x16xf32> to vector<16xf32>
    %swap3A_548 = vector.shape_cast %broadcast_in_dim3A_3 : vector<16xf32> to vector<1x16xf32>
    tpu.vector_store %arg13[%swap3A_544, %swap3A_545], %swap3A_548 {strides = array<i32>} : memref<16x128xf32, #tpu.memory_space<vmem>>, vector<1x16xf32>,
    %swap3A_549 = arith.constant 11 : i32
    %swap3A_550 = arith.index_cast %swap3A_549 : i32 to index
    %swap3A_551 = arith.constant 48 : index
    %swap3A_552 = tpu.vector_load %arg13[%swap3A_550, %swap3A_551] {strides = array<i32>} : memref<16x128xf32, #tpu.memory_space<vmem>>, vector<1x16xf32>,
    %swap3A_553 = vector.shape_cast %swap3A_552 : vector<1x16xf32> to vector<16xf32>
    %swap3A_554 = vector.shape_cast %broadcast_in_dim3A_3 : vector<16xf32> to vector<1x16xf32>
    tpu.vector_store %arg13[%swap3A_550, %swap3A_551], %swap3A_554 {strides = array<i32>} : memref<16x128xf32, #tpu.memory_space<vmem>>, vector<1x16xf32>,
    %swap3A_555 = arith.constant 11 : i32
    %swap3A_556 = arith.index_cast %swap3A_555 : i32 to index
    %swap3A_557 = arith.constant 64 : index
    %swap3A_558 = tpu.vector_load %arg13[%swap3A_556, %swap3A_557] {strides = array<i32>} : memref<16x128xf32, #tpu.memory_space<vmem>>, vector<1x16xf32>,
    %swap3A_559 = vector.shape_cast %swap3A_558 : vector<1x16xf32> to vector<16xf32>
    %swap3A_560 = vector.shape_cast %broadcast_in_dim3A_3 : vector<16xf32> to vector<1x16xf32>
    tpu.vector_store %arg13[%swap3A_556, %swap3A_557], %swap3A_560 {strides = array<i32>} : memref<16x128xf32, #tpu.memory_space<vmem>>, vector<1x16xf32>,
    %swap3A_561 = arith.constant 11 : i32
    %swap3A_562 = arith.index_cast %swap3A_561 : i32 to index
    %swap3A_563 = arith.constant 80 : index
    %swap3A_564 = tpu.vector_load %arg13[%swap3A_562, %swap3A_563] {strides = array<i32>} : memref<16x128xf32, #tpu.memory_space<vmem>>, vector<1x16xf32>,
    %swap3A_565 = vector.shape_cast %swap3A_564 : vector<1x16xf32> to vector<16xf32>
    %swap3A_566 = vector.shape_cast %broadcast_in_dim3A_3 : vector<16xf32> to vector<1x16xf32>
    tpu.vector_store %arg13[%swap3A_562, %swap3A_563], %swap3A_566 {strides = array<i32>} : memref<16x128xf32, #tpu.memory_space<vmem>>, vector<1x16xf32>,
    %swap3A_567 = arith.constant 11 : i32
    %swap3A_568 = arith.index_cast %swap3A_567 : i32 to index
    %swap3A_569 = arith.constant 96 : index
    %swap3A_570 = tpu.vector_load %arg13[%swap3A_568, %swap3A_569] {strides = array<i32>} : memref<16x128xf32, #tpu.memory_space<vmem>>, vector<1x16xf32>,
    %swap3A_571 = vector.shape_cast %swap3A_570 : vector<1x16xf32> to vector<16xf32>
    %swap3A_572 = vector.shape_cast %broadcast_in_dim3A_3 : vector<16xf32> to vector<1x16xf32>
    tpu.vector_store %arg13[%swap3A_568, %swap3A_569], %swap3A_572 {strides = array<i32>} : memref<16x128xf32, #tpu.memory_space<vmem>>, vector<1x16xf32>,
    %swap3A_573 = arith.constant 11 : i32
    %swap3A_574 = arith.index_cast %swap3A_573 : i32 to index
    %swap3A_575 = arith.constant 112 : index
    %swap3A_576 = tpu.vector_load %arg13[%swap3A_574, %swap3A_575] {strides = array<i32>} : memref<16x128xf32, #tpu.memory_space<vmem>>, vector<1x16xf32>,
    %swap3A_577 = vector.shape_cast %swap3A_576 : vector<1x16xf32> to vector<16xf32>
    %swap3A_578 = vector.shape_cast %broadcast_in_dim3A_3 : vector<16xf32> to vector<1x16xf32>
    tpu.vector_store %arg13[%swap3A_574, %swap3A_575], %swap3A_578 {strides = array<i32>} : memref<16x128xf32, #tpu.memory_space<vmem>>, vector<1x16xf32>,
    %swap3A_579 = arith.constant 12 : i32
    %swap3A_580 = arith.index_cast %swap3A_579 : i32 to index
    %swap3A_581 = arith.constant 0 : index
    %swap3A_582 = tpu.vector_load %arg13[%swap3A_580, %swap3A_581] {strides = array<i32>} : memref<16x128xf32, #tpu.memory_space<vmem>>, vector<1x16xf32>,
    %swap3A_583 = vector.shape_cast %swap3A_582 : vector<1x16xf32> to vector<16xf32>
    %swap3A_584 = vector.shape_cast %broadcast_in_dim3A_3 : vector<16xf32> to vector<1x16xf32>
    tpu.vector_store %arg13[%swap3A_580, %swap3A_581], %swap3A_584 {strides = array<i32>} : memref<16x128xf32, #tpu.memory_space<vmem>>, vector<1x16xf32>,
    %swap3A_585 = arith.constant 12 : i32
    %swap3A_586 = arith.index_cast %swap3A_585 : i32 to index
    %swap3A_587 = arith.constant 16 : index
    %swap3A_588 = tpu.vector_load %arg13[%swap3A_586, %swap3A_587] {strides = array<i32>} : memref<16x128xf32, #tpu.memory_space<vmem>>, vector<1x16xf32>,
    %swap3A_589 = vector.shape_cast %swap3A_588 : vector<1x16xf32> to vector<16xf32>
    %swap3A_590 = vector.shape_cast %broadcast_in_dim3A_3 : vector<16xf32> to vector<1x16xf32>
    tpu.vector_store %arg13[%swap3A_586, %swap3A_587], %swap3A_590 {strides = array<i32>} : memref<16x128xf32, #tpu.memory_space<vmem>>, vector<1x16xf32>,
    %swap3A_591 = arith.constant 12 : i32
    %swap3A_592 = arith.index_cast %swap3A_591 : i32 to index
    %swap3A_593 = arith.constant 32 : index
    %swap3A_594 = tpu.vector_load %arg13[%swap3A_592, %swap3A_593] {strides = array<i32>} : memref<16x128xf32, #tpu.memory_space<vmem>>, vector<1x16xf32>,
    %swap3A_595 = vector.shape_cast %swap3A_594 : vector<1x16xf32> to vector<16xf32>
    %swap3A_596 = vector.shape_cast %broadcast_in_dim3A_3 : vector<16xf32> to vector<1x16xf32>
    tpu.vector_store %arg13[%swap3A_592, %swap3A_593], %swap3A_596 {strides = array<i32>} : memref<16x128xf32, #tpu.memory_space<vmem>>, vector<1x16xf32>,
    %swap3A_597 = arith.constant 12 : i32
    %swap3A_598 = arith.index_cast %swap3A_597 : i32 to index
    %swap3A_599 = arith.constant 48 : index
    %swap3A_600 = tpu.vector_load %arg13[%swap3A_598, %swap3A_599] {strides = array<i32>} : memref<16x128xf32, #tpu.memory_space<vmem>>, vector<1x16xf32>,
    %swap3A_601 = vector.shape_cast %swap3A_600 : vector<1x16xf32> to vector<16xf32>
    %swap3A_602 = vector.shape_cast %broadcast_in_dim3A_3 : vector<16xf32> to vector<1x16xf32>
    tpu.vector_store %arg13[%swap3A_598, %swap3A_599], %swap3A_602 {strides = array<i32>} : memref<16x128xf32, #tpu.memory_space<vmem>>, vector<1x16xf32>,
    %swap3A_603 = arith.constant 12 : i32
    %swap3A_604 = arith.index_cast %swap3A_603 : i32 to index
    %swap3A_605 = arith.constant 64 : index
    %swap3A_606 = tpu.vector_load %arg13[%swap3A_604, %swap3A_605] {strides = array<i32>} : memref<16x128xf32, #tpu.memory_space<vmem>>, vector<1x16xf32>,
    %swap3A_607 = vector.shape_cast %swap3A_606 : vector<1x16xf32> to vector<16xf32>
    %swap3A_608 = vector.shape_cast %broadcast_in_dim3A_3 : vector<16xf32> to vector<1x16xf32>
    tpu.vector_store %arg13[%swap3A_604, %swap3A_605], %swap3A_608 {strides = array<i32>} : memref<16x128xf32, #tpu.memory_space<vmem>>, vector<1x16xf32>,
    %swap3A_609 = arith.constant 12 : i32
    %swap3A_610 = arith.index_cast %swap3A_609 : i32 to index
    %swap3A_611 = arith.constant 80 : index
    %swap3A_612 = tpu.vector_load %arg13[%swap3A_610, %swap3A_611] {strides = array<i32>} : memref<16x128xf32, #tpu.memory_space<vmem>>, vector<1x16xf32>,
    %swap3A_613 = vector.shape_cast %swap3A_612 : vector<1x16xf32> to vector<16xf32>
    %swap3A_614 = vector.shape_cast %broadcast_in_dim3A_3 : vector<16xf32> to vector<1x16xf32>
    tpu.vector_store %arg13[%swap3A_610, %swap3A_611], %swap3A_614 {strides = array<i32>} : memref<16x128xf32, #tpu.memory_space<vmem>>, vector<1x16xf32>,
    %swap3A_615 = arith.constant 12 : i32
    %swap3A_616 = arith.index_cast %swap3A_615 : i32 to index
    %swap3A_617 = arith.constant 96 : index
    %swap3A_618 = tpu.vector_load %arg13[%swap3A_616, %swap3A_617] {strides = array<i32>} : memref<16x128xf32, #tpu.memory_space<vmem>>, vector<1x16xf32>,
    %swap3A_619 = vector.shape_cast %swap3A_618 : vector<1x16xf32> to vector<16xf32>
    %swap3A_620 = vector.shape_cast %broadcast_in_dim3A_3 : vector<16xf32> to vector<1x16xf32>
    tpu.vector_store %arg13[%swap3A_616, %swap3A_617], %swap3A_620 {strides = array<i32>} : memref<16x128xf32, #tpu.memory_space<vmem>>, vector<1x16xf32>,
    %swap3A_621 = arith.constant 12 : i32
    %swap3A_622 = arith.index_cast %swap3A_621 : i32 to index
    %swap3A_623 = arith.constant 112 : index
    %swap3A_624 = tpu.vector_load %arg13[%swap3A_622, %swap3A_623] {strides = array<i32>} : memref<16x128xf32, #tpu.memory_space<vmem>>, vector<1x16xf32>,
    %swap3A_625 = vector.shape_cast %swap3A_624 : vector<1x16xf32> to vector<16xf32>
    %swap3A_626 = vector.shape_cast %broadcast_in_dim3A_3 : vector<16xf32> to vector<1x16xf32>
    tpu.vector_store %arg13[%swap3A_622, %swap3A_623], %swap3A_626 {strides = array<i32>} : memref<16x128xf32, #tpu.memory_space<vmem>>, vector<1x16xf32>,
    %swap3A_627 = arith.constant 13 : i32
    %swap3A_628 = arith.index_cast %swap3A_627 : i32 to index
    %swap3A_629 = arith.constant 0 : index
    %swap3A_630 = tpu.vector_load %arg13[%swap3A_628, %swap3A_629] {strides = array<i32>} : memref<16x128xf32, #tpu.memory_space<vmem>>, vector<1x16xf32>,
    %swap3A_631 = vector.shape_cast %swap3A_630 : vector<1x16xf32> to vector<16xf32>
    %swap3A_632 = vector.shape_cast %broadcast_in_dim3A_3 : vector<16xf32> to vector<1x16xf32>
    tpu.vector_store %arg13[%swap3A_628, %swap3A_629], %swap3A_632 {strides = array<i32>} : memref<16x128xf32, #tpu.memory_space<vmem>>, vector<1x16xf32>,
    %swap3A_633 = arith.constant 13 : i32
    %swap3A_634 = arith.index_cast %swap3A_633 : i32 to index
    %swap3A_635 = arith.constant 16 : index
    %swap3A_636 = tpu.vector_load %arg13[%swap3A_634, %swap3A_635] {strides = array<i32>} : memref<16x128xf32, #tpu.memory_space<vmem>>, vector<1x16xf32>,
    %swap3A_637 = vector.shape_cast %swap3A_636 : vector<1x16xf32> to vector<16xf32>
    %swap3A_638 = vector.shape_cast %broadcast_in_dim3A_3 : vector<16xf32> to vector<1x16xf32>
    tpu.vector_store %arg13[%swap3A_634, %swap3A_635], %swap3A_638 {strides = array<i32>} : memref<16x128xf32, #tpu.memory_space<vmem>>, vector<1x16xf32>,
    %swap3A_639 = arith.constant 13 : i32
    %swap3A_640 = arith.index_cast %swap3A_639 : i32 to index
    %swap3A_641 = arith.constant 32 : index
    %swap3A_642 = tpu.vector_load %arg13[%swap3A_640, %swap3A_641] {strides = array<i32>} : memref<16x128xf32, #tpu.memory_space<vmem>>, vector<1x16xf32>,
    %swap3A_643 = vector.shape_cast %swap3A_642 : vector<1x16xf32> to vector<16xf32>
    %swap3A_644 = vector.shape_cast %broadcast_in_dim3A_3 : vector<16xf32> to vector<1x16xf32>
    tpu.vector_store %arg13[%swap3A_640, %swap3A_641], %swap3A_644 {strides = array<i32>} : memref<16x128xf32, #tpu.memory_space<vmem>>, vector<1x16xf32>,
    %swap3A_645 = arith.constant 13 : i32
    %swap3A_646 = arith.index_cast %swap3A_645 : i32 to index
    %swap3A_647 = arith.constant 48 : index
    %swap3A_648 = tpu.vector_load %arg13[%swap3A_646, %swap3A_647] {strides = array<i32>} : memref<16x128xf32, #tpu.memory_space<vmem>>, vector<1x16xf32>,
    %swap3A_649 = vector.shape_cast %swap3A_648 : vector<1x16xf32> to vector<16xf32>
    %swap3A_650 = vector.shape_cast %broadcast_in_dim3A_3 : vector<16xf32> to vector<1x16xf32>
    tpu.vector_store %arg13[%swap3A_646, %swap3A_647], %swap3A_650 {strides = array<i32>} : memref<16x128xf32, #tpu.memory_space<vmem>>, vector<1x16xf32>,
    %swap3A_651 = arith.constant 13 : i32
    %swap3A_652 = arith.index_cast %swap3A_651 : i32 to index
    %swap3A_653 = arith.constant 64 : index
    %swap3A_654 = tpu.vector_load %arg13[%swap3A_652, %swap3A_653] {strides = array<i32>} : memref<16x128xf32, #tpu.memory_space<vmem>>, vector<1x16xf32>,
    %swap3A_655 = vector.shape_cast %swap3A_654 : vector<1x16xf32> to vector<16xf32>
    %swap3A_656 = vector.shape_cast %broadcast_in_dim3A_3 : vector<16xf32> to vector<1x16xf32>
    tpu.vector_store %arg13[%swap3A_652, %swap3A_653], %swap3A_656 {strides = array<i32>} : memref<16x128xf32, #tpu.memory_space<vmem>>, vector<1x16xf32>,
    %swap3A_657 = arith.constant 13 : i32
    %swap3A_658 = arith.index_cast %swap3A_657 : i32 to index
    %swap3A_659 = arith.constant 80 : index
    %swap3A_660 = tpu.vector_load %arg13[%swap3A_658, %swap3A_659] {strides = array<i32>} : memref<16x128xf32, #tpu.memory_space<vmem>>, vector<1x16xf32>,
    %swap3A_661 = vector.shape_cast %swap3A_660 : vector<1x16xf32> to vector<16xf32>
    %swap3A_662 = vector.shape_cast %broadcast_in_dim3A_3 : vector<16xf32> to vector<1x16xf32>
    tpu.vector_store %arg13[%swap3A_658, %swap3A_659], %swap3A_662 {strides = array<i32>} : memref<16x128xf32, #tpu.memory_space<vmem>>, vector<1x16xf32>,
    %swap3A_663 = arith.constant 13 : i32
    %swap3A_664 = arith.index_cast %swap3A_663 : i32 to index
    %swap3A_665 = arith.constant 96 : index
    %swap3A_666 = tpu.vector_load %arg13[%swap3A_664, %swap3A_665] {strides = array<i32>} : memref<16x128xf32, #tpu.memory_space<vmem>>, vector<1x16xf32>,
    %swap3A_667 = vector.shape_cast %swap3A_666 : vector<1x16xf32> to vector<16xf32>
    %swap3A_668 = vector.shape_cast %broadcast_in_dim3A_3 : vector<16xf32> to vector<1x16xf32>
    tpu.vector_store %arg13[%swap3A_664, %swap3A_665], %swap3A_668 {strides = array<i32>} : memref<16x128xf32, #tpu.memory_space<vmem>>, vector<1x16xf32>,
    %swap3A_669 = arith.constant 13 : i32
    %swap3A_670 = arith.index_cast %swap3A_669 : i32 to index
    %swap3A_671 = arith.constant 112 : index
    %swap3A_672 = tpu.vector_load %arg13[%swap3A_670, %swap3A_671] {strides = array<i32>} : memref<16x128xf32, #tpu.memory_space<vmem>>, vector<1x16xf32>,
    %swap3A_673 = vector.shape_cast %swap3A_672 : vector<1x16xf32> to vector<16xf32>
    %swap3A_674 = vector.shape_cast %broadcast_in_dim3A_3 : vector<16xf32> to vector<1x16xf32>
    tpu.vector_store %arg13[%swap3A_670, %swap3A_671], %swap3A_674 {strides = array<i32>} : memref<16x128xf32, #tpu.memory_space<vmem>>, vector<1x16xf32>,
    %swap3A_675 = arith.constant 14 : i32
    %swap3A_676 = arith.index_cast %swap3A_675 : i32 to index
    %swap3A_677 = arith.constant 0 : index
    %swap3A_678 = tpu.vector_load %arg13[%swap3A_676, %swap3A_677] {strides = array<i32>} : memref<16x128xf32, #tpu.memory_space<vmem>>, vector<1x16xf32>,
    %swap3A_679 = vector.shape_cast %swap3A_678 : vector<1x16xf32> to vector<16xf32>
    %swap3A_680 = vector.shape_cast %broadcast_in_dim3A_3 : vector<16xf32> to vector<1x16xf32>
    tpu.vector_store %arg13[%swap3A_676, %swap3A_677], %swap3A_680 {strides = array<i32>} : memref<16x128xf32, #tpu.memory_space<vmem>>, vector<1x16xf32>,
    %swap3A_681 = arith.constant 14 : i32
    %swap3A_682 = arith.index_cast %swap3A_681 : i32 to index
    %swap3A_683 = arith.constant 16 : index
    %swap3A_684 = tpu.vector_load %arg13[%swap3A_682, %swap3A_683] {strides = array<i32>} : memref<16x128xf32, #tpu.memory_space<vmem>>, vector<1x16xf32>,
    %swap3A_685 = vector.shape_cast %swap3A_684 : vector<1x16xf32> to vector<16xf32>
    %swap3A_686 = vector.shape_cast %broadcast_in_dim3A_3 : vector<16xf32> to vector<1x16xf32>
    tpu.vector_store %arg13[%swap3A_682, %swap3A_683], %swap3A_686 {strides = array<i32>} : memref<16x128xf32, #tpu.memory_space<vmem>>, vector<1x16xf32>,
    %swap3A_687 = arith.constant 14 : i32
    %swap3A_688 = arith.index_cast %swap3A_687 : i32 to index
    %swap3A_689 = arith.constant 32 : index
    %swap3A_690 = tpu.vector_load %arg13[%swap3A_688, %swap3A_689] {strides = array<i32>} : memref<16x128xf32, #tpu.memory_space<vmem>>, vector<1x16xf32>,
    %swap3A_691 = vector.shape_cast %swap3A_690 : vector<1x16xf32> to vector<16xf32>
    %swap3A_692 = vector.shape_cast %broadcast_in_dim3A_3 : vector<16xf32> to vector<1x16xf32>
    tpu.vector_store %arg13[%swap3A_688, %swap3A_689], %swap3A_692 {strides = array<i32>} : memref<16x128xf32, #tpu.memory_space<vmem>>, vector<1x16xf32>,
    %swap3A_693 = arith.constant 14 : i32
    %swap3A_694 = arith.index_cast %swap3A_693 : i32 to index
    %swap3A_695 = arith.constant 48 : index
    %swap3A_696 = tpu.vector_load %arg13[%swap3A_694, %swap3A_695] {strides = array<i32>} : memref<16x128xf32, #tpu.memory_space<vmem>>, vector<1x16xf32>,
    %swap3A_697 = vector.shape_cast %swap3A_696 : vector<1x16xf32> to vector<16xf32>
    %swap3A_698 = vector.shape_cast %broadcast_in_dim3A_3 : vector<16xf32> to vector<1x16xf32>
    tpu.vector_store %arg13[%swap3A_694, %swap3A_695], %swap3A_698 {strides = array<i32>} : memref<16x128xf32, #tpu.memory_space<vmem>>, vector<1x16xf32>,
    %swap3A_699 = arith.constant 14 : i32
    %swap3A_700 = arith.index_cast %swap3A_699 : i32 to index
    %swap3A_701 = arith.constant 64 : index
    %swap3A_702 = tpu.vector_load %arg13[%swap3A_700, %swap3A_701] {strides = array<i32>} : memref<16x128xf32, #tpu.memory_space<vmem>>, vector<1x16xf32>,
    %swap3A_703 = vector.shape_cast %swap3A_702 : vector<1x16xf32> to vector<16xf32>
    %swap3A_704 = vector.shape_cast %broadcast_in_dim3A_3 : vector<16xf32> to vector<1x16xf32>
    tpu.vector_store %arg13[%swap3A_700, %swap3A_701], %swap3A_704 {strides = array<i32>} : memref<16x128xf32, #tpu.memory_space<vmem>>, vector<1x16xf32>,
    %swap3A_705 = arith.constant 14 : i32
    %swap3A_706 = arith.index_cast %swap3A_705 : i32 to index
    %swap3A_707 = arith.constant 80 : index
    %swap3A_708 = tpu.vector_load %arg13[%swap3A_706, %swap3A_707] {strides = array<i32>} : memref<16x128xf32, #tpu.memory_space<vmem>>, vector<1x16xf32>,
    %swap3A_709 = vector.shape_cast %swap3A_708 : vector<1x16xf32> to vector<16xf32>
    %swap3A_710 = vector.shape_cast %broadcast_in_dim3A_3 : vector<16xf32> to vector<1x16xf32>
    tpu.vector_store %arg13[%swap3A_706, %swap3A_707], %swap3A_710 {strides = array<i32>} : memref<16x128xf32, #tpu.memory_space<vmem>>, vector<1x16xf32>,
    %swap3A_711 = arith.constant 14 : i32
    %swap3A_712 = arith.index_cast %swap3A_711 : i32 to index
    %swap3A_713 = arith.constant 96 : index
    %swap3A_714 = tpu.vector_load %arg13[%swap3A_712, %swap3A_713] {strides = array<i32>} : memref<16x128xf32, #tpu.memory_space<vmem>>, vector<1x16xf32>,
    %swap3A_715 = vector.shape_cast %swap3A_714 : vector<1x16xf32> to vector<16xf32>
    %swap3A_716 = vector.shape_cast %broadcast_in_dim3A_3 : vector<16xf32> to vector<1x16xf32>
    tpu.vector_store %arg13[%swap3A_712, %swap3A_713], %swap3A_716 {strides = array<i32>} : memref<16x128xf32, #tpu.memory_space<vmem>>, vector<1x16xf32>,
    %swap3A_717 = arith.constant 14 : i32
    %swap3A_718 = arith.index_cast %swap3A_717 : i32 to index
    %swap3A_719 = arith.constant 112 : index
    %swap3A_720 = tpu.vector_load %arg13[%swap3A_718, %swap3A_719] {strides = array<i32>} : memref<16x128xf32, #tpu.memory_space<vmem>>, vector<1x16xf32>,
    %swap3A_721 = vector.shape_cast %swap3A_720 : vector<1x16xf32> to vector<16xf32>
    %swap3A_722 = vector.shape_cast %broadcast_in_dim3A_3 : vector<16xf32> to vector<1x16xf32>
    tpu.vector_store %arg13[%swap3A_718, %swap3A_719], %swap3A_722 {strides = array<i32>} : memref<16x128xf32, #tpu.memory_space<vmem>>, vector<1x16xf32>,
    %swap3A_723 = arith.constant 15 : i32
    %swap3A_724 = arith.index_cast %swap3A_723 : i32 to index
    %swap3A_725 = arith.constant 0 : index
    %swap3A_726 = tpu.vector_load %arg13[%swap3A_724, %swap3A_725] {strides = array<i32>} : memref<16x128xf32, #tpu.memory_space<vmem>>, vector<1x16xf32>,
    %swap3A_727 = vector.shape_cast %swap3A_726 : vector<1x16xf32> to vector<16xf32>
    %swap3A_728 = vector.shape_cast %broadcast_in_dim3A_3 : vector<16xf32> to vector<1x16xf32>
    tpu.vector_store %arg13[%swap3A_724, %swap3A_725], %swap3A_728 {strides = array<i32>} : memref<16x128xf32, #tpu.memory_space<vmem>>, vector<1x16xf32>,
    %swap3A_729 = arith.constant 15 : i32
    %swap3A_730 = arith.index_cast %swap3A_729 : i32 to index
    %swap3A_731 = arith.constant 16 : index
    %swap3A_732 = tpu.vector_load %arg13[%swap3A_730, %swap3A_731] {strides = array<i32>} : memref<16x128xf32, #tpu.memory_space<vmem>>, vector<1x16xf32>,
    %swap3A_733 = vector.shape_cast %swap3A_732 : vector<1x16xf32> to vector<16xf32>
    %swap3A_734 = vector.shape_cast %broadcast_in_dim3A_3 : vector<16xf32> to vector<1x16xf32>
    tpu.vector_store %arg13[%swap3A_730, %swap3A_731], %swap3A_734 {strides = array<i32>} : memref<16x128xf32, #tpu.memory_space<vmem>>, vector<1x16xf32>,
    %swap3A_735 = arith.constant 15 : i32
    %swap3A_736 = arith.index_cast %swap3A_735 : i32 to index
    %swap3A_737 = arith.constant 32 : index
    %swap3A_738 = tpu.vector_load %arg13[%swap3A_736, %swap3A_737] {strides = array<i32>} : memref<16x128xf32, #tpu.memory_space<vmem>>, vector<1x16xf32>,
    %swap3A_739 = vector.shape_cast %swap3A_738 : vector<1x16xf32> to vector<16xf32>
    %swap3A_740 = vector.shape_cast %broadcast_in_dim3A_3 : vector<16xf32> to vector<1x16xf32>
    tpu.vector_store %arg13[%swap3A_736, %swap3A_737], %swap3A_740 {strides = array<i32>} : memref<16x128xf32, #tpu.memory_space<vmem>>, vector<1x16xf32>,
    %swap3A_741 = arith.constant 15 : i32
    %swap3A_742 = arith.index_cast %swap3A_741 : i32 to index
    %swap3A_743 = arith.constant 48 : index
    %swap3A_744 = tpu.vector_load %arg13[%swap3A_742, %swap3A_743] {strides = array<i32>} : memref<16x128xf32, #tpu.memory_space<vmem>>, vector<1x16xf32>,
    %swap3A_745 = vector.shape_cast %swap3A_744 : vector<1x16xf32> to vector<16xf32>
    %swap3A_746 = vector.shape_cast %broadcast_in_dim3A_3 : vector<16xf32> to vector<1x16xf32>
    tpu.vector_store %arg13[%swap3A_742, %swap3A_743], %swap3A_746 {strides = array<i32>} : memref<16x128xf32, #tpu.memory_space<vmem>>, vector<1x16xf32>,
    %swap3A_747 = arith.constant 15 : i32
    %swap3A_748 = arith.index_cast %swap3A_747 : i32 to index
    %swap3A_749 = arith.constant 64 : index
    %swap3A_750 = tpu.vector_load %arg13[%swap3A_748, %swap3A_749] {strides = array<i32>} : memref<16x128xf32, #tpu.memory_space<vmem>>, vector<1x16xf32>,
    %swap3A_751 = vector.shape_cast %swap3A_750 : vector<1x16xf32> to vector<16xf32>
    %swap3A_752 = vector.shape_cast %broadcast_in_dim3A_3 : vector<16xf32> to vector<1x16xf32>
    tpu.vector_store %arg13[%swap3A_748, %swap3A_749], %swap3A_752 {strides = array<i32>} : memref<16x128xf32, #tpu.memory_space<vmem>>, vector<1x16xf32>,
    %swap3A_753 = arith.constant 15 : i32
    %swap3A_754 = arith.index_cast %swap3A_753 : i32 to index
    %swap3A_755 = arith.constant 80 : index
    %swap3A_756 = tpu.vector_load %arg13[%swap3A_754, %swap3A_755] {strides = array<i32>} : memref<16x128xf32, #tpu.memory_space<vmem>>, vector<1x16xf32>,
    %swap3A_757 = vector.shape_cast %swap3A_756 : vector<1x16xf32> to vector<16xf32>
    %swap3A_758 = vector.shape_cast %broadcast_in_dim3A_3 : vector<16xf32> to vector<1x16xf32>
    tpu.vector_store %arg13[%swap3A_754, %swap3A_755], %swap3A_758 {strides = array<i32>} : memref<16x128xf32, #tpu.memory_space<vmem>>, vector<1x16xf32>,
    %swap3A_759 = arith.constant 15 : i32
    %swap3A_760 = arith.index_cast %swap3A_759 : i32 to index
    %swap3A_761 = arith.constant 96 : index
    %swap3A_762 = tpu.vector_load %arg13[%swap3A_760, %swap3A_761] {strides = array<i32>} : memref<16x128xf32, #tpu.memory_space<vmem>>, vector<1x16xf32>,
    %swap3A_763 = vector.shape_cast %swap3A_762 : vector<1x16xf32> to vector<16xf32>
    %swap3A_764 = vector.shape_cast %broadcast_in_dim3A_3 : vector<16xf32> to vector<1x16xf32>
    tpu.vector_store %arg13[%swap3A_760, %swap3A_761], %swap3A_764 {strides = array<i32>} : memref<16x128xf32, #tpu.memory_space<vmem>>, vector<1x16xf32>,
    %swap3A_765 = arith.constant 15 : i32
    %swap3A_766 = arith.index_cast %swap3A_765 : i32 to index
    %swap3A_767 = arith.constant 112 : index
    %swap3A_768 = tpu.vector_load %arg13[%swap3A_766, %swap3A_767] {strides = array<i32>} : memref<16x128xf32, #tpu.memory_space<vmem>>, vector<1x16xf32>,
    %swap3A_769 = vector.shape_cast %swap3A_768 : vector<1x16xf32> to vector<16xf32>
    %swap3A_770 = vector.shape_cast %broadcast_in_dim3A_3 : vector<16xf32> to vector<1x16xf32>
    tpu.vector_store %arg13[%swap3A_766, %swap3A_767], %swap3A_770 {strides = array<i32>} : memref<16x128xf32, #tpu.memory_space<vmem>>, vector<1x16xf32>,
    %add3A_771 = arith.constant 0 : i32
    %add3A_772 = arith.addi %mul3A_2, %add3A_771 : i32
    %mul3A_773 = arith.constant 128 : i32
    %mul3A_774 = arith.muli %add3A_772, %mul3A_773 : i32
    %multiple_of3A = tpu.assume_multiple %mul3A_774, 128 : i32
    %dma_start3A = tpu.memref_slice %arg3[%multiple_of3A] : memref<647168xi32, #tpu.memory_space<hbm>> -> memref<128xi32, #tpu.memory_space<hbm>>
    %dma_start3A_775 = tpu.memref_slice %arg3[%multiple_of3A] : memref<647168xi32, #tpu.memory_space<hbm>> -> memref<128xi32, #tpu.memory_space<hbm>>
    tpu.enqueue_dma source(%dma_start3A_775 : memref<128xi32, #tpu.memory_space<hbm>>) target(%arg7 : memref<128xi32, #tpu.memory_space<vmem>>) target_semaphore(%arg17 : memref<!tpu.dma_semaphore, #tpu.memory_space<semaphore_mem>>)
    %dma_start3A_776 = tpu.memref_slice %arg4[%multiple_of3A] : memref<647168xi32, #tpu.memory_space<hbm>> -> memref<128xi32, #tpu.memory_space<hbm>>
    %dma_start3A_777 = tpu.memref_slice %arg4[%multiple_of3A] : memref<647168xi32, #tpu.memory_space<hbm>> -> memref<128xi32, #tpu.memory_space<hbm>>
    tpu.enqueue_dma source(%dma_start3A_777 : memref<128xi32, #tpu.memory_space<hbm>>) target(%arg9 : memref<128xi32, #tpu.memory_space<vmem>>) target_semaphore(%arg19 : memref<!tpu.dma_semaphore, #tpu.memory_space<semaphore_mem>>)
    %add3A_778 = arith.constant 1 : i32
    %add3A_779 = arith.addi %mul3A_2, %add3A_778 : i32
    %mul3A_780 = arith.constant 128 : i32
    %mul3A_781 = arith.muli %add3A_779, %mul3A_780 : i32
    %multiple_of3A_782 = tpu.assume_multiple %mul3A_781, 128 : i32
    %dma_start3A_783 = tpu.memref_slice %arg3[%multiple_of3A_782] : memref<647168xi32, #tpu.memory_space<hbm>> -> memref<128xi32, #tpu.memory_space<hbm>>
    %dma_start3A_784 = tpu.memref_slice %arg3[%multiple_of3A_782] : memref<647168xi32, #tpu.memory_space<hbm>> -> memref<128xi32, #tpu.memory_space<hbm>>
    tpu.enqueue_dma source(%dma_start3A_784 : memref<128xi32, #tpu.memory_space<hbm>>) target(%arg8 : memref<128xi32, #tpu.memory_space<vmem>>) target_semaphore(%arg18 : memref<!tpu.dma_semaphore, #tpu.memory_space<semaphore_mem>>)
    %dma_start3A_785 = tpu.memref_slice %arg4[%multiple_of3A_782] : memref<647168xi32, #tpu.memory_space<hbm>> -> memref<128xi32, #tpu.memory_space<hbm>>
    %dma_start3A_786 = tpu.memref_slice %arg4[%multiple_of3A_782] : memref<647168xi32, #tpu.memory_space<hbm>> -> memref<128xi32, #tpu.memory_space<hbm>>
    tpu.enqueue_dma source(%dma_start3A_786 : memref<128xi32, #tpu.memory_space<hbm>>) target(%arg10 : memref<128xi32, #tpu.memory_space<vmem>>) target_semaphore(%arg20 : memref<!tpu.dma_semaphore, #tpu.memory_space<semaphore_mem>>)
    %mul3A_787 = arith.constant 640 : i32
    %mul3A_788 = arith.muli %arg1, %mul3A_787 : i32
    %add3A_789 = arith.constant 0 : i32
    %add3A_790 = arith.addi %mul3A_788, %add3A_789 : i32
    "tpu.region"() ({
      %run_scoped3A = tpu.sem_alloc : memref<!tpu.dma_semaphore, #tpu.memory_space<semaphore_mem>>
      %dma_start3A_968 = arith.constant 0 : i32
      %dma_start3A_969 = tpu.memref_slice %arg14[%add3A_790, %dma_start3A_968] : memref<10240x128xf32, #tpu.memory_space<vmem_shared>> -> memref<16x128xf32, #tpu.memory_space<vmem_shared>>
      %dma_start3A_970 = arith.constant 0 : i32
      %dma_start3A_971 = tpu.memref_slice %arg14[%add3A_790, %dma_start3A_970] : memref<10240x128xf32, #tpu.memory_space<vmem_shared>> -> memref<16x128xf32, #tpu.memory_space<vmem_shared>>
      tpu.enqueue_dma source(%arg13 : memref<16x128xf32, #tpu.memory_space<vmem>>) target(%dma_start3A_971 : memref<16x128xf32, #tpu.memory_space<vmem_shared>>) target_semaphore(%run_scoped3A : memref<!tpu.dma_semaphore, #tpu.memory_space<semaphore_mem>>)
      %dma_wait3A_972 = arith.constant 0 : i32
      %dma_wait3A_973 = tpu.memref_slice %arg14[%add3A_790, %dma_wait3A_972] : memref<10240x128xf32, #tpu.memory_space<vmem_shared>> -> memref<16x128xf32, #tpu.memory_space<vmem_shared>>
      %dma_wait3A_974 = arith.constant 0 : i32
      %dma_wait3A_975 = tpu.memref_slice %arg14[%add3A_790, %dma_wait3A_974] : memref<10240x128xf32, #tpu.memory_space<vmem_shared>> -> memref<16x128xf32, #tpu.memory_space<vmem_shared>>
      tpu.wait_dma2 semaphore(%run_scoped3A : memref<!tpu.dma_semaphore, #tpu.memory_space<semaphore_mem>>) src(%arg13 : memref<16x128xf32, #tpu.memory_space<vmem>>) dst(%dma_wait3A_975 : memref<16x128xf32, #tpu.memory_space<vmem_shared>>)
      tpu.yield
    }) : () -> ()
    %mul3A_791 = arith.constant 640 : i32
    %mul3A_792 = arith.muli %arg1, %mul3A_791 : i32
    %add3A_793 = arith.constant 16 : i32
    %add3A_794 = arith.addi %mul3A_792, %add3A_793 : i32
    "tpu.region"() ({
      %run_scoped3A = tpu.sem_alloc : memref<!tpu.dma_semaphore, #tpu.memory_space<semaphore_mem>>
      %dma_start3A_968 = arith.constant 0 : i32
      %dma_start3A_969 = tpu.memref_slice %arg14[%add3A_794, %dma_start3A_968] : memref<10240x128xf32, #tpu.memory_space<vmem_shared>> -> memref<16x128xf32, #tpu.memory_space<vmem_shared>>
      %dma_start3A_970 = arith.constant 0 : i32
      %dma_start3A_971 = tpu.memref_slice %arg14[%add3A_794, %dma_start3A_970] : memref<10240x128xf32, #tpu.memory_space<vmem_shared>> -> memref<16x128xf32, #tpu.memory_space<vmem_shared>>
      tpu.enqueue_dma source(%arg13 : memref<16x128xf32, #tpu.memory_space<vmem>>) target(%dma_start3A_971 : memref<16x128xf32, #tpu.memory_space<vmem_shared>>) target_semaphore(%run_scoped3A : memref<!tpu.dma_semaphore, #tpu.memory_space<semaphore_mem>>)
      %dma_wait3A_972 = arith.constant 0 : i32
      %dma_wait3A_973 = tpu.memref_slice %arg14[%add3A_794, %dma_wait3A_972] : memref<10240x128xf32, #tpu.memory_space<vmem_shared>> -> memref<16x128xf32, #tpu.memory_space<vmem_shared>>
      %dma_wait3A_974 = arith.constant 0 : i32
      %dma_wait3A_975 = tpu.memref_slice %arg14[%add3A_794, %dma_wait3A_974] : memref<10240x128xf32, #tpu.memory_space<vmem_shared>> -> memref<16x128xf32, #tpu.memory_space<vmem_shared>>
      tpu.wait_dma2 semaphore(%run_scoped3A : memref<!tpu.dma_semaphore, #tpu.memory_space<semaphore_mem>>) src(%arg13 : memref<16x128xf32, #tpu.memory_space<vmem>>) dst(%dma_wait3A_975 : memref<16x128xf32, #tpu.memory_space<vmem_shared>>)
      tpu.yield
    }) : () -> ()
    %mul3A_795 = arith.constant 640 : i32
    %mul3A_796 = arith.muli %arg1, %mul3A_795 : i32
    %add3A_797 = arith.constant 32 : i32
    %add3A_798 = arith.addi %mul3A_796, %add3A_797 : i32
    "tpu.region"() ({
      %run_scoped3A = tpu.sem_alloc : memref<!tpu.dma_semaphore, #tpu.memory_space<semaphore_mem>>
      %dma_start3A_968 = arith.constant 0 : i32
      %dma_start3A_969 = tpu.memref_slice %arg14[%add3A_798, %dma_start3A_968] : memref<10240x128xf32, #tpu.memory_space<vmem_shared>> -> memref<16x128xf32, #tpu.memory_space<vmem_shared>>
      %dma_start3A_970 = arith.constant 0 : i32
      %dma_start3A_971 = tpu.memref_slice %arg14[%add3A_798, %dma_start3A_970] : memref<10240x128xf32, #tpu.memory_space<vmem_shared>> -> memref<16x128xf32, #tpu.memory_space<vmem_shared>>
      tpu.enqueue_dma source(%arg13 : memref<16x128xf32, #tpu.memory_space<vmem>>) target(%dma_start3A_971 : memref<16x128xf32, #tpu.memory_space<vmem_shared>>) target_semaphore(%run_scoped3A : memref<!tpu.dma_semaphore, #tpu.memory_space<semaphore_mem>>)
      %dma_wait3A_972 = arith.constant 0 : i32
      %dma_wait3A_973 = tpu.memref_slice %arg14[%add3A_798, %dma_wait3A_972] : memref<10240x128xf32, #tpu.memory_space<vmem_shared>> -> memref<16x128xf32, #tpu.memory_space<vmem_shared>>
      %dma_wait3A_974 = arith.constant 0 : i32
      %dma_wait3A_975 = tpu.memref_slice %arg14[%add3A_798, %dma_wait3A_974] : memref<10240x128xf32, #tpu.memory_space<vmem_shared>> -> memref<16x128xf32, #tpu.memory_space<vmem_shared>>
      tpu.wait_dma2 semaphore(%run_scoped3A : memref<!tpu.dma_semaphore, #tpu.memory_space<semaphore_mem>>) src(%arg13 : memref<16x128xf32, #tpu.memory_space<vmem>>) dst(%dma_wait3A_975 : memref<16x128xf32, #tpu.memory_space<vmem_shared>>)
      tpu.yield
    }) : () -> ()
    %mul3A_799 = arith.constant 640 : i32
    %mul3A_800 = arith.muli %arg1, %mul3A_799 : i32
    %add3A_801 = arith.constant 48 : i32
    %add3A_802 = arith.addi %mul3A_800, %add3A_801 : i32
    "tpu.region"() ({
      %run_scoped3A = tpu.sem_alloc : memref<!tpu.dma_semaphore, #tpu.memory_space<semaphore_mem>>
      %dma_start3A_968 = arith.constant 0 : i32
      %dma_start3A_969 = tpu.memref_slice %arg14[%add3A_802, %dma_start3A_968] : memref<10240x128xf32, #tpu.memory_space<vmem_shared>> -> memref<16x128xf32, #tpu.memory_space<vmem_shared>>
      %dma_start3A_970 = arith.constant 0 : i32
      %dma_start3A_971 = tpu.memref_slice %arg14[%add3A_802, %dma_start3A_970] : memref<10240x128xf32, #tpu.memory_space<vmem_shared>> -> memref<16x128xf32, #tpu.memory_space<vmem_shared>>
      tpu.enqueue_dma source(%arg13 : memref<16x128xf32, #tpu.memory_space<vmem>>) target(%dma_start3A_971 : memref<16x128xf32, #tpu.memory_space<vmem_shared>>) target_semaphore(%run_scoped3A : memref<!tpu.dma_semaphore, #tpu.memory_space<semaphore_mem>>)
      %dma_wait3A_972 = arith.constant 0 : i32
      %dma_wait3A_973 = tpu.memref_slice %arg14[%add3A_802, %dma_wait3A_972] : memref<10240x128xf32, #tpu.memory_space<vmem_shared>> -> memref<16x128xf32, #tpu.memory_space<vmem_shared>>
      %dma_wait3A_974 = arith.constant 0 : i32
      %dma_wait3A_975 = tpu.memref_slice %arg14[%add3A_802, %dma_wait3A_974] : memref<10240x128xf32, #tpu.memory_space<vmem_shared>> -> memref<16x128xf32, #tpu.memory_space<vmem_shared>>
      tpu.wait_dma2 semaphore(%run_scoped3A : memref<!tpu.dma_semaphore, #tpu.memory_space<semaphore_mem>>) src(%arg13 : memref<16x128xf32, #tpu.memory_space<vmem>>) dst(%dma_wait3A_975 : memref<16x128xf32, #tpu.memory_space<vmem_shared>>)
      tpu.yield
    }) : () -> ()
    %mul3A_803 = arith.constant 640 : i32
    %mul3A_804 = arith.muli %arg1, %mul3A_803 : i32
    %add3A_805 = arith.constant 64 : i32
    %add3A_806 = arith.addi %mul3A_804, %add3A_805 : i32
    "tpu.region"() ({
      %run_scoped3A = tpu.sem_alloc : memref<!tpu.dma_semaphore, #tpu.memory_space<semaphore_mem>>
      %dma_start3A_968 = arith.constant 0 : i32
      %dma_start3A_969 = tpu.memref_slice %arg14[%add3A_806, %dma_start3A_968] : memref<10240x128xf32, #tpu.memory_space<vmem_shared>> -> memref<16x128xf32, #tpu.memory_space<vmem_shared>>
      %dma_start3A_970 = arith.constant 0 : i32
      %dma_start3A_971 = tpu.memref_slice %arg14[%add3A_806, %dma_start3A_970] : memref<10240x128xf32, #tpu.memory_space<vmem_shared>> -> memref<16x128xf32, #tpu.memory_space<vmem_shared>>
      tpu.enqueue_dma source(%arg13 : memref<16x128xf32, #tpu.memory_space<vmem>>) target(%dma_start3A_971 : memref<16x128xf32, #tpu.memory_space<vmem_shared>>) target_semaphore(%run_scoped3A : memref<!tpu.dma_semaphore, #tpu.memory_space<semaphore_mem>>)
      %dma_wait3A_972 = arith.constant 0 : i32
      %dma_wait3A_973 = tpu.memref_slice %arg14[%add3A_806, %dma_wait3A_972] : memref<10240x128xf32, #tpu.memory_space<vmem_shared>> -> memref<16x128xf32, #tpu.memory_space<vmem_shared>>
      %dma_wait3A_974 = arith.constant 0 : i32
      %dma_wait3A_975 = tpu.memref_slice %arg14[%add3A_806, %dma_wait3A_974] : memref<10240x128xf32, #tpu.memory_space<vmem_shared>> -> memref<16x128xf32, #tpu.memory_space<vmem_shared>>
      tpu.wait_dma2 semaphore(%run_scoped3A : memref<!tpu.dma_semaphore, #tpu.memory_space<semaphore_mem>>) src(%arg13 : memref<16x128xf32, #tpu.memory_space<vmem>>) dst(%dma_wait3A_975 : memref<16x128xf32, #tpu.memory_space<vmem_shared>>)
      tpu.yield
    }) : () -> ()
    %mul3A_807 = arith.constant 640 : i32
    %mul3A_808 = arith.muli %arg1, %mul3A_807 : i32
    %add3A_809 = arith.constant 80 : i32
    %add3A_810 = arith.addi %mul3A_808, %add3A_809 : i32
    "tpu.region"() ({
      %run_scoped3A = tpu.sem_alloc : memref<!tpu.dma_semaphore, #tpu.memory_space<semaphore_mem>>
      %dma_start3A_968 = arith.constant 0 : i32
      %dma_start3A_969 = tpu.memref_slice %arg14[%add3A_810, %dma_start3A_968] : memref<10240x128xf32, #tpu.memory_space<vmem_shared>> -> memref<16x128xf32, #tpu.memory_space<vmem_shared>>
      %dma_start3A_970 = arith.constant 0 : i32
      %dma_start3A_971 = tpu.memref_slice %arg14[%add3A_810, %dma_start3A_970] : memref<10240x128xf32, #tpu.memory_space<vmem_shared>> -> memref<16x128xf32, #tpu.memory_space<vmem_shared>>
      tpu.enqueue_dma source(%arg13 : memref<16x128xf32, #tpu.memory_space<vmem>>) target(%dma_start3A_971 : memref<16x128xf32, #tpu.memory_space<vmem_shared>>) target_semaphore(%run_scoped3A : memref<!tpu.dma_semaphore, #tpu.memory_space<semaphore_mem>>)
      %dma_wait3A_972 = arith.constant 0 : i32
      %dma_wait3A_973 = tpu.memref_slice %arg14[%add3A_810, %dma_wait3A_972] : memref<10240x128xf32, #tpu.memory_space<vmem_shared>> -> memref<16x128xf32, #tpu.memory_space<vmem_shared>>
      %dma_wait3A_974 = arith.constant 0 : i32
      %dma_wait3A_975 = tpu.memref_slice %arg14[%add3A_810, %dma_wait3A_974] : memref<10240x128xf32, #tpu.memory_space<vmem_shared>> -> memref<16x128xf32, #tpu.memory_space<vmem_shared>>
      tpu.wait_dma2 semaphore(%run_scoped3A : memref<!tpu.dma_semaphore, #tpu.memory_space<semaphore_mem>>) src(%arg13 : memref<16x128xf32, #tpu.memory_space<vmem>>) dst(%dma_wait3A_975 : memref<16x128xf32, #tpu.memory_space<vmem_shared>>)
      tpu.yield
    }) : () -> ()
    %mul3A_811 = arith.constant 640 : i32
    %mul3A_812 = arith.muli %arg1, %mul3A_811 : i32
    %add3A_813 = arith.constant 96 : i32
    %add3A_814 = arith.addi %mul3A_812, %add3A_813 : i32
    "tpu.region"() ({
      %run_scoped3A = tpu.sem_alloc : memref<!tpu.dma_semaphore, #tpu.memory_space<semaphore_mem>>
      %dma_start3A_968 = arith.constant 0 : i32
      %dma_start3A_969 = tpu.memref_slice %arg14[%add3A_814, %dma_start3A_968] : memref<10240x128xf32, #tpu.memory_space<vmem_shared>> -> memref<16x128xf32, #tpu.memory_space<vmem_shared>>
      %dma_start3A_970 = arith.constant 0 : i32
      %dma_start3A_971 = tpu.memref_slice %arg14[%add3A_814, %dma_start3A_970] : memref<10240x128xf32, #tpu.memory_space<vmem_shared>> -> memref<16x128xf32, #tpu.memory_space<vmem_shared>>
      tpu.enqueue_dma source(%arg13 : memref<16x128xf32, #tpu.memory_space<vmem>>) target(%dma_start3A_971 : memref<16x128xf32, #tpu.memory_space<vmem_shared>>) target_semaphore(%run_scoped3A : memref<!tpu.dma_semaphore, #tpu.memory_space<semaphore_mem>>)
      %dma_wait3A_972 = arith.constant 0 : i32
      %dma_wait3A_973 = tpu.memref_slice %arg14[%add3A_814, %dma_wait3A_972] : memref<10240x128xf32, #tpu.memory_space<vmem_shared>> -> memref<16x128xf32, #tpu.memory_space<vmem_shared>>
      %dma_wait3A_974 = arith.constant 0 : i32
      %dma_wait3A_975 = tpu.memref_slice %arg14[%add3A_814, %dma_wait3A_974] : memref<10240x128xf32, #tpu.memory_space<vmem_shared>> -> memref<16x128xf32, #tpu.memory_space<vmem_shared>>
      tpu.wait_dma2 semaphore(%run_scoped3A : memref<!tpu.dma_semaphore, #tpu.memory_space<semaphore_mem>>) src(%arg13 : memref<16x128xf32, #tpu.memory_space<vmem>>) dst(%dma_wait3A_975 : memref<16x128xf32, #tpu.memory_space<vmem_shared>>)
      tpu.yield
    }) : () -> ()
    %mul3A_815 = arith.constant 640 : i32
    %mul3A_816 = arith.muli %arg1, %mul3A_815 : i32
    %add3A_817 = arith.constant 112 : i32
    %add3A_818 = arith.addi %mul3A_816, %add3A_817 : i32
    "tpu.region"() ({
      %run_scoped3A = tpu.sem_alloc : memref<!tpu.dma_semaphore, #tpu.memory_space<semaphore_mem>>
      %dma_start3A_968 = arith.constant 0 : i32
      %dma_start3A_969 = tpu.memref_slice %arg14[%add3A_818, %dma_start3A_968] : memref<10240x128xf32, #tpu.memory_space<vmem_shared>> -> memref<16x128xf32, #tpu.memory_space<vmem_shared>>
      %dma_start3A_970 = arith.constant 0 : i32
      %dma_start3A_971 = tpu.memref_slice %arg14[%add3A_818, %dma_start3A_970] : memref<10240x128xf32, #tpu.memory_space<vmem_shared>> -> memref<16x128xf32, #tpu.memory_space<vmem_shared>>
      tpu.enqueue_dma source(%arg13 : memref<16x128xf32, #tpu.memory_space<vmem>>) target(%dma_start3A_971 : memref<16x128xf32, #tpu.memory_space<vmem_shared>>) target_semaphore(%run_scoped3A : memref<!tpu.dma_semaphore, #tpu.memory_space<semaphore_mem>>)
      %dma_wait3A_972 = arith.constant 0 : i32
      %dma_wait3A_973 = tpu.memref_slice %arg14[%add3A_818, %dma_wait3A_972] : memref<10240x128xf32, #tpu.memory_space<vmem_shared>> -> memref<16x128xf32, #tpu.memory_space<vmem_shared>>
      %dma_wait3A_974 = arith.constant 0 : i32
      %dma_wait3A_975 = tpu.memref_slice %arg14[%add3A_818, %dma_wait3A_974] : memref<10240x128xf32, #tpu.memory_space<vmem_shared>> -> memref<16x128xf32, #tpu.memory_space<vmem_shared>>
      tpu.wait_dma2 semaphore(%run_scoped3A : memref<!tpu.dma_semaphore, #tpu.memory_space<semaphore_mem>>) src(%arg13 : memref<16x128xf32, #tpu.memory_space<vmem>>) dst(%dma_wait3A_975 : memref<16x128xf32, #tpu.memory_space<vmem_shared>>)
      tpu.yield
    }) : () -> ()
    %mul3A_819 = arith.constant 640 : i32
    %mul3A_820 = arith.muli %arg1, %mul3A_819 : i32
    %add3A_821 = arith.constant 128 : i32
    %add3A_822 = arith.addi %mul3A_820, %add3A_821 : i32
    "tpu.region"() ({
      %run_scoped3A = tpu.sem_alloc : memref<!tpu.dma_semaphore, #tpu.memory_space<semaphore_mem>>
      %dma_start3A_968 = arith.constant 0 : i32
      %dma_start3A_969 = tpu.memref_slice %arg14[%add3A_822, %dma_start3A_968] : memref<10240x128xf32, #tpu.memory_space<vmem_shared>> -> memref<16x128xf32, #tpu.memory_space<vmem_shared>>
      %dma_start3A_970 = arith.constant 0 : i32
      %dma_start3A_971 = tpu.memref_slice %arg14[%add3A_822, %dma_start3A_970] : memref<10240x128xf32, #tpu.memory_space<vmem_shared>> -> memref<16x128xf32, #tpu.memory_space<vmem_shared>>
      tpu.enqueue_dma source(%arg13 : memref<16x128xf32, #tpu.memory_space<vmem>>) target(%dma_start3A_971 : memref<16x128xf32, #tpu.memory_space<vmem_shared>>) target_semaphore(%run_scoped3A : memref<!tpu.dma_semaphore, #tpu.memory_space<semaphore_mem>>)
      %dma_wait3A_972 = arith.constant 0 : i32
      %dma_wait3A_973 = tpu.memref_slice %arg14[%add3A_822, %dma_wait3A_972] : memref<10240x128xf32, #tpu.memory_space<vmem_shared>> -> memref<16x128xf32, #tpu.memory_space<vmem_shared>>
      %dma_wait3A_974 = arith.constant 0 : i32
      %dma_wait3A_975 = tpu.memref_slice %arg14[%add3A_822, %dma_wait3A_974] : memref<10240x128xf32, #tpu.memory_space<vmem_shared>> -> memref<16x128xf32, #tpu.memory_space<vmem_shared>>
      tpu.wait_dma2 semaphore(%run_scoped3A : memref<!tpu.dma_semaphore, #tpu.memory_space<semaphore_mem>>) src(%arg13 : memref<16x128xf32, #tpu.memory_space<vmem>>) dst(%dma_wait3A_975 : memref<16x128xf32, #tpu.memory_space<vmem_shared>>)
      tpu.yield
    }) : () -> ()
    %mul3A_823 = arith.constant 640 : i32
    %mul3A_824 = arith.muli %arg1, %mul3A_823 : i32
    %add3A_825 = arith.constant 144 : i32
    %add3A_826 = arith.addi %mul3A_824, %add3A_825 : i32
    "tpu.region"() ({
      %run_scoped3A = tpu.sem_alloc : memref<!tpu.dma_semaphore, #tpu.memory_space<semaphore_mem>>
      %dma_start3A_968 = arith.constant 0 : i32
      %dma_start3A_969 = tpu.memref_slice %arg14[%add3A_826, %dma_start3A_968] : memref<10240x128xf32, #tpu.memory_space<vmem_shared>> -> memref<16x128xf32, #tpu.memory_space<vmem_shared>>
      %dma_start3A_970 = arith.constant 0 : i32
      %dma_start3A_971 = tpu.memref_slice %arg14[%add3A_826, %dma_start3A_970] : memref<10240x128xf32, #tpu.memory_space<vmem_shared>> -> memref<16x128xf32, #tpu.memory_space<vmem_shared>>
      tpu.enqueue_dma source(%arg13 : memref<16x128xf32, #tpu.memory_space<vmem>>) target(%dma_start3A_971 : memref<16x128xf32, #tpu.memory_space<vmem_shared>>) target_semaphore(%run_scoped3A : memref<!tpu.dma_semaphore, #tpu.memory_space<semaphore_mem>>)
      %dma_wait3A_972 = arith.constant 0 : i32
      %dma_wait3A_973 = tpu.memref_slice %arg14[%add3A_826, %dma_wait3A_972] : memref<10240x128xf32, #tpu.memory_space<vmem_shared>> -> memref<16x128xf32, #tpu.memory_space<vmem_shared>>
      %dma_wait3A_974 = arith.constant 0 : i32
      %dma_wait3A_975 = tpu.memref_slice %arg14[%add3A_826, %dma_wait3A_974] : memref<10240x128xf32, #tpu.memory_space<vmem_shared>> -> memref<16x128xf32, #tpu.memory_space<vmem_shared>>
      tpu.wait_dma2 semaphore(%run_scoped3A : memref<!tpu.dma_semaphore, #tpu.memory_space<semaphore_mem>>) src(%arg13 : memref<16x128xf32, #tpu.memory_space<vmem>>) dst(%dma_wait3A_975 : memref<16x128xf32, #tpu.memory_space<vmem_shared>>)
      tpu.yield
    }) : () -> ()
    %mul3A_827 = arith.constant 640 : i32
    %mul3A_828 = arith.muli %arg1, %mul3A_827 : i32
    %add3A_829 = arith.constant 160 : i32
    %add3A_830 = arith.addi %mul3A_828, %add3A_829 : i32
    "tpu.region"() ({
      %run_scoped3A = tpu.sem_alloc : memref<!tpu.dma_semaphore, #tpu.memory_space<semaphore_mem>>
      %dma_start3A_968 = arith.constant 0 : i32
      %dma_start3A_969 = tpu.memref_slice %arg14[%add3A_830, %dma_start3A_968] : memref<10240x128xf32, #tpu.memory_space<vmem_shared>> -> memref<16x128xf32, #tpu.memory_space<vmem_shared>>
      %dma_start3A_970 = arith.constant 0 : i32
      %dma_start3A_971 = tpu.memref_slice %arg14[%add3A_830, %dma_start3A_970] : memref<10240x128xf32, #tpu.memory_space<vmem_shared>> -> memref<16x128xf32, #tpu.memory_space<vmem_shared>>
      tpu.enqueue_dma source(%arg13 : memref<16x128xf32, #tpu.memory_space<vmem>>) target(%dma_start3A_971 : memref<16x128xf32, #tpu.memory_space<vmem_shared>>) target_semaphore(%run_scoped3A : memref<!tpu.dma_semaphore, #tpu.memory_space<semaphore_mem>>)
      %dma_wait3A_972 = arith.constant 0 : i32
      %dma_wait3A_973 = tpu.memref_slice %arg14[%add3A_830, %dma_wait3A_972] : memref<10240x128xf32, #tpu.memory_space<vmem_shared>> -> memref<16x128xf32, #tpu.memory_space<vmem_shared>>
      %dma_wait3A_974 = arith.constant 0 : i32
      %dma_wait3A_975 = tpu.memref_slice %arg14[%add3A_830, %dma_wait3A_974] : memref<10240x128xf32, #tpu.memory_space<vmem_shared>> -> memref<16x128xf32, #tpu.memory_space<vmem_shared>>
      tpu.wait_dma2 semaphore(%run_scoped3A : memref<!tpu.dma_semaphore, #tpu.memory_space<semaphore_mem>>) src(%arg13 : memref<16x128xf32, #tpu.memory_space<vmem>>) dst(%dma_wait3A_975 : memref<16x128xf32, #tpu.memory_space<vmem_shared>>)
      tpu.yield
    }) : () -> ()
    %mul3A_831 = arith.constant 640 : i32
    %mul3A_832 = arith.muli %arg1, %mul3A_831 : i32
    %add3A_833 = arith.constant 176 : i32
    %add3A_834 = arith.addi %mul3A_832, %add3A_833 : i32
    "tpu.region"() ({
      %run_scoped3A = tpu.sem_alloc : memref<!tpu.dma_semaphore, #tpu.memory_space<semaphore_mem>>
      %dma_start3A_968 = arith.constant 0 : i32
      %dma_start3A_969 = tpu.memref_slice %arg14[%add3A_834, %dma_start3A_968] : memref<10240x128xf32, #tpu.memory_space<vmem_shared>> -> memref<16x128xf32, #tpu.memory_space<vmem_shared>>
      %dma_start3A_970 = arith.constant 0 : i32
      %dma_start3A_971 = tpu.memref_slice %arg14[%add3A_834, %dma_start3A_970] : memref<10240x128xf32, #tpu.memory_space<vmem_shared>> -> memref<16x128xf32, #tpu.memory_space<vmem_shared>>
      tpu.enqueue_dma source(%arg13 : memref<16x128xf32, #tpu.memory_space<vmem>>) target(%dma_start3A_971 : memref<16x128xf32, #tpu.memory_space<vmem_shared>>) target_semaphore(%run_scoped3A : memref<!tpu.dma_semaphore, #tpu.memory_space<semaphore_mem>>)
      %dma_wait3A_972 = arith.constant 0 : i32
      %dma_wait3A_973 = tpu.memref_slice %arg14[%add3A_834, %dma_wait3A_972] : memref<10240x128xf32, #tpu.memory_space<vmem_shared>> -> memref<16x128xf32, #tpu.memory_space<vmem_shared>>
      %dma_wait3A_974 = arith.constant 0 : i32
      %dma_wait3A_975 = tpu.memref_slice %arg14[%add3A_834, %dma_wait3A_974] : memref<10240x128xf32, #tpu.memory_space<vmem_shared>> -> memref<16x128xf32, #tpu.memory_space<vmem_shared>>
      tpu.wait_dma2 semaphore(%run_scoped3A : memref<!tpu.dma_semaphore, #tpu.memory_space<semaphore_mem>>) src(%arg13 : memref<16x128xf32, #tpu.memory_space<vmem>>) dst(%dma_wait3A_975 : memref<16x128xf32, #tpu.memory_space<vmem_shared>>)
      tpu.yield
    }) : () -> ()
    %mul3A_835 = arith.constant 640 : i32
    %mul3A_836 = arith.muli %arg1, %mul3A_835 : i32
    %add3A_837 = arith.constant 192 : i32
    %add3A_838 = arith.addi %mul3A_836, %add3A_837 : i32
    "tpu.region"() ({
      %run_scoped3A = tpu.sem_alloc : memref<!tpu.dma_semaphore, #tpu.memory_space<semaphore_mem>>
      %dma_start3A_968 = arith.constant 0 : i32
      %dma_start3A_969 = tpu.memref_slice %arg14[%add3A_838, %dma_start3A_968] : memref<10240x128xf32, #tpu.memory_space<vmem_shared>> -> memref<16x128xf32, #tpu.memory_space<vmem_shared>>
      %dma_start3A_970 = arith.constant 0 : i32
      %dma_start3A_971 = tpu.memref_slice %arg14[%add3A_838, %dma_start3A_970] : memref<10240x128xf32, #tpu.memory_space<vmem_shared>> -> memref<16x128xf32, #tpu.memory_space<vmem_shared>>
      tpu.enqueue_dma source(%arg13 : memref<16x128xf32, #tpu.memory_space<vmem>>) target(%dma_start3A_971 : memref<16x128xf32, #tpu.memory_space<vmem_shared>>) target_semaphore(%run_scoped3A : memref<!tpu.dma_semaphore, #tpu.memory_space<semaphore_mem>>)
      %dma_wait3A_972 = arith.constant 0 : i32
      %dma_wait3A_973 = tpu.memref_slice %arg14[%add3A_838, %dma_wait3A_972] : memref<10240x128xf32, #tpu.memory_space<vmem_shared>> -> memref<16x128xf32, #tpu.memory_space<vmem_shared>>
      %dma_wait3A_974 = arith.constant 0 : i32
      %dma_wait3A_975 = tpu.memref_slice %arg14[%add3A_838, %dma_wait3A_974] : memref<10240x128xf32, #tpu.memory_space<vmem_shared>> -> memref<16x128xf32, #tpu.memory_space<vmem_shared>>
      tpu.wait_dma2 semaphore(%run_scoped3A : memref<!tpu.dma_semaphore, #tpu.memory_space<semaphore_mem>>) src(%arg13 : memref<16x128xf32, #tpu.memory_space<vmem>>) dst(%dma_wait3A_975 : memref<16x128xf32, #tpu.memory_space<vmem_shared>>)
      tpu.yield
    }) : () -> ()
    %mul3A_839 = arith.constant 640 : i32
    %mul3A_840 = arith.muli %arg1, %mul3A_839 : i32
    %add3A_841 = arith.constant 208 : i32
    %add3A_842 = arith.addi %mul3A_840, %add3A_841 : i32
    "tpu.region"() ({
      %run_scoped3A = tpu.sem_alloc : memref<!tpu.dma_semaphore, #tpu.memory_space<semaphore_mem>>
      %dma_start3A_968 = arith.constant 0 : i32
      %dma_start3A_969 = tpu.memref_slice %arg14[%add3A_842, %dma_start3A_968] : memref<10240x128xf32, #tpu.memory_space<vmem_shared>> -> memref<16x128xf32, #tpu.memory_space<vmem_shared>>
      %dma_start3A_970 = arith.constant 0 : i32
      %dma_start3A_971 = tpu.memref_slice %arg14[%add3A_842, %dma_start3A_970] : memref<10240x128xf32, #tpu.memory_space<vmem_shared>> -> memref<16x128xf32, #tpu.memory_space<vmem_shared>>
      tpu.enqueue_dma source(%arg13 : memref<16x128xf32, #tpu.memory_space<vmem>>) target(%dma_start3A_971 : memref<16x128xf32, #tpu.memory_space<vmem_shared>>) target_semaphore(%run_scoped3A : memref<!tpu.dma_semaphore, #tpu.memory_space<semaphore_mem>>)
      %dma_wait3A_972 = arith.constant 0 : i32
      %dma_wait3A_973 = tpu.memref_slice %arg14[%add3A_842, %dma_wait3A_972] : memref<10240x128xf32, #tpu.memory_space<vmem_shared>> -> memref<16x128xf32, #tpu.memory_space<vmem_shared>>
      %dma_wait3A_974 = arith.constant 0 : i32
      %dma_wait3A_975 = tpu.memref_slice %arg14[%add3A_842, %dma_wait3A_974] : memref<10240x128xf32, #tpu.memory_space<vmem_shared>> -> memref<16x128xf32, #tpu.memory_space<vmem_shared>>
      tpu.wait_dma2 semaphore(%run_scoped3A : memref<!tpu.dma_semaphore, #tpu.memory_space<semaphore_mem>>) src(%arg13 : memref<16x128xf32, #tpu.memory_space<vmem>>) dst(%dma_wait3A_975 : memref<16x128xf32, #tpu.memory_space<vmem_shared>>)
      tpu.yield
    }) : () -> ()
    %mul3A_843 = arith.constant 640 : i32
    %mul3A_844 = arith.muli %arg1, %mul3A_843 : i32
    %add3A_845 = arith.constant 224 : i32
    %add3A_846 = arith.addi %mul3A_844, %add3A_845 : i32
    "tpu.region"() ({
      %run_scoped3A = tpu.sem_alloc : memref<!tpu.dma_semaphore, #tpu.memory_space<semaphore_mem>>
      %dma_start3A_968 = arith.constant 0 : i32
      %dma_start3A_969 = tpu.memref_slice %arg14[%add3A_846, %dma_start3A_968] : memref<10240x128xf32, #tpu.memory_space<vmem_shared>> -> memref<16x128xf32, #tpu.memory_space<vmem_shared>>
      %dma_start3A_970 = arith.constant 0 : i32
      %dma_start3A_971 = tpu.memref_slice %arg14[%add3A_846, %dma_start3A_970] : memref<10240x128xf32, #tpu.memory_space<vmem_shared>> -> memref<16x128xf32, #tpu.memory_space<vmem_shared>>
      tpu.enqueue_dma source(%arg13 : memref<16x128xf32, #tpu.memory_space<vmem>>) target(%dma_start3A_971 : memref<16x128xf32, #tpu.memory_space<vmem_shared>>) target_semaphore(%run_scoped3A : memref<!tpu.dma_semaphore, #tpu.memory_space<semaphore_mem>>)
      %dma_wait3A_972 = arith.constant 0 : i32
      %dma_wait3A_973 = tpu.memref_slice %arg14[%add3A_846, %dma_wait3A_972] : memref<10240x128xf32, #tpu.memory_space<vmem_shared>> -> memref<16x128xf32, #tpu.memory_space<vmem_shared>>
      %dma_wait3A_974 = arith.constant 0 : i32
      %dma_wait3A_975 = tpu.memref_slice %arg14[%add3A_846, %dma_wait3A_974] : memref<10240x128xf32, #tpu.memory_space<vmem_shared>> -> memref<16x128xf32, #tpu.memory_space<vmem_shared>>
      tpu.wait_dma2 semaphore(%run_scoped3A : memref<!tpu.dma_semaphore, #tpu.memory_space<semaphore_mem>>) src(%arg13 : memref<16x128xf32, #tpu.memory_space<vmem>>) dst(%dma_wait3A_975 : memref<16x128xf32, #tpu.memory_space<vmem_shared>>)
      tpu.yield
    }) : () -> ()
    %mul3A_847 = arith.constant 640 : i32
    %mul3A_848 = arith.muli %arg1, %mul3A_847 : i32
    %add3A_849 = arith.constant 240 : i32
    %add3A_850 = arith.addi %mul3A_848, %add3A_849 : i32
    "tpu.region"() ({
      %run_scoped3A = tpu.sem_alloc : memref<!tpu.dma_semaphore, #tpu.memory_space<semaphore_mem>>
      %dma_start3A_968 = arith.constant 0 : i32
      %dma_start3A_969 = tpu.memref_slice %arg14[%add3A_850, %dma_start3A_968] : memref<10240x128xf32, #tpu.memory_space<vmem_shared>> -> memref<16x128xf32, #tpu.memory_space<vmem_shared>>
      %dma_start3A_970 = arith.constant 0 : i32
      %dma_start3A_971 = tpu.memref_slice %arg14[%add3A_850, %dma_start3A_970] : memref<10240x128xf32, #tpu.memory_space<vmem_shared>> -> memref<16x128xf32, #tpu.memory_space<vmem_shared>>
      tpu.enqueue_dma source(%arg13 : memref<16x128xf32, #tpu.memory_space<vmem>>) target(%dma_start3A_971 : memref<16x128xf32, #tpu.memory_space<vmem_shared>>) target_semaphore(%run_scoped3A : memref<!tpu.dma_semaphore, #tpu.memory_space<semaphore_mem>>)
      %dma_wait3A_972 = arith.constant 0 : i32
      %dma_wait3A_973 = tpu.memref_slice %arg14[%add3A_850, %dma_wait3A_972] : memref<10240x128xf32, #tpu.memory_space<vmem_shared>> -> memref<16x128xf32, #tpu.memory_space<vmem_shared>>
      %dma_wait3A_974 = arith.constant 0 : i32
      %dma_wait3A_975 = tpu.memref_slice %arg14[%add3A_850, %dma_wait3A_974] : memref<10240x128xf32, #tpu.memory_space<vmem_shared>> -> memref<16x128xf32, #tpu.memory_space<vmem_shared>>
      tpu.wait_dma2 semaphore(%run_scoped3A : memref<!tpu.dma_semaphore, #tpu.memory_space<semaphore_mem>>) src(%arg13 : memref<16x128xf32, #tpu.memory_space<vmem>>) dst(%dma_wait3A_975 : memref<16x128xf32, #tpu.memory_space<vmem_shared>>)
      tpu.yield
    }) : () -> ()
    %mul3A_851 = arith.constant 640 : i32
    %mul3A_852 = arith.muli %arg1, %mul3A_851 : i32
    %add3A_853 = arith.constant 256 : i32
    %add3A_854 = arith.addi %mul3A_852, %add3A_853 : i32
    "tpu.region"() ({
      %run_scoped3A = tpu.sem_alloc : memref<!tpu.dma_semaphore, #tpu.memory_space<semaphore_mem>>
      %dma_start3A_968 = arith.constant 0 : i32
      %dma_start3A_969 = tpu.memref_slice %arg14[%add3A_854, %dma_start3A_968] : memref<10240x128xf32, #tpu.memory_space<vmem_shared>> -> memref<16x128xf32, #tpu.memory_space<vmem_shared>>
      %dma_start3A_970 = arith.constant 0 : i32
      %dma_start3A_971 = tpu.memref_slice %arg14[%add3A_854, %dma_start3A_970] : memref<10240x128xf32, #tpu.memory_space<vmem_shared>> -> memref<16x128xf32, #tpu.memory_space<vmem_shared>>
      tpu.enqueue_dma source(%arg13 : memref<16x128xf32, #tpu.memory_space<vmem>>) target(%dma_start3A_971 : memref<16x128xf32, #tpu.memory_space<vmem_shared>>) target_semaphore(%run_scoped3A : memref<!tpu.dma_semaphore, #tpu.memory_space<semaphore_mem>>)
      %dma_wait3A_972 = arith.constant 0 : i32
      %dma_wait3A_973 = tpu.memref_slice %arg14[%add3A_854, %dma_wait3A_972] : memref<10240x128xf32, #tpu.memory_space<vmem_shared>> -> memref<16x128xf32, #tpu.memory_space<vmem_shared>>
      %dma_wait3A_974 = arith.constant 0 : i32
      %dma_wait3A_975 = tpu.memref_slice %arg14[%add3A_854, %dma_wait3A_974] : memref<10240x128xf32, #tpu.memory_space<vmem_shared>> -> memref<16x128xf32, #tpu.memory_space<vmem_shared>>
      tpu.wait_dma2 semaphore(%run_scoped3A : memref<!tpu.dma_semaphore, #tpu.memory_space<semaphore_mem>>) src(%arg13 : memref<16x128xf32, #tpu.memory_space<vmem>>) dst(%dma_wait3A_975 : memref<16x128xf32, #tpu.memory_space<vmem_shared>>)
      tpu.yield
    }) : () -> ()
    %mul3A_855 = arith.constant 640 : i32
    %mul3A_856 = arith.muli %arg1, %mul3A_855 : i32
    %add3A_857 = arith.constant 272 : i32
    %add3A_858 = arith.addi %mul3A_856, %add3A_857 : i32
    "tpu.region"() ({
      %run_scoped3A = tpu.sem_alloc : memref<!tpu.dma_semaphore, #tpu.memory_space<semaphore_mem>>
      %dma_start3A_968 = arith.constant 0 : i32
      %dma_start3A_969 = tpu.memref_slice %arg14[%add3A_858, %dma_start3A_968] : memref<10240x128xf32, #tpu.memory_space<vmem_shared>> -> memref<16x128xf32, #tpu.memory_space<vmem_shared>>
      %dma_start3A_970 = arith.constant 0 : i32
      %dma_start3A_971 = tpu.memref_slice %arg14[%add3A_858, %dma_start3A_970] : memref<10240x128xf32, #tpu.memory_space<vmem_shared>> -> memref<16x128xf32, #tpu.memory_space<vmem_shared>>
      tpu.enqueue_dma source(%arg13 : memref<16x128xf32, #tpu.memory_space<vmem>>) target(%dma_start3A_971 : memref<16x128xf32, #tpu.memory_space<vmem_shared>>) target_semaphore(%run_scoped3A : memref<!tpu.dma_semaphore, #tpu.memory_space<semaphore_mem>>)
      %dma_wait3A_972 = arith.constant 0 : i32
      %dma_wait3A_973 = tpu.memref_slice %arg14[%add3A_858, %dma_wait3A_972] : memref<10240x128xf32, #tpu.memory_space<vmem_shared>> -> memref<16x128xf32, #tpu.memory_space<vmem_shared>>
      %dma_wait3A_974 = arith.constant 0 : i32
      %dma_wait3A_975 = tpu.memref_slice %arg14[%add3A_858, %dma_wait3A_974] : memref<10240x128xf32, #tpu.memory_space<vmem_shared>> -> memref<16x128xf32, #tpu.memory_space<vmem_shared>>
      tpu.wait_dma2 semaphore(%run_scoped3A : memref<!tpu.dma_semaphore, #tpu.memory_space<semaphore_mem>>) src(%arg13 : memref<16x128xf32, #tpu.memory_space<vmem>>) dst(%dma_wait3A_975 : memref<16x128xf32, #tpu.memory_space<vmem_shared>>)
      tpu.yield
    }) : () -> ()
    %mul3A_859 = arith.constant 640 : i32
    %mul3A_860 = arith.muli %arg1, %mul3A_859 : i32
    %add3A_861 = arith.constant 288 : i32
    %add3A_862 = arith.addi %mul3A_860, %add3A_861 : i32
    "tpu.region"() ({
      %run_scoped3A = tpu.sem_alloc : memref<!tpu.dma_semaphore, #tpu.memory_space<semaphore_mem>>
      %dma_start3A_968 = arith.constant 0 : i32
      %dma_start3A_969 = tpu.memref_slice %arg14[%add3A_862, %dma_start3A_968] : memref<10240x128xf32, #tpu.memory_space<vmem_shared>> -> memref<16x128xf32, #tpu.memory_space<vmem_shared>>
      %dma_start3A_970 = arith.constant 0 : i32
      %dma_start3A_971 = tpu.memref_slice %arg14[%add3A_862, %dma_start3A_970] : memref<10240x128xf32, #tpu.memory_space<vmem_shared>> -> memref<16x128xf32, #tpu.memory_space<vmem_shared>>
      tpu.enqueue_dma source(%arg13 : memref<16x128xf32, #tpu.memory_space<vmem>>) target(%dma_start3A_971 : memref<16x128xf32, #tpu.memory_space<vmem_shared>>) target_semaphore(%run_scoped3A : memref<!tpu.dma_semaphore, #tpu.memory_space<semaphore_mem>>)
      %dma_wait3A_972 = arith.constant 0 : i32
      %dma_wait3A_973 = tpu.memref_slice %arg14[%add3A_862, %dma_wait3A_972] : memref<10240x128xf32, #tpu.memory_space<vmem_shared>> -> memref<16x128xf32, #tpu.memory_space<vmem_shared>>
      %dma_wait3A_974 = arith.constant 0 : i32
      %dma_wait3A_975 = tpu.memref_slice %arg14[%add3A_862, %dma_wait3A_974] : memref<10240x128xf32, #tpu.memory_space<vmem_shared>> -> memref<16x128xf32, #tpu.memory_space<vmem_shared>>
      tpu.wait_dma2 semaphore(%run_scoped3A : memref<!tpu.dma_semaphore, #tpu.memory_space<semaphore_mem>>) src(%arg13 : memref<16x128xf32, #tpu.memory_space<vmem>>) dst(%dma_wait3A_975 : memref<16x128xf32, #tpu.memory_space<vmem_shared>>)
      tpu.yield
    }) : () -> ()
    %mul3A_863 = arith.constant 640 : i32
    %mul3A_864 = arith.muli %arg1, %mul3A_863 : i32
    %add3A_865 = arith.constant 304 : i32
    %add3A_866 = arith.addi %mul3A_864, %add3A_865 : i32
    "tpu.region"() ({
      %run_scoped3A = tpu.sem_alloc : memref<!tpu.dma_semaphore, #tpu.memory_space<semaphore_mem>>
      %dma_start3A_968 = arith.constant 0 : i32
      %dma_start3A_969 = tpu.memref_slice %arg14[%add3A_866, %dma_start3A_968] : memref<10240x128xf32, #tpu.memory_space<vmem_shared>> -> memref<16x128xf32, #tpu.memory_space<vmem_shared>>
      %dma_start3A_970 = arith.constant 0 : i32
      %dma_start3A_971 = tpu.memref_slice %arg14[%add3A_866, %dma_start3A_970] : memref<10240x128xf32, #tpu.memory_space<vmem_shared>> -> memref<16x128xf32, #tpu.memory_space<vmem_shared>>
      tpu.enqueue_dma source(%arg13 : memref<16x128xf32, #tpu.memory_space<vmem>>) target(%dma_start3A_971 : memref<16x128xf32, #tpu.memory_space<vmem_shared>>) target_semaphore(%run_scoped3A : memref<!tpu.dma_semaphore, #tpu.memory_space<semaphore_mem>>)
      %dma_wait3A_972 = arith.constant 0 : i32
      %dma_wait3A_973 = tpu.memref_slice %arg14[%add3A_866, %dma_wait3A_972] : memref<10240x128xf32, #tpu.memory_space<vmem_shared>> -> memref<16x128xf32, #tpu.memory_space<vmem_shared>>
      %dma_wait3A_974 = arith.constant 0 : i32
      %dma_wait3A_975 = tpu.memref_slice %arg14[%add3A_866, %dma_wait3A_974] : memref<10240x128xf32, #tpu.memory_space<vmem_shared>> -> memref<16x128xf32, #tpu.memory_space<vmem_shared>>
      tpu.wait_dma2 semaphore(%run_scoped3A : memref<!tpu.dma_semaphore, #tpu.memory_space<semaphore_mem>>) src(%arg13 : memref<16x128xf32, #tpu.memory_space<vmem>>) dst(%dma_wait3A_975 : memref<16x128xf32, #tpu.memory_space<vmem_shared>>)
      tpu.yield
    }) : () -> ()
    %mul3A_867 = arith.constant 640 : i32
    %mul3A_868 = arith.muli %arg1, %mul3A_867 : i32
    %add3A_869 = arith.constant 320 : i32
    %add3A_870 = arith.addi %mul3A_868, %add3A_869 : i32
    "tpu.region"() ({
      %run_scoped3A = tpu.sem_alloc : memref<!tpu.dma_semaphore, #tpu.memory_space<semaphore_mem>>
      %dma_start3A_968 = arith.constant 0 : i32
      %dma_start3A_969 = tpu.memref_slice %arg14[%add3A_870, %dma_start3A_968] : memref<10240x128xf32, #tpu.memory_space<vmem_shared>> -> memref<16x128xf32, #tpu.memory_space<vmem_shared>>
      %dma_start3A_970 = arith.constant 0 : i32
      %dma_start3A_971 = tpu.memref_slice %arg14[%add3A_870, %dma_start3A_970] : memref<10240x128xf32, #tpu.memory_space<vmem_shared>> -> memref<16x128xf32, #tpu.memory_space<vmem_shared>>
      tpu.enqueue_dma source(%arg13 : memref<16x128xf32, #tpu.memory_space<vmem>>) target(%dma_start3A_971 : memref<16x128xf32, #tpu.memory_space<vmem_shared>>) target_semaphore(%run_scoped3A : memref<!tpu.dma_semaphore, #tpu.memory_space<semaphore_mem>>)
      %dma_wait3A_972 = arith.constant 0 : i32
      %dma_wait3A_973 = tpu.memref_slice %arg14[%add3A_870, %dma_wait3A_972] : memref<10240x128xf32, #tpu.memory_space<vmem_shared>> -> memref<16x128xf32, #tpu.memory_space<vmem_shared>>
      %dma_wait3A_974 = arith.constant 0 : i32
      %dma_wait3A_975 = tpu.memref_slice %arg14[%add3A_870, %dma_wait3A_974] : memref<10240x128xf32, #tpu.memory_space<vmem_shared>> -> memref<16x128xf32, #tpu.memory_space<vmem_shared>>
      tpu.wait_dma2 semaphore(%run_scoped3A : memref<!tpu.dma_semaphore, #tpu.memory_space<semaphore_mem>>) src(%arg13 : memref<16x128xf32, #tpu.memory_space<vmem>>) dst(%dma_wait3A_975 : memref<16x128xf32, #tpu.memory_space<vmem_shared>>)
      tpu.yield
    }) : () -> ()
    %mul3A_871 = arith.constant 640 : i32
    %mul3A_872 = arith.muli %arg1, %mul3A_871 : i32
    %add3A_873 = arith.constant 336 : i32
    %add3A_874 = arith.addi %mul3A_872, %add3A_873 : i32
    "tpu.region"() ({
      %run_scoped3A = tpu.sem_alloc : memref<!tpu.dma_semaphore, #tpu.memory_space<semaphore_mem>>
      %dma_start3A_968 = arith.constant 0 : i32
      %dma_start3A_969 = tpu.memref_slice %arg14[%add3A_874, %dma_start3A_968] : memref<10240x128xf32, #tpu.memory_space<vmem_shared>> -> memref<16x128xf32, #tpu.memory_space<vmem_shared>>
      %dma_start3A_970 = arith.constant 0 : i32
      %dma_start3A_971 = tpu.memref_slice %arg14[%add3A_874, %dma_start3A_970] : memref<10240x128xf32, #tpu.memory_space<vmem_shared>> -> memref<16x128xf32, #tpu.memory_space<vmem_shared>>
      tpu.enqueue_dma source(%arg13 : memref<16x128xf32, #tpu.memory_space<vmem>>) target(%dma_start3A_971 : memref<16x128xf32, #tpu.memory_space<vmem_shared>>) target_semaphore(%run_scoped3A : memref<!tpu.dma_semaphore, #tpu.memory_space<semaphore_mem>>)
      %dma_wait3A_972 = arith.constant 0 : i32
      %dma_wait3A_973 = tpu.memref_slice %arg14[%add3A_874, %dma_wait3A_972] : memref<10240x128xf32, #tpu.memory_space<vmem_shared>> -> memref<16x128xf32, #tpu.memory_space<vmem_shared>>
      %dma_wait3A_974 = arith.constant 0 : i32
      %dma_wait3A_975 = tpu.memref_slice %arg14[%add3A_874, %dma_wait3A_974] : memref<10240x128xf32, #tpu.memory_space<vmem_shared>> -> memref<16x128xf32, #tpu.memory_space<vmem_shared>>
      tpu.wait_dma2 semaphore(%run_scoped3A : memref<!tpu.dma_semaphore, #tpu.memory_space<semaphore_mem>>) src(%arg13 : memref<16x128xf32, #tpu.memory_space<vmem>>) dst(%dma_wait3A_975 : memref<16x128xf32, #tpu.memory_space<vmem_shared>>)
      tpu.yield
    }) : () -> ()
    %mul3A_875 = arith.constant 640 : i32
    %mul3A_876 = arith.muli %arg1, %mul3A_875 : i32
    %add3A_877 = arith.constant 352 : i32
    %add3A_878 = arith.addi %mul3A_876, %add3A_877 : i32
    "tpu.region"() ({
      %run_scoped3A = tpu.sem_alloc : memref<!tpu.dma_semaphore, #tpu.memory_space<semaphore_mem>>
      %dma_start3A_968 = arith.constant 0 : i32
      %dma_start3A_969 = tpu.memref_slice %arg14[%add3A_878, %dma_start3A_968] : memref<10240x128xf32, #tpu.memory_space<vmem_shared>> -> memref<16x128xf32, #tpu.memory_space<vmem_shared>>
      %dma_start3A_970 = arith.constant 0 : i32
      %dma_start3A_971 = tpu.memref_slice %arg14[%add3A_878, %dma_start3A_970] : memref<10240x128xf32, #tpu.memory_space<vmem_shared>> -> memref<16x128xf32, #tpu.memory_space<vmem_shared>>
      tpu.enqueue_dma source(%arg13 : memref<16x128xf32, #tpu.memory_space<vmem>>) target(%dma_start3A_971 : memref<16x128xf32, #tpu.memory_space<vmem_shared>>) target_semaphore(%run_scoped3A : memref<!tpu.dma_semaphore, #tpu.memory_space<semaphore_mem>>)
      %dma_wait3A_972 = arith.constant 0 : i32
      %dma_wait3A_973 = tpu.memref_slice %arg14[%add3A_878, %dma_wait3A_972] : memref<10240x128xf32, #tpu.memory_space<vmem_shared>> -> memref<16x128xf32, #tpu.memory_space<vmem_shared>>
      %dma_wait3A_974 = arith.constant 0 : i32
      %dma_wait3A_975 = tpu.memref_slice %arg14[%add3A_878, %dma_wait3A_974] : memref<10240x128xf32, #tpu.memory_space<vmem_shared>> -> memref<16x128xf32, #tpu.memory_space<vmem_shared>>
      tpu.wait_dma2 semaphore(%run_scoped3A : memref<!tpu.dma_semaphore, #tpu.memory_space<semaphore_mem>>) src(%arg13 : memref<16x128xf32, #tpu.memory_space<vmem>>) dst(%dma_wait3A_975 : memref<16x128xf32, #tpu.memory_space<vmem_shared>>)
      tpu.yield
    }) : () -> ()
    %mul3A_879 = arith.constant 640 : i32
    %mul3A_880 = arith.muli %arg1, %mul3A_879 : i32
    %add3A_881 = arith.constant 368 : i32
    %add3A_882 = arith.addi %mul3A_880, %add3A_881 : i32
    "tpu.region"() ({
      %run_scoped3A = tpu.sem_alloc : memref<!tpu.dma_semaphore, #tpu.memory_space<semaphore_mem>>
      %dma_start3A_968 = arith.constant 0 : i32
      %dma_start3A_969 = tpu.memref_slice %arg14[%add3A_882, %dma_start3A_968] : memref<10240x128xf32, #tpu.memory_space<vmem_shared>> -> memref<16x128xf32, #tpu.memory_space<vmem_shared>>
      %dma_start3A_970 = arith.constant 0 : i32
      %dma_start3A_971 = tpu.memref_slice %arg14[%add3A_882, %dma_start3A_970] : memref<10240x128xf32, #tpu.memory_space<vmem_shared>> -> memref<16x128xf32, #tpu.memory_space<vmem_shared>>
      tpu.enqueue_dma source(%arg13 : memref<16x128xf32, #tpu.memory_space<vmem>>) target(%dma_start3A_971 : memref<16x128xf32, #tpu.memory_space<vmem_shared>>) target_semaphore(%run_scoped3A : memref<!tpu.dma_semaphore, #tpu.memory_space<semaphore_mem>>)
      %dma_wait3A_972 = arith.constant 0 : i32
      %dma_wait3A_973 = tpu.memref_slice %arg14[%add3A_882, %dma_wait3A_972] : memref<10240x128xf32, #tpu.memory_space<vmem_shared>> -> memref<16x128xf32, #tpu.memory_space<vmem_shared>>
      %dma_wait3A_974 = arith.constant 0 : i32
      %dma_wait3A_975 = tpu.memref_slice %arg14[%add3A_882, %dma_wait3A_974] : memref<10240x128xf32, #tpu.memory_space<vmem_shared>> -> memref<16x128xf32, #tpu.memory_space<vmem_shared>>
      tpu.wait_dma2 semaphore(%run_scoped3A : memref<!tpu.dma_semaphore, #tpu.memory_space<semaphore_mem>>) src(%arg13 : memref<16x128xf32, #tpu.memory_space<vmem>>) dst(%dma_wait3A_975 : memref<16x128xf32, #tpu.memory_space<vmem_shared>>)
      tpu.yield
    }) : () -> ()
    %mul3A_883 = arith.constant 640 : i32
    %mul3A_884 = arith.muli %arg1, %mul3A_883 : i32
    %add3A_885 = arith.constant 384 : i32
    %add3A_886 = arith.addi %mul3A_884, %add3A_885 : i32
    "tpu.region"() ({
      %run_scoped3A = tpu.sem_alloc : memref<!tpu.dma_semaphore, #tpu.memory_space<semaphore_mem>>
      %dma_start3A_968 = arith.constant 0 : i32
      %dma_start3A_969 = tpu.memref_slice %arg14[%add3A_886, %dma_start3A_968] : memref<10240x128xf32, #tpu.memory_space<vmem_shared>> -> memref<16x128xf32, #tpu.memory_space<vmem_shared>>
      %dma_start3A_970 = arith.constant 0 : i32
      %dma_start3A_971 = tpu.memref_slice %arg14[%add3A_886, %dma_start3A_970] : memref<10240x128xf32, #tpu.memory_space<vmem_shared>> -> memref<16x128xf32, #tpu.memory_space<vmem_shared>>
      tpu.enqueue_dma source(%arg13 : memref<16x128xf32, #tpu.memory_space<vmem>>) target(%dma_start3A_971 : memref<16x128xf32, #tpu.memory_space<vmem_shared>>) target_semaphore(%run_scoped3A : memref<!tpu.dma_semaphore, #tpu.memory_space<semaphore_mem>>)
      %dma_wait3A_972 = arith.constant 0 : i32
      %dma_wait3A_973 = tpu.memref_slice %arg14[%add3A_886, %dma_wait3A_972] : memref<10240x128xf32, #tpu.memory_space<vmem_shared>> -> memref<16x128xf32, #tpu.memory_space<vmem_shared>>
      %dma_wait3A_974 = arith.constant 0 : i32
      %dma_wait3A_975 = tpu.memref_slice %arg14[%add3A_886, %dma_wait3A_974] : memref<10240x128xf32, #tpu.memory_space<vmem_shared>> -> memref<16x128xf32, #tpu.memory_space<vmem_shared>>
      tpu.wait_dma2 semaphore(%run_scoped3A : memref<!tpu.dma_semaphore, #tpu.memory_space<semaphore_mem>>) src(%arg13 : memref<16x128xf32, #tpu.memory_space<vmem>>) dst(%dma_wait3A_975 : memref<16x128xf32, #tpu.memory_space<vmem_shared>>)
      tpu.yield
    }) : () -> ()
    %mul3A_887 = arith.constant 640 : i32
    %mul3A_888 = arith.muli %arg1, %mul3A_887 : i32
    %add3A_889 = arith.constant 400 : i32
    %add3A_890 = arith.addi %mul3A_888, %add3A_889 : i32
    "tpu.region"() ({
      %run_scoped3A = tpu.sem_alloc : memref<!tpu.dma_semaphore, #tpu.memory_space<semaphore_mem>>
      %dma_start3A_968 = arith.constant 0 : i32
      %dma_start3A_969 = tpu.memref_slice %arg14[%add3A_890, %dma_start3A_968] : memref<10240x128xf32, #tpu.memory_space<vmem_shared>> -> memref<16x128xf32, #tpu.memory_space<vmem_shared>>
      %dma_start3A_970 = arith.constant 0 : i32
      %dma_start3A_971 = tpu.memref_slice %arg14[%add3A_890, %dma_start3A_970] : memref<10240x128xf32, #tpu.memory_space<vmem_shared>> -> memref<16x128xf32, #tpu.memory_space<vmem_shared>>
      tpu.enqueue_dma source(%arg13 : memref<16x128xf32, #tpu.memory_space<vmem>>) target(%dma_start3A_971 : memref<16x128xf32, #tpu.memory_space<vmem_shared>>) target_semaphore(%run_scoped3A : memref<!tpu.dma_semaphore, #tpu.memory_space<semaphore_mem>>)
      %dma_wait3A_972 = arith.constant 0 : i32
      %dma_wait3A_973 = tpu.memref_slice %arg14[%add3A_890, %dma_wait3A_972] : memref<10240x128xf32, #tpu.memory_space<vmem_shared>> -> memref<16x128xf32, #tpu.memory_space<vmem_shared>>
      %dma_wait3A_974 = arith.constant 0 : i32
      %dma_wait3A_975 = tpu.memref_slice %arg14[%add3A_890, %dma_wait3A_974] : memref<10240x128xf32, #tpu.memory_space<vmem_shared>> -> memref<16x128xf32, #tpu.memory_space<vmem_shared>>
      tpu.wait_dma2 semaphore(%run_scoped3A : memref<!tpu.dma_semaphore, #tpu.memory_space<semaphore_mem>>) src(%arg13 : memref<16x128xf32, #tpu.memory_space<vmem>>) dst(%dma_wait3A_975 : memref<16x128xf32, #tpu.memory_space<vmem_shared>>)
      tpu.yield
    }) : () -> ()
    %mul3A_891 = arith.constant 640 : i32
    %mul3A_892 = arith.muli %arg1, %mul3A_891 : i32
    %add3A_893 = arith.constant 416 : i32
    %add3A_894 = arith.addi %mul3A_892, %add3A_893 : i32
    "tpu.region"() ({
      %run_scoped3A = tpu.sem_alloc : memref<!tpu.dma_semaphore, #tpu.memory_space<semaphore_mem>>
      %dma_start3A_968 = arith.constant 0 : i32
      %dma_start3A_969 = tpu.memref_slice %arg14[%add3A_894, %dma_start3A_968] : memref<10240x128xf32, #tpu.memory_space<vmem_shared>> -> memref<16x128xf32, #tpu.memory_space<vmem_shared>>
      %dma_start3A_970 = arith.constant 0 : i32
      %dma_start3A_971 = tpu.memref_slice %arg14[%add3A_894, %dma_start3A_970] : memref<10240x128xf32, #tpu.memory_space<vmem_shared>> -> memref<16x128xf32, #tpu.memory_space<vmem_shared>>
      tpu.enqueue_dma source(%arg13 : memref<16x128xf32, #tpu.memory_space<vmem>>) target(%dma_start3A_971 : memref<16x128xf32, #tpu.memory_space<vmem_shared>>) target_semaphore(%run_scoped3A : memref<!tpu.dma_semaphore, #tpu.memory_space<semaphore_mem>>)
      %dma_wait3A_972 = arith.constant 0 : i32
      %dma_wait3A_973 = tpu.memref_slice %arg14[%add3A_894, %dma_wait3A_972] : memref<10240x128xf32, #tpu.memory_space<vmem_shared>> -> memref<16x128xf32, #tpu.memory_space<vmem_shared>>
      %dma_wait3A_974 = arith.constant 0 : i32
      %dma_wait3A_975 = tpu.memref_slice %arg14[%add3A_894, %dma_wait3A_974] : memref<10240x128xf32, #tpu.memory_space<vmem_shared>> -> memref<16x128xf32, #tpu.memory_space<vmem_shared>>
      tpu.wait_dma2 semaphore(%run_scoped3A : memref<!tpu.dma_semaphore, #tpu.memory_space<semaphore_mem>>) src(%arg13 : memref<16x128xf32, #tpu.memory_space<vmem>>) dst(%dma_wait3A_975 : memref<16x128xf32, #tpu.memory_space<vmem_shared>>)
      tpu.yield
    }) : () -> ()
    %mul3A_895 = arith.constant 640 : i32
    %mul3A_896 = arith.muli %arg1, %mul3A_895 : i32
    %add3A_897 = arith.constant 432 : i32
    %add3A_898 = arith.addi %mul3A_896, %add3A_897 : i32
    "tpu.region"() ({
      %run_scoped3A = tpu.sem_alloc : memref<!tpu.dma_semaphore, #tpu.memory_space<semaphore_mem>>
      %dma_start3A_968 = arith.constant 0 : i32
      %dma_start3A_969 = tpu.memref_slice %arg14[%add3A_898, %dma_start3A_968] : memref<10240x128xf32, #tpu.memory_space<vmem_shared>> -> memref<16x128xf32, #tpu.memory_space<vmem_shared>>
      %dma_start3A_970 = arith.constant 0 : i32
      %dma_start3A_971 = tpu.memref_slice %arg14[%add3A_898, %dma_start3A_970] : memref<10240x128xf32, #tpu.memory_space<vmem_shared>> -> memref<16x128xf32, #tpu.memory_space<vmem_shared>>
      tpu.enqueue_dma source(%arg13 : memref<16x128xf32, #tpu.memory_space<vmem>>) target(%dma_start3A_971 : memref<16x128xf32, #tpu.memory_space<vmem_shared>>) target_semaphore(%run_scoped3A : memref<!tpu.dma_semaphore, #tpu.memory_space<semaphore_mem>>)
      %dma_wait3A_972 = arith.constant 0 : i32
      %dma_wait3A_973 = tpu.memref_slice %arg14[%add3A_898, %dma_wait3A_972] : memref<10240x128xf32, #tpu.memory_space<vmem_shared>> -> memref<16x128xf32, #tpu.memory_space<vmem_shared>>
      %dma_wait3A_974 = arith.constant 0 : i32
      %dma_wait3A_975 = tpu.memref_slice %arg14[%add3A_898, %dma_wait3A_974] : memref<10240x128xf32, #tpu.memory_space<vmem_shared>> -> memref<16x128xf32, #tpu.memory_space<vmem_shared>>
      tpu.wait_dma2 semaphore(%run_scoped3A : memref<!tpu.dma_semaphore, #tpu.memory_space<semaphore_mem>>) src(%arg13 : memref<16x128xf32, #tpu.memory_space<vmem>>) dst(%dma_wait3A_975 : memref<16x128xf32, #tpu.memory_space<vmem_shared>>)
      tpu.yield
    }) : () -> ()
    %mul3A_899 = arith.constant 640 : i32
    %mul3A_900 = arith.muli %arg1, %mul3A_899 : i32
    %add3A_901 = arith.constant 448 : i32
    %add3A_902 = arith.addi %mul3A_900, %add3A_901 : i32
    "tpu.region"() ({
      %run_scoped3A = tpu.sem_alloc : memref<!tpu.dma_semaphore, #tpu.memory_space<semaphore_mem>>
      %dma_start3A_968 = arith.constant 0 : i32
      %dma_start3A_969 = tpu.memref_slice %arg14[%add3A_902, %dma_start3A_968] : memref<10240x128xf32, #tpu.memory_space<vmem_shared>> -> memref<16x128xf32, #tpu.memory_space<vmem_shared>>
      %dma_start3A_970 = arith.constant 0 : i32
      %dma_start3A_971 = tpu.memref_slice %arg14[%add3A_902, %dma_start3A_970] : memref<10240x128xf32, #tpu.memory_space<vmem_shared>> -> memref<16x128xf32, #tpu.memory_space<vmem_shared>>
      tpu.enqueue_dma source(%arg13 : memref<16x128xf32, #tpu.memory_space<vmem>>) target(%dma_start3A_971 : memref<16x128xf32, #tpu.memory_space<vmem_shared>>) target_semaphore(%run_scoped3A : memref<!tpu.dma_semaphore, #tpu.memory_space<semaphore_mem>>)
      %dma_wait3A_972 = arith.constant 0 : i32
      %dma_wait3A_973 = tpu.memref_slice %arg14[%add3A_902, %dma_wait3A_972] : memref<10240x128xf32, #tpu.memory_space<vmem_shared>> -> memref<16x128xf32, #tpu.memory_space<vmem_shared>>
      %dma_wait3A_974 = arith.constant 0 : i32
      %dma_wait3A_975 = tpu.memref_slice %arg14[%add3A_902, %dma_wait3A_974] : memref<10240x128xf32, #tpu.memory_space<vmem_shared>> -> memref<16x128xf32, #tpu.memory_space<vmem_shared>>
      tpu.wait_dma2 semaphore(%run_scoped3A : memref<!tpu.dma_semaphore, #tpu.memory_space<semaphore_mem>>) src(%arg13 : memref<16x128xf32, #tpu.memory_space<vmem>>) dst(%dma_wait3A_975 : memref<16x128xf32, #tpu.memory_space<vmem_shared>>)
      tpu.yield
    }) : () -> ()
    %mul3A_903 = arith.constant 640 : i32
    %mul3A_904 = arith.muli %arg1, %mul3A_903 : i32
    %add3A_905 = arith.constant 464 : i32
    %add3A_906 = arith.addi %mul3A_904, %add3A_905 : i32
    "tpu.region"() ({
      %run_scoped3A = tpu.sem_alloc : memref<!tpu.dma_semaphore, #tpu.memory_space<semaphore_mem>>
      %dma_start3A_968 = arith.constant 0 : i32
      %dma_start3A_969 = tpu.memref_slice %arg14[%add3A_906, %dma_start3A_968] : memref<10240x128xf32, #tpu.memory_space<vmem_shared>> -> memref<16x128xf32, #tpu.memory_space<vmem_shared>>
      %dma_start3A_970 = arith.constant 0 : i32
      %dma_start3A_971 = tpu.memref_slice %arg14[%add3A_906, %dma_start3A_970] : memref<10240x128xf32, #tpu.memory_space<vmem_shared>> -> memref<16x128xf32, #tpu.memory_space<vmem_shared>>
      tpu.enqueue_dma source(%arg13 : memref<16x128xf32, #tpu.memory_space<vmem>>) target(%dma_start3A_971 : memref<16x128xf32, #tpu.memory_space<vmem_shared>>) target_semaphore(%run_scoped3A : memref<!tpu.dma_semaphore, #tpu.memory_space<semaphore_mem>>)
      %dma_wait3A_972 = arith.constant 0 : i32
      %dma_wait3A_973 = tpu.memref_slice %arg14[%add3A_906, %dma_wait3A_972] : memref<10240x128xf32, #tpu.memory_space<vmem_shared>> -> memref<16x128xf32, #tpu.memory_space<vmem_shared>>
      %dma_wait3A_974 = arith.constant 0 : i32
      %dma_wait3A_975 = tpu.memref_slice %arg14[%add3A_906, %dma_wait3A_974] : memref<10240x128xf32, #tpu.memory_space<vmem_shared>> -> memref<16x128xf32, #tpu.memory_space<vmem_shared>>
      tpu.wait_dma2 semaphore(%run_scoped3A : memref<!tpu.dma_semaphore, #tpu.memory_space<semaphore_mem>>) src(%arg13 : memref<16x128xf32, #tpu.memory_space<vmem>>) dst(%dma_wait3A_975 : memref<16x128xf32, #tpu.memory_space<vmem_shared>>)
      tpu.yield
    }) : () -> ()
    %mul3A_907 = arith.constant 640 : i32
    %mul3A_908 = arith.muli %arg1, %mul3A_907 : i32
    %add3A_909 = arith.constant 480 : i32
    %add3A_910 = arith.addi %mul3A_908, %add3A_909 : i32
    "tpu.region"() ({
      %run_scoped3A = tpu.sem_alloc : memref<!tpu.dma_semaphore, #tpu.memory_space<semaphore_mem>>
      %dma_start3A_968 = arith.constant 0 : i32
      %dma_start3A_969 = tpu.memref_slice %arg14[%add3A_910, %dma_start3A_968] : memref<10240x128xf32, #tpu.memory_space<vmem_shared>> -> memref<16x128xf32, #tpu.memory_space<vmem_shared>>
      %dma_start3A_970 = arith.constant 0 : i32
      %dma_start3A_971 = tpu.memref_slice %arg14[%add3A_910, %dma_start3A_970] : memref<10240x128xf32, #tpu.memory_space<vmem_shared>> -> memref<16x128xf32, #tpu.memory_space<vmem_shared>>
      tpu.enqueue_dma source(%arg13 : memref<16x128xf32, #tpu.memory_space<vmem>>) target(%dma_start3A_971 : memref<16x128xf32, #tpu.memory_space<vmem_shared>>) target_semaphore(%run_scoped3A : memref<!tpu.dma_semaphore, #tpu.memory_space<semaphore_mem>>)
      %dma_wait3A_972 = arith.constant 0 : i32
      %dma_wait3A_973 = tpu.memref_slice %arg14[%add3A_910, %dma_wait3A_972] : memref<10240x128xf32, #tpu.memory_space<vmem_shared>> -> memref<16x128xf32, #tpu.memory_space<vmem_shared>>
      %dma_wait3A_974 = arith.constant 0 : i32
      %dma_wait3A_975 = tpu.memref_slice %arg14[%add3A_910, %dma_wait3A_974] : memref<10240x128xf32, #tpu.memory_space<vmem_shared>> -> memref<16x128xf32, #tpu.memory_space<vmem_shared>>
      tpu.wait_dma2 semaphore(%run_scoped3A : memref<!tpu.dma_semaphore, #tpu.memory_space<semaphore_mem>>) src(%arg13 : memref<16x128xf32, #tpu.memory_space<vmem>>) dst(%dma_wait3A_975 : memref<16x128xf32, #tpu.memory_space<vmem_shared>>)
      tpu.yield
    }) : () -> ()
    %mul3A_911 = arith.constant 640 : i32
    %mul3A_912 = arith.muli %arg1, %mul3A_911 : i32
    %add3A_913 = arith.constant 496 : i32
    %add3A_914 = arith.addi %mul3A_912, %add3A_913 : i32
    "tpu.region"() ({
      %run_scoped3A = tpu.sem_alloc : memref<!tpu.dma_semaphore, #tpu.memory_space<semaphore_mem>>
      %dma_start3A_968 = arith.constant 0 : i32
      %dma_start3A_969 = tpu.memref_slice %arg14[%add3A_914, %dma_start3A_968] : memref<10240x128xf32, #tpu.memory_space<vmem_shared>> -> memref<16x128xf32, #tpu.memory_space<vmem_shared>>
      %dma_start3A_970 = arith.constant 0 : i32
      %dma_start3A_971 = tpu.memref_slice %arg14[%add3A_914, %dma_start3A_970] : memref<10240x128xf32, #tpu.memory_space<vmem_shared>> -> memref<16x128xf32, #tpu.memory_space<vmem_shared>>
      tpu.enqueue_dma source(%arg13 : memref<16x128xf32, #tpu.memory_space<vmem>>) target(%dma_start3A_971 : memref<16x128xf32, #tpu.memory_space<vmem_shared>>) target_semaphore(%run_scoped3A : memref<!tpu.dma_semaphore, #tpu.memory_space<semaphore_mem>>)
      %dma_wait3A_972 = arith.constant 0 : i32
      %dma_wait3A_973 = tpu.memref_slice %arg14[%add3A_914, %dma_wait3A_972] : memref<10240x128xf32, #tpu.memory_space<vmem_shared>> -> memref<16x128xf32, #tpu.memory_space<vmem_shared>>
      %dma_wait3A_974 = arith.constant 0 : i32
      %dma_wait3A_975 = tpu.memref_slice %arg14[%add3A_914, %dma_wait3A_974] : memref<10240x128xf32, #tpu.memory_space<vmem_shared>> -> memref<16x128xf32, #tpu.memory_space<vmem_shared>>
      tpu.wait_dma2 semaphore(%run_scoped3A : memref<!tpu.dma_semaphore, #tpu.memory_space<semaphore_mem>>) src(%arg13 : memref<16x128xf32, #tpu.memory_space<vmem>>) dst(%dma_wait3A_975 : memref<16x128xf32, #tpu.memory_space<vmem_shared>>)
      tpu.yield
    }) : () -> ()
    %mul3A_915 = arith.constant 640 : i32
    %mul3A_916 = arith.muli %arg1, %mul3A_915 : i32
    %add3A_917 = arith.constant 512 : i32
    %add3A_918 = arith.addi %mul3A_916, %add3A_917 : i32
    "tpu.region"() ({
      %run_scoped3A = tpu.sem_alloc : memref<!tpu.dma_semaphore, #tpu.memory_space<semaphore_mem>>
      %dma_start3A_968 = arith.constant 0 : i32
      %dma_start3A_969 = tpu.memref_slice %arg14[%add3A_918, %dma_start3A_968] : memref<10240x128xf32, #tpu.memory_space<vmem_shared>> -> memref<16x128xf32, #tpu.memory_space<vmem_shared>>
      %dma_start3A_970 = arith.constant 0 : i32
      %dma_start3A_971 = tpu.memref_slice %arg14[%add3A_918, %dma_start3A_970] : memref<10240x128xf32, #tpu.memory_space<vmem_shared>> -> memref<16x128xf32, #tpu.memory_space<vmem_shared>>
      tpu.enqueue_dma source(%arg13 : memref<16x128xf32, #tpu.memory_space<vmem>>) target(%dma_start3A_971 : memref<16x128xf32, #tpu.memory_space<vmem_shared>>) target_semaphore(%run_scoped3A : memref<!tpu.dma_semaphore, #tpu.memory_space<semaphore_mem>>)
      %dma_wait3A_972 = arith.constant 0 : i32
      %dma_wait3A_973 = tpu.memref_slice %arg14[%add3A_918, %dma_wait3A_972] : memref<10240x128xf32, #tpu.memory_space<vmem_shared>> -> memref<16x128xf32, #tpu.memory_space<vmem_shared>>
      %dma_wait3A_974 = arith.constant 0 : i32
      %dma_wait3A_975 = tpu.memref_slice %arg14[%add3A_918, %dma_wait3A_974] : memref<10240x128xf32, #tpu.memory_space<vmem_shared>> -> memref<16x128xf32, #tpu.memory_space<vmem_shared>>
      tpu.wait_dma2 semaphore(%run_scoped3A : memref<!tpu.dma_semaphore, #tpu.memory_space<semaphore_mem>>) src(%arg13 : memref<16x128xf32, #tpu.memory_space<vmem>>) dst(%dma_wait3A_975 : memref<16x128xf32, #tpu.memory_space<vmem_shared>>)
      tpu.yield
    }) : () -> ()
    %mul3A_919 = arith.constant 640 : i32
    %mul3A_920 = arith.muli %arg1, %mul3A_919 : i32
    %add3A_921 = arith.constant 528 : i32
    %add3A_922 = arith.addi %mul3A_920, %add3A_921 : i32
    "tpu.region"() ({
      %run_scoped3A = tpu.sem_alloc : memref<!tpu.dma_semaphore, #tpu.memory_space<semaphore_mem>>
      %dma_start3A_968 = arith.constant 0 : i32
      %dma_start3A_969 = tpu.memref_slice %arg14[%add3A_922, %dma_start3A_968] : memref<10240x128xf32, #tpu.memory_space<vmem_shared>> -> memref<16x128xf32, #tpu.memory_space<vmem_shared>>
      %dma_start3A_970 = arith.constant 0 : i32
      %dma_start3A_971 = tpu.memref_slice %arg14[%add3A_922, %dma_start3A_970] : memref<10240x128xf32, #tpu.memory_space<vmem_shared>> -> memref<16x128xf32, #tpu.memory_space<vmem_shared>>
      tpu.enqueue_dma source(%arg13 : memref<16x128xf32, #tpu.memory_space<vmem>>) target(%dma_start3A_971 : memref<16x128xf32, #tpu.memory_space<vmem_shared>>) target_semaphore(%run_scoped3A : memref<!tpu.dma_semaphore, #tpu.memory_space<semaphore_mem>>)
      %dma_wait3A_972 = arith.constant 0 : i32
      %dma_wait3A_973 = tpu.memref_slice %arg14[%add3A_922, %dma_wait3A_972] : memref<10240x128xf32, #tpu.memory_space<vmem_shared>> -> memref<16x128xf32, #tpu.memory_space<vmem_shared>>
      %dma_wait3A_974 = arith.constant 0 : i32
      %dma_wait3A_975 = tpu.memref_slice %arg14[%add3A_922, %dma_wait3A_974] : memref<10240x128xf32, #tpu.memory_space<vmem_shared>> -> memref<16x128xf32, #tpu.memory_space<vmem_shared>>
      tpu.wait_dma2 semaphore(%run_scoped3A : memref<!tpu.dma_semaphore, #tpu.memory_space<semaphore_mem>>) src(%arg13 : memref<16x128xf32, #tpu.memory_space<vmem>>) dst(%dma_wait3A_975 : memref<16x128xf32, #tpu.memory_space<vmem_shared>>)
      tpu.yield
    }) : () -> ()
    %mul3A_923 = arith.constant 640 : i32
    %mul3A_924 = arith.muli %arg1, %mul3A_923 : i32
    %add3A_925 = arith.constant 544 : i32
    %add3A_926 = arith.addi %mul3A_924, %add3A_925 : i32
    "tpu.region"() ({
      %run_scoped3A = tpu.sem_alloc : memref<!tpu.dma_semaphore, #tpu.memory_space<semaphore_mem>>
      %dma_start3A_968 = arith.constant 0 : i32
      %dma_start3A_969 = tpu.memref_slice %arg14[%add3A_926, %dma_start3A_968] : memref<10240x128xf32, #tpu.memory_space<vmem_shared>> -> memref<16x128xf32, #tpu.memory_space<vmem_shared>>
      %dma_start3A_970 = arith.constant 0 : i32
      %dma_start3A_971 = tpu.memref_slice %arg14[%add3A_926, %dma_start3A_970] : memref<10240x128xf32, #tpu.memory_space<vmem_shared>> -> memref<16x128xf32, #tpu.memory_space<vmem_shared>>
      tpu.enqueue_dma source(%arg13 : memref<16x128xf32, #tpu.memory_space<vmem>>) target(%dma_start3A_971 : memref<16x128xf32, #tpu.memory_space<vmem_shared>>) target_semaphore(%run_scoped3A : memref<!tpu.dma_semaphore, #tpu.memory_space<semaphore_mem>>)
      %dma_wait3A_972 = arith.constant 0 : i32
      %dma_wait3A_973 = tpu.memref_slice %arg14[%add3A_926, %dma_wait3A_972] : memref<10240x128xf32, #tpu.memory_space<vmem_shared>> -> memref<16x128xf32, #tpu.memory_space<vmem_shared>>
      %dma_wait3A_974 = arith.constant 0 : i32
      %dma_wait3A_975 = tpu.memref_slice %arg14[%add3A_926, %dma_wait3A_974] : memref<10240x128xf32, #tpu.memory_space<vmem_shared>> -> memref<16x128xf32, #tpu.memory_space<vmem_shared>>
      tpu.wait_dma2 semaphore(%run_scoped3A : memref<!tpu.dma_semaphore, #tpu.memory_space<semaphore_mem>>) src(%arg13 : memref<16x128xf32, #tpu.memory_space<vmem>>) dst(%dma_wait3A_975 : memref<16x128xf32, #tpu.memory_space<vmem_shared>>)
      tpu.yield
    }) : () -> ()
    %mul3A_927 = arith.constant 640 : i32
    %mul3A_928 = arith.muli %arg1, %mul3A_927 : i32
    %add3A_929 = arith.constant 560 : i32
    %add3A_930 = arith.addi %mul3A_928, %add3A_929 : i32
    "tpu.region"() ({
      %run_scoped3A = tpu.sem_alloc : memref<!tpu.dma_semaphore, #tpu.memory_space<semaphore_mem>>
      %dma_start3A_968 = arith.constant 0 : i32
      %dma_start3A_969 = tpu.memref_slice %arg14[%add3A_930, %dma_start3A_968] : memref<10240x128xf32, #tpu.memory_space<vmem_shared>> -> memref<16x128xf32, #tpu.memory_space<vmem_shared>>
      %dma_start3A_970 = arith.constant 0 : i32
      %dma_start3A_971 = tpu.memref_slice %arg14[%add3A_930, %dma_start3A_970] : memref<10240x128xf32, #tpu.memory_space<vmem_shared>> -> memref<16x128xf32, #tpu.memory_space<vmem_shared>>
      tpu.enqueue_dma source(%arg13 : memref<16x128xf32, #tpu.memory_space<vmem>>) target(%dma_start3A_971 : memref<16x128xf32, #tpu.memory_space<vmem_shared>>) target_semaphore(%run_scoped3A : memref<!tpu.dma_semaphore, #tpu.memory_space<semaphore_mem>>)
      %dma_wait3A_972 = arith.constant 0 : i32
      %dma_wait3A_973 = tpu.memref_slice %arg14[%add3A_930, %dma_wait3A_972] : memref<10240x128xf32, #tpu.memory_space<vmem_shared>> -> memref<16x128xf32, #tpu.memory_space<vmem_shared>>
      %dma_wait3A_974 = arith.constant 0 : i32
      %dma_wait3A_975 = tpu.memref_slice %arg14[%add3A_930, %dma_wait3A_974] : memref<10240x128xf32, #tpu.memory_space<vmem_shared>> -> memref<16x128xf32, #tpu.memory_space<vmem_shared>>
      tpu.wait_dma2 semaphore(%run_scoped3A : memref<!tpu.dma_semaphore, #tpu.memory_space<semaphore_mem>>) src(%arg13 : memref<16x128xf32, #tpu.memory_space<vmem>>) dst(%dma_wait3A_975 : memref<16x128xf32, #tpu.memory_space<vmem_shared>>)
      tpu.yield
    }) : () -> ()
    %mul3A_931 = arith.constant 640 : i32
    %mul3A_932 = arith.muli %arg1, %mul3A_931 : i32
    %add3A_933 = arith.constant 576 : i32
    %add3A_934 = arith.addi %mul3A_932, %add3A_933 : i32
    "tpu.region"() ({
      %run_scoped3A = tpu.sem_alloc : memref<!tpu.dma_semaphore, #tpu.memory_space<semaphore_mem>>
      %dma_start3A_968 = arith.constant 0 : i32
      %dma_start3A_969 = tpu.memref_slice %arg14[%add3A_934, %dma_start3A_968] : memref<10240x128xf32, #tpu.memory_space<vmem_shared>> -> memref<16x128xf32, #tpu.memory_space<vmem_shared>>
      %dma_start3A_970 = arith.constant 0 : i32
      %dma_start3A_971 = tpu.memref_slice %arg14[%add3A_934, %dma_start3A_970] : memref<10240x128xf32, #tpu.memory_space<vmem_shared>> -> memref<16x128xf32, #tpu.memory_space<vmem_shared>>
      tpu.enqueue_dma source(%arg13 : memref<16x128xf32, #tpu.memory_space<vmem>>) target(%dma_start3A_971 : memref<16x128xf32, #tpu.memory_space<vmem_shared>>) target_semaphore(%run_scoped3A : memref<!tpu.dma_semaphore, #tpu.memory_space<semaphore_mem>>)
      %dma_wait3A_972 = arith.constant 0 : i32
      %dma_wait3A_973 = tpu.memref_slice %arg14[%add3A_934, %dma_wait3A_972] : memref<10240x128xf32, #tpu.memory_space<vmem_shared>> -> memref<16x128xf32, #tpu.memory_space<vmem_shared>>
      %dma_wait3A_974 = arith.constant 0 : i32
      %dma_wait3A_975 = tpu.memref_slice %arg14[%add3A_934, %dma_wait3A_974] : memref<10240x128xf32, #tpu.memory_space<vmem_shared>> -> memref<16x128xf32, #tpu.memory_space<vmem_shared>>
      tpu.wait_dma2 semaphore(%run_scoped3A : memref<!tpu.dma_semaphore, #tpu.memory_space<semaphore_mem>>) src(%arg13 : memref<16x128xf32, #tpu.memory_space<vmem>>) dst(%dma_wait3A_975 : memref<16x128xf32, #tpu.memory_space<vmem_shared>>)
      tpu.yield
    }) : () -> ()
    %mul3A_935 = arith.constant 640 : i32
    %mul3A_936 = arith.muli %arg1, %mul3A_935 : i32
    %add3A_937 = arith.constant 592 : i32
    %add3A_938 = arith.addi %mul3A_936, %add3A_937 : i32
    "tpu.region"() ({
      %run_scoped3A = tpu.sem_alloc : memref<!tpu.dma_semaphore, #tpu.memory_space<semaphore_mem>>
      %dma_start3A_968 = arith.constant 0 : i32
      %dma_start3A_969 = tpu.memref_slice %arg14[%add3A_938, %dma_start3A_968] : memref<10240x128xf32, #tpu.memory_space<vmem_shared>> -> memref<16x128xf32, #tpu.memory_space<vmem_shared>>
      %dma_start3A_970 = arith.constant 0 : i32
      %dma_start3A_971 = tpu.memref_slice %arg14[%add3A_938, %dma_start3A_970] : memref<10240x128xf32, #tpu.memory_space<vmem_shared>> -> memref<16x128xf32, #tpu.memory_space<vmem_shared>>
      tpu.enqueue_dma source(%arg13 : memref<16x128xf32, #tpu.memory_space<vmem>>) target(%dma_start3A_971 : memref<16x128xf32, #tpu.memory_space<vmem_shared>>) target_semaphore(%run_scoped3A : memref<!tpu.dma_semaphore, #tpu.memory_space<semaphore_mem>>)
      %dma_wait3A_972 = arith.constant 0 : i32
      %dma_wait3A_973 = tpu.memref_slice %arg14[%add3A_938, %dma_wait3A_972] : memref<10240x128xf32, #tpu.memory_space<vmem_shared>> -> memref<16x128xf32, #tpu.memory_space<vmem_shared>>
      %dma_wait3A_974 = arith.constant 0 : i32
      %dma_wait3A_975 = tpu.memref_slice %arg14[%add3A_938, %dma_wait3A_974] : memref<10240x128xf32, #tpu.memory_space<vmem_shared>> -> memref<16x128xf32, #tpu.memory_space<vmem_shared>>
      tpu.wait_dma2 semaphore(%run_scoped3A : memref<!tpu.dma_semaphore, #tpu.memory_space<semaphore_mem>>) src(%arg13 : memref<16x128xf32, #tpu.memory_space<vmem>>) dst(%dma_wait3A_975 : memref<16x128xf32, #tpu.memory_space<vmem_shared>>)
      tpu.yield
    }) : () -> ()
    %mul3A_939 = arith.constant 640 : i32
    %mul3A_940 = arith.muli %arg1, %mul3A_939 : i32
    %add3A_941 = arith.constant 608 : i32
    %add3A_942 = arith.addi %mul3A_940, %add3A_941 : i32
    "tpu.region"() ({
      %run_scoped3A = tpu.sem_alloc : memref<!tpu.dma_semaphore, #tpu.memory_space<semaphore_mem>>
      %dma_start3A_968 = arith.constant 0 : i32
      %dma_start3A_969 = tpu.memref_slice %arg14[%add3A_942, %dma_start3A_968] : memref<10240x128xf32, #tpu.memory_space<vmem_shared>> -> memref<16x128xf32, #tpu.memory_space<vmem_shared>>
      %dma_start3A_970 = arith.constant 0 : i32
      %dma_start3A_971 = tpu.memref_slice %arg14[%add3A_942, %dma_start3A_970] : memref<10240x128xf32, #tpu.memory_space<vmem_shared>> -> memref<16x128xf32, #tpu.memory_space<vmem_shared>>
      tpu.enqueue_dma source(%arg13 : memref<16x128xf32, #tpu.memory_space<vmem>>) target(%dma_start3A_971 : memref<16x128xf32, #tpu.memory_space<vmem_shared>>) target_semaphore(%run_scoped3A : memref<!tpu.dma_semaphore, #tpu.memory_space<semaphore_mem>>)
      %dma_wait3A_972 = arith.constant 0 : i32
      %dma_wait3A_973 = tpu.memref_slice %arg14[%add3A_942, %dma_wait3A_972] : memref<10240x128xf32, #tpu.memory_space<vmem_shared>> -> memref<16x128xf32, #tpu.memory_space<vmem_shared>>
      %dma_wait3A_974 = arith.constant 0 : i32
      %dma_wait3A_975 = tpu.memref_slice %arg14[%add3A_942, %dma_wait3A_974] : memref<10240x128xf32, #tpu.memory_space<vmem_shared>> -> memref<16x128xf32, #tpu.memory_space<vmem_shared>>
      tpu.wait_dma2 semaphore(%run_scoped3A : memref<!tpu.dma_semaphore, #tpu.memory_space<semaphore_mem>>) src(%arg13 : memref<16x128xf32, #tpu.memory_space<vmem>>) dst(%dma_wait3A_975 : memref<16x128xf32, #tpu.memory_space<vmem_shared>>)
      tpu.yield
    }) : () -> ()
    %mul3A_943 = arith.constant 640 : i32
    %mul3A_944 = arith.muli %arg1, %mul3A_943 : i32
    %add3A_945 = arith.constant 624 : i32
    %add3A_946 = arith.addi %mul3A_944, %add3A_945 : i32
    "tpu.region"() ({
      %run_scoped3A = tpu.sem_alloc : memref<!tpu.dma_semaphore, #tpu.memory_space<semaphore_mem>>
      %dma_start3A_968 = arith.constant 0 : i32
      %dma_start3A_969 = tpu.memref_slice %arg14[%add3A_946, %dma_start3A_968] : memref<10240x128xf32, #tpu.memory_space<vmem_shared>> -> memref<16x128xf32, #tpu.memory_space<vmem_shared>>
      %dma_start3A_970 = arith.constant 0 : i32
      %dma_start3A_971 = tpu.memref_slice %arg14[%add3A_946, %dma_start3A_970] : memref<10240x128xf32, #tpu.memory_space<vmem_shared>> -> memref<16x128xf32, #tpu.memory_space<vmem_shared>>
      tpu.enqueue_dma source(%arg13 : memref<16x128xf32, #tpu.memory_space<vmem>>) target(%dma_start3A_971 : memref<16x128xf32, #tpu.memory_space<vmem_shared>>) target_semaphore(%run_scoped3A : memref<!tpu.dma_semaphore, #tpu.memory_space<semaphore_mem>>)
      %dma_wait3A_972 = arith.constant 0 : i32
      %dma_wait3A_973 = tpu.memref_slice %arg14[%add3A_946, %dma_wait3A_972] : memref<10240x128xf32, #tpu.memory_space<vmem_shared>> -> memref<16x128xf32, #tpu.memory_space<vmem_shared>>
      %dma_wait3A_974 = arith.constant 0 : i32
      %dma_wait3A_975 = tpu.memref_slice %arg14[%add3A_946, %dma_wait3A_974] : memref<10240x128xf32, #tpu.memory_space<vmem_shared>> -> memref<16x128xf32, #tpu.memory_space<vmem_shared>>
      tpu.wait_dma2 semaphore(%run_scoped3A : memref<!tpu.dma_semaphore, #tpu.memory_space<semaphore_mem>>) src(%arg13 : memref<16x128xf32, #tpu.memory_space<vmem>>) dst(%dma_wait3A_975 : memref<16x128xf32, #tpu.memory_space<vmem_shared>>)
      tpu.yield
    }) : () -> ()
    %barrier3A = arith.constant 0 : index
    tpu.barrier barrier_id(%barrier3A)
    %dma_wait3A = arith.constant 0 : i32
    %dma_wait3A_947 = tpu.memref_slice %arg3[%dma_wait3A] : memref<647168xi32, #tpu.memory_space<hbm>> -> memref<128xi32, #tpu.memory_space<hbm>>
    %dma_wait3A_948 = arith.constant 0 : i32
    %dma_wait3A_949 = tpu.memref_slice %arg3[%dma_wait3A_948] : memref<647168xi32, #tpu.memory_space<hbm>> -> memref<128xi32, #tpu.memory_space<hbm>>
    tpu.wait_dma2 semaphore(%arg17 : memref<!tpu.dma_semaphore, #tpu.memory_space<semaphore_mem>>) src(%dma_wait3A_949 : memref<128xi32, #tpu.memory_space<hbm>>) dst(%arg7 : memref<128xi32, #tpu.memory_space<vmem>>)
    %dma_start3A_950 = arith.constant 0 : i32
    %dma_start3A_951 = arith.constant 0 : i32
    %dma_start3A_952 = tpu.memref_slice %arg2[%dma_start3A_950, %dma_start3A_951] : memref<10000x128xf32, #tpu.memory_space<hbm>> -> memref<10000x128xf32, #tpu.memory_space<hbm>>
    tpu.enqueue_indirect_dma source(%dma_start3A_952 : memref<10000x128xf32, #tpu.memory_space<hbm>>) target(%arg11 : memref<128x128xf32, #tpu.memory_space<vmem>>) offsets(%arg7 : memref<128xi32, #tpu.memory_space<vmem>>) semaphore(%arg15 : memref<!tpu.dma_semaphore, #tpu.memory_space<semaphore_mem>>)
    %scan3A = arith.constant 0 : i32
    %scan3A_953 = arith.constant 0 : i32
    %scan3A_954 = arith.constant 79 : i32
    %scan3A_955 = arith.addi %scan3A_953, %scan3A_954 : i32
    %scan3A_956 = arith.constant 1 : i32
    scf.for %scan3A_968 = %scan3A_953 to %scan3A_955 step %scan3A_956  : i32 {
      %mul3A_969 = arith.constant 2 : i32
      %mul3A_970 = arith.muli %mul3A_969, %scan3A_968 : i32
      %add3A_971 = arith.constant 0 : i32
      %add3A_972 = arith.addi %mul3A_970, %add3A_971 : i32
      %add3A_973 = arith.constant 1 : i32
      %add3A_974 = arith.addi %add3A_972, %add3A_973 : i32
      %lt3A = arith.constant 158 : i32
      %lt3A_975 = arith.cmpi slt, %add3A_974, %lt3A : i32
      %convert_element_type3A_976 = arith.extui %lt3A_975 : i1 to i32
      %cond3A_977 = arith.constant 0 : i32
      %cond3A_978 = arith.cmpi ne, %convert_element_type3A_976, %cond3A_977 : i32
      scf.if %cond3A_978 {
        %dma_wait3A_1018 = arith.constant 0 : i32
        %dma_wait3A_1019 = tpu.memref_slice %arg3[%dma_wait3A_1018] : memref<647168xi32, #tpu.memory_space<hbm>> -> memref<128xi32, #tpu.memory_space<hbm>>
        %dma_wait3A_1020 = arith.constant 0 : i32
        %dma_wait3A_1021 = tpu.memref_slice %arg3[%dma_wait3A_1020] : memref<647168xi32, #tpu.memory_space<hbm>> -> memref<128xi32, #tpu.memory_space<hbm>>
        tpu.wait_dma2 semaphore(%arg18 : memref<!tpu.dma_semaphore, #tpu.memory_space<semaphore_mem>>) src(%dma_wait3A_1021 : memref<128xi32, #tpu.memory_space<hbm>>) dst(%arg8 : memref<128xi32, #tpu.memory_space<vmem>>)
        %dma_start3A_1022 = arith.constant 0 : i32
        %dma_start3A_1023 = arith.constant 0 : i32
        %dma_start3A_1024 = tpu.memref_slice %arg2[%dma_start3A_1022, %dma_start3A_1023] : memref<10000x128xf32, #tpu.memory_space<hbm>> -> memref<10000x128xf32, #tpu.memory_space<hbm>>
        tpu.enqueue_indirect_dma source(%dma_start3A_1024 : memref<10000x128xf32, #tpu.memory_space<hbm>>) target(%arg12 : memref<128x128xf32, #tpu.memory_space<vmem>>) offsets(%arg8 : memref<128xi32, #tpu.memory_space<vmem>>) semaphore(%arg16 : memref<!tpu.dma_semaphore, #tpu.memory_space<semaphore_mem>>)
      } else {
      }
      %dma_wait3A_979 = arith.constant 0 : i32
      %dma_wait3A_980 = arith.constant 0 : i32
      %dma_wait3A_981 = tpu.memref_slice %arg2[%dma_wait3A_979, %dma_wait3A_980] : memref<10000x128xf32, #tpu.memory_space<hbm>> -> memref<10000x128xf32, #tpu.memory_space<hbm>>
      tpu.wait_indirect_dma semaphore(%arg15 : memref<!tpu.dma_semaphore, #tpu.memory_space<semaphore_mem>>) src(%dma_wait3A_981 : memref<10000x128xf32, #tpu.memory_space<hbm>>) dst(%arg11 : memref<128x128xf32, #tpu.memory_space<vmem>>)
      %dma_wait3A_982 = arith.constant 0 : i32
      %dma_wait3A_983 = tpu.memref_slice %arg4[%dma_wait3A_982] : memref<647168xi32, #tpu.memory_space<hbm>> -> memref<128xi32, #tpu.memory_space<hbm>>
      %dma_wait3A_984 = arith.constant 0 : i32
      %dma_wait3A_985 = tpu.memref_slice %arg4[%dma_wait3A_984] : memref<647168xi32, #tpu.memory_space<hbm>> -> memref<128xi32, #tpu.memory_space<hbm>>
      tpu.wait_dma2 semaphore(%arg19 : memref<!tpu.dma_semaphore, #tpu.memory_space<semaphore_mem>>) src(%dma_wait3A_985 : memref<128xi32, #tpu.memory_space<hbm>>) dst(%arg9 : memref<128xi32, #tpu.memory_space<vmem>>)
      "tpu.region"() ({
        %run_scoped3A = tpu.sem_alloc : memref<!tpu.dma_semaphore, #tpu.memory_space<semaphore_mem>>
        %dma_start3A_1018 = arith.constant 0 : i32
        %dma_start3A_1019 = arith.constant 0 : i32
        %dma_start3A_1020 = tpu.memref_slice %arg14[%dma_start3A_1018, %dma_start3A_1019] : memref<10240x128xf32, #tpu.memory_space<vmem_shared>> -> memref<10240x128xf32, #tpu.memory_space<vmem_shared>>
        tpu.enqueue_indirect_dma source(%arg11 : memref<128x128xf32, #tpu.memory_space<vmem>>) target(%dma_start3A_1020 : memref<10240x128xf32, #tpu.memory_space<vmem_shared>>) offsets(%arg9 : memref<128xi32, #tpu.memory_space<vmem>>) semaphore(%run_scoped3A : memref<!tpu.dma_semaphore, #tpu.memory_space<semaphore_mem>>) {add = true}
        %dma_wait3A_1021 = arith.constant 0 : i32
        %dma_wait3A_1022 = arith.constant 0 : i32
        %dma_wait3A_1023 = tpu.memref_slice %arg14[%dma_wait3A_1021, %dma_wait3A_1022] : memref<10240x128xf32, #tpu.memory_space<vmem_shared>> -> memref<10240x128xf32, #tpu.memory_space<vmem_shared>>
        tpu.wait_indirect_dma semaphore(%run_scoped3A : memref<!tpu.dma_semaphore, #tpu.memory_space<semaphore_mem>>) src(%arg11 : memref<128x128xf32, #tpu.memory_space<vmem>>) dst(%dma_wait3A_1023 : memref<10240x128xf32, #tpu.memory_space<vmem_shared>>)
        tpu.yield
      }) : () -> ()
      %add3A_986 = arith.constant 2 : i32
      %add3A_987 = arith.addi %add3A_972, %add3A_986 : i32
      %lt3A_988 = arith.constant 158 : i32
      %lt3A_989 = arith.cmpi slt, %add3A_987, %lt3A_988 : i32
      %convert_element_type3A_990 = arith.extui %lt3A_989 : i1 to i32
      %cond3A_991 = arith.constant 0 : i32
      %cond3A_992 = arith.cmpi ne, %convert_element_type3A_990, %cond3A_991 : i32
      scf.if %cond3A_992 {
        %add3A_1018 = arith.constant 2 : i32
        %add3A_1019 = arith.addi %add3A_972, %add3A_1018 : i32
        %add3A_1020 = arith.addi %mul3A_2, %add3A_1019 : i32
        %mul3A_1021 = arith.constant 128 : i32
        %mul3A_1022 = arith.muli %add3A_1020, %mul3A_1021 : i32
        %multiple_of3A_1023 = tpu.assume_multiple %mul3A_1022, 128 : i32
        %dma_start3A_1024 = tpu.memref_slice %arg3[%multiple_of3A_1023] : memref<647168xi32, #tpu.memory_space<hbm>> -> memref<128xi32, #tpu.memory_space<hbm>>
        %dma_start3A_1025 = tpu.memref_slice %arg3[%multiple_of3A_1023] : memref<647168xi32, #tpu.memory_space<hbm>> -> memref<128xi32, #tpu.memory_space<hbm>>
        tpu.enqueue_dma source(%dma_start3A_1025 : memref<128xi32, #tpu.memory_space<hbm>>) target(%arg7 : memref<128xi32, #tpu.memory_space<vmem>>) target_semaphore(%arg17 : memref<!tpu.dma_semaphore, #tpu.memory_space<semaphore_mem>>)
        %dma_start3A_1026 = tpu.memref_slice %arg4[%multiple_of3A_1023] : memref<647168xi32, #tpu.memory_space<hbm>> -> memref<128xi32, #tpu.memory_space<hbm>>
        %dma_start3A_1027 = tpu.memref_slice %arg4[%multiple_of3A_1023] : memref<647168xi32, #tpu.memory_space<hbm>> -> memref<128xi32, #tpu.memory_space<hbm>>
        tpu.enqueue_dma source(%dma_start3A_1027 : memref<128xi32, #tpu.memory_space<hbm>>) target(%arg9 : memref<128xi32, #tpu.memory_space<vmem>>) target_semaphore(%arg19 : memref<!tpu.dma_semaphore, #tpu.memory_space<semaphore_mem>>)
      } else {
      }
      %mul3A_993 = arith.constant 2 : i32
      %mul3A_994 = arith.muli %mul3A_993, %scan3A_968 : i32
      %add3A_995 = arith.constant 1 : i32
      %add3A_996 = arith.addi %mul3A_994, %add3A_995 : i32
      %add3A_997 = arith.constant 1 : i32
      %add3A_998 = arith.addi %add3A_996, %add3A_997 : i32
      %lt3A_999 = arith.constant 158 : i32
      %lt3A_1000 = arith.cmpi slt, %add3A_998, %lt3A_999 : i32
      %convert_element_type3A_1001 = arith.extui %lt3A_1000 : i1 to i32
      %cond3A_1002 = arith.constant 0 : i32
      %cond3A_1003 = arith.cmpi ne, %convert_element_type3A_1001, %cond3A_1002 : i32
      scf.if %cond3A_1003 {
        %dma_wait3A_1018 = arith.constant 0 : i32
        %dma_wait3A_1019 = tpu.memref_slice %arg3[%dma_wait3A_1018] : memref<647168xi32, #tpu.memory_space<hbm>> -> memref<128xi32, #tpu.memory_space<hbm>>
        %dma_wait3A_1020 = arith.constant 0 : i32
        %dma_wait3A_1021 = tpu.memref_slice %arg3[%dma_wait3A_1020] : memref<647168xi32, #tpu.memory_space<hbm>> -> memref<128xi32, #tpu.memory_space<hbm>>
        tpu.wait_dma2 semaphore(%arg17 : memref<!tpu.dma_semaphore, #tpu.memory_space<semaphore_mem>>) src(%dma_wait3A_1021 : memref<128xi32, #tpu.memory_space<hbm>>) dst(%arg7 : memref<128xi32, #tpu.memory_space<vmem>>)
        %dma_start3A_1022 = arith.constant 0 : i32
        %dma_start3A_1023 = arith.constant 0 : i32
        %dma_start3A_1024 = tpu.memref_slice %arg2[%dma_start3A_1022, %dma_start3A_1023] : memref<10000x128xf32, #tpu.memory_space<hbm>> -> memref<10000x128xf32, #tpu.memory_space<hbm>>
        tpu.enqueue_indirect_dma source(%dma_start3A_1024 : memref<10000x128xf32, #tpu.memory_space<hbm>>) target(%arg11 : memref<128x128xf32, #tpu.memory_space<vmem>>) offsets(%arg7 : memref<128xi32, #tpu.memory_space<vmem>>) semaphore(%arg15 : memref<!tpu.dma_semaphore, #tpu.memory_space<semaphore_mem>>)
      } else {
      }
      %dma_wait3A_1004 = arith.constant 0 : i32
      %dma_wait3A_1005 = arith.constant 0 : i32
      %dma_wait3A_1006 = tpu.memref_slice %arg2[%dma_wait3A_1004, %dma_wait3A_1005] : memref<10000x128xf32, #tpu.memory_space<hbm>> -> memref<10000x128xf32, #tpu.memory_space<hbm>>
      tpu.wait_indirect_dma semaphore(%arg16 : memref<!tpu.dma_semaphore, #tpu.memory_space<semaphore_mem>>) src(%dma_wait3A_1006 : memref<10000x128xf32, #tpu.memory_space<hbm>>) dst(%arg12 : memref<128x128xf32, #tpu.memory_space<vmem>>)
      %dma_wait3A_1007 = arith.constant 0 : i32
      %dma_wait3A_1008 = tpu.memref_slice %arg4[%dma_wait3A_1007] : memref<647168xi32, #tpu.memory_space<hbm>> -> memref<128xi32, #tpu.memory_space<hbm>>
      %dma_wait3A_1009 = arith.constant 0 : i32
      %dma_wait3A_1010 = tpu.memref_slice %arg4[%dma_wait3A_1009] : memref<647168xi32, #tpu.memory_space<hbm>> -> memref<128xi32, #tpu.memory_space<hbm>>
      tpu.wait_dma2 semaphore(%arg20 : memref<!tpu.dma_semaphore, #tpu.memory_space<semaphore_mem>>) src(%dma_wait3A_1010 : memref<128xi32, #tpu.memory_space<hbm>>) dst(%arg10 : memref<128xi32, #tpu.memory_space<vmem>>)
      "tpu.region"() ({
        %run_scoped3A = tpu.sem_alloc : memref<!tpu.dma_semaphore, #tpu.memory_space<semaphore_mem>>
        %dma_start3A_1018 = arith.constant 0 : i32
        %dma_start3A_1019 = arith.constant 0 : i32
        %dma_start3A_1020 = tpu.memref_slice %arg14[%dma_start3A_1018, %dma_start3A_1019] : memref<10240x128xf32, #tpu.memory_space<vmem_shared>> -> memref<10240x128xf32, #tpu.memory_space<vmem_shared>>
        tpu.enqueue_indirect_dma source(%arg12 : memref<128x128xf32, #tpu.memory_space<vmem>>) target(%dma_start3A_1020 : memref<10240x128xf32, #tpu.memory_space<vmem_shared>>) offsets(%arg10 : memref<128xi32, #tpu.memory_space<vmem>>) semaphore(%run_scoped3A : memref<!tpu.dma_semaphore, #tpu.memory_space<semaphore_mem>>) {add = true}
        %dma_wait3A_1021 = arith.constant 0 : i32
        %dma_wait3A_1022 = arith.constant 0 : i32
        %dma_wait3A_1023 = tpu.memref_slice %arg14[%dma_wait3A_1021, %dma_wait3A_1022] : memref<10240x128xf32, #tpu.memory_space<vmem_shared>> -> memref<10240x128xf32, #tpu.memory_space<vmem_shared>>
        tpu.wait_indirect_dma semaphore(%run_scoped3A : memref<!tpu.dma_semaphore, #tpu.memory_space<semaphore_mem>>) src(%arg12 : memref<128x128xf32, #tpu.memory_space<vmem>>) dst(%dma_wait3A_1023 : memref<10240x128xf32, #tpu.memory_space<vmem_shared>>)
        tpu.yield
      }) : () -> ()
      %add3A_1011 = arith.constant 2 : i32
      %add3A_1012 = arith.addi %add3A_996, %add3A_1011 : i32
      %lt3A_1013 = arith.constant 158 : i32
      %lt3A_1014 = arith.cmpi slt, %add3A_1012, %lt3A_1013 : i32
      %convert_element_type3A_1015 = arith.extui %lt3A_1014 : i1 to i32
      %cond3A_1016 = arith.constant 0 : i32
      %cond3A_1017 = arith.cmpi ne, %convert_element_type3A_1015, %cond3A_1016 : i32
      scf.if %cond3A_1017 {
        %add3A_1018 = arith.constant 2 : i32
        %add3A_1019 = arith.addi %add3A_996, %add3A_1018 : i32
        %add3A_1020 = arith.addi %mul3A_2, %add3A_1019 : i32
        %mul3A_1021 = arith.constant 128 : i32
        %mul3A_1022 = arith.muli %add3A_1020, %mul3A_1021 : i32
        %multiple_of3A_1023 = tpu.assume_multiple %mul3A_1022, 128 : i32
        %dma_start3A_1024 = tpu.memref_slice %arg3[%multiple_of3A_1023] : memref<647168xi32, #tpu.memory_space<hbm>> -> memref<128xi32, #tpu.memory_space<hbm>>
        %dma_start3A_1025 = tpu.memref_slice %arg3[%multiple_of3A_1023] : memref<647168xi32, #tpu.memory_space<hbm>> -> memref<128xi32, #tpu.memory_space<hbm>>
        tpu.enqueue_dma source(%dma_start3A_1025 : memref<128xi32, #tpu.memory_space<hbm>>) target(%arg8 : memref<128xi32, #tpu.memory_space<vmem>>) target_semaphore(%arg18 : memref<!tpu.dma_semaphore, #tpu.memory_space<semaphore_mem>>)
        %dma_start3A_1026 = tpu.memref_slice %arg4[%multiple_of3A_1023] : memref<647168xi32, #tpu.memory_space<hbm>> -> memref<128xi32, #tpu.memory_space<hbm>>
        %dma_start3A_1027 = tpu.memref_slice %arg4[%multiple_of3A_1023] : memref<647168xi32, #tpu.memory_space<hbm>> -> memref<128xi32, #tpu.memory_space<hbm>>
        tpu.enqueue_dma source(%dma_start3A_1027 : memref<128xi32, #tpu.memory_space<hbm>>) target(%arg10 : memref<128xi32, #tpu.memory_space<vmem>>) target_semaphore(%arg20 : memref<!tpu.dma_semaphore, #tpu.memory_space<semaphore_mem>>)
      } else {
      }
    }
    %scan3A_957 = arith.constant 79 : i32
    %barrier3A_958 = arith.constant 0 : index
    tpu.barrier barrier_id(%barrier3A_958)
    %mul3A_959 = arith.constant 640 : i32
    %mul3A_960 = arith.muli %arg1, %mul3A_959 : i32
    %eq3A = arith.constant 0 : i32
    %eq3A_961 = arith.cmpi eq, %arg0, %eq3A : i32
    %convert_element_type3A = arith.extui %eq3A_961 : i1 to i32
    %cond3A = arith.constant 0 : i32
    %cond3A_962 = arith.cmpi ne, %convert_element_type3A, %cond3A : i32
    scf.if %cond3A_962 {
      "tpu.region"() ({
        %run_scoped3A = tpu.sem_alloc : memref<!tpu.dma_semaphore, #tpu.memory_space<semaphore_mem>>
        %dma_start3A_968 = arith.constant 0 : i32
        %dma_start3A_969 = tpu.memref_slice %arg5[%mul3A_960, %dma_start3A_968] : memref<10240x128xf32, #tpu.memory_space<hbm>> -> memref<640x128xf32, #tpu.memory_space<hbm>>
        %dma_start3A_970 = arith.constant 0 : i32
        %dma_start3A_971 = tpu.memref_slice %arg14[%mul3A_960, %dma_start3A_970] : memref<10240x128xf32, #tpu.memory_space<vmem_shared>> -> memref<640x128xf32, #tpu.memory_space<vmem_shared>>
        tpu.enqueue_dma source(%dma_start3A_971 : memref<640x128xf32, #tpu.memory_space<vmem_shared>>) target(%dma_start3A_969 : memref<640x128xf32, #tpu.memory_space<hbm>>) target_semaphore(%run_scoped3A : memref<!tpu.dma_semaphore, #tpu.memory_space<semaphore_mem>>)
        %dma_wait3A_972 = arith.constant 0 : i32
        %dma_wait3A_973 = tpu.memref_slice %arg5[%mul3A_960, %dma_wait3A_972] : memref<10240x128xf32, #tpu.memory_space<hbm>> -> memref<640x128xf32, #tpu.memory_space<hbm>>
        %dma_wait3A_974 = arith.constant 0 : i32
        %dma_wait3A_975 = tpu.memref_slice %arg14[%mul3A_960, %dma_wait3A_974] : memref<10240x128xf32, #tpu.memory_space<vmem_shared>> -> memref<640x128xf32, #tpu.memory_space<vmem_shared>>
        tpu.wait_dma2 semaphore(%run_scoped3A : memref<!tpu.dma_semaphore, #tpu.memory_space<semaphore_mem>>) src(%dma_wait3A_975 : memref<640x128xf32, #tpu.memory_space<vmem_shared>>) dst(%dma_wait3A_973 : memref<640x128xf32, #tpu.memory_space<hbm>>)
        tpu.yield
      }) : () -> ()
    } else {
    }
    %eq3A_963 = arith.constant 1 : i32
    %eq3A_964 = arith.cmpi eq, %arg0, %eq3A_963 : i32
    %convert_element_type3A_965 = arith.extui %eq3A_964 : i1 to i32
    %cond3A_966 = arith.constant 0 : i32
    %cond3A_967 = arith.cmpi ne, %convert_element_type3A_965, %cond3A_966 : i32
    scf.if %cond3A_967 {
      "tpu.region"() ({
        %run_scoped3A = tpu.sem_alloc : memref<!tpu.dma_semaphore, #tpu.memory_space<semaphore_mem>>
        %dma_start3A_968 = arith.constant 0 : i32
        %dma_start3A_969 = tpu.memref_slice %arg6[%mul3A_960, %dma_start3A_968] : memref<10240x128xf32, #tpu.memory_space<hbm>> -> memref<640x128xf32, #tpu.memory_space<hbm>>
        %dma_start3A_970 = arith.constant 0 : i32
        %dma_start3A_971 = tpu.memref_slice %arg14[%mul3A_960, %dma_start3A_970] : memref<10240x128xf32, #tpu.memory_space<vmem_shared>> -> memref<640x128xf32, #tpu.memory_space<vmem_shared>>
        tpu.enqueue_dma source(%dma_start3A_971 : memref<640x128xf32, #tpu.memory_space<vmem_shared>>) target(%dma_start3A_969 : memref<640x128xf32, #tpu.memory_space<hbm>>) target_semaphore(%run_scoped3A : memref<!tpu.dma_semaphore, #tpu.memory_space<semaphore_mem>>)
        %dma_wait3A_972 = arith.constant 0 : i32
        %dma_wait3A_973 = tpu.memref_slice %arg6[%mul3A_960, %dma_wait3A_972] : memref<10240x128xf32, #tpu.memory_space<hbm>> -> memref<640x128xf32, #tpu.memory_space<hbm>>
        %dma_wait3A_974 = arith.constant 0 : i32
        %dma_wait3A_975 = tpu.memref_slice %arg14[%mul3A_960, %dma_wait3A_974] : memref<10240x128xf32, #tpu.memory_space<vmem_shared>> -> memref<640x128xf32, #tpu.memory_space<vmem_shared>>
        tpu.wait_dma2 semaphore(%run_scoped3A : memref<!tpu.dma_semaphore, #tpu.memory_space<semaphore_mem>>) src(%dma_wait3A_975 : memref<640x128xf32, #tpu.memory_space<vmem_shared>>) dst(%dma_wait3A_973 : memref<640x128xf32, #tpu.memory_space<hbm>>)
        tpu.yield
      }) : () -> ()
    } else {
    }
    return
  }
}

module attributes {stable_mosaic.version = 14 : i64} {
  func.func @_mlp_block(%arg0: i32, %arg1: memref<1000x128xf32, #tpu.memory_space<vmem>>, %arg2: memref<1000x128xf32, #tpu.memory_space<vmem>>, %arg3: memref<1000x128xf32, #tpu.memory_space<vmem>>, %arg4: memref<128x128xf32, #tpu.memory_space<vmem>>, %arg5: memref<1x128xf32, #tpu.memory_space<vmem>>, %arg6: memref<128x128xf32, #tpu.memory_space<vmem>>, %arg7: memref<1x128xf32, #tpu.memory_space<vmem>>, %arg8: memref<1000x128xf32, #tpu.memory_space<vmem>>) attributes {dimension_semantics = [#tpu.dimension_semantics<arbitrary>], iteration_bounds = array<i64: 10>, scalar_prefetch = 0 : i64, scratch_operands = 0 : i64, tpu.core_type = #tpu.core_type<tc>, window_params = [{transform_indices = @transform_0, window_bounds = array<i64: 1000, 128>}, {transform_indices = @transform_1, window_bounds = array<i64: 1000, 128>}, {transform_indices = @transform_2, window_bounds = array<i64: 1000, 128>}, {pipeline_mode = #tpu.pipeline_mode<synchronous>, transform_indices = @transform_3, window_bounds = array<i64: 128, 128>}, {pipeline_mode = #tpu.pipeline_mode<synchronous>, transform_indices = @transform_4, window_bounds = array<i64: 1, 128>}, {pipeline_mode = #tpu.pipeline_mode<synchronous>, transform_indices = @transform_5, window_bounds = array<i64: 128, 128>}, {pipeline_mode = #tpu.pipeline_mode<synchronous>, transform_indices = @transform_6, window_bounds = array<i64: 1, 128>}, {transform_indices = @transform_7, window_bounds = array<i64: 1000, 128>}]} {
    %get3A = arith.constant 0 : index
    %get3A_0 = arith.constant 0 : index
    %get3A_1 = vector.load %arg1[%get3A, %get3A_0] : memref<1000x128xf32, #tpu.memory_space<vmem>>, vector<1000x128xf32>
    %get3A_2 = arith.constant 0 : index
    %get3A_3 = arith.constant 0 : index
    %get3A_4 = vector.load %arg2[%get3A_2, %get3A_3] : memref<1000x128xf32, #tpu.memory_space<vmem>>, vector<1000x128xf32>
    %add3A = arith.addf %get3A_1, %get3A_4 : vector<1000x128xf32>
    %get3A_5 = arith.constant 0 : index
    %get3A_6 = arith.constant 0 : index
    %get3A_7 = vector.load %arg3[%get3A_5, %get3A_6] : memref<1000x128xf32, #tpu.memory_space<vmem>>, vector<1000x128xf32>
    %add3A_8 = arith.addf %add3A, %get3A_7 : vector<1000x128xf32>
    %get3A_9 = arith.constant 0 : index
    %get3A_10 = arith.constant 0 : index
    %get3A_11 = vector.load %arg4[%get3A_9, %get3A_10] : memref<128x128xf32, #tpu.memory_space<vmem>>, vector<128x128xf32>
    %dot_general3A = arith.constant dense<0.000000e+00> : vector<1000x128xf32>
    %dot_general3A_12 = tpu.matmul %add3A_8, %get3A_11, %dot_general3A {dimension_numbers = #tpu.dot_dimension_numbers<[1], [0], [0], [1], [0, 0, 1, 1], [], []>, transpose_lhs_hint = false} : vector<1000x128xf32>, vector<128x128xf32>, vector<1000x128xf32> -> vector<1000x128xf32>
    %get3A_13 = arith.constant 0 : index
    %get3A_14 = arith.constant 0 : index
    %get3A_15 = vector.load %arg5[%get3A_13, %get3A_14] : memref<1x128xf32, #tpu.memory_space<vmem>>, vector<1x128xf32>
    %add3A_16 = vector.broadcast %get3A_15 : vector<1x128xf32> to vector<1000x128xf32>
    %add3A_17 = arith.addf %dot_general3A_12, %add3A_16 : vector<1000x128xf32>
    %max3A = arith.constant 0.000000e+00 : f32
    %max3A_18 = vector.broadcast %max3A : f32 to vector<1000x128xf32>
    %max3A_19 = arith.maximumf %add3A_17, %max3A_18 : vector<1000x128xf32>
    %get3A_20 = arith.constant 0 : index
    %get3A_21 = arith.constant 0 : index
    %get3A_22 = vector.load %arg6[%get3A_20, %get3A_21] : memref<128x128xf32, #tpu.memory_space<vmem>>, vector<128x128xf32>
    %dot_general3A_23 = arith.constant dense<0.000000e+00> : vector<1000x128xf32>
    %dot_general3A_24 = tpu.matmul %max3A_19, %get3A_22, %dot_general3A_23 {dimension_numbers = #tpu.dot_dimension_numbers<[1], [0], [0], [1], [0, 0, 1, 1], [], []>, transpose_lhs_hint = false} : vector<1000x128xf32>, vector<128x128xf32>, vector<1000x128xf32> -> vector<1000x128xf32>
    %get3A_25 = arith.constant 0 : index
    %get3A_26 = arith.constant 0 : index
    %get3A_27 = vector.load %arg7[%get3A_25, %get3A_26] : memref<1x128xf32, #tpu.memory_space<vmem>>, vector<1x128xf32>
    %add3A_28 = vector.broadcast %get3A_27 : vector<1x128xf32> to vector<1000x128xf32>
    %add3A_29 = arith.addf %dot_general3A_24, %add3A_28 : vector<1000x128xf32>
    %swap3A = arith.constant 0 : index
    %swap3A_30 = arith.constant 0 : index
    %swap3A_31 = vector.load %arg8[%swap3A, %swap3A_30] : memref<1000x128xf32, #tpu.memory_space<vmem>>, vector<1000x128xf32>
    tpu.vector_store %arg8[%swap3A, %swap3A_30], %add3A_29 {strides = array<i32>} : memref<1000x128xf32, #tpu.memory_space<vmem>>, vector<1000x128xf32>,
    return
  }
  func.func @transform_0(%arg0: i32) -> (i32, i32) {
    %c0_i32 = arith.constant 0 : i32
    %c0_i32_0 = arith.constant 0 : i32
    return %arg0, %c0_i32 : i32, i32
  }
  func.func @transform_1(%arg0: i32) -> (i32, i32) {
    %c0_i32 = arith.constant 0 : i32
    %c0_i32_0 = arith.constant 0 : i32
    return %arg0, %c0_i32 : i32, i32
  }
  func.func @transform_2(%arg0: i32) -> (i32, i32) {
    %c0_i32 = arith.constant 0 : i32
    %c0_i32_0 = arith.constant 0 : i32
    return %arg0, %c0_i32 : i32, i32
  }
  func.func @transform_3(%arg0: i32) -> (i32, i32) {
    %c0_i32 = arith.constant 0 : i32
    %c0_i32_0 = arith.constant 0 : i32
    %c0_i32_1 = arith.constant 0 : i32
    return %c0_i32, %c0_i32_0 : i32, i32
  }
  func.func @transform_4(%arg0: i32) -> (i32, i32) {
    %c0_i32 = arith.constant 0 : i32
    %c0_i32_0 = arith.constant 0 : i32
    %c0_i32_1 = arith.constant 0 : i32
    return %c0_i32, %c0_i32_0 : i32, i32
  }
  func.func @transform_5(%arg0: i32) -> (i32, i32) {
    %c0_i32 = arith.constant 0 : i32
    %c0_i32_0 = arith.constant 0 : i32
    %c0_i32_1 = arith.constant 0 : i32
    return %c0_i32, %c0_i32_0 : i32, i32
  }
  func.func @transform_6(%arg0: i32) -> (i32, i32) {
    %c0_i32 = arith.constant 0 : i32
    %c0_i32_0 = arith.constant 0 : i32
    %c0_i32_1 = arith.constant 0 : i32
    return %c0_i32, %c0_i32_0 : i32, i32
  }
  func.func @transform_7(%arg0: i32) -> (i32, i32) {
    %c0_i32 = arith.constant 0 : i32
    %c0_i32_0 = arith.constant 0 : i32
    return %arg0, %c0_i32 : i32, i32
  }
}

module attributes {stable_mosaic.version = 14 : i64} {
  func.func @_mlp2_pool_block(%arg0: i32, %arg1: memref<1000x128xf32, #tpu.memory_space<vmem>>, %arg2: memref<1000x128xf32, #tpu.memory_space<vmem>>, %arg3: memref<1000x128xf32, #tpu.memory_space<vmem>>, %arg4: memref<128x128xf32, #tpu.memory_space<vmem>>, %arg5: memref<1x128xf32, #tpu.memory_space<vmem>>, %arg6: memref<128x128xf32, #tpu.memory_space<vmem>>, %arg7: memref<1x128xf32, #tpu.memory_space<vmem>>, %arg8: memref<1000x1xi32, #tpu.memory_space<vmem>>, %arg9: memref<64x128xf32, #tpu.memory_space<vmem>>) attributes {dimension_semantics = [#tpu.dimension_semantics<arbitrary>], iteration_bounds = array<i64: 10>, scalar_prefetch = 0 : i64, scratch_operands = 0 : i64, tpu.core_type = #tpu.core_type<tc>, window_params = [{transform_indices = @transform_0, window_bounds = array<i64: 1000, 128>}, {transform_indices = @transform_1, window_bounds = array<i64: 1000, 128>}, {transform_indices = @transform_2, window_bounds = array<i64: 1000, 128>}, {pipeline_mode = #tpu.pipeline_mode<synchronous>, transform_indices = @transform_3, window_bounds = array<i64: 128, 128>}, {pipeline_mode = #tpu.pipeline_mode<synchronous>, transform_indices = @transform_4, window_bounds = array<i64: 1, 128>}, {pipeline_mode = #tpu.pipeline_mode<synchronous>, transform_indices = @transform_5, window_bounds = array<i64: 128, 128>}, {pipeline_mode = #tpu.pipeline_mode<synchronous>, transform_indices = @transform_6, window_bounds = array<i64: 1, 128>}, {transform_indices = @transform_7, window_bounds = array<i64: 1000, 1>}, {pipeline_mode = #tpu.pipeline_mode<synchronous>, transform_indices = @transform_8, window_bounds = array<i64: 64, 128>}]} {
    %eq3A = arith.constant 0 : i32
    %eq3A_0 = arith.cmpi eq, %arg0, %eq3A : i32
    %convert_element_type3A = arith.extui %eq3A_0 : i1 to i32
    %cond3A = arith.constant 0 : i32
    %cond3A_1 = arith.cmpi ne, %convert_element_type3A, %cond3A : i32
    scf.if %cond3A_1 {
      %broadcast_in_dim3A_741 = arith.constant 0xFF800000 : f32
      %broadcast_in_dim3A_742 = vector.broadcast %broadcast_in_dim3A_741 : f32 to vector<64x128xf32>
      %swap3A_743 = arith.constant 0 : index
      %swap3A_744 = arith.constant 0 : index
      %swap3A_745 = vector.load %arg9[%swap3A_743, %swap3A_744] : memref<64x128xf32, #tpu.memory_space<vmem>>, vector<64x128xf32>
      tpu.vector_store %arg9[%swap3A_743, %swap3A_744], %broadcast_in_dim3A_742 {strides = array<i32>} : memref<64x128xf32, #tpu.memory_space<vmem>>, vector<64x128xf32>,
    } else {
    }
    %get3A = arith.constant 0 : index
    %get3A_2 = arith.constant 0 : index
    %get3A_3 = vector.load %arg1[%get3A, %get3A_2] : memref<1000x128xf32, #tpu.memory_space<vmem>>, vector<1000x128xf32>
    %get3A_4 = arith.constant 0 : index
    %get3A_5 = arith.constant 0 : index
    %get3A_6 = vector.load %arg2[%get3A_4, %get3A_5] : memref<1000x128xf32, #tpu.memory_space<vmem>>, vector<1000x128xf32>
    %add3A = arith.addf %get3A_3, %get3A_6 : vector<1000x128xf32>
    %get3A_7 = arith.constant 0 : index
    %get3A_8 = arith.constant 0 : index
    %get3A_9 = vector.load %arg3[%get3A_7, %get3A_8] : memref<1000x128xf32, #tpu.memory_space<vmem>>, vector<1000x128xf32>
    %add3A_10 = arith.addf %add3A, %get3A_9 : vector<1000x128xf32>
    %get3A_11 = arith.constant 0 : index
    %get3A_12 = arith.constant 0 : index
    %get3A_13 = vector.load %arg4[%get3A_11, %get3A_12] : memref<128x128xf32, #tpu.memory_space<vmem>>, vector<128x128xf32>
    %dot_general3A = arith.constant dense<0.000000e+00> : vector<1000x128xf32>
    %dot_general3A_14 = tpu.matmul %add3A_10, %get3A_13, %dot_general3A {dimension_numbers = #tpu.dot_dimension_numbers<[1], [0], [0], [1], [0, 0, 1, 1], [], []>, transpose_lhs_hint = false} : vector<1000x128xf32>, vector<128x128xf32>, vector<1000x128xf32> -> vector<1000x128xf32>
    %get3A_15 = arith.constant 0 : index
    %get3A_16 = arith.constant 0 : index
    %get3A_17 = vector.load %arg5[%get3A_15, %get3A_16] : memref<1x128xf32, #tpu.memory_space<vmem>>, vector<1x128xf32>
    %add3A_18 = vector.broadcast %get3A_17 : vector<1x128xf32> to vector<1000x128xf32>
    %add3A_19 = arith.addf %dot_general3A_14, %add3A_18 : vector<1000x128xf32>
    %max3A = arith.constant 0.000000e+00 : f32
    %max3A_20 = vector.broadcast %max3A : f32 to vector<1000x128xf32>
    %max3A_21 = arith.maximumf %add3A_19, %max3A_20 : vector<1000x128xf32>
    %get3A_22 = arith.constant 0 : index
    %get3A_23 = arith.constant 0 : index
    %get3A_24 = vector.load %arg6[%get3A_22, %get3A_23] : memref<128x128xf32, #tpu.memory_space<vmem>>, vector<128x128xf32>
    %dot_general3A_25 = arith.constant dense<0.000000e+00> : vector<1000x128xf32>
    %dot_general3A_26 = tpu.matmul %max3A_21, %get3A_24, %dot_general3A_25 {dimension_numbers = #tpu.dot_dimension_numbers<[1], [0], [0], [1], [0, 0, 1, 1], [], []>, transpose_lhs_hint = false} : vector<1000x128xf32>, vector<128x128xf32>, vector<1000x128xf32> -> vector<1000x128xf32>
    %get3A_27 = arith.constant 0 : index
    %get3A_28 = arith.constant 0 : index
    %get3A_29 = vector.load %arg7[%get3A_27, %get3A_28] : memref<1x128xf32, #tpu.memory_space<vmem>>, vector<1x128xf32>
    %add3A_30 = vector.broadcast %get3A_29 : vector<1x128xf32> to vector<1000x128xf32>
    %add3A_31 = arith.addf %dot_general3A_26, %add3A_30 : vector<1000x128xf32>
    %get3A_32 = arith.constant 0 : index
    %get3A_33 = arith.constant 0 : index
    %get3A_34 = vector.load %arg8[%get3A_32, %get3A_33] : memref<1000x1xi32, #tpu.memory_space<vmem>>, vector<1000x1xi32>
    %get3A_35 = arith.constant 0 : index
    %get3A_36 = arith.constant 0 : index
    %get3A_37 = vector.load %arg9[%get3A_35, %get3A_36] : memref<64x128xf32, #tpu.memory_space<vmem>>, vector<64x128xf32>
    %eq3A_38 = arith.constant 0 : i32
    %eq3A_39 = vector.broadcast %eq3A_38 : i32 to vector<1000x1xi32>
    %eq3A_40 = arith.cmpi eq, %get3A_34, %eq3A_39 : vector<1000x1xi32>
    %jit3A = arith.constant 0xFF800000 : f32
    %broadcast_in_dim3A = vector.shape_cast %eq3A_40 : vector<1000x1xi1> to vector<1000x1xi1>
    %broadcast_in_dim3A_41 = vector.broadcast %broadcast_in_dim3A : vector<1000x1xi1> to vector<1000x128xi1>
    %broadcast_in_dim3A_42 = vector.broadcast %jit3A : f32 to vector<1000x128xf32>
    %select_n3A = arith.select %broadcast_in_dim3A_41, %add3A_31, %broadcast_in_dim3A_42 : vector<1000x128xi1>, vector<1000x128xf32>
    %reduce_max3A = arith.constant dense<0xFF800000> : vector<128xf32>
    %reduce_max3A_43 = vector.multi_reduction <maximumf>, %select_n3A, %reduce_max3A [0] : vector<1000x128xf32> to vector<128xf32>
    %eq3A_44 = arith.constant 1 : i32
    %eq3A_45 = vector.broadcast %eq3A_44 : i32 to vector<1000x1xi32>
    %eq3A_46 = arith.cmpi eq, %get3A_34, %eq3A_45 : vector<1000x1xi32>
    %jit3A_47 = arith.constant 0xFF800000 : f32
    %broadcast_in_dim3A_48 = vector.shape_cast %eq3A_46 : vector<1000x1xi1> to vector<1000x1xi1>
    %broadcast_in_dim3A_49 = vector.broadcast %broadcast_in_dim3A_48 : vector<1000x1xi1> to vector<1000x128xi1>
    %broadcast_in_dim3A_50 = vector.broadcast %jit3A_47 : f32 to vector<1000x128xf32>
    %select_n3A_51 = arith.select %broadcast_in_dim3A_49, %add3A_31, %broadcast_in_dim3A_50 : vector<1000x128xi1>, vector<1000x128xf32>
    %reduce_max3A_52 = arith.constant dense<0xFF800000> : vector<128xf32>
    %reduce_max3A_53 = vector.multi_reduction <maximumf>, %select_n3A_51, %reduce_max3A_52 [0] : vector<1000x128xf32> to vector<128xf32>
    %eq3A_54 = arith.constant 2 : i32
    %eq3A_55 = vector.broadcast %eq3A_54 : i32 to vector<1000x1xi32>
    %eq3A_56 = arith.cmpi eq, %get3A_34, %eq3A_55 : vector<1000x1xi32>
    %jit3A_57 = arith.constant 0xFF800000 : f32
    %broadcast_in_dim3A_58 = vector.shape_cast %eq3A_56 : vector<1000x1xi1> to vector<1000x1xi1>
    %broadcast_in_dim3A_59 = vector.broadcast %broadcast_in_dim3A_58 : vector<1000x1xi1> to vector<1000x128xi1>
    %broadcast_in_dim3A_60 = vector.broadcast %jit3A_57 : f32 to vector<1000x128xf32>
    %select_n3A_61 = arith.select %broadcast_in_dim3A_59, %add3A_31, %broadcast_in_dim3A_60 : vector<1000x128xi1>, vector<1000x128xf32>
    %reduce_max3A_62 = arith.constant dense<0xFF800000> : vector<128xf32>
    %reduce_max3A_63 = vector.multi_reduction <maximumf>, %select_n3A_61, %reduce_max3A_62 [0] : vector<1000x128xf32> to vector<128xf32>
    %eq3A_64 = arith.constant 3 : i32
    %eq3A_65 = vector.broadcast %eq3A_64 : i32 to vector<1000x1xi32>
    %eq3A_66 = arith.cmpi eq, %get3A_34, %eq3A_65 : vector<1000x1xi32>
    %jit3A_67 = arith.constant 0xFF800000 : f32
    %broadcast_in_dim3A_68 = vector.shape_cast %eq3A_66 : vector<1000x1xi1> to vector<1000x1xi1>
    %broadcast_in_dim3A_69 = vector.broadcast %broadcast_in_dim3A_68 : vector<1000x1xi1> to vector<1000x128xi1>
    %broadcast_in_dim3A_70 = vector.broadcast %jit3A_67 : f32 to vector<1000x128xf32>
    %select_n3A_71 = arith.select %broadcast_in_dim3A_69, %add3A_31, %broadcast_in_dim3A_70 : vector<1000x128xi1>, vector<1000x128xf32>
    %reduce_max3A_72 = arith.constant dense<0xFF800000> : vector<128xf32>
    %reduce_max3A_73 = vector.multi_reduction <maximumf>, %select_n3A_71, %reduce_max3A_72 [0] : vector<1000x128xf32> to vector<128xf32>
    %eq3A_74 = arith.constant 4 : i32
    %eq3A_75 = vector.broadcast %eq3A_74 : i32 to vector<1000x1xi32>
    %eq3A_76 = arith.cmpi eq, %get3A_34, %eq3A_75 : vector<1000x1xi32>
    %jit3A_77 = arith.constant 0xFF800000 : f32
    %broadcast_in_dim3A_78 = vector.shape_cast %eq3A_76 : vector<1000x1xi1> to vector<1000x1xi1>
    %broadcast_in_dim3A_79 = vector.broadcast %broadcast_in_dim3A_78 : vector<1000x1xi1> to vector<1000x128xi1>
    %broadcast_in_dim3A_80 = vector.broadcast %jit3A_77 : f32 to vector<1000x128xf32>
    %select_n3A_81 = arith.select %broadcast_in_dim3A_79, %add3A_31, %broadcast_in_dim3A_80 : vector<1000x128xi1>, vector<1000x128xf32>
    %reduce_max3A_82 = arith.constant dense<0xFF800000> : vector<128xf32>
    %reduce_max3A_83 = vector.multi_reduction <maximumf>, %select_n3A_81, %reduce_max3A_82 [0] : vector<1000x128xf32> to vector<128xf32>
    %eq3A_84 = arith.constant 5 : i32
    %eq3A_85 = vector.broadcast %eq3A_84 : i32 to vector<1000x1xi32>
    %eq3A_86 = arith.cmpi eq, %get3A_34, %eq3A_85 : vector<1000x1xi32>
    %jit3A_87 = arith.constant 0xFF800000 : f32
    %broadcast_in_dim3A_88 = vector.shape_cast %eq3A_86 : vector<1000x1xi1> to vector<1000x1xi1>
    %broadcast_in_dim3A_89 = vector.broadcast %broadcast_in_dim3A_88 : vector<1000x1xi1> to vector<1000x128xi1>
    %broadcast_in_dim3A_90 = vector.broadcast %jit3A_87 : f32 to vector<1000x128xf32>
    %select_n3A_91 = arith.select %broadcast_in_dim3A_89, %add3A_31, %broadcast_in_dim3A_90 : vector<1000x128xi1>, vector<1000x128xf32>
    %reduce_max3A_92 = arith.constant dense<0xFF800000> : vector<128xf32>
    %reduce_max3A_93 = vector.multi_reduction <maximumf>, %select_n3A_91, %reduce_max3A_92 [0] : vector<1000x128xf32> to vector<128xf32>
    %eq3A_94 = arith.constant 6 : i32
    %eq3A_95 = vector.broadcast %eq3A_94 : i32 to vector<1000x1xi32>
    %eq3A_96 = arith.cmpi eq, %get3A_34, %eq3A_95 : vector<1000x1xi32>
    %jit3A_97 = arith.constant 0xFF800000 : f32
    %broadcast_in_dim3A_98 = vector.shape_cast %eq3A_96 : vector<1000x1xi1> to vector<1000x1xi1>
    %broadcast_in_dim3A_99 = vector.broadcast %broadcast_in_dim3A_98 : vector<1000x1xi1> to vector<1000x128xi1>
    %broadcast_in_dim3A_100 = vector.broadcast %jit3A_97 : f32 to vector<1000x128xf32>
    %select_n3A_101 = arith.select %broadcast_in_dim3A_99, %add3A_31, %broadcast_in_dim3A_100 : vector<1000x128xi1>, vector<1000x128xf32>
    %reduce_max3A_102 = arith.constant dense<0xFF800000> : vector<128xf32>
    %reduce_max3A_103 = vector.multi_reduction <maximumf>, %select_n3A_101, %reduce_max3A_102 [0] : vector<1000x128xf32> to vector<128xf32>
    %eq3A_104 = arith.constant 7 : i32
    %eq3A_105 = vector.broadcast %eq3A_104 : i32 to vector<1000x1xi32>
    %eq3A_106 = arith.cmpi eq, %get3A_34, %eq3A_105 : vector<1000x1xi32>
    %jit3A_107 = arith.constant 0xFF800000 : f32
    %broadcast_in_dim3A_108 = vector.shape_cast %eq3A_106 : vector<1000x1xi1> to vector<1000x1xi1>
    %broadcast_in_dim3A_109 = vector.broadcast %broadcast_in_dim3A_108 : vector<1000x1xi1> to vector<1000x128xi1>
    %broadcast_in_dim3A_110 = vector.broadcast %jit3A_107 : f32 to vector<1000x128xf32>
    %select_n3A_111 = arith.select %broadcast_in_dim3A_109, %add3A_31, %broadcast_in_dim3A_110 : vector<1000x128xi1>, vector<1000x128xf32>
    %reduce_max3A_112 = arith.constant dense<0xFF800000> : vector<128xf32>
    %reduce_max3A_113 = vector.multi_reduction <maximumf>, %select_n3A_111, %reduce_max3A_112 [0] : vector<1000x128xf32> to vector<128xf32>
    %eq3A_114 = arith.constant 8 : i32
    %eq3A_115 = vector.broadcast %eq3A_114 : i32 to vector<1000x1xi32>
    %eq3A_116 = arith.cmpi eq, %get3A_34, %eq3A_115 : vector<1000x1xi32>
    %jit3A_117 = arith.constant 0xFF800000 : f32
    %broadcast_in_dim3A_118 = vector.shape_cast %eq3A_116 : vector<1000x1xi1> to vector<1000x1xi1>
    %broadcast_in_dim3A_119 = vector.broadcast %broadcast_in_dim3A_118 : vector<1000x1xi1> to vector<1000x128xi1>
    %broadcast_in_dim3A_120 = vector.broadcast %jit3A_117 : f32 to vector<1000x128xf32>
    %select_n3A_121 = arith.select %broadcast_in_dim3A_119, %add3A_31, %broadcast_in_dim3A_120 : vector<1000x128xi1>, vector<1000x128xf32>
    %reduce_max3A_122 = arith.constant dense<0xFF800000> : vector<128xf32>
    %reduce_max3A_123 = vector.multi_reduction <maximumf>, %select_n3A_121, %reduce_max3A_122 [0] : vector<1000x128xf32> to vector<128xf32>
    %eq3A_124 = arith.constant 9 : i32
    %eq3A_125 = vector.broadcast %eq3A_124 : i32 to vector<1000x1xi32>
    %eq3A_126 = arith.cmpi eq, %get3A_34, %eq3A_125 : vector<1000x1xi32>
    %jit3A_127 = arith.constant 0xFF800000 : f32
    %broadcast_in_dim3A_128 = vector.shape_cast %eq3A_126 : vector<1000x1xi1> to vector<1000x1xi1>
    %broadcast_in_dim3A_129 = vector.broadcast %broadcast_in_dim3A_128 : vector<1000x1xi1> to vector<1000x128xi1>
    %broadcast_in_dim3A_130 = vector.broadcast %jit3A_127 : f32 to vector<1000x128xf32>
    %select_n3A_131 = arith.select %broadcast_in_dim3A_129, %add3A_31, %broadcast_in_dim3A_130 : vector<1000x128xi1>, vector<1000x128xf32>
    %reduce_max3A_132 = arith.constant dense<0xFF800000> : vector<128xf32>
    %reduce_max3A_133 = vector.multi_reduction <maximumf>, %select_n3A_131, %reduce_max3A_132 [0] : vector<1000x128xf32> to vector<128xf32>
    %eq3A_134 = arith.constant 10 : i32
    %eq3A_135 = vector.broadcast %eq3A_134 : i32 to vector<1000x1xi32>
    %eq3A_136 = arith.cmpi eq, %get3A_34, %eq3A_135 : vector<1000x1xi32>
    %jit3A_137 = arith.constant 0xFF800000 : f32
    %broadcast_in_dim3A_138 = vector.shape_cast %eq3A_136 : vector<1000x1xi1> to vector<1000x1xi1>
    %broadcast_in_dim3A_139 = vector.broadcast %broadcast_in_dim3A_138 : vector<1000x1xi1> to vector<1000x128xi1>
    %broadcast_in_dim3A_140 = vector.broadcast %jit3A_137 : f32 to vector<1000x128xf32>
    %select_n3A_141 = arith.select %broadcast_in_dim3A_139, %add3A_31, %broadcast_in_dim3A_140 : vector<1000x128xi1>, vector<1000x128xf32>
    %reduce_max3A_142 = arith.constant dense<0xFF800000> : vector<128xf32>
    %reduce_max3A_143 = vector.multi_reduction <maximumf>, %select_n3A_141, %reduce_max3A_142 [0] : vector<1000x128xf32> to vector<128xf32>
    %eq3A_144 = arith.constant 11 : i32
    %eq3A_145 = vector.broadcast %eq3A_144 : i32 to vector<1000x1xi32>
    %eq3A_146 = arith.cmpi eq, %get3A_34, %eq3A_145 : vector<1000x1xi32>
    %jit3A_147 = arith.constant 0xFF800000 : f32
    %broadcast_in_dim3A_148 = vector.shape_cast %eq3A_146 : vector<1000x1xi1> to vector<1000x1xi1>
    %broadcast_in_dim3A_149 = vector.broadcast %broadcast_in_dim3A_148 : vector<1000x1xi1> to vector<1000x128xi1>
    %broadcast_in_dim3A_150 = vector.broadcast %jit3A_147 : f32 to vector<1000x128xf32>
    %select_n3A_151 = arith.select %broadcast_in_dim3A_149, %add3A_31, %broadcast_in_dim3A_150 : vector<1000x128xi1>, vector<1000x128xf32>
    %reduce_max3A_152 = arith.constant dense<0xFF800000> : vector<128xf32>
    %reduce_max3A_153 = vector.multi_reduction <maximumf>, %select_n3A_151, %reduce_max3A_152 [0] : vector<1000x128xf32> to vector<128xf32>
    %eq3A_154 = arith.constant 12 : i32
    %eq3A_155 = vector.broadcast %eq3A_154 : i32 to vector<1000x1xi32>
    %eq3A_156 = arith.cmpi eq, %get3A_34, %eq3A_155 : vector<1000x1xi32>
    %jit3A_157 = arith.constant 0xFF800000 : f32
    %broadcast_in_dim3A_158 = vector.shape_cast %eq3A_156 : vector<1000x1xi1> to vector<1000x1xi1>
    %broadcast_in_dim3A_159 = vector.broadcast %broadcast_in_dim3A_158 : vector<1000x1xi1> to vector<1000x128xi1>
    %broadcast_in_dim3A_160 = vector.broadcast %jit3A_157 : f32 to vector<1000x128xf32>
    %select_n3A_161 = arith.select %broadcast_in_dim3A_159, %add3A_31, %broadcast_in_dim3A_160 : vector<1000x128xi1>, vector<1000x128xf32>
    %reduce_max3A_162 = arith.constant dense<0xFF800000> : vector<128xf32>
    %reduce_max3A_163 = vector.multi_reduction <maximumf>, %select_n3A_161, %reduce_max3A_162 [0] : vector<1000x128xf32> to vector<128xf32>
    %eq3A_164 = arith.constant 13 : i32
    %eq3A_165 = vector.broadcast %eq3A_164 : i32 to vector<1000x1xi32>
    %eq3A_166 = arith.cmpi eq, %get3A_34, %eq3A_165 : vector<1000x1xi32>
    %jit3A_167 = arith.constant 0xFF800000 : f32
    %broadcast_in_dim3A_168 = vector.shape_cast %eq3A_166 : vector<1000x1xi1> to vector<1000x1xi1>
    %broadcast_in_dim3A_169 = vector.broadcast %broadcast_in_dim3A_168 : vector<1000x1xi1> to vector<1000x128xi1>
    %broadcast_in_dim3A_170 = vector.broadcast %jit3A_167 : f32 to vector<1000x128xf32>
    %select_n3A_171 = arith.select %broadcast_in_dim3A_169, %add3A_31, %broadcast_in_dim3A_170 : vector<1000x128xi1>, vector<1000x128xf32>
    %reduce_max3A_172 = arith.constant dense<0xFF800000> : vector<128xf32>
    %reduce_max3A_173 = vector.multi_reduction <maximumf>, %select_n3A_171, %reduce_max3A_172 [0] : vector<1000x128xf32> to vector<128xf32>
    %eq3A_174 = arith.constant 14 : i32
    %eq3A_175 = vector.broadcast %eq3A_174 : i32 to vector<1000x1xi32>
    %eq3A_176 = arith.cmpi eq, %get3A_34, %eq3A_175 : vector<1000x1xi32>
    %jit3A_177 = arith.constant 0xFF800000 : f32
    %broadcast_in_dim3A_178 = vector.shape_cast %eq3A_176 : vector<1000x1xi1> to vector<1000x1xi1>
    %broadcast_in_dim3A_179 = vector.broadcast %broadcast_in_dim3A_178 : vector<1000x1xi1> to vector<1000x128xi1>
    %broadcast_in_dim3A_180 = vector.broadcast %jit3A_177 : f32 to vector<1000x128xf32>
    %select_n3A_181 = arith.select %broadcast_in_dim3A_179, %add3A_31, %broadcast_in_dim3A_180 : vector<1000x128xi1>, vector<1000x128xf32>
    %reduce_max3A_182 = arith.constant dense<0xFF800000> : vector<128xf32>
    %reduce_max3A_183 = vector.multi_reduction <maximumf>, %select_n3A_181, %reduce_max3A_182 [0] : vector<1000x128xf32> to vector<128xf32>
    %eq3A_184 = arith.constant 15 : i32
    %eq3A_185 = vector.broadcast %eq3A_184 : i32 to vector<1000x1xi32>
    %eq3A_186 = arith.cmpi eq, %get3A_34, %eq3A_185 : vector<1000x1xi32>
    %jit3A_187 = arith.constant 0xFF800000 : f32
    %broadcast_in_dim3A_188 = vector.shape_cast %eq3A_186 : vector<1000x1xi1> to vector<1000x1xi1>
    %broadcast_in_dim3A_189 = vector.broadcast %broadcast_in_dim3A_188 : vector<1000x1xi1> to vector<1000x128xi1>
    %broadcast_in_dim3A_190 = vector.broadcast %jit3A_187 : f32 to vector<1000x128xf32>
    %select_n3A_191 = arith.select %broadcast_in_dim3A_189, %add3A_31, %broadcast_in_dim3A_190 : vector<1000x128xi1>, vector<1000x128xf32>
    %reduce_max3A_192 = arith.constant dense<0xFF800000> : vector<128xf32>
    %reduce_max3A_193 = vector.multi_reduction <maximumf>, %select_n3A_191, %reduce_max3A_192 [0] : vector<1000x128xf32> to vector<128xf32>
    %eq3A_194 = arith.constant 16 : i32
    %eq3A_195 = vector.broadcast %eq3A_194 : i32 to vector<1000x1xi32>
    %eq3A_196 = arith.cmpi eq, %get3A_34, %eq3A_195 : vector<1000x1xi32>
    %jit3A_197 = arith.constant 0xFF800000 : f32
    %broadcast_in_dim3A_198 = vector.shape_cast %eq3A_196 : vector<1000x1xi1> to vector<1000x1xi1>
    %broadcast_in_dim3A_199 = vector.broadcast %broadcast_in_dim3A_198 : vector<1000x1xi1> to vector<1000x128xi1>
    %broadcast_in_dim3A_200 = vector.broadcast %jit3A_197 : f32 to vector<1000x128xf32>
    %select_n3A_201 = arith.select %broadcast_in_dim3A_199, %add3A_31, %broadcast_in_dim3A_200 : vector<1000x128xi1>, vector<1000x128xf32>
    %reduce_max3A_202 = arith.constant dense<0xFF800000> : vector<128xf32>
    %reduce_max3A_203 = vector.multi_reduction <maximumf>, %select_n3A_201, %reduce_max3A_202 [0] : vector<1000x128xf32> to vector<128xf32>
    %eq3A_204 = arith.constant 17 : i32
    %eq3A_205 = vector.broadcast %eq3A_204 : i32 to vector<1000x1xi32>
    %eq3A_206 = arith.cmpi eq, %get3A_34, %eq3A_205 : vector<1000x1xi32>
    %jit3A_207 = arith.constant 0xFF800000 : f32
    %broadcast_in_dim3A_208 = vector.shape_cast %eq3A_206 : vector<1000x1xi1> to vector<1000x1xi1>
    %broadcast_in_dim3A_209 = vector.broadcast %broadcast_in_dim3A_208 : vector<1000x1xi1> to vector<1000x128xi1>
    %broadcast_in_dim3A_210 = vector.broadcast %jit3A_207 : f32 to vector<1000x128xf32>
    %select_n3A_211 = arith.select %broadcast_in_dim3A_209, %add3A_31, %broadcast_in_dim3A_210 : vector<1000x128xi1>, vector<1000x128xf32>
    %reduce_max3A_212 = arith.constant dense<0xFF800000> : vector<128xf32>
    %reduce_max3A_213 = vector.multi_reduction <maximumf>, %select_n3A_211, %reduce_max3A_212 [0] : vector<1000x128xf32> to vector<128xf32>
    %eq3A_214 = arith.constant 18 : i32
    %eq3A_215 = vector.broadcast %eq3A_214 : i32 to vector<1000x1xi32>
    %eq3A_216 = arith.cmpi eq, %get3A_34, %eq3A_215 : vector<1000x1xi32>
    %jit3A_217 = arith.constant 0xFF800000 : f32
    %broadcast_in_dim3A_218 = vector.shape_cast %eq3A_216 : vector<1000x1xi1> to vector<1000x1xi1>
    %broadcast_in_dim3A_219 = vector.broadcast %broadcast_in_dim3A_218 : vector<1000x1xi1> to vector<1000x128xi1>
    %broadcast_in_dim3A_220 = vector.broadcast %jit3A_217 : f32 to vector<1000x128xf32>
    %select_n3A_221 = arith.select %broadcast_in_dim3A_219, %add3A_31, %broadcast_in_dim3A_220 : vector<1000x128xi1>, vector<1000x128xf32>
    %reduce_max3A_222 = arith.constant dense<0xFF800000> : vector<128xf32>
    %reduce_max3A_223 = vector.multi_reduction <maximumf>, %select_n3A_221, %reduce_max3A_222 [0] : vector<1000x128xf32> to vector<128xf32>
    %eq3A_224 = arith.constant 19 : i32
    %eq3A_225 = vector.broadcast %eq3A_224 : i32 to vector<1000x1xi32>
    %eq3A_226 = arith.cmpi eq, %get3A_34, %eq3A_225 : vector<1000x1xi32>
    %jit3A_227 = arith.constant 0xFF800000 : f32
    %broadcast_in_dim3A_228 = vector.shape_cast %eq3A_226 : vector<1000x1xi1> to vector<1000x1xi1>
    %broadcast_in_dim3A_229 = vector.broadcast %broadcast_in_dim3A_228 : vector<1000x1xi1> to vector<1000x128xi1>
    %broadcast_in_dim3A_230 = vector.broadcast %jit3A_227 : f32 to vector<1000x128xf32>
    %select_n3A_231 = arith.select %broadcast_in_dim3A_229, %add3A_31, %broadcast_in_dim3A_230 : vector<1000x128xi1>, vector<1000x128xf32>
    %reduce_max3A_232 = arith.constant dense<0xFF800000> : vector<128xf32>
    %reduce_max3A_233 = vector.multi_reduction <maximumf>, %select_n3A_231, %reduce_max3A_232 [0] : vector<1000x128xf32> to vector<128xf32>
    %eq3A_234 = arith.constant 20 : i32
    %eq3A_235 = vector.broadcast %eq3A_234 : i32 to vector<1000x1xi32>
    %eq3A_236 = arith.cmpi eq, %get3A_34, %eq3A_235 : vector<1000x1xi32>
    %jit3A_237 = arith.constant 0xFF800000 : f32
    %broadcast_in_dim3A_238 = vector.shape_cast %eq3A_236 : vector<1000x1xi1> to vector<1000x1xi1>
    %broadcast_in_dim3A_239 = vector.broadcast %broadcast_in_dim3A_238 : vector<1000x1xi1> to vector<1000x128xi1>
    %broadcast_in_dim3A_240 = vector.broadcast %jit3A_237 : f32 to vector<1000x128xf32>
    %select_n3A_241 = arith.select %broadcast_in_dim3A_239, %add3A_31, %broadcast_in_dim3A_240 : vector<1000x128xi1>, vector<1000x128xf32>
    %reduce_max3A_242 = arith.constant dense<0xFF800000> : vector<128xf32>
    %reduce_max3A_243 = vector.multi_reduction <maximumf>, %select_n3A_241, %reduce_max3A_242 [0] : vector<1000x128xf32> to vector<128xf32>
    %eq3A_244 = arith.constant 21 : i32
    %eq3A_245 = vector.broadcast %eq3A_244 : i32 to vector<1000x1xi32>
    %eq3A_246 = arith.cmpi eq, %get3A_34, %eq3A_245 : vector<1000x1xi32>
    %jit3A_247 = arith.constant 0xFF800000 : f32
    %broadcast_in_dim3A_248 = vector.shape_cast %eq3A_246 : vector<1000x1xi1> to vector<1000x1xi1>
    %broadcast_in_dim3A_249 = vector.broadcast %broadcast_in_dim3A_248 : vector<1000x1xi1> to vector<1000x128xi1>
    %broadcast_in_dim3A_250 = vector.broadcast %jit3A_247 : f32 to vector<1000x128xf32>
    %select_n3A_251 = arith.select %broadcast_in_dim3A_249, %add3A_31, %broadcast_in_dim3A_250 : vector<1000x128xi1>, vector<1000x128xf32>
    %reduce_max3A_252 = arith.constant dense<0xFF800000> : vector<128xf32>
    %reduce_max3A_253 = vector.multi_reduction <maximumf>, %select_n3A_251, %reduce_max3A_252 [0] : vector<1000x128xf32> to vector<128xf32>
    %eq3A_254 = arith.constant 22 : i32
    %eq3A_255 = vector.broadcast %eq3A_254 : i32 to vector<1000x1xi32>
    %eq3A_256 = arith.cmpi eq, %get3A_34, %eq3A_255 : vector<1000x1xi32>
    %jit3A_257 = arith.constant 0xFF800000 : f32
    %broadcast_in_dim3A_258 = vector.shape_cast %eq3A_256 : vector<1000x1xi1> to vector<1000x1xi1>
    %broadcast_in_dim3A_259 = vector.broadcast %broadcast_in_dim3A_258 : vector<1000x1xi1> to vector<1000x128xi1>
    %broadcast_in_dim3A_260 = vector.broadcast %jit3A_257 : f32 to vector<1000x128xf32>
    %select_n3A_261 = arith.select %broadcast_in_dim3A_259, %add3A_31, %broadcast_in_dim3A_260 : vector<1000x128xi1>, vector<1000x128xf32>
    %reduce_max3A_262 = arith.constant dense<0xFF800000> : vector<128xf32>
    %reduce_max3A_263 = vector.multi_reduction <maximumf>, %select_n3A_261, %reduce_max3A_262 [0] : vector<1000x128xf32> to vector<128xf32>
    %eq3A_264 = arith.constant 23 : i32
    %eq3A_265 = vector.broadcast %eq3A_264 : i32 to vector<1000x1xi32>
    %eq3A_266 = arith.cmpi eq, %get3A_34, %eq3A_265 : vector<1000x1xi32>
    %jit3A_267 = arith.constant 0xFF800000 : f32
    %broadcast_in_dim3A_268 = vector.shape_cast %eq3A_266 : vector<1000x1xi1> to vector<1000x1xi1>
    %broadcast_in_dim3A_269 = vector.broadcast %broadcast_in_dim3A_268 : vector<1000x1xi1> to vector<1000x128xi1>
    %broadcast_in_dim3A_270 = vector.broadcast %jit3A_267 : f32 to vector<1000x128xf32>
    %select_n3A_271 = arith.select %broadcast_in_dim3A_269, %add3A_31, %broadcast_in_dim3A_270 : vector<1000x128xi1>, vector<1000x128xf32>
    %reduce_max3A_272 = arith.constant dense<0xFF800000> : vector<128xf32>
    %reduce_max3A_273 = vector.multi_reduction <maximumf>, %select_n3A_271, %reduce_max3A_272 [0] : vector<1000x128xf32> to vector<128xf32>
    %eq3A_274 = arith.constant 24 : i32
    %eq3A_275 = vector.broadcast %eq3A_274 : i32 to vector<1000x1xi32>
    %eq3A_276 = arith.cmpi eq, %get3A_34, %eq3A_275 : vector<1000x1xi32>
    %jit3A_277 = arith.constant 0xFF800000 : f32
    %broadcast_in_dim3A_278 = vector.shape_cast %eq3A_276 : vector<1000x1xi1> to vector<1000x1xi1>
    %broadcast_in_dim3A_279 = vector.broadcast %broadcast_in_dim3A_278 : vector<1000x1xi1> to vector<1000x128xi1>
    %broadcast_in_dim3A_280 = vector.broadcast %jit3A_277 : f32 to vector<1000x128xf32>
    %select_n3A_281 = arith.select %broadcast_in_dim3A_279, %add3A_31, %broadcast_in_dim3A_280 : vector<1000x128xi1>, vector<1000x128xf32>
    %reduce_max3A_282 = arith.constant dense<0xFF800000> : vector<128xf32>
    %reduce_max3A_283 = vector.multi_reduction <maximumf>, %select_n3A_281, %reduce_max3A_282 [0] : vector<1000x128xf32> to vector<128xf32>
    %eq3A_284 = arith.constant 25 : i32
    %eq3A_285 = vector.broadcast %eq3A_284 : i32 to vector<1000x1xi32>
    %eq3A_286 = arith.cmpi eq, %get3A_34, %eq3A_285 : vector<1000x1xi32>
    %jit3A_287 = arith.constant 0xFF800000 : f32
    %broadcast_in_dim3A_288 = vector.shape_cast %eq3A_286 : vector<1000x1xi1> to vector<1000x1xi1>
    %broadcast_in_dim3A_289 = vector.broadcast %broadcast_in_dim3A_288 : vector<1000x1xi1> to vector<1000x128xi1>
    %broadcast_in_dim3A_290 = vector.broadcast %jit3A_287 : f32 to vector<1000x128xf32>
    %select_n3A_291 = arith.select %broadcast_in_dim3A_289, %add3A_31, %broadcast_in_dim3A_290 : vector<1000x128xi1>, vector<1000x128xf32>
    %reduce_max3A_292 = arith.constant dense<0xFF800000> : vector<128xf32>
    %reduce_max3A_293 = vector.multi_reduction <maximumf>, %select_n3A_291, %reduce_max3A_292 [0] : vector<1000x128xf32> to vector<128xf32>
    %eq3A_294 = arith.constant 26 : i32
    %eq3A_295 = vector.broadcast %eq3A_294 : i32 to vector<1000x1xi32>
    %eq3A_296 = arith.cmpi eq, %get3A_34, %eq3A_295 : vector<1000x1xi32>
    %jit3A_297 = arith.constant 0xFF800000 : f32
    %broadcast_in_dim3A_298 = vector.shape_cast %eq3A_296 : vector<1000x1xi1> to vector<1000x1xi1>
    %broadcast_in_dim3A_299 = vector.broadcast %broadcast_in_dim3A_298 : vector<1000x1xi1> to vector<1000x128xi1>
    %broadcast_in_dim3A_300 = vector.broadcast %jit3A_297 : f32 to vector<1000x128xf32>
    %select_n3A_301 = arith.select %broadcast_in_dim3A_299, %add3A_31, %broadcast_in_dim3A_300 : vector<1000x128xi1>, vector<1000x128xf32>
    %reduce_max3A_302 = arith.constant dense<0xFF800000> : vector<128xf32>
    %reduce_max3A_303 = vector.multi_reduction <maximumf>, %select_n3A_301, %reduce_max3A_302 [0] : vector<1000x128xf32> to vector<128xf32>
    %eq3A_304 = arith.constant 27 : i32
    %eq3A_305 = vector.broadcast %eq3A_304 : i32 to vector<1000x1xi32>
    %eq3A_306 = arith.cmpi eq, %get3A_34, %eq3A_305 : vector<1000x1xi32>
    %jit3A_307 = arith.constant 0xFF800000 : f32
    %broadcast_in_dim3A_308 = vector.shape_cast %eq3A_306 : vector<1000x1xi1> to vector<1000x1xi1>
    %broadcast_in_dim3A_309 = vector.broadcast %broadcast_in_dim3A_308 : vector<1000x1xi1> to vector<1000x128xi1>
    %broadcast_in_dim3A_310 = vector.broadcast %jit3A_307 : f32 to vector<1000x128xf32>
    %select_n3A_311 = arith.select %broadcast_in_dim3A_309, %add3A_31, %broadcast_in_dim3A_310 : vector<1000x128xi1>, vector<1000x128xf32>
    %reduce_max3A_312 = arith.constant dense<0xFF800000> : vector<128xf32>
    %reduce_max3A_313 = vector.multi_reduction <maximumf>, %select_n3A_311, %reduce_max3A_312 [0] : vector<1000x128xf32> to vector<128xf32>
    %eq3A_314 = arith.constant 28 : i32
    %eq3A_315 = vector.broadcast %eq3A_314 : i32 to vector<1000x1xi32>
    %eq3A_316 = arith.cmpi eq, %get3A_34, %eq3A_315 : vector<1000x1xi32>
    %jit3A_317 = arith.constant 0xFF800000 : f32
    %broadcast_in_dim3A_318 = vector.shape_cast %eq3A_316 : vector<1000x1xi1> to vector<1000x1xi1>
    %broadcast_in_dim3A_319 = vector.broadcast %broadcast_in_dim3A_318 : vector<1000x1xi1> to vector<1000x128xi1>
    %broadcast_in_dim3A_320 = vector.broadcast %jit3A_317 : f32 to vector<1000x128xf32>
    %select_n3A_321 = arith.select %broadcast_in_dim3A_319, %add3A_31, %broadcast_in_dim3A_320 : vector<1000x128xi1>, vector<1000x128xf32>
    %reduce_max3A_322 = arith.constant dense<0xFF800000> : vector<128xf32>
    %reduce_max3A_323 = vector.multi_reduction <maximumf>, %select_n3A_321, %reduce_max3A_322 [0] : vector<1000x128xf32> to vector<128xf32>
    %eq3A_324 = arith.constant 29 : i32
    %eq3A_325 = vector.broadcast %eq3A_324 : i32 to vector<1000x1xi32>
    %eq3A_326 = arith.cmpi eq, %get3A_34, %eq3A_325 : vector<1000x1xi32>
    %jit3A_327 = arith.constant 0xFF800000 : f32
    %broadcast_in_dim3A_328 = vector.shape_cast %eq3A_326 : vector<1000x1xi1> to vector<1000x1xi1>
    %broadcast_in_dim3A_329 = vector.broadcast %broadcast_in_dim3A_328 : vector<1000x1xi1> to vector<1000x128xi1>
    %broadcast_in_dim3A_330 = vector.broadcast %jit3A_327 : f32 to vector<1000x128xf32>
    %select_n3A_331 = arith.select %broadcast_in_dim3A_329, %add3A_31, %broadcast_in_dim3A_330 : vector<1000x128xi1>, vector<1000x128xf32>
    %reduce_max3A_332 = arith.constant dense<0xFF800000> : vector<128xf32>
    %reduce_max3A_333 = vector.multi_reduction <maximumf>, %select_n3A_331, %reduce_max3A_332 [0] : vector<1000x128xf32> to vector<128xf32>
    %eq3A_334 = arith.constant 30 : i32
    %eq3A_335 = vector.broadcast %eq3A_334 : i32 to vector<1000x1xi32>
    %eq3A_336 = arith.cmpi eq, %get3A_34, %eq3A_335 : vector<1000x1xi32>
    %jit3A_337 = arith.constant 0xFF800000 : f32
    %broadcast_in_dim3A_338 = vector.shape_cast %eq3A_336 : vector<1000x1xi1> to vector<1000x1xi1>
    %broadcast_in_dim3A_339 = vector.broadcast %broadcast_in_dim3A_338 : vector<1000x1xi1> to vector<1000x128xi1>
    %broadcast_in_dim3A_340 = vector.broadcast %jit3A_337 : f32 to vector<1000x128xf32>
    %select_n3A_341 = arith.select %broadcast_in_dim3A_339, %add3A_31, %broadcast_in_dim3A_340 : vector<1000x128xi1>, vector<1000x128xf32>
    %reduce_max3A_342 = arith.constant dense<0xFF800000> : vector<128xf32>
    %reduce_max3A_343 = vector.multi_reduction <maximumf>, %select_n3A_341, %reduce_max3A_342 [0] : vector<1000x128xf32> to vector<128xf32>
    %eq3A_344 = arith.constant 31 : i32
    %eq3A_345 = vector.broadcast %eq3A_344 : i32 to vector<1000x1xi32>
    %eq3A_346 = arith.cmpi eq, %get3A_34, %eq3A_345 : vector<1000x1xi32>
    %jit3A_347 = arith.constant 0xFF800000 : f32
    %broadcast_in_dim3A_348 = vector.shape_cast %eq3A_346 : vector<1000x1xi1> to vector<1000x1xi1>
    %broadcast_in_dim3A_349 = vector.broadcast %broadcast_in_dim3A_348 : vector<1000x1xi1> to vector<1000x128xi1>
    %broadcast_in_dim3A_350 = vector.broadcast %jit3A_347 : f32 to vector<1000x128xf32>
    %select_n3A_351 = arith.select %broadcast_in_dim3A_349, %add3A_31, %broadcast_in_dim3A_350 : vector<1000x128xi1>, vector<1000x128xf32>
    %reduce_max3A_352 = arith.constant dense<0xFF800000> : vector<128xf32>
    %reduce_max3A_353 = vector.multi_reduction <maximumf>, %select_n3A_351, %reduce_max3A_352 [0] : vector<1000x128xf32> to vector<128xf32>
    %eq3A_354 = arith.constant 32 : i32
    %eq3A_355 = vector.broadcast %eq3A_354 : i32 to vector<1000x1xi32>
    %eq3A_356 = arith.cmpi eq, %get3A_34, %eq3A_355 : vector<1000x1xi32>
    %jit3A_357 = arith.constant 0xFF800000 : f32
    %broadcast_in_dim3A_358 = vector.shape_cast %eq3A_356 : vector<1000x1xi1> to vector<1000x1xi1>
    %broadcast_in_dim3A_359 = vector.broadcast %broadcast_in_dim3A_358 : vector<1000x1xi1> to vector<1000x128xi1>
    %broadcast_in_dim3A_360 = vector.broadcast %jit3A_357 : f32 to vector<1000x128xf32>
    %select_n3A_361 = arith.select %broadcast_in_dim3A_359, %add3A_31, %broadcast_in_dim3A_360 : vector<1000x128xi1>, vector<1000x128xf32>
    %reduce_max3A_362 = arith.constant dense<0xFF800000> : vector<128xf32>
    %reduce_max3A_363 = vector.multi_reduction <maximumf>, %select_n3A_361, %reduce_max3A_362 [0] : vector<1000x128xf32> to vector<128xf32>
    %eq3A_364 = arith.constant 33 : i32
    %eq3A_365 = vector.broadcast %eq3A_364 : i32 to vector<1000x1xi32>
    %eq3A_366 = arith.cmpi eq, %get3A_34, %eq3A_365 : vector<1000x1xi32>
    %jit3A_367 = arith.constant 0xFF800000 : f32
    %broadcast_in_dim3A_368 = vector.shape_cast %eq3A_366 : vector<1000x1xi1> to vector<1000x1xi1>
    %broadcast_in_dim3A_369 = vector.broadcast %broadcast_in_dim3A_368 : vector<1000x1xi1> to vector<1000x128xi1>
    %broadcast_in_dim3A_370 = vector.broadcast %jit3A_367 : f32 to vector<1000x128xf32>
    %select_n3A_371 = arith.select %broadcast_in_dim3A_369, %add3A_31, %broadcast_in_dim3A_370 : vector<1000x128xi1>, vector<1000x128xf32>
    %reduce_max3A_372 = arith.constant dense<0xFF800000> : vector<128xf32>
    %reduce_max3A_373 = vector.multi_reduction <maximumf>, %select_n3A_371, %reduce_max3A_372 [0] : vector<1000x128xf32> to vector<128xf32>
    %eq3A_374 = arith.constant 34 : i32
    %eq3A_375 = vector.broadcast %eq3A_374 : i32 to vector<1000x1xi32>
    %eq3A_376 = arith.cmpi eq, %get3A_34, %eq3A_375 : vector<1000x1xi32>
    %jit3A_377 = arith.constant 0xFF800000 : f32
    %broadcast_in_dim3A_378 = vector.shape_cast %eq3A_376 : vector<1000x1xi1> to vector<1000x1xi1>
    %broadcast_in_dim3A_379 = vector.broadcast %broadcast_in_dim3A_378 : vector<1000x1xi1> to vector<1000x128xi1>
    %broadcast_in_dim3A_380 = vector.broadcast %jit3A_377 : f32 to vector<1000x128xf32>
    %select_n3A_381 = arith.select %broadcast_in_dim3A_379, %add3A_31, %broadcast_in_dim3A_380 : vector<1000x128xi1>, vector<1000x128xf32>
    %reduce_max3A_382 = arith.constant dense<0xFF800000> : vector<128xf32>
    %reduce_max3A_383 = vector.multi_reduction <maximumf>, %select_n3A_381, %reduce_max3A_382 [0] : vector<1000x128xf32> to vector<128xf32>
    %eq3A_384 = arith.constant 35 : i32
    %eq3A_385 = vector.broadcast %eq3A_384 : i32 to vector<1000x1xi32>
    %eq3A_386 = arith.cmpi eq, %get3A_34, %eq3A_385 : vector<1000x1xi32>
    %jit3A_387 = arith.constant 0xFF800000 : f32
    %broadcast_in_dim3A_388 = vector.shape_cast %eq3A_386 : vector<1000x1xi1> to vector<1000x1xi1>
    %broadcast_in_dim3A_389 = vector.broadcast %broadcast_in_dim3A_388 : vector<1000x1xi1> to vector<1000x128xi1>
    %broadcast_in_dim3A_390 = vector.broadcast %jit3A_387 : f32 to vector<1000x128xf32>
    %select_n3A_391 = arith.select %broadcast_in_dim3A_389, %add3A_31, %broadcast_in_dim3A_390 : vector<1000x128xi1>, vector<1000x128xf32>
    %reduce_max3A_392 = arith.constant dense<0xFF800000> : vector<128xf32>
    %reduce_max3A_393 = vector.multi_reduction <maximumf>, %select_n3A_391, %reduce_max3A_392 [0] : vector<1000x128xf32> to vector<128xf32>
    %eq3A_394 = arith.constant 36 : i32
    %eq3A_395 = vector.broadcast %eq3A_394 : i32 to vector<1000x1xi32>
    %eq3A_396 = arith.cmpi eq, %get3A_34, %eq3A_395 : vector<1000x1xi32>
    %jit3A_397 = arith.constant 0xFF800000 : f32
    %broadcast_in_dim3A_398 = vector.shape_cast %eq3A_396 : vector<1000x1xi1> to vector<1000x1xi1>
    %broadcast_in_dim3A_399 = vector.broadcast %broadcast_in_dim3A_398 : vector<1000x1xi1> to vector<1000x128xi1>
    %broadcast_in_dim3A_400 = vector.broadcast %jit3A_397 : f32 to vector<1000x128xf32>
    %select_n3A_401 = arith.select %broadcast_in_dim3A_399, %add3A_31, %broadcast_in_dim3A_400 : vector<1000x128xi1>, vector<1000x128xf32>
    %reduce_max3A_402 = arith.constant dense<0xFF800000> : vector<128xf32>
    %reduce_max3A_403 = vector.multi_reduction <maximumf>, %select_n3A_401, %reduce_max3A_402 [0] : vector<1000x128xf32> to vector<128xf32>
    %eq3A_404 = arith.constant 37 : i32
    %eq3A_405 = vector.broadcast %eq3A_404 : i32 to vector<1000x1xi32>
    %eq3A_406 = arith.cmpi eq, %get3A_34, %eq3A_405 : vector<1000x1xi32>
    %jit3A_407 = arith.constant 0xFF800000 : f32
    %broadcast_in_dim3A_408 = vector.shape_cast %eq3A_406 : vector<1000x1xi1> to vector<1000x1xi1>
    %broadcast_in_dim3A_409 = vector.broadcast %broadcast_in_dim3A_408 : vector<1000x1xi1> to vector<1000x128xi1>
    %broadcast_in_dim3A_410 = vector.broadcast %jit3A_407 : f32 to vector<1000x128xf32>
    %select_n3A_411 = arith.select %broadcast_in_dim3A_409, %add3A_31, %broadcast_in_dim3A_410 : vector<1000x128xi1>, vector<1000x128xf32>
    %reduce_max3A_412 = arith.constant dense<0xFF800000> : vector<128xf32>
    %reduce_max3A_413 = vector.multi_reduction <maximumf>, %select_n3A_411, %reduce_max3A_412 [0] : vector<1000x128xf32> to vector<128xf32>
    %eq3A_414 = arith.constant 38 : i32
    %eq3A_415 = vector.broadcast %eq3A_414 : i32 to vector<1000x1xi32>
    %eq3A_416 = arith.cmpi eq, %get3A_34, %eq3A_415 : vector<1000x1xi32>
    %jit3A_417 = arith.constant 0xFF800000 : f32
    %broadcast_in_dim3A_418 = vector.shape_cast %eq3A_416 : vector<1000x1xi1> to vector<1000x1xi1>
    %broadcast_in_dim3A_419 = vector.broadcast %broadcast_in_dim3A_418 : vector<1000x1xi1> to vector<1000x128xi1>
    %broadcast_in_dim3A_420 = vector.broadcast %jit3A_417 : f32 to vector<1000x128xf32>
    %select_n3A_421 = arith.select %broadcast_in_dim3A_419, %add3A_31, %broadcast_in_dim3A_420 : vector<1000x128xi1>, vector<1000x128xf32>
    %reduce_max3A_422 = arith.constant dense<0xFF800000> : vector<128xf32>
    %reduce_max3A_423 = vector.multi_reduction <maximumf>, %select_n3A_421, %reduce_max3A_422 [0] : vector<1000x128xf32> to vector<128xf32>
    %eq3A_424 = arith.constant 39 : i32
    %eq3A_425 = vector.broadcast %eq3A_424 : i32 to vector<1000x1xi32>
    %eq3A_426 = arith.cmpi eq, %get3A_34, %eq3A_425 : vector<1000x1xi32>
    %jit3A_427 = arith.constant 0xFF800000 : f32
    %broadcast_in_dim3A_428 = vector.shape_cast %eq3A_426 : vector<1000x1xi1> to vector<1000x1xi1>
    %broadcast_in_dim3A_429 = vector.broadcast %broadcast_in_dim3A_428 : vector<1000x1xi1> to vector<1000x128xi1>
    %broadcast_in_dim3A_430 = vector.broadcast %jit3A_427 : f32 to vector<1000x128xf32>
    %select_n3A_431 = arith.select %broadcast_in_dim3A_429, %add3A_31, %broadcast_in_dim3A_430 : vector<1000x128xi1>, vector<1000x128xf32>
    %reduce_max3A_432 = arith.constant dense<0xFF800000> : vector<128xf32>
    %reduce_max3A_433 = vector.multi_reduction <maximumf>, %select_n3A_431, %reduce_max3A_432 [0] : vector<1000x128xf32> to vector<128xf32>
    %eq3A_434 = arith.constant 40 : i32
    %eq3A_435 = vector.broadcast %eq3A_434 : i32 to vector<1000x1xi32>
    %eq3A_436 = arith.cmpi eq, %get3A_34, %eq3A_435 : vector<1000x1xi32>
    %jit3A_437 = arith.constant 0xFF800000 : f32
    %broadcast_in_dim3A_438 = vector.shape_cast %eq3A_436 : vector<1000x1xi1> to vector<1000x1xi1>
    %broadcast_in_dim3A_439 = vector.broadcast %broadcast_in_dim3A_438 : vector<1000x1xi1> to vector<1000x128xi1>
    %broadcast_in_dim3A_440 = vector.broadcast %jit3A_437 : f32 to vector<1000x128xf32>
    %select_n3A_441 = arith.select %broadcast_in_dim3A_439, %add3A_31, %broadcast_in_dim3A_440 : vector<1000x128xi1>, vector<1000x128xf32>
    %reduce_max3A_442 = arith.constant dense<0xFF800000> : vector<128xf32>
    %reduce_max3A_443 = vector.multi_reduction <maximumf>, %select_n3A_441, %reduce_max3A_442 [0] : vector<1000x128xf32> to vector<128xf32>
    %eq3A_444 = arith.constant 41 : i32
    %eq3A_445 = vector.broadcast %eq3A_444 : i32 to vector<1000x1xi32>
    %eq3A_446 = arith.cmpi eq, %get3A_34, %eq3A_445 : vector<1000x1xi32>
    %jit3A_447 = arith.constant 0xFF800000 : f32
    %broadcast_in_dim3A_448 = vector.shape_cast %eq3A_446 : vector<1000x1xi1> to vector<1000x1xi1>
    %broadcast_in_dim3A_449 = vector.broadcast %broadcast_in_dim3A_448 : vector<1000x1xi1> to vector<1000x128xi1>
    %broadcast_in_dim3A_450 = vector.broadcast %jit3A_447 : f32 to vector<1000x128xf32>
    %select_n3A_451 = arith.select %broadcast_in_dim3A_449, %add3A_31, %broadcast_in_dim3A_450 : vector<1000x128xi1>, vector<1000x128xf32>
    %reduce_max3A_452 = arith.constant dense<0xFF800000> : vector<128xf32>
    %reduce_max3A_453 = vector.multi_reduction <maximumf>, %select_n3A_451, %reduce_max3A_452 [0] : vector<1000x128xf32> to vector<128xf32>
    %eq3A_454 = arith.constant 42 : i32
    %eq3A_455 = vector.broadcast %eq3A_454 : i32 to vector<1000x1xi32>
    %eq3A_456 = arith.cmpi eq, %get3A_34, %eq3A_455 : vector<1000x1xi32>
    %jit3A_457 = arith.constant 0xFF800000 : f32
    %broadcast_in_dim3A_458 = vector.shape_cast %eq3A_456 : vector<1000x1xi1> to vector<1000x1xi1>
    %broadcast_in_dim3A_459 = vector.broadcast %broadcast_in_dim3A_458 : vector<1000x1xi1> to vector<1000x128xi1>
    %broadcast_in_dim3A_460 = vector.broadcast %jit3A_457 : f32 to vector<1000x128xf32>
    %select_n3A_461 = arith.select %broadcast_in_dim3A_459, %add3A_31, %broadcast_in_dim3A_460 : vector<1000x128xi1>, vector<1000x128xf32>
    %reduce_max3A_462 = arith.constant dense<0xFF800000> : vector<128xf32>
    %reduce_max3A_463 = vector.multi_reduction <maximumf>, %select_n3A_461, %reduce_max3A_462 [0] : vector<1000x128xf32> to vector<128xf32>
    %eq3A_464 = arith.constant 43 : i32
    %eq3A_465 = vector.broadcast %eq3A_464 : i32 to vector<1000x1xi32>
    %eq3A_466 = arith.cmpi eq, %get3A_34, %eq3A_465 : vector<1000x1xi32>
    %jit3A_467 = arith.constant 0xFF800000 : f32
    %broadcast_in_dim3A_468 = vector.shape_cast %eq3A_466 : vector<1000x1xi1> to vector<1000x1xi1>
    %broadcast_in_dim3A_469 = vector.broadcast %broadcast_in_dim3A_468 : vector<1000x1xi1> to vector<1000x128xi1>
    %broadcast_in_dim3A_470 = vector.broadcast %jit3A_467 : f32 to vector<1000x128xf32>
    %select_n3A_471 = arith.select %broadcast_in_dim3A_469, %add3A_31, %broadcast_in_dim3A_470 : vector<1000x128xi1>, vector<1000x128xf32>
    %reduce_max3A_472 = arith.constant dense<0xFF800000> : vector<128xf32>
    %reduce_max3A_473 = vector.multi_reduction <maximumf>, %select_n3A_471, %reduce_max3A_472 [0] : vector<1000x128xf32> to vector<128xf32>
    %eq3A_474 = arith.constant 44 : i32
    %eq3A_475 = vector.broadcast %eq3A_474 : i32 to vector<1000x1xi32>
    %eq3A_476 = arith.cmpi eq, %get3A_34, %eq3A_475 : vector<1000x1xi32>
    %jit3A_477 = arith.constant 0xFF800000 : f32
    %broadcast_in_dim3A_478 = vector.shape_cast %eq3A_476 : vector<1000x1xi1> to vector<1000x1xi1>
    %broadcast_in_dim3A_479 = vector.broadcast %broadcast_in_dim3A_478 : vector<1000x1xi1> to vector<1000x128xi1>
    %broadcast_in_dim3A_480 = vector.broadcast %jit3A_477 : f32 to vector<1000x128xf32>
    %select_n3A_481 = arith.select %broadcast_in_dim3A_479, %add3A_31, %broadcast_in_dim3A_480 : vector<1000x128xi1>, vector<1000x128xf32>
    %reduce_max3A_482 = arith.constant dense<0xFF800000> : vector<128xf32>
    %reduce_max3A_483 = vector.multi_reduction <maximumf>, %select_n3A_481, %reduce_max3A_482 [0] : vector<1000x128xf32> to vector<128xf32>
    %eq3A_484 = arith.constant 45 : i32
    %eq3A_485 = vector.broadcast %eq3A_484 : i32 to vector<1000x1xi32>
    %eq3A_486 = arith.cmpi eq, %get3A_34, %eq3A_485 : vector<1000x1xi32>
    %jit3A_487 = arith.constant 0xFF800000 : f32
    %broadcast_in_dim3A_488 = vector.shape_cast %eq3A_486 : vector<1000x1xi1> to vector<1000x1xi1>
    %broadcast_in_dim3A_489 = vector.broadcast %broadcast_in_dim3A_488 : vector<1000x1xi1> to vector<1000x128xi1>
    %broadcast_in_dim3A_490 = vector.broadcast %jit3A_487 : f32 to vector<1000x128xf32>
    %select_n3A_491 = arith.select %broadcast_in_dim3A_489, %add3A_31, %broadcast_in_dim3A_490 : vector<1000x128xi1>, vector<1000x128xf32>
    %reduce_max3A_492 = arith.constant dense<0xFF800000> : vector<128xf32>
    %reduce_max3A_493 = vector.multi_reduction <maximumf>, %select_n3A_491, %reduce_max3A_492 [0] : vector<1000x128xf32> to vector<128xf32>
    %eq3A_494 = arith.constant 46 : i32
    %eq3A_495 = vector.broadcast %eq3A_494 : i32 to vector<1000x1xi32>
    %eq3A_496 = arith.cmpi eq, %get3A_34, %eq3A_495 : vector<1000x1xi32>
    %jit3A_497 = arith.constant 0xFF800000 : f32
    %broadcast_in_dim3A_498 = vector.shape_cast %eq3A_496 : vector<1000x1xi1> to vector<1000x1xi1>
    %broadcast_in_dim3A_499 = vector.broadcast %broadcast_in_dim3A_498 : vector<1000x1xi1> to vector<1000x128xi1>
    %broadcast_in_dim3A_500 = vector.broadcast %jit3A_497 : f32 to vector<1000x128xf32>
    %select_n3A_501 = arith.select %broadcast_in_dim3A_499, %add3A_31, %broadcast_in_dim3A_500 : vector<1000x128xi1>, vector<1000x128xf32>
    %reduce_max3A_502 = arith.constant dense<0xFF800000> : vector<128xf32>
    %reduce_max3A_503 = vector.multi_reduction <maximumf>, %select_n3A_501, %reduce_max3A_502 [0] : vector<1000x128xf32> to vector<128xf32>
    %eq3A_504 = arith.constant 47 : i32
    %eq3A_505 = vector.broadcast %eq3A_504 : i32 to vector<1000x1xi32>
    %eq3A_506 = arith.cmpi eq, %get3A_34, %eq3A_505 : vector<1000x1xi32>
    %jit3A_507 = arith.constant 0xFF800000 : f32
    %broadcast_in_dim3A_508 = vector.shape_cast %eq3A_506 : vector<1000x1xi1> to vector<1000x1xi1>
    %broadcast_in_dim3A_509 = vector.broadcast %broadcast_in_dim3A_508 : vector<1000x1xi1> to vector<1000x128xi1>
    %broadcast_in_dim3A_510 = vector.broadcast %jit3A_507 : f32 to vector<1000x128xf32>
    %select_n3A_511 = arith.select %broadcast_in_dim3A_509, %add3A_31, %broadcast_in_dim3A_510 : vector<1000x128xi1>, vector<1000x128xf32>
    %reduce_max3A_512 = arith.constant dense<0xFF800000> : vector<128xf32>
    %reduce_max3A_513 = vector.multi_reduction <maximumf>, %select_n3A_511, %reduce_max3A_512 [0] : vector<1000x128xf32> to vector<128xf32>
    %eq3A_514 = arith.constant 48 : i32
    %eq3A_515 = vector.broadcast %eq3A_514 : i32 to vector<1000x1xi32>
    %eq3A_516 = arith.cmpi eq, %get3A_34, %eq3A_515 : vector<1000x1xi32>
    %jit3A_517 = arith.constant 0xFF800000 : f32
    %broadcast_in_dim3A_518 = vector.shape_cast %eq3A_516 : vector<1000x1xi1> to vector<1000x1xi1>
    %broadcast_in_dim3A_519 = vector.broadcast %broadcast_in_dim3A_518 : vector<1000x1xi1> to vector<1000x128xi1>
    %broadcast_in_dim3A_520 = vector.broadcast %jit3A_517 : f32 to vector<1000x128xf32>
    %select_n3A_521 = arith.select %broadcast_in_dim3A_519, %add3A_31, %broadcast_in_dim3A_520 : vector<1000x128xi1>, vector<1000x128xf32>
    %reduce_max3A_522 = arith.constant dense<0xFF800000> : vector<128xf32>
    %reduce_max3A_523 = vector.multi_reduction <maximumf>, %select_n3A_521, %reduce_max3A_522 [0] : vector<1000x128xf32> to vector<128xf32>
    %eq3A_524 = arith.constant 49 : i32
    %eq3A_525 = vector.broadcast %eq3A_524 : i32 to vector<1000x1xi32>
    %eq3A_526 = arith.cmpi eq, %get3A_34, %eq3A_525 : vector<1000x1xi32>
    %jit3A_527 = arith.constant 0xFF800000 : f32
    %broadcast_in_dim3A_528 = vector.shape_cast %eq3A_526 : vector<1000x1xi1> to vector<1000x1xi1>
    %broadcast_in_dim3A_529 = vector.broadcast %broadcast_in_dim3A_528 : vector<1000x1xi1> to vector<1000x128xi1>
    %broadcast_in_dim3A_530 = vector.broadcast %jit3A_527 : f32 to vector<1000x128xf32>
    %select_n3A_531 = arith.select %broadcast_in_dim3A_529, %add3A_31, %broadcast_in_dim3A_530 : vector<1000x128xi1>, vector<1000x128xf32>
    %reduce_max3A_532 = arith.constant dense<0xFF800000> : vector<128xf32>
    %reduce_max3A_533 = vector.multi_reduction <maximumf>, %select_n3A_531, %reduce_max3A_532 [0] : vector<1000x128xf32> to vector<128xf32>
    %eq3A_534 = arith.constant 50 : i32
    %eq3A_535 = vector.broadcast %eq3A_534 : i32 to vector<1000x1xi32>
    %eq3A_536 = arith.cmpi eq, %get3A_34, %eq3A_535 : vector<1000x1xi32>
    %jit3A_537 = arith.constant 0xFF800000 : f32
    %broadcast_in_dim3A_538 = vector.shape_cast %eq3A_536 : vector<1000x1xi1> to vector<1000x1xi1>
    %broadcast_in_dim3A_539 = vector.broadcast %broadcast_in_dim3A_538 : vector<1000x1xi1> to vector<1000x128xi1>
    %broadcast_in_dim3A_540 = vector.broadcast %jit3A_537 : f32 to vector<1000x128xf32>
    %select_n3A_541 = arith.select %broadcast_in_dim3A_539, %add3A_31, %broadcast_in_dim3A_540 : vector<1000x128xi1>, vector<1000x128xf32>
    %reduce_max3A_542 = arith.constant dense<0xFF800000> : vector<128xf32>
    %reduce_max3A_543 = vector.multi_reduction <maximumf>, %select_n3A_541, %reduce_max3A_542 [0] : vector<1000x128xf32> to vector<128xf32>
    %eq3A_544 = arith.constant 51 : i32
    %eq3A_545 = vector.broadcast %eq3A_544 : i32 to vector<1000x1xi32>
    %eq3A_546 = arith.cmpi eq, %get3A_34, %eq3A_545 : vector<1000x1xi32>
    %jit3A_547 = arith.constant 0xFF800000 : f32
    %broadcast_in_dim3A_548 = vector.shape_cast %eq3A_546 : vector<1000x1xi1> to vector<1000x1xi1>
    %broadcast_in_dim3A_549 = vector.broadcast %broadcast_in_dim3A_548 : vector<1000x1xi1> to vector<1000x128xi1>
    %broadcast_in_dim3A_550 = vector.broadcast %jit3A_547 : f32 to vector<1000x128xf32>
    %select_n3A_551 = arith.select %broadcast_in_dim3A_549, %add3A_31, %broadcast_in_dim3A_550 : vector<1000x128xi1>, vector<1000x128xf32>
    %reduce_max3A_552 = arith.constant dense<0xFF800000> : vector<128xf32>
    %reduce_max3A_553 = vector.multi_reduction <maximumf>, %select_n3A_551, %reduce_max3A_552 [0] : vector<1000x128xf32> to vector<128xf32>
    %eq3A_554 = arith.constant 52 : i32
    %eq3A_555 = vector.broadcast %eq3A_554 : i32 to vector<1000x1xi32>
    %eq3A_556 = arith.cmpi eq, %get3A_34, %eq3A_555 : vector<1000x1xi32>
    %jit3A_557 = arith.constant 0xFF800000 : f32
    %broadcast_in_dim3A_558 = vector.shape_cast %eq3A_556 : vector<1000x1xi1> to vector<1000x1xi1>
    %broadcast_in_dim3A_559 = vector.broadcast %broadcast_in_dim3A_558 : vector<1000x1xi1> to vector<1000x128xi1>
    %broadcast_in_dim3A_560 = vector.broadcast %jit3A_557 : f32 to vector<1000x128xf32>
    %select_n3A_561 = arith.select %broadcast_in_dim3A_559, %add3A_31, %broadcast_in_dim3A_560 : vector<1000x128xi1>, vector<1000x128xf32>
    %reduce_max3A_562 = arith.constant dense<0xFF800000> : vector<128xf32>
    %reduce_max3A_563 = vector.multi_reduction <maximumf>, %select_n3A_561, %reduce_max3A_562 [0] : vector<1000x128xf32> to vector<128xf32>
    %eq3A_564 = arith.constant 53 : i32
    %eq3A_565 = vector.broadcast %eq3A_564 : i32 to vector<1000x1xi32>
    %eq3A_566 = arith.cmpi eq, %get3A_34, %eq3A_565 : vector<1000x1xi32>
    %jit3A_567 = arith.constant 0xFF800000 : f32
    %broadcast_in_dim3A_568 = vector.shape_cast %eq3A_566 : vector<1000x1xi1> to vector<1000x1xi1>
    %broadcast_in_dim3A_569 = vector.broadcast %broadcast_in_dim3A_568 : vector<1000x1xi1> to vector<1000x128xi1>
    %broadcast_in_dim3A_570 = vector.broadcast %jit3A_567 : f32 to vector<1000x128xf32>
    %select_n3A_571 = arith.select %broadcast_in_dim3A_569, %add3A_31, %broadcast_in_dim3A_570 : vector<1000x128xi1>, vector<1000x128xf32>
    %reduce_max3A_572 = arith.constant dense<0xFF800000> : vector<128xf32>
    %reduce_max3A_573 = vector.multi_reduction <maximumf>, %select_n3A_571, %reduce_max3A_572 [0] : vector<1000x128xf32> to vector<128xf32>
    %eq3A_574 = arith.constant 54 : i32
    %eq3A_575 = vector.broadcast %eq3A_574 : i32 to vector<1000x1xi32>
    %eq3A_576 = arith.cmpi eq, %get3A_34, %eq3A_575 : vector<1000x1xi32>
    %jit3A_577 = arith.constant 0xFF800000 : f32
    %broadcast_in_dim3A_578 = vector.shape_cast %eq3A_576 : vector<1000x1xi1> to vector<1000x1xi1>
    %broadcast_in_dim3A_579 = vector.broadcast %broadcast_in_dim3A_578 : vector<1000x1xi1> to vector<1000x128xi1>
    %broadcast_in_dim3A_580 = vector.broadcast %jit3A_577 : f32 to vector<1000x128xf32>
    %select_n3A_581 = arith.select %broadcast_in_dim3A_579, %add3A_31, %broadcast_in_dim3A_580 : vector<1000x128xi1>, vector<1000x128xf32>
    %reduce_max3A_582 = arith.constant dense<0xFF800000> : vector<128xf32>
    %reduce_max3A_583 = vector.multi_reduction <maximumf>, %select_n3A_581, %reduce_max3A_582 [0] : vector<1000x128xf32> to vector<128xf32>
    %eq3A_584 = arith.constant 55 : i32
    %eq3A_585 = vector.broadcast %eq3A_584 : i32 to vector<1000x1xi32>
    %eq3A_586 = arith.cmpi eq, %get3A_34, %eq3A_585 : vector<1000x1xi32>
    %jit3A_587 = arith.constant 0xFF800000 : f32
    %broadcast_in_dim3A_588 = vector.shape_cast %eq3A_586 : vector<1000x1xi1> to vector<1000x1xi1>
    %broadcast_in_dim3A_589 = vector.broadcast %broadcast_in_dim3A_588 : vector<1000x1xi1> to vector<1000x128xi1>
    %broadcast_in_dim3A_590 = vector.broadcast %jit3A_587 : f32 to vector<1000x128xf32>
    %select_n3A_591 = arith.select %broadcast_in_dim3A_589, %add3A_31, %broadcast_in_dim3A_590 : vector<1000x128xi1>, vector<1000x128xf32>
    %reduce_max3A_592 = arith.constant dense<0xFF800000> : vector<128xf32>
    %reduce_max3A_593 = vector.multi_reduction <maximumf>, %select_n3A_591, %reduce_max3A_592 [0] : vector<1000x128xf32> to vector<128xf32>
    %eq3A_594 = arith.constant 56 : i32
    %eq3A_595 = vector.broadcast %eq3A_594 : i32 to vector<1000x1xi32>
    %eq3A_596 = arith.cmpi eq, %get3A_34, %eq3A_595 : vector<1000x1xi32>
    %jit3A_597 = arith.constant 0xFF800000 : f32
    %broadcast_in_dim3A_598 = vector.shape_cast %eq3A_596 : vector<1000x1xi1> to vector<1000x1xi1>
    %broadcast_in_dim3A_599 = vector.broadcast %broadcast_in_dim3A_598 : vector<1000x1xi1> to vector<1000x128xi1>
    %broadcast_in_dim3A_600 = vector.broadcast %jit3A_597 : f32 to vector<1000x128xf32>
    %select_n3A_601 = arith.select %broadcast_in_dim3A_599, %add3A_31, %broadcast_in_dim3A_600 : vector<1000x128xi1>, vector<1000x128xf32>
    %reduce_max3A_602 = arith.constant dense<0xFF800000> : vector<128xf32>
    %reduce_max3A_603 = vector.multi_reduction <maximumf>, %select_n3A_601, %reduce_max3A_602 [0] : vector<1000x128xf32> to vector<128xf32>
    %eq3A_604 = arith.constant 57 : i32
    %eq3A_605 = vector.broadcast %eq3A_604 : i32 to vector<1000x1xi32>
    %eq3A_606 = arith.cmpi eq, %get3A_34, %eq3A_605 : vector<1000x1xi32>
    %jit3A_607 = arith.constant 0xFF800000 : f32
    %broadcast_in_dim3A_608 = vector.shape_cast %eq3A_606 : vector<1000x1xi1> to vector<1000x1xi1>
    %broadcast_in_dim3A_609 = vector.broadcast %broadcast_in_dim3A_608 : vector<1000x1xi1> to vector<1000x128xi1>
    %broadcast_in_dim3A_610 = vector.broadcast %jit3A_607 : f32 to vector<1000x128xf32>
    %select_n3A_611 = arith.select %broadcast_in_dim3A_609, %add3A_31, %broadcast_in_dim3A_610 : vector<1000x128xi1>, vector<1000x128xf32>
    %reduce_max3A_612 = arith.constant dense<0xFF800000> : vector<128xf32>
    %reduce_max3A_613 = vector.multi_reduction <maximumf>, %select_n3A_611, %reduce_max3A_612 [0] : vector<1000x128xf32> to vector<128xf32>
    %eq3A_614 = arith.constant 58 : i32
    %eq3A_615 = vector.broadcast %eq3A_614 : i32 to vector<1000x1xi32>
    %eq3A_616 = arith.cmpi eq, %get3A_34, %eq3A_615 : vector<1000x1xi32>
    %jit3A_617 = arith.constant 0xFF800000 : f32
    %broadcast_in_dim3A_618 = vector.shape_cast %eq3A_616 : vector<1000x1xi1> to vector<1000x1xi1>
    %broadcast_in_dim3A_619 = vector.broadcast %broadcast_in_dim3A_618 : vector<1000x1xi1> to vector<1000x128xi1>
    %broadcast_in_dim3A_620 = vector.broadcast %jit3A_617 : f32 to vector<1000x128xf32>
    %select_n3A_621 = arith.select %broadcast_in_dim3A_619, %add3A_31, %broadcast_in_dim3A_620 : vector<1000x128xi1>, vector<1000x128xf32>
    %reduce_max3A_622 = arith.constant dense<0xFF800000> : vector<128xf32>
    %reduce_max3A_623 = vector.multi_reduction <maximumf>, %select_n3A_621, %reduce_max3A_622 [0] : vector<1000x128xf32> to vector<128xf32>
    %eq3A_624 = arith.constant 59 : i32
    %eq3A_625 = vector.broadcast %eq3A_624 : i32 to vector<1000x1xi32>
    %eq3A_626 = arith.cmpi eq, %get3A_34, %eq3A_625 : vector<1000x1xi32>
    %jit3A_627 = arith.constant 0xFF800000 : f32
    %broadcast_in_dim3A_628 = vector.shape_cast %eq3A_626 : vector<1000x1xi1> to vector<1000x1xi1>
    %broadcast_in_dim3A_629 = vector.broadcast %broadcast_in_dim3A_628 : vector<1000x1xi1> to vector<1000x128xi1>
    %broadcast_in_dim3A_630 = vector.broadcast %jit3A_627 : f32 to vector<1000x128xf32>
    %select_n3A_631 = arith.select %broadcast_in_dim3A_629, %add3A_31, %broadcast_in_dim3A_630 : vector<1000x128xi1>, vector<1000x128xf32>
    %reduce_max3A_632 = arith.constant dense<0xFF800000> : vector<128xf32>
    %reduce_max3A_633 = vector.multi_reduction <maximumf>, %select_n3A_631, %reduce_max3A_632 [0] : vector<1000x128xf32> to vector<128xf32>
    %eq3A_634 = arith.constant 60 : i32
    %eq3A_635 = vector.broadcast %eq3A_634 : i32 to vector<1000x1xi32>
    %eq3A_636 = arith.cmpi eq, %get3A_34, %eq3A_635 : vector<1000x1xi32>
    %jit3A_637 = arith.constant 0xFF800000 : f32
    %broadcast_in_dim3A_638 = vector.shape_cast %eq3A_636 : vector<1000x1xi1> to vector<1000x1xi1>
    %broadcast_in_dim3A_639 = vector.broadcast %broadcast_in_dim3A_638 : vector<1000x1xi1> to vector<1000x128xi1>
    %broadcast_in_dim3A_640 = vector.broadcast %jit3A_637 : f32 to vector<1000x128xf32>
    %select_n3A_641 = arith.select %broadcast_in_dim3A_639, %add3A_31, %broadcast_in_dim3A_640 : vector<1000x128xi1>, vector<1000x128xf32>
    %reduce_max3A_642 = arith.constant dense<0xFF800000> : vector<128xf32>
    %reduce_max3A_643 = vector.multi_reduction <maximumf>, %select_n3A_641, %reduce_max3A_642 [0] : vector<1000x128xf32> to vector<128xf32>
    %eq3A_644 = arith.constant 61 : i32
    %eq3A_645 = vector.broadcast %eq3A_644 : i32 to vector<1000x1xi32>
    %eq3A_646 = arith.cmpi eq, %get3A_34, %eq3A_645 : vector<1000x1xi32>
    %jit3A_647 = arith.constant 0xFF800000 : f32
    %broadcast_in_dim3A_648 = vector.shape_cast %eq3A_646 : vector<1000x1xi1> to vector<1000x1xi1>
    %broadcast_in_dim3A_649 = vector.broadcast %broadcast_in_dim3A_648 : vector<1000x1xi1> to vector<1000x128xi1>
    %broadcast_in_dim3A_650 = vector.broadcast %jit3A_647 : f32 to vector<1000x128xf32>
    %select_n3A_651 = arith.select %broadcast_in_dim3A_649, %add3A_31, %broadcast_in_dim3A_650 : vector<1000x128xi1>, vector<1000x128xf32>
    %reduce_max3A_652 = arith.constant dense<0xFF800000> : vector<128xf32>
    %reduce_max3A_653 = vector.multi_reduction <maximumf>, %select_n3A_651, %reduce_max3A_652 [0] : vector<1000x128xf32> to vector<128xf32>
    %eq3A_654 = arith.constant 62 : i32
    %eq3A_655 = vector.broadcast %eq3A_654 : i32 to vector<1000x1xi32>
    %eq3A_656 = arith.cmpi eq, %get3A_34, %eq3A_655 : vector<1000x1xi32>
    %jit3A_657 = arith.constant 0xFF800000 : f32
    %broadcast_in_dim3A_658 = vector.shape_cast %eq3A_656 : vector<1000x1xi1> to vector<1000x1xi1>
    %broadcast_in_dim3A_659 = vector.broadcast %broadcast_in_dim3A_658 : vector<1000x1xi1> to vector<1000x128xi1>
    %broadcast_in_dim3A_660 = vector.broadcast %jit3A_657 : f32 to vector<1000x128xf32>
    %select_n3A_661 = arith.select %broadcast_in_dim3A_659, %add3A_31, %broadcast_in_dim3A_660 : vector<1000x128xi1>, vector<1000x128xf32>
    %reduce_max3A_662 = arith.constant dense<0xFF800000> : vector<128xf32>
    %reduce_max3A_663 = vector.multi_reduction <maximumf>, %select_n3A_661, %reduce_max3A_662 [0] : vector<1000x128xf32> to vector<128xf32>
    %eq3A_664 = arith.constant 63 : i32
    %eq3A_665 = vector.broadcast %eq3A_664 : i32 to vector<1000x1xi32>
    %eq3A_666 = arith.cmpi eq, %get3A_34, %eq3A_665 : vector<1000x1xi32>
    %jit3A_667 = arith.constant 0xFF800000 : f32
    %broadcast_in_dim3A_668 = vector.shape_cast %eq3A_666 : vector<1000x1xi1> to vector<1000x1xi1>
    %broadcast_in_dim3A_669 = vector.broadcast %broadcast_in_dim3A_668 : vector<1000x1xi1> to vector<1000x128xi1>
    %broadcast_in_dim3A_670 = vector.broadcast %jit3A_667 : f32 to vector<1000x128xf32>
    %select_n3A_671 = arith.select %broadcast_in_dim3A_669, %add3A_31, %broadcast_in_dim3A_670 : vector<1000x128xi1>, vector<1000x128xf32>
    %reduce_max3A_672 = arith.constant dense<0xFF800000> : vector<128xf32>
    %reduce_max3A_673 = vector.multi_reduction <maximumf>, %select_n3A_671, %reduce_max3A_672 [0] : vector<1000x128xf32> to vector<128xf32>
    %stack3A = vector.shape_cast %reduce_max3A_43 : vector<128xf32> to vector<1x128xf32>
    %stack3A_674 = vector.shape_cast %reduce_max3A_53 : vector<128xf32> to vector<1x128xf32>
    %stack3A_675 = vector.shape_cast %reduce_max3A_63 : vector<128xf32> to vector<1x128xf32>
    %stack3A_676 = vector.shape_cast %reduce_max3A_73 : vector<128xf32> to vector<1x128xf32>
    %stack3A_677 = vector.shape_cast %reduce_max3A_83 : vector<128xf32> to vector<1x128xf32>
    %stack3A_678 = vector.shape_cast %reduce_max3A_93 : vector<128xf32> to vector<1x128xf32>
    %stack3A_679 = vector.shape_cast %reduce_max3A_103 : vector<128xf32> to vector<1x128xf32>
    %stack3A_680 = vector.shape_cast %reduce_max3A_113 : vector<128xf32> to vector<1x128xf32>
    %stack3A_681 = vector.shape_cast %reduce_max3A_123 : vector<128xf32> to vector<1x128xf32>
    %stack3A_682 = vector.shape_cast %reduce_max3A_133 : vector<128xf32> to vector<1x128xf32>
    %stack3A_683 = vector.shape_cast %reduce_max3A_143 : vector<128xf32> to vector<1x128xf32>
    %stack3A_684 = vector.shape_cast %reduce_max3A_153 : vector<128xf32> to vector<1x128xf32>
    %stack3A_685 = vector.shape_cast %reduce_max3A_163 : vector<128xf32> to vector<1x128xf32>
    %stack3A_686 = vector.shape_cast %reduce_max3A_173 : vector<128xf32> to vector<1x128xf32>
    %stack3A_687 = vector.shape_cast %reduce_max3A_183 : vector<128xf32> to vector<1x128xf32>
    %stack3A_688 = vector.shape_cast %reduce_max3A_193 : vector<128xf32> to vector<1x128xf32>
    %stack3A_689 = vector.shape_cast %reduce_max3A_203 : vector<128xf32> to vector<1x128xf32>
    %stack3A_690 = vector.shape_cast %reduce_max3A_213 : vector<128xf32> to vector<1x128xf32>
    %stack3A_691 = vector.shape_cast %reduce_max3A_223 : vector<128xf32> to vector<1x128xf32>
    %stack3A_692 = vector.shape_cast %reduce_max3A_233 : vector<128xf32> to vector<1x128xf32>
    %stack3A_693 = vector.shape_cast %reduce_max3A_243 : vector<128xf32> to vector<1x128xf32>
    %stack3A_694 = vector.shape_cast %reduce_max3A_253 : vector<128xf32> to vector<1x128xf32>
    %stack3A_695 = vector.shape_cast %reduce_max3A_263 : vector<128xf32> to vector<1x128xf32>
    %stack3A_696 = vector.shape_cast %reduce_max3A_273 : vector<128xf32> to vector<1x128xf32>
    %stack3A_697 = vector.shape_cast %reduce_max3A_283 : vector<128xf32> to vector<1x128xf32>
    %stack3A_698 = vector.shape_cast %reduce_max3A_293 : vector<128xf32> to vector<1x128xf32>
    %stack3A_699 = vector.shape_cast %reduce_max3A_303 : vector<128xf32> to vector<1x128xf32>
    %stack3A_700 = vector.shape_cast %reduce_max3A_313 : vector<128xf32> to vector<1x128xf32>
    %stack3A_701 = vector.shape_cast %reduce_max3A_323 : vector<128xf32> to vector<1x128xf32>
    %stack3A_702 = vector.shape_cast %reduce_max3A_333 : vector<128xf32> to vector<1x128xf32>
    %stack3A_703 = vector.shape_cast %reduce_max3A_343 : vector<128xf32> to vector<1x128xf32>
    %stack3A_704 = vector.shape_cast %reduce_max3A_353 : vector<128xf32> to vector<1x128xf32>
    %stack3A_705 = vector.shape_cast %reduce_max3A_363 : vector<128xf32> to vector<1x128xf32>
    %stack3A_706 = vector.shape_cast %reduce_max3A_373 : vector<128xf32> to vector<1x128xf32>
    %stack3A_707 = vector.shape_cast %reduce_max3A_383 : vector<128xf32> to vector<1x128xf32>
    %stack3A_708 = vector.shape_cast %reduce_max3A_393 : vector<128xf32> to vector<1x128xf32>
    %stack3A_709 = vector.shape_cast %reduce_max3A_403 : vector<128xf32> to vector<1x128xf32>
    %stack3A_710 = vector.shape_cast %reduce_max3A_413 : vector<128xf32> to vector<1x128xf32>
    %stack3A_711 = vector.shape_cast %reduce_max3A_423 : vector<128xf32> to vector<1x128xf32>
    %stack3A_712 = vector.shape_cast %reduce_max3A_433 : vector<128xf32> to vector<1x128xf32>
    %stack3A_713 = vector.shape_cast %reduce_max3A_443 : vector<128xf32> to vector<1x128xf32>
    %stack3A_714 = vector.shape_cast %reduce_max3A_453 : vector<128xf32> to vector<1x128xf32>
    %stack3A_715 = vector.shape_cast %reduce_max3A_463 : vector<128xf32> to vector<1x128xf32>
    %stack3A_716 = vector.shape_cast %reduce_max3A_473 : vector<128xf32> to vector<1x128xf32>
    %stack3A_717 = vector.shape_cast %reduce_max3A_483 : vector<128xf32> to vector<1x128xf32>
    %stack3A_718 = vector.shape_cast %reduce_max3A_493 : vector<128xf32> to vector<1x128xf32>
    %stack3A_719 = vector.shape_cast %reduce_max3A_503 : vector<128xf32> to vector<1x128xf32>
    %stack3A_720 = vector.shape_cast %reduce_max3A_513 : vector<128xf32> to vector<1x128xf32>
    %stack3A_721 = vector.shape_cast %reduce_max3A_523 : vector<128xf32> to vector<1x128xf32>
    %stack3A_722 = vector.shape_cast %reduce_max3A_533 : vector<128xf32> to vector<1x128xf32>
    %stack3A_723 = vector.shape_cast %reduce_max3A_543 : vector<128xf32> to vector<1x128xf32>
    %stack3A_724 = vector.shape_cast %reduce_max3A_553 : vector<128xf32> to vector<1x128xf32>
    %stack3A_725 = vector.shape_cast %reduce_max3A_563 : vector<128xf32> to vector<1x128xf32>
    %stack3A_726 = vector.shape_cast %reduce_max3A_573 : vector<128xf32> to vector<1x128xf32>
    %stack3A_727 = vector.shape_cast %reduce_max3A_583 : vector<128xf32> to vector<1x128xf32>
    %stack3A_728 = vector.shape_cast %reduce_max3A_593 : vector<128xf32> to vector<1x128xf32>
    %stack3A_729 = vector.shape_cast %reduce_max3A_603 : vector<128xf32> to vector<1x128xf32>
    %stack3A_730 = vector.shape_cast %reduce_max3A_613 : vector<128xf32> to vector<1x128xf32>
    %stack3A_731 = vector.shape_cast %reduce_max3A_623 : vector<128xf32> to vector<1x128xf32>
    %stack3A_732 = vector.shape_cast %reduce_max3A_633 : vector<128xf32> to vector<1x128xf32>
    %stack3A_733 = vector.shape_cast %reduce_max3A_643 : vector<128xf32> to vector<1x128xf32>
    %stack3A_734 = vector.shape_cast %reduce_max3A_653 : vector<128xf32> to vector<1x128xf32>
    %stack3A_735 = vector.shape_cast %reduce_max3A_663 : vector<128xf32> to vector<1x128xf32>
    %stack3A_736 = vector.shape_cast %reduce_max3A_673 : vector<128xf32> to vector<1x128xf32>
    %stack3A_737 = tpu.concatenate %stack3A, %stack3A_674, %stack3A_675, %stack3A_676, %stack3A_677, %stack3A_678, %stack3A_679, %stack3A_680, %stack3A_681, %stack3A_682, %stack3A_683, %stack3A_684, %stack3A_685, %stack3A_686, %stack3A_687, %stack3A_688, %stack3A_689, %stack3A_690, %stack3A_691, %stack3A_692, %stack3A_693, %stack3A_694, %stack3A_695, %stack3A_696, %stack3A_697, %stack3A_698, %stack3A_699, %stack3A_700, %stack3A_701, %stack3A_702, %stack3A_703, %stack3A_704, %stack3A_705, %stack3A_706, %stack3A_707, %stack3A_708, %stack3A_709, %stack3A_710, %stack3A_711, %stack3A_712, %stack3A_713, %stack3A_714, %stack3A_715, %stack3A_716, %stack3A_717, %stack3A_718, %stack3A_719, %stack3A_720, %stack3A_721, %stack3A_722, %stack3A_723, %stack3A_724, %stack3A_725, %stack3A_726, %stack3A_727, %stack3A_728, %stack3A_729, %stack3A_730, %stack3A_731, %stack3A_732, %stack3A_733, %stack3A_734, %stack3A_735, %stack3A_736 in 0 : vector<1x128xf32>, vector<1x128xf32>, vector<1x128xf32>, vector<1x128xf32>, vector<1x128xf32>, vector<1x128xf32>, vector<1x128xf32>, vector<1x128xf32>, vector<1x128xf32>, vector<1x128xf32>, vector<1x128xf32>, vector<1x128xf32>, vector<1x128xf32>, vector<1x128xf32>, vector<1x128xf32>, vector<1x128xf32>, vector<1x128xf32>, vector<1x128xf32>, vector<1x128xf32>, vector<1x128xf32>, vector<1x128xf32>, vector<1x128xf32>, vector<1x128xf32>, vector<1x128xf32>, vector<1x128xf32>, vector<1x128xf32>, vector<1x128xf32>, vector<1x128xf32>, vector<1x128xf32>, vector<1x128xf32>, vector<1x128xf32>, vector<1x128xf32>, vector<1x128xf32>, vector<1x128xf32>, vector<1x128xf32>, vector<1x128xf32>, vector<1x128xf32>, vector<1x128xf32>, vector<1x128xf32>, vector<1x128xf32>, vector<1x128xf32>, vector<1x128xf32>, vector<1x128xf32>, vector<1x128xf32>, vector<1x128xf32>, vector<1x128xf32>, vector<1x128xf32>, vector<1x128xf32>, vector<1x128xf32>, vector<1x128xf32>, vector<1x128xf32>, vector<1x128xf32>, vector<1x128xf32>, vector<1x128xf32>, vector<1x128xf32>, vector<1x128xf32>, vector<1x128xf32>, vector<1x128xf32>, vector<1x128xf32>, vector<1x128xf32>, vector<1x128xf32>, vector<1x128xf32>, vector<1x128xf32>, vector<1x128xf32> -> vector<64x128xf32>
    %max3A_738 = arith.maximumf %get3A_37, %stack3A_737 : vector<64x128xf32>
    %swap3A = arith.constant 0 : index
    %swap3A_739 = arith.constant 0 : index
    %swap3A_740 = vector.load %arg9[%swap3A, %swap3A_739] : memref<64x128xf32, #tpu.memory_space<vmem>>, vector<64x128xf32>
    tpu.vector_store %arg9[%swap3A, %swap3A_739], %max3A_738 {strides = array<i32>} : memref<64x128xf32, #tpu.memory_space<vmem>>, vector<64x128xf32>,
    return
  }
  func.func @transform_0(%arg0: i32) -> (i32, i32) {
    %c0_i32 = arith.constant 0 : i32
    %c0_i32_0 = arith.constant 0 : i32
    return %arg0, %c0_i32 : i32, i32
  }
  func.func @transform_1(%arg0: i32) -> (i32, i32) {
    %c0_i32 = arith.constant 0 : i32
    %c0_i32_0 = arith.constant 0 : i32
    return %arg0, %c0_i32 : i32, i32
  }
  func.func @transform_2(%arg0: i32) -> (i32, i32) {
    %c0_i32 = arith.constant 0 : i32
    %c0_i32_0 = arith.constant 0 : i32
    return %arg0, %c0_i32 : i32, i32
  }
  func.func @transform_3(%arg0: i32) -> (i32, i32) {
    %c0_i32 = arith.constant 0 : i32
    %c0_i32_0 = arith.constant 0 : i32
    %c0_i32_1 = arith.constant 0 : i32
    return %c0_i32, %c0_i32_0 : i32, i32
  }
  func.func @transform_4(%arg0: i32) -> (i32, i32) {
    %c0_i32 = arith.constant 0 : i32
    %c0_i32_0 = arith.constant 0 : i32
    %c0_i32_1 = arith.constant 0 : i32
    return %c0_i32, %c0_i32_0 : i32, i32
  }
  func.func @transform_5(%arg0: i32) -> (i32, i32) {
    %c0_i32 = arith.constant 0 : i32
    %c0_i32_0 = arith.constant 0 : i32
    %c0_i32_1 = arith.constant 0 : i32
    return %c0_i32, %c0_i32_0 : i32, i32
  }
  func.func @transform_6(%arg0: i32) -> (i32, i32) {
    %c0_i32 = arith.constant 0 : i32
    %c0_i32_0 = arith.constant 0 : i32
    %c0_i32_1 = arith.constant 0 : i32
    return %c0_i32, %c0_i32_0 : i32, i32
  }
  func.func @transform_7(%arg0: i32) -> (i32, i32) {
    %c0_i32 = arith.constant 0 : i32
    %c0_i32_0 = arith.constant 0 : i32
    return %arg0, %c0_i32 : i32, i32
  }
  func.func @transform_8(%arg0: i32) -> (i32, i32) {
    %c0_i32 = arith.constant 0 : i32
    %c0_i32_0 = arith.constant 0 : i32
    %c0_i32_1 = arith.constant 0 : i32
    return %c0_i32, %c0_i32_0 : i32, i32
  }
}

module attributes {stable_mosaic.version = 14 : i64} {
  func.func @_final_block(%arg0: memref<64x128xf32, #tpu.memory_space<vmem>>, %arg1: memref<128x64xf32, #tpu.memory_space<vmem>>, %arg2: memref<1x64xf32, #tpu.memory_space<vmem>>, %arg3: memref<64x10xf32, #tpu.memory_space<vmem>>, %arg4: memref<1x10xf32, #tpu.memory_space<vmem>>, %arg5: memref<64x10xf32, #tpu.memory_space<vmem>>) attributes {dimension_semantics = [], scalar_prefetch = 0 : i64, scratch_operands = 0 : i64, tpu.core_type = #tpu.core_type<tc>} {
    %get3A = arith.constant 0 : index
    %get3A_0 = arith.constant 0 : index
    %get3A_1 = vector.load %arg0[%get3A, %get3A_0] : memref<64x128xf32, #tpu.memory_space<vmem>>, vector<64x128xf32>
    %is_finite3A = tpu.weird %get3A_1 : vector<64x128xf32> -> vector<64x128xi1>
    %is_finite3A_2 = arith.constant dense<true> : vector<64x128xi1>
    %is_finite3A_3 = arith.xori %is_finite3A, %is_finite3A_2 : vector<64x128xi1>
    %jit3A = arith.constant 0.000000e+00 : f32
    %broadcast_in_dim3A = vector.broadcast %jit3A : f32 to vector<64x128xf32>
    %select_n3A = arith.select %is_finite3A_3, %get3A_1, %broadcast_in_dim3A : vector<64x128xi1>, vector<64x128xf32>
    %get3A_4 = arith.constant 0 : index
    %get3A_5 = arith.constant 0 : index
    %get3A_6 = vector.load %arg1[%get3A_4, %get3A_5] : memref<128x64xf32, #tpu.memory_space<vmem>>, vector<128x64xf32>
    %dot_general3A = arith.constant dense<0.000000e+00> : vector<64x64xf32>
    %dot_general3A_7 = tpu.matmul %select_n3A, %get3A_6, %dot_general3A {dimension_numbers = #tpu.dot_dimension_numbers<[1], [0], [0], [1], [0, 0, 1, 1], [], []>, transpose_lhs_hint = false} : vector<64x128xf32>, vector<128x64xf32>, vector<64x64xf32> -> vector<64x64xf32>
    %get3A_8 = arith.constant 0 : index
    %get3A_9 = arith.constant 0 : index
    %get3A_10 = vector.load %arg2[%get3A_8, %get3A_9] : memref<1x64xf32, #tpu.memory_space<vmem>>, vector<1x64xf32>
    %add3A = vector.broadcast %get3A_10 : vector<1x64xf32> to vector<64x64xf32>
    %add3A_11 = arith.addf %dot_general3A_7, %add3A : vector<64x64xf32>
    %max3A = arith.constant 0.000000e+00 : f32
    %max3A_12 = vector.broadcast %max3A : f32 to vector<64x64xf32>
    %max3A_13 = arith.maximumf %add3A_11, %max3A_12 : vector<64x64xf32>
    %get3A_14 = arith.constant 0 : index
    %get3A_15 = arith.constant 0 : index
    %get3A_16 = vector.load %arg3[%get3A_14, %get3A_15] : memref<64x10xf32, #tpu.memory_space<vmem>>, vector<64x10xf32>
    %dot_general3A_17 = arith.constant dense<0.000000e+00> : vector<64x10xf32>
    %dot_general3A_18 = tpu.matmul %max3A_13, %get3A_16, %dot_general3A_17 {dimension_numbers = #tpu.dot_dimension_numbers<[1], [0], [0], [1], [0, 0, 1, 1], [], []>, transpose_lhs_hint = false} : vector<64x64xf32>, vector<64x10xf32>, vector<64x10xf32> -> vector<64x10xf32>
    %get3A_19 = arith.constant 0 : index
    %get3A_20 = arith.constant 0 : index
    %get3A_21 = vector.load %arg4[%get3A_19, %get3A_20] : memref<1x10xf32, #tpu.memory_space<vmem>>, vector<1x10xf32>
    %add3A_22 = vector.broadcast %get3A_21 : vector<1x10xf32> to vector<64x10xf32>
    %add3A_23 = arith.addf %dot_general3A_18, %add3A_22 : vector<64x10xf32>
    %reduce_max3A = arith.constant dense<0xFF800000> : vector<64xf32>
    %reduce_max3A_24 = vector.multi_reduction <maximumf>, %add3A_23, %reduce_max3A [1] : vector<64x10xf32> to vector<64xf32>
    %broadcast_in_dim3A_25 = vector.shape_cast %reduce_max3A_24 : vector<64xf32> to vector<64x1xf32>
    %sub3A = vector.broadcast %broadcast_in_dim3A_25 : vector<64x1xf32> to vector<64x10xf32>
    %sub3A_26 = arith.subf %add3A_23, %sub3A : vector<64x10xf32>
    %exp3A = math.exp %sub3A_26 : vector<64x10xf32>
    %reduce_sum3A = arith.constant dense<0.000000e+00> : vector<64xf32>
    %reduce_sum3A_27 = vector.multi_reduction <add>, %exp3A, %reduce_sum3A [1] : vector<64x10xf32> to vector<64xf32>
    %broadcast_in_dim3A_28 = vector.shape_cast %reduce_sum3A_27 : vector<64xf32> to vector<64x1xf32>
    %log3A = math.log %broadcast_in_dim3A_28 : vector<64x1xf32>
    %sub3A_29 = vector.broadcast %log3A : vector<64x1xf32> to vector<64x10xf32>
    %sub3A_30 = arith.subf %sub3A_26, %sub3A_29 : vector<64x10xf32>
    %swap3A = arith.constant 0 : index
    %swap3A_31 = arith.constant 0 : index
    %swap3A_32 = vector.load %arg5[%swap3A, %swap3A_31] : memref<64x10xf32, #tpu.memory_space<vmem>>, vector<64x10xf32>
    tpu.vector_store %arg5[%swap3A, %swap3A_31], %sub3A_30 {strides = array<i32>} : memref<64x10xf32, #tpu.memory_space<vmem>>, vector<64x10xf32>,
    return
  }
}

</mosaic_0001>

<sc_bundles>
// kernel: kernel.10.cloned.1.call-start
scs
__scs_entry_jumppad:
0x0: {  	(pc) =	sbr.rel $0x88, $3  }
0x1: {  	(tag) =	ssettag $0x0;
	lr =	simm.s32 $0x1  }
0x2: {  	[smem:$0x3F92] =	sst lr;
	_ =	strace $0xD0000000  }
0x3: {  	_ = 	snop  }
0x4: {  	_ = 	snop  }
0x5: {  	_ = 	snop  }
0x6: {  	_ = 	snop  }
0x7: {  	_ = 	snop  }
__scs_overlays_trampoline_lowered:
0x8: {  	[smem:$0x3FA1] =	sst s0  }
0x9: {  	[smem:$0x3FA2] =	sst s1  }
0xa: {  	[smem:$0x3FA3] =	sst s2  }
0xb: {  	[smem:$0x3FA4] =	sst s3  }
0xc: {  	[smem:$0x3FA5] =	sst s4  }
0xd: {  	[smem:$0x3FA6] =	sst s5  }
0xe: {  	[smem:$0x3FA7] =	sst s6  }
0xf: {  	[smem:$0x3FA8] =	sst s7  }
0x10: {  	[smem:$0x3FA9] =	sst s8  }
0x11: {  	[smem:$0x3FAA] =	sst s9;
	s0 =	simm.s32 @!p0 $0x0  }
0x12: {  	s1 =	sld [smem:$0x3F90];
	s0 =	simm.s32 @p0 $0x1  }
0x13: {  	[smem:$0x3FAB] =	sst s0;
	s0 =	simm.s32 @!p1 $0x0  }
0x14: {  	s2 =	sld [smem:$0x3F8F];
	s0 =	simm.s32 @p1 $0x1  }
0x15: {  	[smem:$0x3FAC] =	sst s0;
	s0 =	simm.s32 @!p2 $0x0  }
0x16: {  	s3 =	sld [smem:$0x3FDB];
	s0 =	simm.s32 @p2 $0x1  }
0x17: {  	s4 =	simm.s32 $0x1BF5;
	[smem:$0x3FAE] =	sst s0  }
0x18: {  	s0 =	sld [smem:$0x3F91];
	_ =	swait.ge [sflag:s4], $0x0  }
0x19: {  	s7 =	sld [smem:$0x3F92]  }
0x1a: {  	s8 =	sadd.s32 $0xFFFFE003, lr  }
0x1b: {  	s9 =	sadd.s32 $0xFFFFFEF7, lr;
	s5 =	simm.s32 $0xFFFFFFFF;
	p2 =	slt.u32 s8, $0xFFFFF086  }
0x1c: {  	p1 =	slt.u32 s9, $0xF7A;
	s5 =	simm.s32 @!p2 $0x0  }
0x1d: {  	s5 =	simm.s32 @p1 $0x1;
	p0 =	seq.s32 s7, s2  }
0x1e: {  	s7 =	smul.u32 @!p0 $0xF7A, s2;
	p2 =	seq.s32 @!p0 s5, $0x0  }
0x1f: {  	s9 =	smul.u32 $0xF7A, s1;
	s8 =	simm.s32 @!p0 $0x1BF5;
	p2 =	por !p2, p0  }
0x20: {  	[sflag:s8] =	ssyncset.s32 @!p0 $0xFFFFF086;
	s6 =	sadd.s32 @!p0 s3, s7;
	s7 =	simm.s32 @!p0 $0x108  }
0x21: {  	s3 =	sadd.s32 s3, s9;
	s6 =	sadd.s32 @!p0 $0x88, s6;
	s7 =	simm.s32 @p2 $0x1082  }
0x22: {  	[simem:s7], [sflag:s8] =	dma.local @!p0 [hbm:s6], $0xF7A  }
0x23: {  	s9 =	sor.u32 $0xD0000000, s2;
	s6 =	simm.s32 $0x108;
	_ =	swait.ge @!p0 [sflag:s8], $0x0  }
0x24: {  	s3 =	sadd.s32 $0x88, s3;
	s6 =	simm.s32 @!p1 $0x1082;
	[sflag:s4] =	ssyncset.s32 $0xFFFFF086  }
0x25: {  	[simem:s6], [sflag:s4] =	dma.local [hbm:s3], $0xF7A  }
0x26: {  	[smem:$0x3F92] =	sst s1;
	(tag) =	ssettag s2;
	_ =	strace s9  }
0x27: {  	s1 =	sld [smem:$0x3FA2]  }
0x28: {  	s2 =	sld [smem:$0x3FA3]  }
0x29: {  	s4 =	sld [smem:$0x3FA5]  }
0x2a: {  	p0 =	seq.s32 s5, $0x0;
	s5 =	sld [smem:$0x3FA6]  }
0x2b: {  	s6 =	sld [smem:$0x3FA7]  }
0x2c: {  	s7 =	sld [smem:$0x3FA8]  }
0x2d: {  	s3 =	simm.s32 $0x108;
	s8 =	sld [smem:$0x3FA9]  }
0x2e: {  	s3 =	simm.s32 @!p0 $0x1082;
	s9 =	sld [smem:$0x3FAA]  }
0x2f: {  	lr =	sadd.s32 s0, s3;
	s0 =	sld [smem:$0x3FA1]  }
0x30: {  	s3 =	sld [smem:$0x3FA4]  }
0x31: {  	[smem:$0x3FAD] =	sst s10  }
0x32: {  	s10 =	sld [smem:$0x3FAB];
	_ =	sdelay $0x3  }
0x33: {  	p0 =	seq.s32 s10, $0x1;
	s10 =	sld [smem:$0x3FAD];
	_ =	sdelay $0x3  }
0x34: {  	[smem:$0x3FAD] =	sst s10  }
0x35: {  	s10 =	sld [smem:$0x3FAC];
	_ =	sdelay $0x3  }
0x36: {  	p1 =	seq.s32 s10, $0x1;
	s10 =	sld [smem:$0x3FAD];
	_ =	sdelay $0x3  }
0x37: {  	[smem:$0x3FAD] =	sst s10  }
0x38: {  	s10 =	sld [smem:$0x3FAE]  }
0x39: {  	_ = 	snop;
	(pc) =	sbr.ind lr, $3  }
0x3a: {  	_ = 	snop  }
0x3b: {  	_ = 	snop  }
0x3c: {  	p2 =	seq.s32 s10, $0x1;
	s10 =	sld [smem:$0x3FAD]  }
0x3d: {  	_ =	shalt  }
0x3e: {  	_ =	shalt  }
0x3f: {  	_ =	shalt  }
0x40: {  	_ =	shalt  }
0x41: {  	_ =	shalt  }
0x42: {  	_ =	shalt  }
0x43: {  	_ =	shalt  }
0x44: {  	_ =	shalt  }
0x45: {  	_ =	shalt  }
0x46: {  	_ =	shalt  }
0x47: {  	_ =	shalt  }
0x48: {  	_ =	shalt  }
0x49: {  	_ =	shalt  }
0x4a: {  	_ =	shalt  }
0x4b: {  	_ =	shalt  }
0x4c: {  	_ =	shalt  }
0x4d: {  	_ =	shalt  }
0x4e: {  	_ =	shalt  }
0x4f: {  	_ =	shalt  }
0x50: {  	_ =	shalt  }
0x51: {  	_ =	shalt  }
0x52: {  	_ =	shalt  }
0x53: {  	_ =	shalt  }
0x54: {  	_ =	shalt  }
0x55: {  	_ =	shalt  }
0x56: {  	_ =	shalt  }
0x57: {  	_ =	shalt  }
0x58: {  	_ =	shalt  }
0x59: {  	_ =	shalt  }
0x5a: {  	_ =	shalt  }
0x5b: {  	_ =	shalt  }
0x5c: {  	_ =	shalt  }
0x5d: {  	_ =	shalt  }
0x5e: {  	_ =	shalt  }
0x5f: {  	_ =	shalt  }
0x60: {  	_ =	shalt  }
0x61: {  	_ =	shalt  }
0x62: {  	_ =	shalt  }
0x63: {  	_ =	shalt  }
0x64: {  	_ =	shalt  }
0x65: {  	_ =	shalt  }
0x66: {  	_ =	shalt  }
0x67: {  	_ =	shalt  }
0x68: {  	_ =	shalt  }
0x69: {  	_ =	shalt  }
0x6a: {  	_ =	shalt  }
0x6b: {  	_ =	shalt  }
0x6c: {  	_ =	shalt  }
0x6d: {  	_ =	shalt  }
0x6e: {  	_ =	shalt  }
0x6f: {  	_ =	shalt  }
0x70: {  	_ =	shalt  }
0x71: {  	_ =	shalt  }
0x72: {  	_ =	shalt  }
0x73: {  	_ =	shalt  }
0x74: {  	_ =	shalt  }
0x75: {  	_ =	shalt  }
0x76: {  	_ =	shalt  }
0x77: {  	_ =	shalt  }
0x78: {  	_ =	shalt  }
0x79: {  	_ =	shalt  }
0x7a: {  	_ =	shalt  }
0x7b: {  	_ =	shalt  }
0x7c: {  	_ =	shalt  }
0x7d: {  	_ =	shalt  }
0x7e: {  	_ =	shalt  }
0x7f: {  	_ =	shalt  }
0x80: {  	_ =	shalt  }
0x81: {  	_ =	shalt  }
0x82: {  	_ =	shalt  }
0x83: {  	_ =	shalt  }
0x84: {  	_ =	shalt  }
0x85: {  	_ =	shalt  }
0x86: {  	_ =	shalt  }
0x87: {  	_ =	shalt  }
.Lfunc_end0:
.L_simem_size_0:
called_computation.1_lowered:
.L_overlay_start_0:
0x88: {  	s2 =	sld [smem:$0x3FD9]  }
0x89: {  	s3 =	sld [smem:$0x3FFE];
	_ =	sdelay $0x1  }
0x8a: {  	s1 =	srdreg.scid  }
0x8b: {  	s0 =	sand.u32 $0x1, s1  }
0x8c: {  	s16 =	sshll.u32 s0, $0xA;
	s2 =	sadd.s32 s3, s2  }
0x8d: {  	s2 =	sadd.s32 s2, s16  }
0x8e: {  	[smem:$0x3FB9] =	sst s2  }
0x8f: {  	_ = 	snop  }
0x90: {  	(tm) =	ssettm $0x1  }
0x91: {  	s17 =	sld [smem:$0x3FFB];
	_ =	sdelay $0x3  }
0x92: {  	_ =	strace s17  }
0x93: {  	s2 =	sld [smem:$0x3FFC];
	_ =	sdelay $0x3  }
0x94: {  	_ =	strace s2  }
0x95: {  	s2 =	sld [smem:$0x3FFD];
	_ =	sdelay $0x3  }
0x96: {  	_ =	strace s2  }
0x97: {  	_ =	strace $0x8FFFFFFF  }
0x98: {  	s18 =	sld [smem:$0x3FDB];
	_ =	sdelay $0x1  }
0x99: {  	s19 =	simm.s32 $_scs_section_size  }
0x9a: {  	s4 =	simm.s32 $_size__tile_overlayer_lowered;
	s5 =	simm.s32 $_tile_overlayer_lowered  }
0x9b: {  	s22 =	simm.s32 $0x1BFF;
	s21 =	sshll.u32 s5, $0x1;
	s2 =	sadd.s32 s19, s18  }
0x9c: {  	s6 =	simm.s32 $0x0;
	s20 =	sshll.u32 s4, $0x1;
	s4 =	sadd.s32 s21, s2  }
0x9d: {  	[timem:s6], [sflag:s22] =	dma.local [hbm:s4], s20  }
0x9e: {  	_ =	swait.ge [sflag:s22], s20  }
0x9f: {  	s3 =	ssub.s32 $0x0, s20;
	[sflag:s22] =	ssyncset.done $0x0  }
0xa0: {  	[sflag:s22] =	ssyncadd.s32 s3;
	_ =	sdelay $0x1  }
0xa1: {  	s23 =	simm.s32 $0x1B8B  }
0xa2: {  	_ =	swait.ge [sflag:s23], $0x1  }
0xa3: {  	[sflag:s23] =	ssyncset.done $0x0  }
0xa4: {  	s25 =	simm.s32 $0x1B8E;
	s24 =	sld [smem:$0x3FFE];
	[sflag:s23] =	ssyncadd.s32 $0xFFFFFFFF  }
0xa5: {  	s26 =	simm.s32 $execute0_lowered;
	[smem:$0x3FD2] =	sst s25  }
0xa6: {  	s4 =	sshll.u32 s26, $0x1;
	_ =	strace $0x80000049;
	[dreg:$0x1] =	wrdreg $0xFFFFFFFF  }
0xa7: {  	s28 =	simm.s32 $_size_execute0_lowered;
	s2 =	sadd.s32 s2, s4;
	[dreg:$0x0] =	wrdreg $0x0  }
0xa8: {  	s4 =	sshll.u32 s28, $0x1;
	[dreg:$0x2] =	wrdreg s2  }
0xa9: {  	[dreg:$0x3] =	wrdreg s4  }
0xaa: {  	[dreg:$0x4] =	wrdreg $0xC0  }
0xab: {  	_ =	task [dreg:s6], $0x5FFFF  }
0xac: {  	[dreg:$0x1] =	wrdreg $0xFFFFFFFF  }
0xad: {  	[dreg:$0x0] =	wrdreg $0x60  }
0xae: {  	[dreg:$0x2] =	wrdreg s24  }
0xaf: {  	[dreg:$0x3] =	wrdreg $0x8A000  }
0xb0: {  	[dreg:$0x4] =	wrdreg $0x9  }
0xb1: {  	_ =	task.clear_ibuf [dreg:s6], $0x5FFFF;
	_ =	strace $0x90000049  }
0xb2: {  	s29 =	simm.s32 $0x9;
	_ =	strace $0x8000004B  }
0xb3: {  	_ =	swait.ge [sflag:s29], $0x1  }
0xb4: {  	[sflag:s29] =	ssyncadd.s32 $0xFFFFFFFF  }
0xb5: {  	_ =	strace $0x9000004B  }
0xb6: {  	_ =	sfence  }
0xb7: {  	s30 =	sld [smem:$0x0];
	_ =	sdelay $0x2  }
0xb8: {  	s31 =	sshll.u32 s1, $0xD;
	s1 =	sshrl.u32 s1, $0x2  }
0xb9: {  	s3 =	sand.u32 $0x4000, s31;
	s1 =	sadd.s32 s1, s30  }
0xba: {  	s0 =	sor.u32 s3, s0;
	s1 =	sshll.u32 s1, $0x11  }
0xbb: {  	s0 =	sor.u32 s1, s0  }
0xbc: {  	s0 =	sadd.s32 $0x8F2B, s0  }
0xbd: {  	[sflag:s0] =	ssyncadd.remote.s32 $0x1  }
0xbe: {  	_ =	sfence.sel $0xFFFF  }
0xbf: {  	[dreg:$0x0] =	wrdreg $0xFFFFFFFF;
	(pc) =	sbr.abs _section_cstart, $3  }
0xc0: {  	[dreg:$0x1] =	wrdreg $0xFFFFFFFF  }
0xc1: {  	_ =	task.clear_ibuf [dreg:s6], $0x2FFFF;
	_ =	strace $0x9FFFFFFF  }
0xc2: {  	(tm) =	ssettm $0x7FFFFFFF  }
0xc3: {  	_ =	shalt  }
tec
execute0_lowered:
.L_overlay_start_1:
0x0: {  	(tag) =	ssettag $0x1  }
0x1: {  	s0 =	rddreg [dreg:$0x0]  }
0x2: {  	s1 =	rddreg [dreg:$0x1]  }
0x3: {  	s2 =	srdreg.scid;
	s3 =	simm.s32 $0x0;
	s11 =	stileid.u32  }
0x4: {  	s2 =	sand.u32 $0x1, s2;
	[smem:$0x7FF] =	sst s3;
	s9 =	smul.u32 $0x50000, s11  }
0x5: {  	s7 =	sadd.s32 $0x3200, s0;
	s10 =	sadd.s32 $0x16E00, s0;
	s17 =	smul.u32 $0x9E, s11  }
0x6: {  	s4 =	sshll.u32 s2, $0x4;
	_ =	strace $0x8000004A;
	s24 =	sshrl.u32 s9, $0x2  }
0x7: {  	s6 =	ssub.s32 $0x2, s2;
	s15 =	smul.u32 $0x9E0, s2;
	s9 =	sadd.s32 s24, s1  }
0x8: {  	p0 =	seq.s32 s2, $0x1;
	s8 =	sshrl.u32 s6, $0x1;
	s26 =	sadd.s32 $0x800, s9  }
0x9: {  	s6 =	ssub.s32 s6, s8;
	s8 =	sadd.s32 $0x1000, s9;
	[dreg:$0x7] =	wrdreg s26  }
0xa: {  	s2 =	simm.s32 $0x79C00;
	s12 =	sadd.s32 $0x1800, s9;
	[dreg:$0x8] =	wrdreg s8  }
0xb: {  	s5 =	sor.u32 s11, s4;
	s13 =	sadd.s32 $0x2000, s9;
	[dreg:$0x9] =	wrdreg s12  }
0xc: {  	s4 =	sadd.s32 $0x2AA00, s0;
	s14 =	sadd.s32 $0x2800, s9;
	[dreg:$0xa] =	wrdreg s13  }
0xd: {  	s11 =	smul.u32 $0x2800, s11;
	s16 =	sadd.s32 $0x3800, s9;
	[dreg:$0xb] =	wrdreg s14  }
0xe: {  	s2 =	simm.s32 @!p0 $0x51C00;
	s18 =	sadd.s32 $0x4800, s9;
	[dreg:$0xd] =	wrdreg s16  }
0xf: {  	s0 =	sadd.s32 s2, s0;
	s20 =	sadd.s32 $0x5000, s9;
	[dreg:$0xf] =	wrdreg s18  }
0x10: {  	s0 =	sadd.s32 s0, s11;
	[dreg:$0x10] =	wrdreg s20  }
0x11: {  	s24 =	sadd.s32 $0x6000, s9;
	[dreg:$0x11] =	wrdreg s0  }
0x12: {  	s5 =	smul.u32 $0x9E0, s5;
	s2 =	sadd.s32 $0x7000, s9;
	[dreg:$0x13] =	wrdreg s24  }
0x13: {  	s11 =	sadd.s32 $0xA000, s9;
	[dreg:$0x16] =	wrdreg s2  }
0x14: {  	s22 =	sadd.s32 s7, s5;
	[dreg:$0x1c] =	wrdreg s11  }
0x15: {  	s23 =	sadd.s32 s10, s5;
	[dreg:$0x3] =	wrdreg s22  }
0x16: {  	s8 =	sadd.s32 $0x3000, s9;
	[dreg:$0x4] =	wrdreg s23  }
0x17: {  	s12 =	sadd.s32 $0x4000, s9;
	[dreg:$0xc] =	wrdreg s8  }
0x18: {  	s31 =	simm.s32 $0x100;
	s26 =	sadd.s32 $0x6800, s9;
	[dreg:$0xe] =	wrdreg s12  }
0x19: {  	s28 =	sadd.s32 $0x13800, s9;
	s13 =	sadd.s32 $0xB000, s9;
	[dreg:$0x15] =	wrdreg s26  }
0x1a: {  	s5 =	sor.u32 $0x10, s5;
	s14 =	sadd.s32 $0xB800, s9;
	[dreg:$0x1e] =	wrdreg s13  }
0x1b: {  	s16 =	sadd.s32 $0xC800, s9;
	s18 =	sadd.s32 $0xD800, s9;
	[dreg:$0x1f] =	wrdreg s14  }
0x1c: {  	s20 =	sadd.s32 $0xE800, s9;
	s24 =	sadd.s32 $0xF800, s9;
	[smem:$0x7F5] =	sst s16  }
0x1d: {  	s0 =	simm.s32 $0x80;
	s2 =	simm.s32 $0x180;
	[smem:$0x7F7] =	sst s18  }
0x1e: {  	s11 =	simm.s32 $0x4200;
	s25 =	sadd.s32 s7, s5;
	[smem:$0x7F9] =	sst s20  }
0x1f: {  	s5 =	sadd.s32 s10, s5;
	s23 =	sadd.s32 $0x5800, s9;
	[smem:$0x7FB] =	sst s24  }
0x20: {  	s8 =	sadd.s32 $0x9000, s9;
	s12 =	sadd.s32 $0xA800, s9;
	[dreg:$0x5] =	wrdreg s25  }
0x21: {  	s26 =	sadd.s32 $0x10800, s9;
	s20 =	sadd.s32 $0x11000, s9;
	[dreg:$0x6] =	wrdreg s5  }
0x22: {  	s24 =	sadd.s32 $0x12000, s9;
	s13 =	simm.s32 $0x5;
	[dreg:$0x12] =	wrdreg s23  }
0x23: {  	s14 =	simm.s32 $0x2;
	s16 =	simm.s32 $0x0;
	[dreg:$0x1a] =	wrdreg s8  }
0x24: {  	s5 =	sadd.s32 s17, s15;
	s25 =	smax.u32 s6, $0x1;
	[dreg:$0x1d] =	wrdreg s12  }
0x25: {  	s6 =	sadd.s32 $0x8000, s9;
	s15 =	sadd.s32 $0xC000, s9;
	[smem:$0x7FD] =	sst s26  }
0x26: {  	s17 =	sadd.s32 $0xD000, s9;
	s26 =	sadd.s32 $0x13000, s9;
	[dreg:$0x14] =	wrdreg s25  }
0x27: {  	s8 =	simm.s32 $0x200;
	s12 =	simm.s32 $0x1;
	[dreg:$0x18] =	wrdreg s6  }
0x28: {  	s19 =	sshll.u32 s5, $0x4;
	s5 =	sadd.s32 $0x7800, s9;
	[smem:$0x7F4] =	sst s15  }
0x29: {  	[smem:$0x7F6] =	sst s17;
	s25 =	sadd.s32 $0x10000, s9;
	s6 =	simm.s32 $0x7  }
0x2a: {  	s15 =	simm.s32 $0x6;
	s21 =	sadd.s32 $0x20, s19;
	[dreg:$0x17] =	wrdreg s5  }
0x2b: {  	s19 =	sadd.s32 $0xE000, s9;
	[smem:$0x7FC] =	sst s25;
	s25 =	sadd.s32 $0x12800, s9  }
0x2c: {  	s22 =	sadd.s32 s21, s7;
	s7 =	sadd.s32 $0x8800, s9;
	[smem:$0x7F8] =	sst s19  }
0x2d: {  	s23 =	sadd.s32 s21, s10;
	s10 =	sadd.s32 $0x9800, s9;
	[dreg:$0x19] =	wrdreg s7  }
0x2e: {  	s5 =	simm.s32 $0x8200;
	s21 =	sadd.s32 $0xF000, s9;
	[dreg:$0x1b] =	wrdreg s10  }
0x2f: {  	[smem:$0x7FA] =	sst s21;
	s21 =	sadd.s32 $0x11800, s9;
	s29 =	sadd.s32 $0x10, s22  }
0x30: {  	v0 =	vimm.f32 $0.0e+00;
	s30 =	sadd.s32 $0x10, s23;
	s7 =	simm.s32 $0x3;
	s10 =	simm.s32 $0x4  }
.LBB2_1:
0x31: {  	[tilespmem:$0x8200] =	vst v0  }
0x32: {  	[tilespmem:$0x8210] =	vst v0  }
0x33: {  	[tilespmem:$0x8220] =	vst v0  }
0x34: {  	[tilespmem:$0x8230] =	vst v0  }
0x35: {  	[tilespmem:$0x8240] =	vst v0  }
0x36: {  	[tilespmem:$0x8250] =	vst v0  }
0x37: {  	[tilespmem:$0x8260] =	vst v0  }
0x38: {  	[tilespmem:$0x8270] =	vst v0  }
0x39: {  	[tilespmem:$0x8280] =	vst v0  }
0x3a: {  	[tilespmem:$0x8290] =	vst v0  }
0x3b: {  	[tilespmem:$0x82A0] =	vst v0  }
0x3c: {  	[tilespmem:$0x82B0] =	vst v0  }
0x3d: {  	[tilespmem:$0x82C0] =	vst v0  }
0x3e: {  	[tilespmem:$0x82D0] =	vst v0  }
0x3f: {  	[tilespmem:$0x82E0] =	vst v0  }
0x40: {  	[tilespmem:$0x82F0] =	vst v0  }
0x41: {  	[tilespmem:$0x8300] =	vst v0  }
0x42: {  	[tilespmem:$0x8310] =	vst v0  }
0x43: {  	[tilespmem:$0x8320] =	vst v0  }
0x44: {  	[tilespmem:$0x8330] =	vst v0  }
0x45: {  	[tilespmem:$0x8340] =	vst v0  }
0x46: {  	[tilespmem:$0x8350] =	vst v0  }
0x47: {  	[tilespmem:$0x8360] =	vst v0  }
0x48: {  	[tilespmem:$0x8370] =	vst v0  }
0x49: {  	[tilespmem:$0x8380] =	vst v0  }
0x4a: {  	[tilespmem:$0x8390] =	vst v0  }
0x4b: {  	[tilespmem:$0x83A0] =	vst v0  }
0x4c: {  	[tilespmem:$0x83B0] =	vst v0  }
0x4d: {  	[tilespmem:$0x83C0] =	vst v0  }
0x4e: {  	[tilespmem:$0x83D0] =	vst v0  }
0x4f: {  	[tilespmem:$0x83E0] =	vst v0  }
0x50: {  	[tilespmem:$0x83F0] =	vst v0  }
0x51: {  	[tilespmem:$0x8400] =	vst v0  }
0x52: {  	[tilespmem:$0x8410] =	vst v0  }
0x53: {  	[tilespmem:$0x8420] =	vst v0  }
0x54: {  	[tilespmem:$0x8430] =	vst v0  }
0x55: {  	[tilespmem:$0x8440] =	vst v0  }
0x56: {  	[tilespmem:$0x8450] =	vst v0  }
0x57: {  	[tilespmem:$0x8460] =	vst v0  }
0x58: {  	[tilespmem:$0x8470] =	vst v0  }
0x59: {  	[tilespmem:$0x8480] =	vst v0  }
0x5a: {  	[tilespmem:$0x8490] =	vst v0  }
0x5b: {  	[tilespmem:$0x84A0] =	vst v0  }
0x5c: {  	[tilespmem:$0x84B0] =	vst v0  }
0x5d: {  	[tilespmem:$0x84C0] =	vst v0  }
0x5e: {  	[tilespmem:$0x84D0] =	vst v0  }
0x5f: {  	[tilespmem:$0x84E0] =	vst v0  }
0x60: {  	[tilespmem:$0x84F0] =	vst v0  }
0x61: {  	[tilespmem:$0x8500] =	vst v0  }
0x62: {  	[tilespmem:$0x8510] =	vst v0  }
0x63: {  	[tilespmem:$0x8520] =	vst v0  }
0x64: {  	[tilespmem:$0x8530] =	vst v0  }
0x65: {  	[tilespmem:$0x8540] =	vst v0  }
0x66: {  	[tilespmem:$0x8550] =	vst v0  }
0x67: {  	[tilespmem:$0x8560] =	vst v0  }
0x68: {  	[tilespmem:$0x8570] =	vst v0  }
0x69: {  	[tilespmem:$0x8580] =	vst v0  }
0x6a: {  	[tilespmem:$0x8590] =	vst v0  }
0x6b: {  	[tilespmem:$0x85A0] =	vst v0  }
0x6c: {  	[tilespmem:$0x85B0] =	vst v0  }
0x6d: {  	[tilespmem:$0x85C0] =	vst v0  }
0x6e: {  	[tilespmem:$0x85D0] =	vst v0  }
0x6f: {  	[tilespmem:$0x85E0] =	vst v0  }
0x70: {  	[tilespmem:$0x85F0] =	vst v0  }
0x71: {  	[tilespmem:$0x8600] =	vst v0  }
0x72: {  	[tilespmem:$0x8610] =	vst v0  }
0x73: {  	[tilespmem:$0x8620] =	vst v0  }
0x74: {  	[tilespmem:$0x8630] =	vst v0  }
0x75: {  	[tilespmem:$0x8640] =	vst v0  }
0x76: {  	[tilespmem:$0x8650] =	vst v0  }
0x77: {  	[tilespmem:$0x8660] =	vst v0  }
0x78: {  	[tilespmem:$0x8670] =	vst v0  }
0x79: {  	[tilespmem:$0x8680] =	vst v0  }
0x7a: {  	[tilespmem:$0x8690] =	vst v0  }
0x7b: {  	[tilespmem:$0x86A0] =	vst v0  }
0x7c: {  	[tilespmem:$0x86B0] =	vst v0  }
0x7d: {  	[tilespmem:$0x86C0] =	vst v0  }
0x7e: {  	[tilespmem:$0x86D0] =	vst v0  }
0x7f: {  	[tilespmem:$0x86E0] =	vst v0  }
0x80: {  	[tilespmem:$0x86F0] =	vst v0  }
0x81: {  	[tilespmem:$0x8700] =	vst v0  }
0x82: {  	[tilespmem:$0x8710] =	vst v0  }
0x83: {  	[tilespmem:$0x8720] =	vst v0  }
0x84: {  	[tilespmem:$0x8730] =	vst v0  }
0x85: {  	[tilespmem:$0x8740] =	vst v0  }
0x86: {  	[tilespmem:$0x8750] =	vst v0  }
0x87: {  	[tilespmem:$0x8760] =	vst v0  }
0x88: {  	[tilespmem:$0x8770] =	vst v0  }
0x89: {  	[tilespmem:$0x8780] =	vst v0  }
0x8a: {  	[tilespmem:$0x8790] =	vst v0  }
0x8b: {  	[tilespmem:$0x87A0] =	vst v0  }
0x8c: {  	[tilespmem:$0x87B0] =	vst v0  }
0x8d: {  	[tilespmem:$0x87C0] =	vst v0  }
0x8e: {  	[tilespmem:$0x87D0] =	vst v0  }
0x8f: {  	[tilespmem:$0x87E0] =	vst v0  }
0x90: {  	[tilespmem:$0x87F0] =	vst v0  }
0x91: {  	[tilespmem:$0x8800] =	vst v0  }
0x92: {  	[tilespmem:$0x8810] =	vst v0  }
0x93: {  	[tilespmem:$0x8820] =	vst v0  }
0x94: {  	[tilespmem:$0x8830] =	vst v0  }
0x95: {  	[tilespmem:$0x8840] =	vst v0  }
0x96: {  	[tilespmem:$0x8850] =	vst v0  }
0x97: {  	[tilespmem:$0x8860] =	vst v0  }
0x98: {  	[tilespmem:$0x8870] =	vst v0  }
0x99: {  	[tilespmem:$0x8880] =	vst v0  }
0x9a: {  	[tilespmem:$0x8890] =	vst v0  }
0x9b: {  	[tilespmem:$0x88A0] =	vst v0  }
0x9c: {  	[tilespmem:$0x88B0] =	vst v0  }
0x9d: {  	[tilespmem:$0x88C0] =	vst v0  }
0x9e: {  	[tilespmem:$0x88D0] =	vst v0  }
0x9f: {  	[tilespmem:$0x88E0] =	vst v0  }
0xa0: {  	[tilespmem:$0x88F0] =	vst v0  }
0xa1: {  	[tilespmem:$0x8900] =	vst v0  }
0xa2: {  	[tilespmem:$0x8910] =	vst v0  }
0xa3: {  	[tilespmem:$0x8920] =	vst v0  }
0xa4: {  	[tilespmem:$0x8930] =	vst v0  }
0xa5: {  	[tilespmem:$0x8940] =	vst v0  }
0xa6: {  	[tilespmem:$0x8950] =	vst v0  }
0xa7: {  	[tilespmem:$0x8960] =	vst v0  }
0xa8: {  	[tilespmem:$0x8970] =	vst v0  }
0xa9: {  	[tilespmem:$0x8980] =	vst v0  }
0xaa: {  	[tilespmem:$0x8990] =	vst v0  }
0xab: {  	[tilespmem:$0x89A0] =	vst v0  }
0xac: {  	[tilespmem:$0x89B0] =	vst v0  }
0xad: {  	[tilespmem:$0x89C0] =	vst v0  }
0xae: {  	[tilespmem:$0x89D0] =	vst v0  }
0xaf: {  	[tilespmem:$0x89E0] =	vst v0  }
0xb0: {  	[tilespmem:$0x89F0] =	vst v0;
	s17 =	rddreg [dreg:$0x3]  }
0xb1: {  	[tilespmem:s3], [sflag:$0x3] =	stream.linear.gather [hbm4b:s17+s3], $0x80, $0x38;
	[tilespmem:$0x1CA00] =	vst v63  }
0xb2: {  	s19 =	rddreg [dreg:$0x4]  }
0xb3: {  	[tilespmem:s31], [sflag:$0x5] =	stream.linear.gather [hbm4b:s19+s3], $0x80, $0x38;
	[tilespmem:$0x1CA00] =	vst v63  }
0xb4: {  	s18 =	rddreg [dreg:$0x5]  }
0xb5: {  	[tilespmem:s0], [sflag:$0x4] =	stream.linear.gather [hbm4b:s18+s3], $0x80, $0x38;
	[tilespmem:$0x1CA00] =	vst v63  }
0xb6: {  	s19 =	rddreg [dreg:$0x6]  }
0xb7: {  	[tilespmem:s2], [sflag:$0x6] =	stream.linear.gather [hbm4b:s19+s3], $0x80, $0x38;
	[tilespmem:$0x1CA00] =	vst v63  }
0xb8: {  	_ = 	snop  }
0xb9: {  	[spmem:s9] =	stream.linear.scatter [tilespmem:s5], [sflag:$0x7], $0x800, $0x38;
	[tilespmem:$0x1CA00] =	vst v63  }
0xba: {  	_ =	swait.ge [sflag:s6], $0x800  }
0xbb: {  	[sflag:s6] =	ssyncset.done $0x0  }
0xbc: {  	s18 =	rddreg [dreg:$0x7];
	[sflag:s6] =	ssyncadd.s32 $0xFFFFF800  }
0xbd: {  	[spmem:s18] =	stream.linear.scatter [tilespmem:s5], [sflag:$0x7], $0x800, $0x38;
	[tilespmem:$0x1CA00] =	vst v63  }
0xbe: {  	_ =	swait.ge [sflag:s6], $0x800  }
0xbf: {  	[sflag:s6] =	ssyncset.done $0x0  }
0xc0: {  	s19 =	rddreg [dreg:$0x8];
	[sflag:s6] =	ssyncadd.s32 $0xFFFFF800  }
0xc1: {  	[spmem:s19] =	stream.linear.scatter [tilespmem:s5], [sflag:$0x7], $0x800, $0x38;
	[tilespmem:$0x1CA00] =	vst v63  }
0xc2: {  	_ =	swait.ge [sflag:s6], $0x800  }
0xc3: {  	[sflag:s6] =	ssyncset.done $0x0  }
0xc4: {  	s18 =	rddreg [dreg:$0x9];
	[sflag:s6] =	ssyncadd.s32 $0xFFFFF800  }
0xc5: {  	[spmem:s18] =	stream.linear.scatter [tilespmem:s5], [sflag:$0x7], $0x800, $0x38;
	[tilespmem:$0x1CA00] =	vst v63  }
0xc6: {  	_ =	swait.ge [sflag:s6], $0x800  }
0xc7: {  	[sflag:s6] =	ssyncset.done $0x0  }
0xc8: {  	s19 =	rddreg [dreg:$0xa];
	[sflag:s6] =	ssyncadd.s32 $0xFFFFF800  }
0xc9: {  	[spmem:s19] =	stream.linear.scatter [tilespmem:s5], [sflag:$0x7], $0x800, $0x38;
	[tilespmem:$0x1CA00] =	vst v63  }
0xca: {  	_ =	swait.ge [sflag:s6], $0x800  }
0xcb: {  	[sflag:s6] =	ssyncset.done $0x0  }
0xcc: {  	s18 =	rddreg [dreg:$0xb];
	[sflag:s6] =	ssyncadd.s32 $0xFFFFF800  }
0xcd: {  	[spmem:s18] =	stream.linear.scatter [tilespmem:s5], [sflag:$0x7], $0x800, $0x38;
	[tilespmem:$0x1CA00] =	vst v63  }
0xce: {  	_ =	swait.ge [sflag:s6], $0x800  }
0xcf: {  	[sflag:s6] =	ssyncset.done $0x0  }
0xd0: {  	s19 =	rddreg [dreg:$0xc];
	[sflag:s6] =	ssyncadd.s32 $0xFFFFF800  }
0xd1: {  	[spmem:s19] =	stream.linear.scatter [tilespmem:s5], [sflag:$0x7], $0x800, $0x38;
	[tilespmem:$0x1CA00] =	vst v63  }
0xd2: {  	_ =	swait.ge [sflag:s6], $0x800  }
0xd3: {  	[sflag:s6] =	ssyncset.done $0x0  }
0xd4: {  	s18 =	rddreg [dreg:$0xd];
	[sflag:s6] =	ssyncadd.s32 $0xFFFFF800  }
0xd5: {  	[spmem:s18] =	stream.linear.scatter [tilespmem:s5], [sflag:$0x7], $0x800, $0x38;
	[tilespmem:$0x1CA00] =	vst v63  }
0xd6: {  	_ =	swait.ge [sflag:s6], $0x800  }
0xd7: {  	[sflag:s6] =	ssyncset.done $0x0  }
0xd8: {  	s19 =	rddreg [dreg:$0xe];
	[sflag:s6] =	ssyncadd.s32 $0xFFFFF800  }
0xd9: {  	[spmem:s19] =	stream.linear.scatter [tilespmem:s5], [sflag:$0x7], $0x800, $0x38;
	[tilespmem:$0x1CA00] =	vst v63  }
0xda: {  	_ =	swait.ge [sflag:s6], $0x800  }
0xdb: {  	[sflag:s6] =	ssyncset.done $0x0  }
0xdc: {  	s18 =	rddreg [dreg:$0xf];
	[sflag:s6] =	ssyncadd.s32 $0xFFFFF800  }
0xdd: {  	[spmem:s18] =	stream.linear.scatter [tilespmem:s5], [sflag:$0x7], $0x800, $0x38;
	[tilespmem:$0x1CA00] =	vst v63  }
0xde: {  	_ =	swait.ge [sflag:s6], $0x800  }
0xdf: {  	[sflag:s6] =	ssyncset.done $0x0  }
0xe0: {  	s19 =	rddreg [dreg:$0x10];
	[sflag:s6] =	ssyncadd.s32 $0xFFFFF800  }
0xe1: {  	[spmem:s19] =	stream.linear.scatter [tilespmem:s5], [sflag:$0x7], $0x800, $0x38;
	[tilespmem:$0x1CA00] =	vst v63  }
0xe2: {  	_ =	swait.ge [sflag:s6], $0x800  }
0xe3: {  	[sflag:s6] =	ssyncset.done $0x0  }
0xe4: {  	s18 =	rddreg [dreg:$0x12];
	[sflag:s6] =	ssyncadd.s32 $0xFFFFF800  }
0xe5: {  	[spmem:s18] =	stream.linear.scatter [tilespmem:s5], [sflag:$0x7], $0x800, $0x38;
	[tilespmem:$0x1CA00] =	vst v63  }
0xe6: {  	_ =	swait.ge [sflag:s6], $0x800  }
0xe7: {  	[sflag:s6] =	ssyncset.done $0x0  }
0xe8: {  	s19 =	rddreg [dreg:$0x13];
	[sflag:s6] =	ssyncadd.s32 $0xFFFFF800  }
0xe9: {  	[spmem:s19] =	stream.linear.scatter [tilespmem:s5], [sflag:$0x7], $0x800, $0x38;
	[tilespmem:$0x1CA00] =	vst v63  }
0xea: {  	_ =	swait.ge [sflag:s6], $0x800  }
0xeb: {  	[sflag:s6] =	ssyncset.done $0x0  }
0xec: {  	s18 =	rddreg [dreg:$0x15];
	[sflag:s6] =	ssyncadd.s32 $0xFFFFF800  }
0xed: {  	[spmem:s18] =	stream.linear.scatter [tilespmem:s5], [sflag:$0x7], $0x800, $0x38;
	[tilespmem:$0x1CA00] =	vst v63  }
0xee: {  	_ =	swait.ge [sflag:s6], $0x800  }
0xef: {  	[sflag:s6] =	ssyncset.done $0x0  }
0xf0: {  	s19 =	rddreg [dreg:$0x16];
	[sflag:s6] =	ssyncadd.s32 $0xFFFFF800  }
0xf1: {  	[spmem:s19] =	stream.linear.scatter [tilespmem:s5], [sflag:$0x7], $0x800, $0x38;
	[tilespmem:$0x1CA00] =	vst v63  }
0xf2: {  	_ =	swait.ge [sflag:s6], $0x800  }
0xf3: {  	[sflag:s6] =	ssyncset.done $0x0  }
0xf4: {  	s18 =	rddreg [dreg:$0x17];
	[sflag:s6] =	ssyncadd.s32 $0xFFFFF800  }
0xf5: {  	[spmem:s18] =	stream.linear.scatter [tilespmem:s5], [sflag:$0x7], $0x800, $0x38;
	[tilespmem:$0x1CA00] =	vst v63  }
0xf6: {  	_ =	swait.ge [sflag:s6], $0x800  }
0xf7: {  	[sflag:s6] =	ssyncset.done $0x0  }
0xf8: {  	s19 =	rddreg [dreg:$0x18];
	[sflag:s6] =	ssyncadd.s32 $0xFFFFF800  }
0xf9: {  	[spmem:s19] =	stream.linear.scatter [tilespmem:s5], [sflag:$0x7], $0x800, $0x38;
	[tilespmem:$0x1CA00] =	vst v63  }
0xfa: {  	_ =	swait.ge [sflag:s6], $0x800  }
0xfb: {  	[sflag:s6] =	ssyncset.done $0x0  }
0xfc: {  	s18 =	rddreg [dreg:$0x19];
	[sflag:s6] =	ssyncadd.s32 $0xFFFFF800  }
0xfd: {  	[spmem:s18] =	stream.linear.scatter [tilespmem:s5], [sflag:$0x7], $0x800, $0x38;
	[tilespmem:$0x1CA00] =	vst v63  }
0xfe: {  	_ =	swait.ge [sflag:s6], $0x800  }
0xff: {  	[sflag:s6] =	ssyncset.done $0x0  }
0x100: {  	s19 =	rddreg [dreg:$0x1a];
	[sflag:s6] =	ssyncadd.s32 $0xFFFFF800  }
0x101: {  	[spmem:s19] =	stream.linear.scatter [tilespmem:s5], [sflag:$0x7], $0x800, $0x38;
	[tilespmem:$0x1CA00] =	vst v63  }
0x102: {  	_ =	swait.ge [sflag:s6], $0x800  }
0x103: {  	[sflag:s6] =	ssyncset.done $0x0  }
0x104: {  	s18 =	rddreg [dreg:$0x1b];
	[sflag:s6] =	ssyncadd.s32 $0xFFFFF800  }
0x105: {  	[spmem:s18] =	stream.linear.scatter [tilespmem:s5], [sflag:$0x7], $0x800, $0x38;
	[tilespmem:$0x1CA00] =	vst v63  }
0x106: {  	_ =	swait.ge [sflag:s6], $0x800  }
0x107: {  	[sflag:s6] =	ssyncset.done $0x0  }
0x108: {  	s19 =	rddreg [dreg:$0x1c];
	[sflag:s6] =	ssyncadd.s32 $0xFFFFF800  }
0x109: {  	[spmem:s19] =	stream.linear.scatter [tilespmem:s5], [sflag:$0x7], $0x800, $0x38;
	[tilespmem:$0x1CA00] =	vst v63  }
0x10a: {  	_ =	swait.ge [sflag:s6], $0x800  }
0x10b: {  	[sflag:s6] =	ssyncset.done $0x0  }
0x10c: {  	s18 =	rddreg [dreg:$0x1d];
	[sflag:s6] =	ssyncadd.s32 $0xFFFFF800  }
0x10d: {  	[spmem:s18] =	stream.linear.scatter [tilespmem:s5], [sflag:$0x7], $0x800, $0x38;
	[tilespmem:$0x1CA00] =	vst v63  }
0x10e: {  	_ =	swait.ge [sflag:s6], $0x800  }
0x10f: {  	[sflag:s6] =	ssyncset.done $0x0  }
0x110: {  	s19 =	rddreg [dreg:$0x1e];
	[sflag:s6] =	ssyncadd.s32 $0xFFFFF800  }
0x111: {  	[spmem:s19] =	stream.linear.scatter [tilespmem:s5], [sflag:$0x7], $0x800, $0x38;
	[tilespmem:$0x1CA00] =	vst v63  }
0x112: {  	_ =	swait.ge [sflag:s6], $0x800  }
0x113: {  	[sflag:s6] =	ssyncset.done $0x0  }
0x114: {  	s18 =	rddreg [dreg:$0x1f];
	[sflag:s6] =	ssyncadd.s32 $0xFFFFF800  }
0x115: {  	[spmem:s18] =	stream.linear.scatter [tilespmem:s5], [sflag:$0x7], $0x800, $0x38;
	[tilespmem:$0x1CA00] =	vst v63  }
0x116: {  	_ =	swait.ge [sflag:s6], $0x800  }
0x117: {  	s19 =	sld [smem:$0x7F4]  }
0x118: {  	[sflag:s6] =	ssyncset.done $0x0  }
0x119: {  	[sflag:s6] =	ssyncadd.s32 $0xFFFFF800  }
0x11a: {  	[spmem:s19] =	stream.linear.scatter [tilespmem:s5], [sflag:$0x7], $0x800, $0x38;
	[tilespmem:$0x1CA00] =	vst v63  }
0x11b: {  	_ =	swait.ge [sflag:s6], $0x800  }
0x11c: {  	s18 =	sld [smem:$0x7F5]  }
0x11d: {  	[sflag:s6] =	ssyncset.done $0x0  }
0x11e: {  	[sflag:s6] =	ssyncadd.s32 $0xFFFFF800  }
0x11f: {  	[spmem:s18] =	stream.linear.scatter [tilespmem:s5], [sflag:$0x7], $0x800, $0x38;
	[tilespmem:$0x1CA00] =	vst v63  }
0x120: {  	_ =	swait.ge [sflag:s6], $0x800  }
0x121: {  	s19 =	sld [smem:$0x7F6]  }
0x122: {  	[sflag:s6] =	ssyncset.done $0x0  }
0x123: {  	[sflag:s6] =	ssyncadd.s32 $0xFFFFF800  }
0x124: {  	[spmem:s19] =	stream.linear.scatter [tilespmem:s5], [sflag:$0x7], $0x800, $0x38;
	[tilespmem:$0x1CA00] =	vst v63  }
0x125: {  	_ =	swait.ge [sflag:s6], $0x800  }
0x126: {  	s18 =	sld [smem:$0x7F7]  }
0x127: {  	[sflag:s6] =	ssyncset.done $0x0  }
0x128: {  	[sflag:s6] =	ssyncadd.s32 $0xFFFFF800  }
0x129: {  	[spmem:s18] =	stream.linear.scatter [tilespmem:s5], [sflag:$0x7], $0x800, $0x38;
	[tilespmem:$0x1CA00] =	vst v63  }
0x12a: {  	_ =	swait.ge [sflag:s6], $0x800  }
0x12b: {  	s19 =	sld [smem:$0x7F8]  }
0x12c: {  	[sflag:s6] =	ssyncset.done $0x0  }
0x12d: {  	[sflag:s6] =	ssyncadd.s32 $0xFFFFF800  }
0x12e: {  	[spmem:s19] =	stream.linear.scatter [tilespmem:s5], [sflag:$0x7], $0x800, $0x38;
	[tilespmem:$0x1CA00] =	vst v63  }
0x12f: {  	_ =	swait.ge [sflag:s6], $0x800  }
0x130: {  	s18 =	sld [smem:$0x7F9]  }
0x131: {  	[sflag:s6] =	ssyncset.done $0x0  }
0x132: {  	[sflag:s6] =	ssyncadd.s32 $0xFFFFF800  }
0x133: {  	[spmem:s18] =	stream.linear.scatter [tilespmem:s5], [sflag:$0x7], $0x800, $0x38;
	[tilespmem:$0x1CA00] =	vst v63  }
0x134: {  	_ =	swait.ge [sflag:s6], $0x800  }
0x135: {  	s19 =	sld [smem:$0x7FA]  }
0x136: {  	[sflag:s6] =	ssyncset.done $0x0  }
0x137: {  	[sflag:s6] =	ssyncadd.s32 $0xFFFFF800  }
0x138: {  	[spmem:s19] =	stream.linear.scatter [tilespmem:s5], [sflag:$0x7], $0x800, $0x38;
	[tilespmem:$0x1CA00] =	vst v63  }
0x139: {  	_ =	swait.ge [sflag:s6], $0x800  }
0x13a: {  	s18 =	sld [smem:$0x7FB]  }
0x13b: {  	[sflag:s6] =	ssyncset.done $0x0  }
0x13c: {  	[sflag:s6] =	ssyncadd.s32 $0xFFFFF800  }
0x13d: {  	[spmem:s18] =	stream.linear.scatter [tilespmem:s5], [sflag:$0x7], $0x800, $0x38;
	[tilespmem:$0x1CA00] =	vst v63  }
0x13e: {  	_ =	swait.ge [sflag:s6], $0x800  }
0x13f: {  	s19 =	sld [smem:$0x7FC]  }
0x140: {  	[sflag:s6] =	ssyncset.done $0x0  }
0x141: {  	[sflag:s6] =	ssyncadd.s32 $0xFFFFF800  }
0x142: {  	[spmem:s19] =	stream.linear.scatter [tilespmem:s5], [sflag:$0x7], $0x800, $0x38;
	[tilespmem:$0x1CA00] =	vst v63  }
0x143: {  	_ =	swait.ge [sflag:s6], $0x800  }
0x144: {  	s18 =	sld [smem:$0x7FD]  }
0x145: {  	[sflag:s6] =	ssyncset.done $0x0  }
0x146: {  	[sflag:s6] =	ssyncadd.s32 $0xFFFFF800  }
0x147: {  	[spmem:s18] =	stream.linear.scatter [tilespmem:s5], [sflag:$0x7], $0x800, $0x38;
	[tilespmem:$0x1CA00] =	vst v63  }
0x148: {  	_ =	swait.ge [sflag:s6], $0x800  }
0x149: {  	[sflag:s6] =	ssyncset.done $0x0  }
0x14a: {  	[sflag:s6] =	ssyncadd.s32 $0xFFFFF800  }
0x14b: {  	[spmem:s20] =	stream.linear.scatter [tilespmem:s5], [sflag:$0x7], $0x800, $0x38;
	[tilespmem:$0x1CA00] =	vst v63  }
0x14c: {  	_ =	swait.ge [sflag:s6], $0x800  }
0x14d: {  	[sflag:s6] =	ssyncset.done $0x0  }
0x14e: {  	[sflag:s6] =	ssyncadd.s32 $0xFFFFF800  }
0x14f: {  	[spmem:s21] =	stream.linear.scatter [tilespmem:s5], [sflag:$0x7], $0x800, $0x38;
	[tilespmem:$0x1CA00] =	vst v63  }
0x150: {  	_ =	swait.ge [sflag:s6], $0x800  }
0x151: {  	[sflag:s6] =	ssyncset.done $0x0  }
0x152: {  	[sflag:s6] =	ssyncadd.s32 $0xFFFFF800  }
0x153: {  	[spmem:s24] =	stream.linear.scatter [tilespmem:s5], [sflag:$0x7], $0x800, $0x38;
	[tilespmem:$0x1CA00] =	vst v63  }
0x154: {  	_ =	swait.ge [sflag:s6], $0x800  }
0x155: {  	[sflag:s6] =	ssyncset.done $0x0  }
0x156: {  	[sflag:s6] =	ssyncadd.s32 $0xFFFFF800  }
0x157: {  	[spmem:s25] =	stream.linear.scatter [tilespmem:s5], [sflag:$0x7], $0x800, $0x38;
	[tilespmem:$0x1CA00] =	vst v63  }
0x158: {  	_ =	swait.ge [sflag:s6], $0x800  }
0x159: {  	[sflag:s6] =	ssyncset.done $0x0  }
0x15a: {  	[sflag:s6] =	ssyncadd.s32 $0xFFFFF800  }
0x15b: {  	[spmem:s26] =	stream.linear.scatter [tilespmem:s5], [sflag:$0x7], $0x800, $0x38;
	[tilespmem:$0x1CA00] =	vst v63  }
0x15c: {  	_ =	swait.ge [sflag:s6], $0x800  }
0x15d: {  	[sflag:s6] =	ssyncset.done $0x0  }
0x15e: {  	[sflag:s6] =	ssyncadd.s32 $0xFFFFF800  }
0x15f: {  	[spmem:s28] =	stream.linear.scatter [tilespmem:s5], [sflag:$0x7], $0x800, $0x38;
	[tilespmem:$0x1CA00] =	vst v63  }
0x160: {  	_ =	swait.ge [sflag:s6], $0x800  }
0x161: {  	[sflag:s6] =	ssyncset.done $0x0  }
0x162: {  	[sflag:s6] =	ssyncadd.s32 $0xFFFFF800  }
0x163: {  	[bflag:$0x0] =	sbarrier.arrive $0xFFFF  }
0x164: {  	_ =	swait.ge [sflag:s7], $0x80  }
0x165: {  	[sflag:s7] =	ssyncset.done $0x0  }
0x166: {  	[sflag:s7] =	ssyncadd.s32 $0xFFFFFF80  }
0x167: {  	[tilespmem:s8], [sflag:$0x1] =	stream.indirect.gather [hbm4b:s4+s0], $0x80, s3, s0, $0xb8;
	[tilespmem:$0x1CA00] =	vst v63  }
0x168: {  	_ =	swait.ge [sflag:s10], $0x80  }
0x169: {  	[sflag:s10] =	ssyncset.done $0x0  }
0x16a: {  	[sflag:s10] =	ssyncadd.s32 $0xFFFFFF80  }
0x16b: {  	[tilespmem:s11], [sflag:$0x2] =	stream.indirect.gather [hbm4b:s4+s0], $0x80, s0, s0, $0xb8;
	[tilespmem:$0x1CA00] =	vst v63  }
0x16c: {  	_ =	swait.ge [sflag:s12], $0x4000  }
0x16d: {  	[sflag:s12] =	ssyncset.done $0x0  }
0x16e: {  	[sflag:s12] =	ssyncadd.s32 $0xFFFFC000  }
0x16f: {  	_ =	swait.ge [sflag:s13], $0x80  }
0x170: {  	[sflag:s13] =	ssyncset.done $0x0  }
0x171: {  	[sflag:s13] =	ssyncadd.s32 $0xFFFFFF80  }
0x172: {  	[spmem:s1] =	stream.indirect.scatter.add.f32 [tilespmem:s8], [sflag:$0x7], $0x80, s31, s0, $0xb8;
	[tilespmem:$0x1CA00] =	vst v63  }
0x173: {  	_ =	swait.ge [sflag:s6], $0x4000  }
0x174: {  	[sflag:s6] =	ssyncset.done $0x0  }
0x175: {  	s19 =	sadd.s32 $0x0, s22;
	[sflag:s6] =	ssyncadd.s32 $0xFFFFC000  }
0x176: {  	[tilespmem:s3], [sflag:$0x3] =	stream.linear.gather [hbm4b:s19+s3], $0x80, $0x38;
	[tilespmem:$0x1CA00] =	vst v63  }
0x177: {  	s18 =	sadd.s32 $0x0, s23  }
0x178: {  	[tilespmem:s31], [sflag:$0x5] =	stream.linear.gather [hbm4b:s18+s3], $0x80, $0x38;
	[tilespmem:$0x1CA00] =	vst v63  }
0x179: {  	_ =	swait.ge [sflag:s7], $0x80  }
0x17a: {  	[sflag:s7] =	ssyncset.done $0x0  }
0x17b: {  	[sflag:s7] =	ssyncadd.s32 $0xFFFFFF80  }
0x17c: {  	[tilespmem:s8], [sflag:$0x1] =	stream.indirect.gather [hbm4b:s4+s0], $0x80, s3, s0, $0xb8;
	[tilespmem:$0x1CA00] =	vst v63  }
0x17d: {  	_ =	swait.ge [sflag:s14], $0x4000  }
0x17e: {  	[sflag:s14] =	ssyncset.done $0x0  }
0x17f: {  	[sflag:s14] =	ssyncadd.s32 $0xFFFFC000  }
0x180: {  	_ =	swait.ge [sflag:s15], $0x80  }
0x181: {  	[sflag:s15] =	ssyncset.done $0x0  }
0x182: {  	[sflag:s15] =	ssyncadd.s32 $0xFFFFFF80  }
0x183: {  	[spmem:s1] =	stream.indirect.scatter.add.f32 [tilespmem:s11], [sflag:$0x7], $0x80, s2, s0, $0xb8;
	[tilespmem:$0x1CA00] =	vst v63  }
0x184: {  	_ =	swait.ge [sflag:s6], $0x4000  }
0x185: {  	s17 =	simm.s32 $0x20;
	[sflag:s6] =	ssyncset.done $0x0  }
0x186: {  	s19 =	sadd.s32 $0x0, s29;
	s18 =	sadd.s32 $0x0, s30;
	[sflag:s6] =	ssyncadd.s32 $0xFFFFC000  }
0x187: {  	[tilespmem:s0], [sflag:$0x4] =	stream.linear.gather [hbm4b:s19+s3], $0x80, $0x38;
	[tilespmem:$0x1CA00] =	vst v63  }
.LBB2_2:
0x188: {  	[tilespmem:s2], [sflag:$0x6] =	stream.linear.gather [hbm4b:s18+s3], $0x80, $0x38;
	[tilespmem:$0x1CA00] =	vst v63  }
0x189: {  	s18 =	smov.u32 s17  }
0x18a: {  	p0 =	sne.s32 s17, $0x9A0;
	s17 =	sadd.s32 $0x20, s17;
	_ =	swait.ge [sflag:s10], $0x80  }
0x18b: {  	[sflag:s10] =	ssyncset.done $0x0  }
0x18c: {  	[sflag:s10] =	ssyncadd.s32 $0xFFFFFF80  }
0x18d: {  	[tilespmem:s11], [sflag:$0x2] =	stream.indirect.gather [hbm4b:s4+s0], $0x80, s0, s0, $0xb8;
	[tilespmem:$0x1CA00] =	vst v63  }
0x18e: {  	_ =	swait.ge [sflag:s12], $0x4000  }
0x18f: {  	[sflag:s12] =	ssyncset.done $0x0  }
0x190: {  	[sflag:s12] =	ssyncadd.s32 $0xFFFFC000  }
0x191: {  	_ =	swait.ge [sflag:s13], $0x80  }
0x192: {  	[sflag:s13] =	ssyncset.done $0x0  }
0x193: {  	[sflag:s13] =	ssyncadd.s32 $0xFFFFFF80  }
0x194: {  	[spmem:s1] =	stream.indirect.scatter.add.f32 [tilespmem:s8], [sflag:$0x7], $0x80, s31, s0, $0xb8;
	[tilespmem:$0x1CA00] =	vst v63  }
0x195: {  	_ =	swait.ge [sflag:s6], $0x4000  }
0x196: {  	[sflag:s6] =	ssyncset.done $0x0  }
0x197: {  	s19 =	sadd.s32 s18, s22;
	[sflag:s6] =	ssyncadd.s32 $0xFFFFC000  }
0x198: {  	[tilespmem:s3], [sflag:$0x3] =	stream.linear.gather [hbm4b:s19+s3], $0x80, $0x38;
	[tilespmem:$0x1CA00] =	vst v63  }
0x199: {  	s19 =	sadd.s32 s18, s23  }
0x19a: {  	[tilespmem:s31], [sflag:$0x5] =	stream.linear.gather [hbm4b:s19+s3], $0x80, $0x38;
	[tilespmem:$0x1CA00] =	vst v63  }
0x19b: {  	_ =	swait.ge [sflag:s7], $0x80  }
0x19c: {  	[sflag:s7] =	ssyncset.done $0x0  }
0x19d: {  	[sflag:s7] =	ssyncadd.s32 $0xFFFFFF80  }
0x19e: {  	[tilespmem:s8], [sflag:$0x1] =	stream.indirect.gather [hbm4b:s4+s0], $0x80, s3, s0, $0xb8;
	[tilespmem:$0x1CA00] =	vst v63  }
0x19f: {  	_ =	swait.ge [sflag:s14], $0x4000  }
0x1a0: {  	[sflag:s14] =	ssyncset.done $0x0  }
0x1a1: {  	[sflag:s14] =	ssyncadd.s32 $0xFFFFC000  }
0x1a2: {  	_ =	swait.ge [sflag:s15], $0x80  }
0x1a3: {  	[sflag:s15] =	ssyncset.done $0x0  }
0x1a4: {  	[sflag:s15] =	ssyncadd.s32 $0xFFFFFF80  }
0x1a5: {  	[spmem:s1] =	stream.indirect.scatter.add.f32 [tilespmem:s11], [sflag:$0x7], $0x80, s2, s0, $0xb8;
	[tilespmem:$0x1CA00] =	vst v63  }
.Ltmp0:
0x1a6: {  	_ =	swait.ge [sflag:s6], $0x4000;
	(pc) =	sbr.rel @p0 .LBB2_2-.Ltmp0, $4  }
0x1a7: {  	[sflag:s6] =	ssyncset.done $0x0  }
0x1a8: {  	s19 =	sadd.s32 s18, s29;
	[sflag:s6] =	ssyncadd.s32 $0xFFFFC000  }
0x1a9: {  	[tilespmem:s0], [sflag:$0x4] =	stream.linear.gather [hbm4b:s19+s3], $0x80, $0x38;
	[tilespmem:$0x1CA00] =	vst v63  }
0x1aa: {  	s18 =	sadd.s32 s18, s30  }
0x1ab: {  	[tilespmem:s2], [sflag:$0x6] =	stream.linear.gather [hbm4b:s18+s3], $0x80, $0x38;
	[tilespmem:$0x1CA00] =	vst v63  }
0x1ac: {  	_ =	swait.ge [sflag:s10], $0x80  }
0x1ad: {  	[sflag:s10] =	ssyncset.done $0x0  }
0x1ae: {  	[sflag:s10] =	ssyncadd.s32 $0xFFFFFF80  }
0x1af: {  	[tilespmem:s11], [sflag:$0x2] =	stream.indirect.gather [hbm4b:s4+s0], $0x80, s0, s0, $0xb8;
	[tilespmem:$0x1CA00] =	vst v63  }
0x1b0: {  	_ =	swait.ge [sflag:s12], $0x4000  }
0x1b1: {  	[sflag:s12] =	ssyncset.done $0x0  }
0x1b2: {  	[sflag:s12] =	ssyncadd.s32 $0xFFFFC000  }
0x1b3: {  	_ =	swait.ge [sflag:s13], $0x80  }
0x1b4: {  	[sflag:s13] =	ssyncset.done $0x0  }
0x1b5: {  	[sflag:s13] =	ssyncadd.s32 $0xFFFFFF80  }
0x1b6: {  	[spmem:s1] =	stream.indirect.scatter.add.f32 [tilespmem:s8], [sflag:$0x7], $0x80, s31, s0, $0xb8;
	[tilespmem:$0x1CA00] =	vst v63  }
0x1b7: {  	_ =	swait.ge [sflag:s6], $0x4000  }
0x1b8: {  	[sflag:s6] =	ssyncset.done $0x0  }
0x1b9: {  	[sflag:s6] =	ssyncadd.s32 $0xFFFFC000  }
0x1ba: {  	_ =	swait.ge [sflag:s14], $0x4000  }
0x1bb: {  	[sflag:s14] =	ssyncset.done $0x0  }
0x1bc: {  	[sflag:s14] =	ssyncadd.s32 $0xFFFFC000  }
0x1bd: {  	_ =	swait.ge [sflag:s15], $0x80  }
0x1be: {  	[sflag:s15] =	ssyncset.done $0x0  }
0x1bf: {  	[sflag:s15] =	ssyncadd.s32 $0xFFFFFF80  }
0x1c0: {  	[spmem:s1] =	stream.indirect.scatter.add.f32 [tilespmem:s11], [sflag:$0x7], $0x80, s2, s0, $0xb8;
	[tilespmem:$0x1CA00] =	vst v63  }
0x1c1: {  	_ =	swait.ge [sflag:s6], $0x4000  }
0x1c2: {  	[sflag:s6] =	ssyncset.done $0x0  }
0x1c3: {  	s17 =	stileid.u32;
	[sflag:s6] =	ssyncadd.s32 $0xFFFFC000  }
0x1c4: {  	s17 =	sshll.u32 s17, $0x6;
	[bflag:$0x0] =	sbarrier.arrive $0xFFFF  }
0x1c5: {  	s18 =	sshrl.u32 s9, $0x3;
	s17 =	sor.u32 $0x1C07, s17;
	s19 =	rddreg [dreg:$0x11]  }
0x1c6: {  	[hbm:s19], [sflag:s17] =	dma.local [spmem:s18], $0x2800  }
0x1c7: {  	_ =	swait.ge [sflag:s6], $0x2800  }
0x1c8: {  	s16 =	sadd.s32 $0x1, s16;
	s19 =	rddreg [dreg:$0x14]  }
0x1c9: {  	p0 =	sne.s32 s16, s19  }
.Ltmp1:
0x1ca: {  	_ = 	snop;
	(pc) =	sbr.rel @p0 .LBB2_1-.Ltmp1, $3  }
0x1cb: {  	_ =	sdelay $0x1  }
0x1cc: {  	[sflag:s6] =	ssyncset.done $0x0  }
0x1cd: {  	[sflag:s6] =	ssyncadd.s32 $0xFFFFD800  }
0x1ce: {  	_ =	sfence.sel $0x180000  }
0x1cf: {  	[bflag:$0x0] =	sbarrier.arrive $0xFFFF  }
0x1d0: {  	_ =	strace $0x9000004A  }
0x1d1: {  	s0 =	stileid.u32;
	[bflag:$0x2] =	sbarrier.arrive $0xFFFF  }
0x1d2: {  	p0 =	sne.s32 s0, $0x0;
	s0 =	rddreg [dreg:$0x2]  }
0x1d3: {  	s0 =	sadd.s32 @!p0 $0x100000, s0  }
0x1d4: {  	[sflag:s0] =	ssyncadd.tile.s32 @!p0 $0x1;
	_ =	shalt  }
.Lfunc_end2:
_tile_overlayer_lowered:
.L_overlay_start_2:
0x1d5: {  	(tag) =	ssettag $0x2  }
0x1d6: {  	s0 =	rddreg [dreg:$0x0];
	s2 =	stileid.u32  }
0x1d7: {  	s1 =	rddreg [dreg:$0x1];
	p0 =	sne.s32 s2, $0x0  }
0x1d8: {  	s3 =	rddreg [dreg:$0x2];
	[bflag:$0x3] =	sbarrier.arrive $0xFFFF;
	s2 =	simm.s32 @!p0 $0x1C07  }
0x1d9: {  	[timem:s3], [sflag:s2] =	dma.local @!p0 [hbm:s0], s1  }
0x1da: {  	s0 =	simm.s32 @!p0 $0x7  }
0x1db: {  	_ =	swait.ge @!p0 [sflag:s0], s1  }
0x1dc: {  	s1 =	ssub.s32 @!p0 $0x0, s1;
	[sflag:s0] =	ssyncset.done @!p0 $0x0  }
0x1dd: {  	[sflag:s0] =	ssyncadd.s32 @!p0 s1  }
0x1de: {  	[bflag:$0x3] =	sbarrier.arrive $0xFFFF  }
0x1df: {  	_ =	shalt  }

// kernel: kernel.7.cloned.1.call-start
scs
__scs_entry_jumppad:
0x0: {  	(pc) =	sbr.rel $0x88, $3  }
0x1: {  	(tag) =	ssettag $0x0;
	lr =	simm.s32 $0x1  }
0x2: {  	[smem:$0x3F92] =	sst lr;
	_ =	strace $0xD0000000  }
0x3: {  	_ = 	snop  }
0x4: {  	_ = 	snop  }
0x5: {  	_ = 	snop  }
0x6: {  	_ = 	snop  }
0x7: {  	_ = 	snop  }
__scs_overlays_trampoline_lowered:
0x8: {  	[smem:$0x3FA1] =	sst s0  }
0x9: {  	[smem:$0x3FA2] =	sst s1  }
0xa: {  	[smem:$0x3FA3] =	sst s2  }
0xb: {  	[smem:$0x3FA4] =	sst s3  }
0xc: {  	[smem:$0x3FA5] =	sst s4  }
0xd: {  	[smem:$0x3FA6] =	sst s5  }
0xe: {  	[smem:$0x3FA7] =	sst s6  }
0xf: {  	[smem:$0x3FA8] =	sst s7  }
0x10: {  	[smem:$0x3FA9] =	sst s8  }
0x11: {  	[smem:$0x3FAA] =	sst s9;
	s0 =	simm.s32 @!p0 $0x0  }
0x12: {  	s1 =	sld [smem:$0x3F90];
	s0 =	simm.s32 @p0 $0x1  }
0x13: {  	[smem:$0x3FAB] =	sst s0;
	s0 =	simm.s32 @!p1 $0x0  }
0x14: {  	s2 =	sld [smem:$0x3F8F];
	s0 =	simm.s32 @p1 $0x1  }
0x15: {  	[smem:$0x3FAC] =	sst s0;
	s0 =	simm.s32 @!p2 $0x0  }
0x16: {  	s3 =	sld [smem:$0x3FDB];
	s0 =	simm.s32 @p2 $0x1  }
0x17: {  	s4 =	simm.s32 $0x1BF5;
	[smem:$0x3FAE] =	sst s0  }
0x18: {  	s0 =	sld [smem:$0x3F91];
	_ =	swait.ge [sflag:s4], $0x0  }
0x19: {  	s7 =	sld [smem:$0x3F92]  }
0x1a: {  	s8 =	sadd.s32 $0xFFFFE003, lr  }
0x1b: {  	s9 =	sadd.s32 $0xFFFFFEF7, lr;
	s5 =	simm.s32 $0xFFFFFFFF;
	p2 =	slt.u32 s8, $0xFFFFF086  }
0x1c: {  	p1 =	slt.u32 s9, $0xF7A;
	s5 =	simm.s32 @!p2 $0x0  }
0x1d: {  	s5 =	simm.s32 @p1 $0x1;
	p0 =	seq.s32 s7, s2  }
0x1e: {  	s7 =	smul.u32 @!p0 $0xF7A, s2;
	p2 =	seq.s32 @!p0 s5, $0x0  }
0x1f: {  	s9 =	smul.u32 $0xF7A, s1;
	s8 =	simm.s32 @!p0 $0x1BF5;
	p2 =	por !p2, p0  }
0x20: {  	[sflag:s8] =	ssyncset.s32 @!p0 $0xFFFFF086;
	s6 =	sadd.s32 @!p0 s3, s7;
	s7 =	simm.s32 @!p0 $0x108  }
0x21: {  	s3 =	sadd.s32 s3, s9;
	s6 =	sadd.s32 @!p0 $0x88, s6;
	s7 =	simm.s32 @p2 $0x1082  }
0x22: {  	[simem:s7], [sflag:s8] =	dma.local @!p0 [hbm:s6], $0xF7A  }
0x23: {  	s9 =	sor.u32 $0xD0000000, s2;
	s6 =	simm.s32 $0x108;
	_ =	swait.ge @!p0 [sflag:s8], $0x0  }
0x24: {  	s3 =	sadd.s32 $0x88, s3;
	s6 =	simm.s32 @!p1 $0x1082;
	[sflag:s4] =	ssyncset.s32 $0xFFFFF086  }
0x25: {  	[simem:s6], [sflag:s4] =	dma.local [hbm:s3], $0xF7A  }
0x26: {  	[smem:$0x3F92] =	sst s1;
	(tag) =	ssettag s2;
	_ =	strace s9  }
0x27: {  	s1 =	sld [smem:$0x3FA2]  }
0x28: {  	s2 =	sld [smem:$0x3FA3]  }
0x29: {  	s4 =	sld [smem:$0x3FA5]  }
0x2a: {  	p0 =	seq.s32 s5, $0x0;
	s5 =	sld [smem:$0x3FA6]  }
0x2b: {  	s6 =	sld [smem:$0x3FA7]  }
0x2c: {  	s7 =	sld [smem:$0x3FA8]  }
0x2d: {  	s3 =	simm.s32 $0x108;
	s8 =	sld [smem:$0x3FA9]  }
0x2e: {  	s3 =	simm.s32 @!p0 $0x1082;
	s9 =	sld [smem:$0x3FAA]  }
0x2f: {  	lr =	sadd.s32 s0, s3;
	s0 =	sld [smem:$0x3FA1]  }
0x30: {  	s3 =	sld [smem:$0x3FA4]  }
0x31: {  	[smem:$0x3FAD] =	sst s10  }
0x32: {  	s10 =	sld [smem:$0x3FAB];
	_ =	sdelay $0x3  }
0x33: {  	p0 =	seq.s32 s10, $0x1;
	s10 =	sld [smem:$0x3FAD];
	_ =	sdelay $0x3  }
0x34: {  	[smem:$0x3FAD] =	sst s10  }
0x35: {  	s10 =	sld [smem:$0x3FAC];
	_ =	sdelay $0x3  }
0x36: {  	p1 =	seq.s32 s10, $0x1;
	s10 =	sld [smem:$0x3FAD];
	_ =	sdelay $0x3  }
0x37: {  	[smem:$0x3FAD] =	sst s10  }
0x38: {  	s10 =	sld [smem:$0x3FAE]  }
0x39: {  	_ = 	snop;
	(pc) =	sbr.ind lr, $3  }
0x3a: {  	_ = 	snop  }
0x3b: {  	_ = 	snop  }
0x3c: {  	p2 =	seq.s32 s10, $0x1;
	s10 =	sld [smem:$0x3FAD]  }
0x3d: {  	_ =	shalt  }
0x3e: {  	_ =	shalt  }
0x3f: {  	_ =	shalt  }
0x40: {  	_ =	shalt  }
0x41: {  	_ =	shalt  }
0x42: {  	_ =	shalt  }
0x43: {  	_ =	shalt  }
0x44: {  	_ =	shalt  }
0x45: {  	_ =	shalt  }
0x46: {  	_ =	shalt  }
0x47: {  	_ =	shalt  }
0x48: {  	_ =	shalt  }
0x49: {  	_ =	shalt  }
0x4a: {  	_ =	shalt  }
0x4b: {  	_ =	shalt  }
0x4c: {  	_ =	shalt  }
0x4d: {  	_ =	shalt  }
0x4e: {  	_ =	shalt  }
0x4f: {  	_ =	shalt  }
0x50: {  	_ =	shalt  }
0x51: {  	_ =	shalt  }
0x52: {  	_ =	shalt  }
0x53: {  	_ =	shalt  }
0x54: {  	_ =	shalt  }
0x55: {  	_ =	shalt  }
0x56: {  	_ =	shalt  }
0x57: {  	_ =	shalt  }
0x58: {  	_ =	shalt  }
0x59: {  	_ =	shalt  }
0x5a: {  	_ =	shalt  }
0x5b: {  	_ =	shalt  }
0x5c: {  	_ =	shalt  }
0x5d: {  	_ =	shalt  }
0x5e: {  	_ =	shalt  }
0x5f: {  	_ =	shalt  }
0x60: {  	_ =	shalt  }
0x61: {  	_ =	shalt  }
0x62: {  	_ =	shalt  }
0x63: {  	_ =	shalt  }
0x64: {  	_ =	shalt  }
0x65: {  	_ =	shalt  }
0x66: {  	_ =	shalt  }
0x67: {  	_ =	shalt  }
0x68: {  	_ =	shalt  }
0x69: {  	_ =	shalt  }
0x6a: {  	_ =	shalt  }
0x6b: {  	_ =	shalt  }
0x6c: {  	_ =	shalt  }
0x6d: {  	_ =	shalt  }
0x6e: {  	_ =	shalt  }
0x6f: {  	_ =	shalt  }
0x70: {  	_ =	shalt  }
0x71: {  	_ =	shalt  }
0x72: {  	_ =	shalt  }
0x73: {  	_ =	shalt  }
0x74: {  	_ =	shalt  }
0x75: {  	_ =	shalt  }
0x76: {  	_ =	shalt  }
0x77: {  	_ =	shalt  }
0x78: {  	_ =	shalt  }
0x79: {  	_ =	shalt  }
0x7a: {  	_ =	shalt  }
0x7b: {  	_ =	shalt  }
0x7c: {  	_ =	shalt  }
0x7d: {  	_ =	shalt  }
0x7e: {  	_ =	shalt  }
0x7f: {  	_ =	shalt  }
0x80: {  	_ =	shalt  }
0x81: {  	_ =	shalt  }
0x82: {  	_ =	shalt  }
0x83: {  	_ =	shalt  }
0x84: {  	_ =	shalt  }
0x85: {  	_ =	shalt  }
0x86: {  	_ =	shalt  }
0x87: {  	_ =	shalt  }
.Lfunc_end0:
.L_simem_size_0:
called_computation_lowered:
.L_overlay_start_0:
0x88: {  	s2 =	sld [smem:$0x3FD9]  }
0x89: {  	s3 =	sld [smem:$0x3FFE];
	_ =	sdelay $0x1  }
0x8a: {  	s1 =	srdreg.scid  }
0x8b: {  	s0 =	sand.u32 $0x1, s1  }
0x8c: {  	s17 =	sshll.u32 s0, $0xA;
	s2 =	sadd.s32 s3, s2  }
0x8d: {  	s2 =	sadd.s32 s2, s17  }
0x8e: {  	[smem:$0x3FB9] =	sst s2  }
0x8f: {  	_ = 	snop  }
0x90: {  	s2 =	sld [smem:$0x3FC9];
	(tm) =	ssettm $0x1  }
0x91: {  	s18 =	sld [smem:$0x3FFB];
	_ =	sdelay $0x3  }
0x92: {  	_ =	strace s18  }
0x93: {  	s3 =	sld [smem:$0x3FFC];
	_ =	sdelay $0x3  }
0x94: {  	_ =	strace s3  }
0x95: {  	s3 =	sld [smem:$0x3FFD];
	_ =	sdelay $0x3  }
0x96: {  	_ =	strace s3  }
0x97: {  	_ =	strace $0x8FFFFFFF  }
0x98: {  	s19 =	sld [smem:$0x3FDB];
	_ =	sdelay $0x1  }
0x99: {  	s4 =	simm.s32 $_scs_section_size  }
0x9a: {  	s5 =	simm.s32 $_size__tile_overlayer_lowered;
	s6 =	simm.s32 $_tile_overlayer_lowered  }
0x9b: {  	s22 =	simm.s32 $0x1BFF;
	s21 =	sshll.u32 s6, $0x1;
	s3 =	sadd.s32 s4, s19  }
0x9c: {  	s7 =	simm.s32 $0x0;
	s20 =	sshll.u32 s5, $0x1;
	s5 =	sadd.s32 s21, s3  }
0x9d: {  	[timem:s7], [sflag:s22] =	dma.local [hbm:s5], s20  }
0x9e: {  	_ =	swait.ge [sflag:s22], s20  }
0x9f: {  	s4 =	ssub.s32 $0x0, s20;
	[sflag:s22] =	ssyncset.done $0x0  }
0xa0: {  	[sflag:s22] =	ssyncadd.s32 s4;
	_ =	sdelay $0x1  }
0xa1: {  	s23 =	simm.s32 $0x1B8B  }
0xa2: {  	_ =	swait.ge [sflag:s23], $0x1  }
0xa3: {  	[sflag:s23] =	ssyncset.done $0x0  }
0xa4: {  	s25 =	simm.s32 $0x1B8E;
	s24 =	sld [smem:$0x3FFE];
	[sflag:s23] =	ssyncadd.s32 $0xFFFFFFFF  }
0xa5: {  	s26 =	simm.s32 $execute0_lowered;
	[smem:$0x3FD2] =	sst s25  }
0xa6: {  	s5 =	sshll.u32 s26, $0x1;
	_ =	strace $0x80000046;
	[dreg:$0x1] =	wrdreg $0xFFFFFFFF  }
0xa7: {  	s28 =	simm.s32 $_size_execute0_lowered;
	s3 =	sadd.s32 s3, s5;
	[dreg:$0x0] =	wrdreg $0x0  }
0xa8: {  	s5 =	sshll.u32 s28, $0x1;
	[dreg:$0x2] =	wrdreg s3  }
0xa9: {  	[dreg:$0x3] =	wrdreg s5  }
0xaa: {  	[dreg:$0x4] =	wrdreg $0xC0  }
0xab: {  	_ =	task [dreg:s7], $0x5FFFF  }
0xac: {  	[dreg:$0x1] =	wrdreg $0xFFFFFFFF  }
0xad: {  	[dreg:$0x0] =	wrdreg $0x60  }
0xae: {  	[dreg:$0x2] =	wrdreg s2  }
0xaf: {  	[dreg:$0x3] =	wrdreg s24  }
0xb0: {  	[dreg:$0x4] =	wrdreg $0x8A000  }
0xb1: {  	[dreg:$0x5] =	wrdreg $0x9  }
0xb2: {  	_ =	task.clear_ibuf [dreg:s7], $0x6FFFF;
	_ =	strace $0x90000046  }
0xb3: {  	s29 =	simm.s32 $0x9;
	_ =	strace $0x80000048  }
0xb4: {  	_ =	swait.ge [sflag:s29], $0x1  }
0xb5: {  	[sflag:s29] =	ssyncadd.s32 $0xFFFFFFFF  }
0xb6: {  	_ =	strace $0x90000048  }
0xb7: {  	_ =	sfence  }
0xb8: {  	s30 =	sld [smem:$0x0];
	_ =	sdelay $0x2  }
0xb9: {  	s31 =	sshll.u32 s1, $0xD;
	s1 =	sshrl.u32 s1, $0x2  }
0xba: {  	s3 =	sand.u32 $0x4000, s31;
	s1 =	sadd.s32 s1, s30  }
0xbb: {  	s0 =	sor.u32 s3, s0;
	s1 =	sshll.u32 s1, $0x11  }
0xbc: {  	s0 =	sor.u32 s1, s0  }
0xbd: {  	s0 =	sadd.s32 $0x8F2B, s0  }
0xbe: {  	[sflag:s0] =	ssyncadd.remote.s32 $0x1  }
0xbf: {  	_ =	sfence.sel $0xFFFF  }
0xc0: {  	[dreg:$0x0] =	wrdreg $0xFFFFFFFF;
	(pc) =	sbr.abs _section_cstart, $3  }
0xc1: {  	[dreg:$0x1] =	wrdreg $0xFFFFFFFF  }
0xc2: {  	_ =	task.clear_ibuf [dreg:s7], $0x2FFFF;
	_ =	strace $0x9FFFFFFF  }
0xc3: {  	(tm) =	ssettm $0x7FFFFFFF  }
tec
execute0_lowered:
.L_overlay_start_1:
0x0: {  	(tag) =	ssettag $0x1  }
0x1: {  	s1 =	rddreg [dreg:$0x0]  }
0x2: {  	s0 =	rddreg [dreg:$0x1]  }
0x3: {  	s2 =	rddreg [dreg:$0x2]  }
0x4: {  	s3 =	srdreg.scid;
	s11 =	stileid.u32  }
0x5: {  	s4 =	simm.s32 $0x0;
	s3 =	sand.u32 $0x1, s3;
	s9 =	smul.u32 $0x50000, s11  }
0x6: {  	[smem:$0x7FF] =	sst s4;
	s7 =	sadd.s32 $0x3200, s0;
	s10 =	sadd.s32 $0x16E00, s0  }
0x7: {  	s17 =	smul.u32 $0x9E, s11;
	s5 =	sshll.u32 s3, $0x4;
	s24 =	sshrl.u32 s9, $0x2  }
0x8: {  	_ =	strace $0x80000047;
	s6 =	ssub.s32 $0x2, s3;
	s9 =	sadd.s32 s24, s2  }
0x9: {  	s15 =	smul.u32 $0x9E0, s3;
	s8 =	sshrl.u32 s6, $0x1;
	s26 =	sadd.s32 $0x800, s9  }
0xa: {  	s6 =	ssub.s32 s6, s8;
	s8 =	sadd.s32 $0x1000, s9;
	[dreg:$0x8] =	wrdreg s26  }
0xb: {  	p0 =	seq.s32 s3, $0x1;
	s12 =	sadd.s32 $0x1800, s9;
	[dreg:$0x9] =	wrdreg s8  }
0xc: {  	s3 =	simm.s32 $0x52A00;
	s13 =	sadd.s32 $0x2000, s9;
	[dreg:$0xa] =	wrdreg s12  }
0xd: {  	s5 =	sor.u32 s11, s5;
	s14 =	sadd.s32 $0x2800, s9;
	[dreg:$0xb] =	wrdreg s13  }
0xe: {  	s11 =	smul.u32 $0x2800, s11;
	s16 =	sadd.s32 $0x3800, s9;
	[dreg:$0xc] =	wrdreg s14  }
0xf: {  	s3 =	simm.s32 @!p0 $0x2AA00;
	s18 =	sadd.s32 $0x4800, s9;
	[dreg:$0xe] =	wrdreg s16  }
0x10: {  	s0 =	sadd.s32 s3, s0;
	s20 =	sadd.s32 $0x5000, s9;
	[dreg:$0x10] =	wrdreg s18  }
0x11: {  	s0 =	sadd.s32 s0, s11;
	[dreg:$0x11] =	wrdreg s20  }
0x12: {  	s24 =	sadd.s32 $0x6000, s9;
	[dreg:$0x12] =	wrdreg s0  }
0x13: {  	s5 =	smul.u32 $0x9E0, s5;
	s3 =	sadd.s32 $0x7000, s9;
	[dreg:$0x14] =	wrdreg s24  }
0x14: {  	s11 =	sadd.s32 $0xA000, s9;
	[dreg:$0x17] =	wrdreg s3  }
0x15: {  	s22 =	sadd.s32 s7, s5;
	[dreg:$0x1d] =	wrdreg s11  }
0x16: {  	s23 =	sadd.s32 s10, s5;
	[dreg:$0x4] =	wrdreg s22  }
0x17: {  	s8 =	sadd.s32 $0x3000, s9;
	[dreg:$0x5] =	wrdreg s23  }
0x18: {  	s12 =	sadd.s32 $0x4000, s9;
	[dreg:$0xd] =	wrdreg s8  }
0x19: {  	s31 =	simm.s32 $0x100;
	s26 =	sadd.s32 $0x6800, s9;
	[dreg:$0xf] =	wrdreg s12  }
0x1a: {  	s28 =	sadd.s32 $0x13800, s9;
	s13 =	sadd.s32 $0xB000, s9;
	[dreg:$0x16] =	wrdreg s26  }
0x1b: {  	s5 =	sor.u32 $0x10, s5;
	s14 =	sadd.s32 $0xB800, s9;
	[dreg:$0x1f] =	wrdreg s13  }
0x1c: {  	s16 =	sadd.s32 $0xC800, s9;
	s18 =	sadd.s32 $0xD800, s9;
	[smem:$0x7F3] =	sst s14  }
0x1d: {  	s20 =	sadd.s32 $0xE800, s9;
	s24 =	sadd.s32 $0xF800, s9;
	[smem:$0x7F5] =	sst s16  }
0x1e: {  	s0 =	simm.s32 $0x80;
	s3 =	simm.s32 $0x180;
	[smem:$0x7F7] =	sst s18  }
0x1f: {  	s11 =	simm.s32 $0x4200;
	s25 =	sadd.s32 s7, s5;
	[smem:$0x7F9] =	sst s20  }
0x20: {  	s5 =	sadd.s32 s10, s5;
	s23 =	sadd.s32 $0x5800, s9;
	[smem:$0x7FB] =	sst s24  }
0x21: {  	s8 =	sadd.s32 $0x9000, s9;
	s12 =	sadd.s32 $0xA800, s9;
	[dreg:$0x6] =	wrdreg s25  }
0x22: {  	s26 =	sadd.s32 $0x10800, s9;
	s20 =	sadd.s32 $0x11000, s9;
	[dreg:$0x7] =	wrdreg s5  }
0x23: {  	s24 =	sadd.s32 $0x12000, s9;
	s13 =	simm.s32 $0x5;
	[dreg:$0x13] =	wrdreg s23  }
0x24: {  	s14 =	simm.s32 $0x2;
	s16 =	simm.s32 $0x0;
	[dreg:$0x1b] =	wrdreg s8  }
0x25: {  	s5 =	sadd.s32 s17, s15;
	s25 =	smax.u32 s6, $0x1;
	[dreg:$0x1e] =	wrdreg s12  }
0x26: {  	s6 =	sadd.s32 $0x8000, s9;
	s15 =	sadd.s32 $0xC000, s9;
	[smem:$0x7FD] =	sst s26  }
0x27: {  	s17 =	sadd.s32 $0xD000, s9;
	s26 =	sadd.s32 $0x13000, s9;
	[dreg:$0x15] =	wrdreg s25  }
0x28: {  	s8 =	simm.s32 $0x200;
	s12 =	simm.s32 $0x1;
	[dreg:$0x19] =	wrdreg s6  }
0x29: {  	s19 =	sshll.u32 s5, $0x4;
	s5 =	sadd.s32 $0x7800, s9;
	[smem:$0x7F4] =	sst s15  }
0x2a: {  	[smem:$0x7F6] =	sst s17;
	s25 =	sadd.s32 $0x10000, s9;
	s6 =	simm.s32 $0x7  }
0x2b: {  	s15 =	simm.s32 $0x6;
	s21 =	sadd.s32 $0x20, s19;
	[dreg:$0x18] =	wrdreg s5  }
0x2c: {  	s19 =	sadd.s32 $0xE000, s9;
	[smem:$0x7FC] =	sst s25;
	s25 =	sadd.s32 $0x12800, s9  }
0x2d: {  	s22 =	sadd.s32 s21, s7;
	s7 =	sadd.s32 $0x8800, s9;
	[smem:$0x7F8] =	sst s19  }
0x2e: {  	s23 =	sadd.s32 s21, s10;
	s10 =	sadd.s32 $0x9800, s9;
	[dreg:$0x1a] =	wrdreg s7  }
0x2f: {  	s5 =	simm.s32 $0x8200;
	s21 =	sadd.s32 $0xF000, s9;
	[dreg:$0x1c] =	wrdreg s10  }
0x30: {  	[smem:$0x7FA] =	sst s21;
	s21 =	sadd.s32 $0x11800, s9;
	s29 =	sadd.s32 $0x10, s22  }
0x31: {  	v0 =	vimm.f32 $0.0e+00;
	s30 =	sadd.s32 $0x10, s23;
	s7 =	simm.s32 $0x3;
	s10 =	simm.s32 $0x4  }
.LBB2_1:
0x32: {  	[tilespmem:$0x8200] =	vst v0  }
0x33: {  	[tilespmem:$0x8210] =	vst v0  }
0x34: {  	[tilespmem:$0x8220] =	vst v0  }
0x35: {  	[tilespmem:$0x8230] =	vst v0  }
0x36: {  	[tilespmem:$0x8240] =	vst v0  }
0x37: {  	[tilespmem:$0x8250] =	vst v0  }
0x38: {  	[tilespmem:$0x8260] =	vst v0  }
0x39: {  	[tilespmem:$0x8270] =	vst v0  }
0x3a: {  	[tilespmem:$0x8280] =	vst v0  }
0x3b: {  	[tilespmem:$0x8290] =	vst v0  }
0x3c: {  	[tilespmem:$0x82A0] =	vst v0  }
0x3d: {  	[tilespmem:$0x82B0] =	vst v0  }
0x3e: {  	[tilespmem:$0x82C0] =	vst v0  }
0x3f: {  	[tilespmem:$0x82D0] =	vst v0  }
0x40: {  	[tilespmem:$0x82E0] =	vst v0  }
0x41: {  	[tilespmem:$0x82F0] =	vst v0  }
0x42: {  	[tilespmem:$0x8300] =	vst v0  }
0x43: {  	[tilespmem:$0x8310] =	vst v0  }
0x44: {  	[tilespmem:$0x8320] =	vst v0  }
0x45: {  	[tilespmem:$0x8330] =	vst v0  }
0x46: {  	[tilespmem:$0x8340] =	vst v0  }
0x47: {  	[tilespmem:$0x8350] =	vst v0  }
0x48: {  	[tilespmem:$0x8360] =	vst v0  }
0x49: {  	[tilespmem:$0x8370] =	vst v0  }
0x4a: {  	[tilespmem:$0x8380] =	vst v0  }
0x4b: {  	[tilespmem:$0x8390] =	vst v0  }
0x4c: {  	[tilespmem:$0x83A0] =	vst v0  }
0x4d: {  	[tilespmem:$0x83B0] =	vst v0  }
0x4e: {  	[tilespmem:$0x83C0] =	vst v0  }
0x4f: {  	[tilespmem:$0x83D0] =	vst v0  }
0x50: {  	[tilespmem:$0x83E0] =	vst v0  }
0x51: {  	[tilespmem:$0x83F0] =	vst v0  }
0x52: {  	[tilespmem:$0x8400] =	vst v0  }
0x53: {  	[tilespmem:$0x8410] =	vst v0  }
0x54: {  	[tilespmem:$0x8420] =	vst v0  }
0x55: {  	[tilespmem:$0x8430] =	vst v0  }
0x56: {  	[tilespmem:$0x8440] =	vst v0  }
0x57: {  	[tilespmem:$0x8450] =	vst v0  }
0x58: {  	[tilespmem:$0x8460] =	vst v0  }
0x59: {  	[tilespmem:$0x8470] =	vst v0  }
0x5a: {  	[tilespmem:$0x8480] =	vst v0  }
0x5b: {  	[tilespmem:$0x8490] =	vst v0  }
0x5c: {  	[tilespmem:$0x84A0] =	vst v0  }
0x5d: {  	[tilespmem:$0x84B0] =	vst v0  }
0x5e: {  	[tilespmem:$0x84C0] =	vst v0  }
0x5f: {  	[tilespmem:$0x84D0] =	vst v0  }
0x60: {  	[tilespmem:$0x84E0] =	vst v0  }
0x61: {  	[tilespmem:$0x84F0] =	vst v0  }
0x62: {  	[tilespmem:$0x8500] =	vst v0  }
0x63: {  	[tilespmem:$0x8510] =	vst v0  }
0x64: {  	[tilespmem:$0x8520] =	vst v0  }
0x65: {  	[tilespmem:$0x8530] =	vst v0  }
0x66: {  	[tilespmem:$0x8540] =	vst v0  }
0x67: {  	[tilespmem:$0x8550] =	vst v0  }
0x68: {  	[tilespmem:$0x8560] =	vst v0  }
0x69: {  	[tilespmem:$0x8570] =	vst v0  }
0x6a: {  	[tilespmem:$0x8580] =	vst v0  }
0x6b: {  	[tilespmem:$0x8590] =	vst v0  }
0x6c: {  	[tilespmem:$0x85A0] =	vst v0  }
0x6d: {  	[tilespmem:$0x85B0] =	vst v0  }
0x6e: {  	[tilespmem:$0x85C0] =	vst v0  }
0x6f: {  	[tilespmem:$0x85D0] =	vst v0  }
0x70: {  	[tilespmem:$0x85E0] =	vst v0  }
0x71: {  	[tilespmem:$0x85F0] =	vst v0  }
0x72: {  	[tilespmem:$0x8600] =	vst v0  }
0x73: {  	[tilespmem:$0x8610] =	vst v0  }
0x74: {  	[tilespmem:$0x8620] =	vst v0  }
0x75: {  	[tilespmem:$0x8630] =	vst v0  }
0x76: {  	[tilespmem:$0x8640] =	vst v0  }
0x77: {  	[tilespmem:$0x8650] =	vst v0  }
0x78: {  	[tilespmem:$0x8660] =	vst v0  }
0x79: {  	[tilespmem:$0x8670] =	vst v0  }
0x7a: {  	[tilespmem:$0x8680] =	vst v0  }
0x7b: {  	[tilespmem:$0x8690] =	vst v0  }
0x7c: {  	[tilespmem:$0x86A0] =	vst v0  }
0x7d: {  	[tilespmem:$0x86B0] =	vst v0  }
0x7e: {  	[tilespmem:$0x86C0] =	vst v0  }
0x7f: {  	[tilespmem:$0x86D0] =	vst v0  }
0x80: {  	[tilespmem:$0x86E0] =	vst v0  }
0x81: {  	[tilespmem:$0x86F0] =	vst v0  }
0x82: {  	[tilespmem:$0x8700] =	vst v0  }
0x83: {  	[tilespmem:$0x8710] =	vst v0  }
0x84: {  	[tilespmem:$0x8720] =	vst v0  }
0x85: {  	[tilespmem:$0x8730] =	vst v0  }
0x86: {  	[tilespmem:$0x8740] =	vst v0  }
0x87: {  	[tilespmem:$0x8750] =	vst v0  }
0x88: {  	[tilespmem:$0x8760] =	vst v0  }
0x89: {  	[tilespmem:$0x8770] =	vst v0  }
0x8a: {  	[tilespmem:$0x8780] =	vst v0  }
0x8b: {  	[tilespmem:$0x8790] =	vst v0  }
0x8c: {  	[tilespmem:$0x87A0] =	vst v0  }
0x8d: {  	[tilespmem:$0x87B0] =	vst v0  }
0x8e: {  	[tilespmem:$0x87C0] =	vst v0  }
0x8f: {  	[tilespmem:$0x87D0] =	vst v0  }
0x90: {  	[tilespmem:$0x87E0] =	vst v0  }
0x91: {  	[tilespmem:$0x87F0] =	vst v0  }
0x92: {  	[tilespmem:$0x8800] =	vst v0  }
0x93: {  	[tilespmem:$0x8810] =	vst v0  }
0x94: {  	[tilespmem:$0x8820] =	vst v0  }
0x95: {  	[tilespmem:$0x8830] =	vst v0  }
0x96: {  	[tilespmem:$0x8840] =	vst v0  }
0x97: {  	[tilespmem:$0x8850] =	vst v0  }
0x98: {  	[tilespmem:$0x8860] =	vst v0  }
0x99: {  	[tilespmem:$0x8870] =	vst v0  }
0x9a: {  	[tilespmem:$0x8880] =	vst v0  }
0x9b: {  	[tilespmem:$0x8890] =	vst v0  }
0x9c: {  	[tilespmem:$0x88A0] =	vst v0  }
0x9d: {  	[tilespmem:$0x88B0] =	vst v0  }
0x9e: {  	[tilespmem:$0x88C0] =	vst v0  }
0x9f: {  	[tilespmem:$0x88D0] =	vst v0  }
0xa0: {  	[tilespmem:$0x88E0] =	vst v0  }
0xa1: {  	[tilespmem:$0x88F0] =	vst v0  }
0xa2: {  	[tilespmem:$0x8900] =	vst v0  }
0xa3: {  	[tilespmem:$0x8910] =	vst v0  }
0xa4: {  	[tilespmem:$0x8920] =	vst v0  }
0xa5: {  	[tilespmem:$0x8930] =	vst v0  }
0xa6: {  	[tilespmem:$0x8940] =	vst v0  }
0xa7: {  	[tilespmem:$0x8950] =	vst v0  }
0xa8: {  	[tilespmem:$0x8960] =	vst v0  }
0xa9: {  	[tilespmem:$0x8970] =	vst v0  }
0xaa: {  	[tilespmem:$0x8980] =	vst v0  }
0xab: {  	[tilespmem:$0x8990] =	vst v0  }
0xac: {  	[tilespmem:$0x89A0] =	vst v0  }
0xad: {  	[tilespmem:$0x89B0] =	vst v0  }
0xae: {  	[tilespmem:$0x89C0] =	vst v0  }
0xaf: {  	[tilespmem:$0x89D0] =	vst v0  }
0xb0: {  	[tilespmem:$0x89E0] =	vst v0  }
0xb1: {  	[tilespmem:$0x89F0] =	vst v0;
	s17 =	rddreg [dreg:$0x4]  }
0xb2: {  	[tilespmem:s4], [sflag:$0x3] =	stream.linear.gather [hbm4b:s17+s4], $0x80, $0x38;
	[tilespmem:$0x1CA00] =	vst v63  }
0xb3: {  	s19 =	rddreg [dreg:$0x5]  }
0xb4: {  	[tilespmem:s31], [sflag:$0x5] =	stream.linear.gather [hbm4b:s19+s4], $0x80, $0x38;
	[tilespmem:$0x1CA00] =	vst v63  }
0xb5: {  	s18 =	rddreg [dreg:$0x6]  }
0xb6: {  	[tilespmem:s0], [sflag:$0x4] =	stream.linear.gather [hbm4b:s18+s4], $0x80, $0x38;
	[tilespmem:$0x1CA00] =	vst v63  }
0xb7: {  	s19 =	rddreg [dreg:$0x7]  }
0xb8: {  	[tilespmem:s3], [sflag:$0x6] =	stream.linear.gather [hbm4b:s19+s4], $0x80, $0x38;
	[tilespmem:$0x1CA00] =	vst v63  }
0xb9: {  	_ = 	snop  }
0xba: {  	[spmem:s9] =	stream.linear.scatter [tilespmem:s5], [sflag:$0x7], $0x800, $0x38;
	[tilespmem:$0x1CA00] =	vst v63  }
0xbb: {  	_ =	swait.ge [sflag:s6], $0x800  }
0xbc: {  	[sflag:s6] =	ssyncset.done $0x0  }
0xbd: {  	s18 =	rddreg [dreg:$0x8];
	[sflag:s6] =	ssyncadd.s32 $0xFFFFF800  }
0xbe: {  	[spmem:s18] =	stream.linear.scatter [tilespmem:s5], [sflag:$0x7], $0x800, $0x38;
	[tilespmem:$0x1CA00] =	vst v63  }
0xbf: {  	_ =	swait.ge [sflag:s6], $0x800  }
0xc0: {  	[sflag:s6] =	ssyncset.done $0x0  }
0xc1: {  	s19 =	rddreg [dreg:$0x9];
	[sflag:s6] =	ssyncadd.s32 $0xFFFFF800  }
0xc2: {  	[spmem:s19] =	stream.linear.scatter [tilespmem:s5], [sflag:$0x7], $0x800, $0x38;
	[tilespmem:$0x1CA00] =	vst v63  }
0xc3: {  	_ =	swait.ge [sflag:s6], $0x800  }
0xc4: {  	[sflag:s6] =	ssyncset.done $0x0  }
0xc5: {  	s18 =	rddreg [dreg:$0xa];
	[sflag:s6] =	ssyncadd.s32 $0xFFFFF800  }
0xc6: {  	[spmem:s18] =	stream.linear.scatter [tilespmem:s5], [sflag:$0x7], $0x800, $0x38;
	[tilespmem:$0x1CA00] =	vst v63  }
0xc7: {  	_ =	swait.ge [sflag:s6], $0x800  }
0xc8: {  	[sflag:s6] =	ssyncset.done $0x0  }
0xc9: {  	s19 =	rddreg [dreg:$0xb];
	[sflag:s6] =	ssyncadd.s32 $0xFFFFF800  }
0xca: {  	[spmem:s19] =	stream.linear.scatter [tilespmem:s5], [sflag:$0x7], $0x800, $0x38;
	[tilespmem:$0x1CA00] =	vst v63  }
0xcb: {  	_ =	swait.ge [sflag:s6], $0x800  }
0xcc: {  	[sflag:s6] =	ssyncset.done $0x0  }
0xcd: {  	s18 =	rddreg [dreg:$0xc];
	[sflag:s6] =	ssyncadd.s32 $0xFFFFF800  }
0xce: {  	[spmem:s18] =	stream.linear.scatter [tilespmem:s5], [sflag:$0x7], $0x800, $0x38;
	[tilespmem:$0x1CA00] =	vst v63  }
0xcf: {  	_ =	swait.ge [sflag:s6], $0x800  }
0xd0: {  	[sflag:s6] =	ssyncset.done $0x0  }
0xd1: {  	s19 =	rddreg [dreg:$0xd];
	[sflag:s6] =	ssyncadd.s32 $0xFFFFF800  }
0xd2: {  	[spmem:s19] =	stream.linear.scatter [tilespmem:s5], [sflag:$0x7], $0x800, $0x38;
	[tilespmem:$0x1CA00] =	vst v63  }
0xd3: {  	_ =	swait.ge [sflag:s6], $0x800  }
0xd4: {  	[sflag:s6] =	ssyncset.done $0x0  }
0xd5: {  	s18 =	rddreg [dreg:$0xe];
	[sflag:s6] =	ssyncadd.s32 $0xFFFFF800  }
0xd6: {  	[spmem:s18] =	stream.linear.scatter [tilespmem:s5], [sflag:$0x7], $0x800, $0x38;
	[tilespmem:$0x1CA00] =	vst v63  }
0xd7: {  	_ =	swait.ge [sflag:s6], $0x800  }
0xd8: {  	[sflag:s6] =	ssyncset.done $0x0  }
0xd9: {  	s19 =	rddreg [dreg:$0xf];
	[sflag:s6] =	ssyncadd.s32 $0xFFFFF800  }
0xda: {  	[spmem:s19] =	stream.linear.scatter [tilespmem:s5], [sflag:$0x7], $0x800, $0x38;
	[tilespmem:$0x1CA00] =	vst v63  }
0xdb: {  	_ =	swait.ge [sflag:s6], $0x800  }
0xdc: {  	[sflag:s6] =	ssyncset.done $0x0  }
0xdd: {  	s18 =	rddreg [dreg:$0x10];
	[sflag:s6] =	ssyncadd.s32 $0xFFFFF800  }
0xde: {  	[spmem:s18] =	stream.linear.scatter [tilespmem:s5], [sflag:$0x7], $0x800, $0x38;
	[tilespmem:$0x1CA00] =	vst v63  }
0xdf: {  	_ =	swait.ge [sflag:s6], $0x800  }
0xe0: {  	[sflag:s6] =	ssyncset.done $0x0  }
0xe1: {  	s19 =	rddreg [dreg:$0x11];
	[sflag:s6] =	ssyncadd.s32 $0xFFFFF800  }
0xe2: {  	[spmem:s19] =	stream.linear.scatter [tilespmem:s5], [sflag:$0x7], $0x800, $0x38;
	[tilespmem:$0x1CA00] =	vst v63  }
0xe3: {  	_ =	swait.ge [sflag:s6], $0x800  }
0xe4: {  	[sflag:s6] =	ssyncset.done $0x0  }
0xe5: {  	s18 =	rddreg [dreg:$0x13];
	[sflag:s6] =	ssyncadd.s32 $0xFFFFF800  }
0xe6: {  	[spmem:s18] =	stream.linear.scatter [tilespmem:s5], [sflag:$0x7], $0x800, $0x38;
	[tilespmem:$0x1CA00] =	vst v63  }
0xe7: {  	_ =	swait.ge [sflag:s6], $0x800  }
0xe8: {  	[sflag:s6] =	ssyncset.done $0x0  }
0xe9: {  	s19 =	rddreg [dreg:$0x14];
	[sflag:s6] =	ssyncadd.s32 $0xFFFFF800  }
0xea: {  	[spmem:s19] =	stream.linear.scatter [tilespmem:s5], [sflag:$0x7], $0x800, $0x38;
	[tilespmem:$0x1CA00] =	vst v63  }
0xeb: {  	_ =	swait.ge [sflag:s6], $0x800  }
0xec: {  	[sflag:s6] =	ssyncset.done $0x0  }
0xed: {  	s18 =	rddreg [dreg:$0x16];
	[sflag:s6] =	ssyncadd.s32 $0xFFFFF800  }
0xee: {  	[spmem:s18] =	stream.linear.scatter [tilespmem:s5], [sflag:$0x7], $0x800, $0x38;
	[tilespmem:$0x1CA00] =	vst v63  }
0xef: {  	_ =	swait.ge [sflag:s6], $0x800  }
0xf0: {  	[sflag:s6] =	ssyncset.done $0x0  }
0xf1: {  	s19 =	rddreg [dreg:$0x17];
	[sflag:s6] =	ssyncadd.s32 $0xFFFFF800  }
0xf2: {  	[spmem:s19] =	stream.linear.scatter [tilespmem:s5], [sflag:$0x7], $0x800, $0x38;
	[tilespmem:$0x1CA00] =	vst v63  }
0xf3: {  	_ =	swait.ge [sflag:s6], $0x800  }
0xf4: {  	[sflag:s6] =	ssyncset.done $0x0  }
0xf5: {  	s18 =	rddreg [dreg:$0x18];
	[sflag:s6] =	ssyncadd.s32 $0xFFFFF800  }
0xf6: {  	[spmem:s18] =	stream.linear.scatter [tilespmem:s5], [sflag:$0x7], $0x800, $0x38;
	[tilespmem:$0x1CA00] =	vst v63  }
0xf7: {  	_ =	swait.ge [sflag:s6], $0x800  }
0xf8: {  	[sflag:s6] =	ssyncset.done $0x0  }
0xf9: {  	s19 =	rddreg [dreg:$0x19];
	[sflag:s6] =	ssyncadd.s32 $0xFFFFF800  }
0xfa: {  	[spmem:s19] =	stream.linear.scatter [tilespmem:s5], [sflag:$0x7], $0x800, $0x38;
	[tilespmem:$0x1CA00] =	vst v63  }
0xfb: {  	_ =	swait.ge [sflag:s6], $0x800  }
0xfc: {  	[sflag:s6] =	ssyncset.done $0x0  }
0xfd: {  	s18 =	rddreg [dreg:$0x1a];
	[sflag:s6] =	ssyncadd.s32 $0xFFFFF800  }
0xfe: {  	[spmem:s18] =	stream.linear.scatter [tilespmem:s5], [sflag:$0x7], $0x800, $0x38;
	[tilespmem:$0x1CA00] =	vst v63  }
0xff: {  	_ =	swait.ge [sflag:s6], $0x800  }
0x100: {  	[sflag:s6] =	ssyncset.done $0x0  }
0x101: {  	s19 =	rddreg [dreg:$0x1b];
	[sflag:s6] =	ssyncadd.s32 $0xFFFFF800  }
0x102: {  	[spmem:s19] =	stream.linear.scatter [tilespmem:s5], [sflag:$0x7], $0x800, $0x38;
	[tilespmem:$0x1CA00] =	vst v63  }
0x103: {  	_ =	swait.ge [sflag:s6], $0x800  }
0x104: {  	[sflag:s6] =	ssyncset.done $0x0  }
0x105: {  	s18 =	rddreg [dreg:$0x1c];
	[sflag:s6] =	ssyncadd.s32 $0xFFFFF800  }
0x106: {  	[spmem:s18] =	stream.linear.scatter [tilespmem:s5], [sflag:$0x7], $0x800, $0x38;
	[tilespmem:$0x1CA00] =	vst v63  }
0x107: {  	_ =	swait.ge [sflag:s6], $0x800  }
0x108: {  	[sflag:s6] =	ssyncset.done $0x0  }
0x109: {  	s19 =	rddreg [dreg:$0x1d];
	[sflag:s6] =	ssyncadd.s32 $0xFFFFF800  }
0x10a: {  	[spmem:s19] =	stream.linear.scatter [tilespmem:s5], [sflag:$0x7], $0x800, $0x38;
	[tilespmem:$0x1CA00] =	vst v63  }
0x10b: {  	_ =	swait.ge [sflag:s6], $0x800  }
0x10c: {  	[sflag:s6] =	ssyncset.done $0x0  }
0x10d: {  	s18 =	rddreg [dreg:$0x1e];
	[sflag:s6] =	ssyncadd.s32 $0xFFFFF800  }
0x10e: {  	[spmem:s18] =	stream.linear.scatter [tilespmem:s5], [sflag:$0x7], $0x800, $0x38;
	[tilespmem:$0x1CA00] =	vst v63  }
0x10f: {  	_ =	swait.ge [sflag:s6], $0x800  }
0x110: {  	[sflag:s6] =	ssyncset.done $0x0  }
0x111: {  	s19 =	rddreg [dreg:$0x1f];
	[sflag:s6] =	ssyncadd.s32 $0xFFFFF800  }
0x112: {  	[spmem:s19] =	stream.linear.scatter [tilespmem:s5], [sflag:$0x7], $0x800, $0x38;
	[tilespmem:$0x1CA00] =	vst v63  }
0x113: {  	_ =	swait.ge [sflag:s6], $0x800  }
0x114: {  	s18 =	sld [smem:$0x7F3]  }
0x115: {  	[sflag:s6] =	ssyncset.done $0x0  }
0x116: {  	[sflag:s6] =	ssyncadd.s32 $0xFFFFF800  }
0x117: {  	[spmem:s18] =	stream.linear.scatter [tilespmem:s5], [sflag:$0x7], $0x800, $0x38;
	[tilespmem:$0x1CA00] =	vst v63  }
0x118: {  	_ =	swait.ge [sflag:s6], $0x800  }
0x119: {  	s19 =	sld [smem:$0x7F4]  }
0x11a: {  	[sflag:s6] =	ssyncset.done $0x0  }
0x11b: {  	[sflag:s6] =	ssyncadd.s32 $0xFFFFF800  }
0x11c: {  	[spmem:s19] =	stream.linear.scatter [tilespmem:s5], [sflag:$0x7], $0x800, $0x38;
	[tilespmem:$0x1CA00] =	vst v63  }
0x11d: {  	_ =	swait.ge [sflag:s6], $0x800  }
0x11e: {  	s18 =	sld [smem:$0x7F5]  }
0x11f: {  	[sflag:s6] =	ssyncset.done $0x0  }
0x120: {  	[sflag:s6] =	ssyncadd.s32 $0xFFFFF800  }
0x121: {  	[spmem:s18] =	stream.linear.scatter [tilespmem:s5], [sflag:$0x7], $0x800, $0x38;
	[tilespmem:$0x1CA00] =	vst v63  }
0x122: {  	_ =	swait.ge [sflag:s6], $0x800  }
0x123: {  	s19 =	sld [smem:$0x7F6]  }
0x124: {  	[sflag:s6] =	ssyncset.done $0x0  }
0x125: {  	[sflag:s6] =	ssyncadd.s32 $0xFFFFF800  }
0x126: {  	[spmem:s19] =	stream.linear.scatter [tilespmem:s5], [sflag:$0x7], $0x800, $0x38;
	[tilespmem:$0x1CA00] =	vst v63  }
0x127: {  	_ =	swait.ge [sflag:s6], $0x800  }
0x128: {  	s18 =	sld [smem:$0x7F7]  }
0x129: {  	[sflag:s6] =	ssyncset.done $0x0  }
0x12a: {  	[sflag:s6] =	ssyncadd.s32 $0xFFFFF800  }
0x12b: {  	[spmem:s18] =	stream.linear.scatter [tilespmem:s5], [sflag:$0x7], $0x800, $0x38;
	[tilespmem:$0x1CA00] =	vst v63  }
0x12c: {  	_ =	swait.ge [sflag:s6], $0x800  }
0x12d: {  	s19 =	sld [smem:$0x7F8]  }
0x12e: {  	[sflag:s6] =	ssyncset.done $0x0  }
0x12f: {  	[sflag:s6] =	ssyncadd.s32 $0xFFFFF800  }
0x130: {  	[spmem:s19] =	stream.linear.scatter [tilespmem:s5], [sflag:$0x7], $0x800, $0x38;
	[tilespmem:$0x1CA00] =	vst v63  }
0x131: {  	_ =	swait.ge [sflag:s6], $0x800  }
0x132: {  	s18 =	sld [smem:$0x7F9]  }
0x133: {  	[sflag:s6] =	ssyncset.done $0x0  }
0x134: {  	[sflag:s6] =	ssyncadd.s32 $0xFFFFF800  }
0x135: {  	[spmem:s18] =	stream.linear.scatter [tilespmem:s5], [sflag:$0x7], $0x800, $0x38;
	[tilespmem:$0x1CA00] =	vst v63  }
0x136: {  	_ =	swait.ge [sflag:s6], $0x800  }
0x137: {  	s19 =	sld [smem:$0x7FA]  }
0x138: {  	[sflag:s6] =	ssyncset.done $0x0  }
0x139: {  	[sflag:s6] =	ssyncadd.s32 $0xFFFFF800  }
0x13a: {  	[spmem:s19] =	stream.linear.scatter [tilespmem:s5], [sflag:$0x7], $0x800, $0x38;
	[tilespmem:$0x1CA00] =	vst v63  }
0x13b: {  	_ =	swait.ge [sflag:s6], $0x800  }
0x13c: {  	s18 =	sld [smem:$0x7FB]  }
0x13d: {  	[sflag:s6] =	ssyncset.done $0x0  }
0x13e: {  	[sflag:s6] =	ssyncadd.s32 $0xFFFFF800  }
0x13f: {  	[spmem:s18] =	stream.linear.scatter [tilespmem:s5], [sflag:$0x7], $0x800, $0x38;
	[tilespmem:$0x1CA00] =	vst v63  }
0x140: {  	_ =	swait.ge [sflag:s6], $0x800  }
0x141: {  	s19 =	sld [smem:$0x7FC]  }
0x142: {  	[sflag:s6] =	ssyncset.done $0x0  }
0x143: {  	[sflag:s6] =	ssyncadd.s32 $0xFFFFF800  }
0x144: {  	[spmem:s19] =	stream.linear.scatter [tilespmem:s5], [sflag:$0x7], $0x800, $0x38;
	[tilespmem:$0x1CA00] =	vst v63  }
0x145: {  	_ =	swait.ge [sflag:s6], $0x800  }
0x146: {  	s18 =	sld [smem:$0x7FD]  }
0x147: {  	[sflag:s6] =	ssyncset.done $0x0  }
0x148: {  	[sflag:s6] =	ssyncadd.s32 $0xFFFFF800  }
0x149: {  	[spmem:s18] =	stream.linear.scatter [tilespmem:s5], [sflag:$0x7], $0x800, $0x38;
	[tilespmem:$0x1CA00] =	vst v63  }
0x14a: {  	_ =	swait.ge [sflag:s6], $0x800  }
0x14b: {  	[sflag:s6] =	ssyncset.done $0x0  }
0x14c: {  	[sflag:s6] =	ssyncadd.s32 $0xFFFFF800  }
0x14d: {  	[spmem:s20] =	stream.linear.scatter [tilespmem:s5], [sflag:$0x7], $0x800, $0x38;
	[tilespmem:$0x1CA00] =	vst v63  }
0x14e: {  	_ =	swait.ge [sflag:s6], $0x800  }
0x14f: {  	[sflag:s6] =	ssyncset.done $0x0  }
0x150: {  	[sflag:s6] =	ssyncadd.s32 $0xFFFFF800  }
0x151: {  	[spmem:s21] =	stream.linear.scatter [tilespmem:s5], [sflag:$0x7], $0x800, $0x38;
	[tilespmem:$0x1CA00] =	vst v63  }
0x152: {  	_ =	swait.ge [sflag:s6], $0x800  }
0x153: {  	[sflag:s6] =	ssyncset.done $0x0  }
0x154: {  	[sflag:s6] =	ssyncadd.s32 $0xFFFFF800  }
0x155: {  	[spmem:s24] =	stream.linear.scatter [tilespmem:s5], [sflag:$0x7], $0x800, $0x38;
	[tilespmem:$0x1CA00] =	vst v63  }
0x156: {  	_ =	swait.ge [sflag:s6], $0x800  }
0x157: {  	[sflag:s6] =	ssyncset.done $0x0  }
0x158: {  	[sflag:s6] =	ssyncadd.s32 $0xFFFFF800  }
0x159: {  	[spmem:s25] =	stream.linear.scatter [tilespmem:s5], [sflag:$0x7], $0x800, $0x38;
	[tilespmem:$0x1CA00] =	vst v63  }
0x15a: {  	_ =	swait.ge [sflag:s6], $0x800  }
0x15b: {  	[sflag:s6] =	ssyncset.done $0x0  }
0x15c: {  	[sflag:s6] =	ssyncadd.s32 $0xFFFFF800  }
0x15d: {  	[spmem:s26] =	stream.linear.scatter [tilespmem:s5], [sflag:$0x7], $0x800, $0x38;
	[tilespmem:$0x1CA00] =	vst v63  }
0x15e: {  	_ =	swait.ge [sflag:s6], $0x800  }
0x15f: {  	[sflag:s6] =	ssyncset.done $0x0  }
0x160: {  	[sflag:s6] =	ssyncadd.s32 $0xFFFFF800  }
0x161: {  	[spmem:s28] =	stream.linear.scatter [tilespmem:s5], [sflag:$0x7], $0x800, $0x38;
	[tilespmem:$0x1CA00] =	vst v63  }
0x162: {  	_ =	swait.ge [sflag:s6], $0x800  }
0x163: {  	[sflag:s6] =	ssyncset.done $0x0  }
0x164: {  	[sflag:s6] =	ssyncadd.s32 $0xFFFFF800  }
0x165: {  	[bflag:$0x0] =	sbarrier.arrive $0xFFFF  }
0x166: {  	_ =	swait.ge [sflag:s7], $0x80  }
0x167: {  	[sflag:s7] =	ssyncset.done $0x0  }
0x168: {  	[sflag:s7] =	ssyncadd.s32 $0xFFFFFF80  }
0x169: {  	[tilespmem:s8], [sflag:$0x1] =	stream.indirect.gather [hbm4b:s1+s0], $0x80, s4, s0, $0xb8;
	[tilespmem:$0x1CA00] =	vst v63  }
0x16a: {  	_ =	swait.ge [sflag:s10], $0x80  }
0x16b: {  	[sflag:s10] =	ssyncset.done $0x0  }
0x16c: {  	[sflag:s10] =	ssyncadd.s32 $0xFFFFFF80  }
0x16d: {  	[tilespmem:s11], [sflag:$0x2] =	stream.indirect.gather [hbm4b:s1+s0], $0x80, s0, s0, $0xb8;
	[tilespmem:$0x1CA00] =	vst v63  }
0x16e: {  	_ =	swait.ge [sflag:s12], $0x4000  }
0x16f: {  	[sflag:s12] =	ssyncset.done $0x0  }
0x170: {  	[sflag:s12] =	ssyncadd.s32 $0xFFFFC000  }
0x171: {  	_ =	swait.ge [sflag:s13], $0x80  }
0x172: {  	[sflag:s13] =	ssyncset.done $0x0  }
0x173: {  	[sflag:s13] =	ssyncadd.s32 $0xFFFFFF80  }
0x174: {  	[spmem:s2] =	stream.indirect.scatter.add.f32 [tilespmem:s8], [sflag:$0x7], $0x80, s31, s0, $0xb8;
	[tilespmem:$0x1CA00] =	vst v63  }
0x175: {  	_ =	swait.ge [sflag:s6], $0x4000  }
0x176: {  	[sflag:s6] =	ssyncset.done $0x0  }
0x177: {  	s19 =	sadd.s32 $0x0, s22;
	[sflag:s6] =	ssyncadd.s32 $0xFFFFC000  }
0x178: {  	[tilespmem:s4], [sflag:$0x3] =	stream.linear.gather [hbm4b:s19+s4], $0x80, $0x38;
	[tilespmem:$0x1CA00] =	vst v63  }
0x179: {  	s18 =	sadd.s32 $0x0, s23  }
0x17a: {  	[tilespmem:s31], [sflag:$0x5] =	stream.linear.gather [hbm4b:s18+s4], $0x80, $0x38;
	[tilespmem:$0x1CA00] =	vst v63  }
0x17b: {  	_ =	swait.ge [sflag:s7], $0x80  }
0x17c: {  	[sflag:s7] =	ssyncset.done $0x0  }
0x17d: {  	[sflag:s7] =	ssyncadd.s32 $0xFFFFFF80  }
0x17e: {  	[tilespmem:s8], [sflag:$0x1] =	stream.indirect.gather [hbm4b:s1+s0], $0x80, s4, s0, $0xb8;
	[tilespmem:$0x1CA00] =	vst v63  }
0x17f: {  	_ =	swait.ge [sflag:s14], $0x4000  }
0x180: {  	[sflag:s14] =	ssyncset.done $0x0  }
0x181: {  	[sflag:s14] =	ssyncadd.s32 $0xFFFFC000  }
0x182: {  	_ =	swait.ge [sflag:s15], $0x80  }
0x183: {  	[sflag:s15] =	ssyncset.done $0x0  }
0x184: {  	[sflag:s15] =	ssyncadd.s32 $0xFFFFFF80  }
0x185: {  	[spmem:s2] =	stream.indirect.scatter.add.f32 [tilespmem:s11], [sflag:$0x7], $0x80, s3, s0, $0xb8;
	[tilespmem:$0x1CA00] =	vst v63  }
0x186: {  	_ =	swait.ge [sflag:s6], $0x4000  }
0x187: {  	s17 =	simm.s32 $0x20;
	[sflag:s6] =	ssyncset.done $0x0  }
0x188: {  	s19 =	sadd.s32 $0x0, s29;
	s18 =	sadd.s32 $0x0, s30;
	[sflag:s6] =	ssyncadd.s32 $0xFFFFC000  }
0x189: {  	[tilespmem:s0], [sflag:$0x4] =	stream.linear.gather [hbm4b:s19+s4], $0x80, $0x38;
	[tilespmem:$0x1CA00] =	vst v63  }
.LBB2_2:
0x18a: {  	[tilespmem:s3], [sflag:$0x6] =	stream.linear.gather [hbm4b:s18+s4], $0x80, $0x38;
	[tilespmem:$0x1CA00] =	vst v63  }
0x18b: {  	s18 =	smov.u32 s17  }
0x18c: {  	p0 =	sne.s32 s17, $0x9A0;
	s17 =	sadd.s32 $0x20, s17;
	_ =	swait.ge [sflag:s10], $0x80  }
0x18d: {  	[sflag:s10] =	ssyncset.done $0x0  }
0x18e: {  	[sflag:s10] =	ssyncadd.s32 $0xFFFFFF80  }
0x18f: {  	[tilespmem:s11], [sflag:$0x2] =	stream.indirect.gather [hbm4b:s1+s0], $0x80, s0, s0, $0xb8;
	[tilespmem:$0x1CA00] =	vst v63  }
0x190: {  	_ =	swait.ge [sflag:s12], $0x4000  }
0x191: {  	[sflag:s12] =	ssyncset.done $0x0  }
0x192: {  	[sflag:s12] =	ssyncadd.s32 $0xFFFFC000  }
0x193: {  	_ =	swait.ge [sflag:s13], $0x80  }
0x194: {  	[sflag:s13] =	ssyncset.done $0x0  }
0x195: {  	[sflag:s13] =	ssyncadd.s32 $0xFFFFFF80  }
0x196: {  	[spmem:s2] =	stream.indirect.scatter.add.f32 [tilespmem:s8], [sflag:$0x7], $0x80, s31, s0, $0xb8;
	[tilespmem:$0x1CA00] =	vst v63  }
0x197: {  	_ =	swait.ge [sflag:s6], $0x4000  }
0x198: {  	[sflag:s6] =	ssyncset.done $0x0  }
0x199: {  	s19 =	sadd.s32 s18, s22;
	[sflag:s6] =	ssyncadd.s32 $0xFFFFC000  }
0x19a: {  	[tilespmem:s4], [sflag:$0x3] =	stream.linear.gather [hbm4b:s19+s4], $0x80, $0x38;
	[tilespmem:$0x1CA00] =	vst v63  }
0x19b: {  	s19 =	sadd.s32 s18, s23  }
0x19c: {  	[tilespmem:s31], [sflag:$0x5] =	stream.linear.gather [hbm4b:s19+s4], $0x80, $0x38;
	[tilespmem:$0x1CA00] =	vst v63  }
0x19d: {  	_ =	swait.ge [sflag:s7], $0x80  }
0x19e: {  	[sflag:s7] =	ssyncset.done $0x0  }
0x19f: {  	[sflag:s7] =	ssyncadd.s32 $0xFFFFFF80  }
0x1a0: {  	[tilespmem:s8], [sflag:$0x1] =	stream.indirect.gather [hbm4b:s1+s0], $0x80, s4, s0, $0xb8;
	[tilespmem:$0x1CA00] =	vst v63  }
0x1a1: {  	_ =	swait.ge [sflag:s14], $0x4000  }
0x1a2: {  	[sflag:s14] =	ssyncset.done $0x0  }
0x1a3: {  	[sflag:s14] =	ssyncadd.s32 $0xFFFFC000  }
0x1a4: {  	_ =	swait.ge [sflag:s15], $0x80  }
0x1a5: {  	[sflag:s15] =	ssyncset.done $0x0  }
0x1a6: {  	[sflag:s15] =	ssyncadd.s32 $0xFFFFFF80  }
0x1a7: {  	[spmem:s2] =	stream.indirect.scatter.add.f32 [tilespmem:s11], [sflag:$0x7], $0x80, s3, s0, $0xb8;
	[tilespmem:$0x1CA00] =	vst v63  }
.Ltmp0:
0x1a8: {  	_ =	swait.ge [sflag:s6], $0x4000;
	(pc) =	sbr.rel @p0 .LBB2_2-.Ltmp0, $4  }
0x1a9: {  	[sflag:s6] =	ssyncset.done $0x0  }
0x1aa: {  	s19 =	sadd.s32 s18, s29;
	[sflag:s6] =	ssyncadd.s32 $0xFFFFC000  }
0x1ab: {  	[tilespmem:s0], [sflag:$0x4] =	stream.linear.gather [hbm4b:s19+s4], $0x80, $0x38;
	[tilespmem:$0x1CA00] =	vst v63  }
0x1ac: {  	s18 =	sadd.s32 s18, s30  }
0x1ad: {  	[tilespmem:s3], [sflag:$0x6] =	stream.linear.gather [hbm4b:s18+s4], $0x80, $0x38;
	[tilespmem:$0x1CA00] =	vst v63  }
0x1ae: {  	_ =	swait.ge [sflag:s10], $0x80  }
0x1af: {  	[sflag:s10] =	ssyncset.done $0x0  }
0x1b0: {  	[sflag:s10] =	ssyncadd.s32 $0xFFFFFF80  }
0x1b1: {  	[tilespmem:s11], [sflag:$0x2] =	stream.indirect.gather [hbm4b:s1+s0], $0x80, s0, s0, $0xb8;
	[tilespmem:$0x1CA00] =	vst v63  }
0x1b2: {  	_ =	swait.ge [sflag:s12], $0x4000  }
0x1b3: {  	[sflag:s12] =	ssyncset.done $0x0  }
0x1b4: {  	[sflag:s12] =	ssyncadd.s32 $0xFFFFC000  }
0x1b5: {  	_ =	swait.ge [sflag:s13], $0x80  }
0x1b6: {  	[sflag:s13] =	ssyncset.done $0x0  }
0x1b7: {  	[sflag:s13] =	ssyncadd.s32 $0xFFFFFF80  }
0x1b8: {  	[spmem:s2] =	stream.indirect.scatter.add.f32 [tilespmem:s8], [sflag:$0x7], $0x80, s31, s0, $0xb8;
	[tilespmem:$0x1CA00] =	vst v63  }
0x1b9: {  	_ =	swait.ge [sflag:s6], $0x4000  }
0x1ba: {  	[sflag:s6] =	ssyncset.done $0x0  }
0x1bb: {  	[sflag:s6] =	ssyncadd.s32 $0xFFFFC000  }
0x1bc: {  	_ =	swait.ge [sflag:s14], $0x4000  }
0x1bd: {  	[sflag:s14] =	ssyncset.done $0x0  }
0x1be: {  	[sflag:s14] =	ssyncadd.s32 $0xFFFFC000  }
0x1bf: {  	_ =	swait.ge [sflag:s15], $0x80  }
0x1c0: {  	[sflag:s15] =	ssyncset.done $0x0  }
0x1c1: {  	[sflag:s15] =	ssyncadd.s32 $0xFFFFFF80  }
0x1c2: {  	[spmem:s2] =	stream.indirect.scatter.add.f32 [tilespmem:s11], [sflag:$0x7], $0x80, s3, s0, $0xb8;
	[tilespmem:$0x1CA00] =	vst v63  }
0x1c3: {  	_ =	swait.ge [sflag:s6], $0x4000  }
0x1c4: {  	[sflag:s6] =	ssyncset.done $0x0  }
0x1c5: {  	s17 =	stileid.u32;
	[sflag:s6] =	ssyncadd.s32 $0xFFFFC000  }
0x1c6: {  	s17 =	sshll.u32 s17, $0x6;
	[bflag:$0x0] =	sbarrier.arrive $0xFFFF  }
0x1c7: {  	s18 =	sshrl.u32 s9, $0x3;
	s17 =	sor.u32 $0x1C07, s17;
	s19 =	rddreg [dreg:$0x12]  }
0x1c8: {  	[hbm:s19], [sflag:s17] =	dma.local [spmem:s18], $0x2800  }
0x1c9: {  	_ =	swait.ge [sflag:s6], $0x2800  }
0x1ca: {  	s16 =	sadd.s32 $0x1, s16;
	s19 =	rddreg [dreg:$0x15]  }
0x1cb: {  	p0 =	sne.s32 s16, s19  }
.Ltmp1:
0x1cc: {  	_ = 	snop;
	(pc) =	sbr.rel @p0 .LBB2_1-.Ltmp1, $3  }
0x1cd: {  	_ =	sdelay $0x1  }
0x1ce: {  	[sflag:s6] =	ssyncset.done $0x0  }
0x1cf: {  	[sflag:s6] =	ssyncadd.s32 $0xFFFFD800  }
0x1d0: {  	_ =	sfence.sel $0x180000  }
0x1d1: {  	[bflag:$0x0] =	sbarrier.arrive $0xFFFF  }
0x1d2: {  	_ =	strace $0x90000047  }
0x1d3: {  	s0 =	stileid.u32;
	[bflag:$0x2] =	sbarrier.arrive $0xFFFF  }
0x1d4: {  	p0 =	sne.s32 s0, $0x0;
	s0 =	rddreg [dreg:$0x3]  }
0x1d5: {  	s0 =	sadd.s32 @!p0 $0x100000, s0  }
0x1d6: {  	[sflag:s0] =	ssyncadd.tile.s32 @!p0 $0x1;
	_ =	shalt  }
.Lfunc_end2:
_tile_overlayer_lowered:
.L_overlay_start_2:
0x1d7: {  	(tag) =	ssettag $0x2  }
0x1d8: {  	s0 =	rddreg [dreg:$0x0];
	s2 =	stileid.u32  }
0x1d9: {  	s1 =	rddreg [dreg:$0x1];
	p0 =	sne.s32 s2, $0x0  }
0x1da: {  	s3 =	rddreg [dreg:$0x2];
	[bflag:$0x3] =	sbarrier.arrive $0xFFFF;
	s2 =	simm.s32 @!p0 $0x1C07  }
0x1db: {  	[timem:s3], [sflag:s2] =	dma.local @!p0 [hbm:s0], s1  }
0x1dc: {  	s0 =	simm.s32 @!p0 $0x7  }
0x1dd: {  	_ =	swait.ge @!p0 [sflag:s0], s1  }
0x1de: {  	s1 =	ssub.s32 @!p0 $0x0, s1;
	[sflag:s0] =	ssyncset.done @!p0 $0x0  }
0x1df: {  	[sflag:s0] =	ssyncadd.s32 @!p0 s1  }
0x1e0: {  	[bflag:$0x3] =	sbarrier.arrive $0xFFFF  }
0x1e1: {  	_ =	shalt  }

</sc_bundles>
